<compile_context>
chip_gen: v7x
topology: tpu7x:2x2x1
jax: 0.10.2.dev20260603
libtpu: 0.0.44.dev20260713+nightly
codegen_flags: <defaults>
</compile_context>

<pallas_src>
import functools

import jax
import jax.numpy as jnp
from jax import lax
from jax.experimental import pallas as pl
from jax.experimental.pallas import tpu as pltpu
from jax.experimental.pallas import tpu_sc as plsc

_EPS = 1e-5


@functools.partial(jax.jit, static_argnames=("L",))
def _emb_ln(tok_flat, seg_flat, combo, voc_table, gb, *, L):
    N = tok_flat.shape[0]
    V, D = voc_table.shape
    NSEGL = combo.shape[0]

    info = plsc.get_sparse_core_info()
    NC, NS = info.num_cores, info.num_subcores
    NW = NC * NS
    assert N % NW == 0
    per_w = N // NW
    CHUNK = 2 * L
    assert per_w % CHUNK == 0
    nchunks = per_w // CHUNK
    NVEC = D // 16
    RB = 16
    assert CHUNK % RB == 0

    mesh = plsc.VectorSubcoreMesh(core_axis_name="c", subcore_axis_name="s")

    @functools.partial(
        pl.kernel,
        mesh=mesh,
        out_type=jax.ShapeDtypeStruct((N, D), jnp.float32),
        compiler_params=pltpu.CompilerParams(
            needs_layout_passes=False, use_tc_tiling_on_sc=False),
        scratch_types=[
            pltpu.VMEM((2, CHUNK), jnp.int32),
            pltpu.VMEM((2, CHUNK), jnp.int32),
            pltpu.VMEM((2, CHUNK, D), jnp.float32),
            pltpu.VMEM((NSEGL, D), jnp.float32),
            pltpu.VMEM((2 * D,), jnp.float32),
            pltpu.SemaphoreType.DMA,
            pltpu.SemaphoreType.DMA,
        ],
    )
    def k(tok_hbm, seg_hbm, combo_hbm, voc_hbm, gb_hbm, out_hbm,
          idx_v, seg_v, rows_v, combo_v, gb_v, gsem0, gsem1):
        wid = lax.axis_index("s") * NC + lax.axis_index("c")
        pltpu.sync_copy(combo_hbm, combo_v)
        pltpu.sync_copy(gb_hbm, gb_v)
        gvecs = [gb_v[pl.ds(16 * j, 16)] for j in range(NVEC)]
        bvecs = [gb_v[pl.ds(D + 16 * j, 16)] for j in range(NVEC)]
        gsems = (gsem0, gsem1)
        base0 = wid * per_w

        def start_gather(g, b):
            base = base0 + g * CHUNK
            pltpu.sync_copy(tok_hbm.at[pl.ds(base, CHUNK)], idx_v.at[b])
            pltpu.sync_copy(seg_hbm.at[pl.ds(base, CHUNK)], seg_v.at[b])
            pltpu.async_copy(voc_hbm.at[idx_v.at[b]], rows_v.at[b], gsems[b])

        def wait_gather(b):
            pltpu.make_async_copy(
                voc_hbm.at[idx_v.at[b]], rows_v.at[b], gsems[b]).wait()

        def do_chunk(g, b):
            wait_gather(b)

            @pl.when(g + 1 < nchunks)
            def _():
                start_gather(g + 1, 1 - b)

            def blk_body(m, carry):
                R = m * RB
                sv = seg_v[b, pl.ds(R, RB)]
                for kk in range(RB):
                    r = R + kk
                    pos = lax.rem(r, L)
                    ci = sv[kk] * L + pos
                    x = [rows_v[b, r, pl.ds(16 * j, 16)]
                         + combo_v[ci, pl.ds(16 * j, 16)]
                         for j in range(NVEC)]
                    S = jnp.sum((x[0] + x[1]) + (x[2] + x[3]))
                    q = x[0] * x[0]
                    for j in range(1, NVEC):
                        q = q + x[j] * x[j]
                    Q = jnp.sum(q)
                    mean = S * (1.0 / D)
                    var = Q * (1.0 / D) - mean * mean
                    vv = jnp.full((16,), var + _EPS, jnp.float32)
                    mv = jnp.full((16,), mean, jnp.float32)
                    bits = lax.bitcast_convert_type(vv, jnp.int32)
                    bits = 0x5F3759DF - lax.shift_right_arithmetic(bits, 1)
                    y = lax.bitcast_convert_type(bits, jnp.float32)
                    h = vv * 0.5
                    for _ in range(2):
                        y = y * (1.5 - h * y * y)
                    for j in range(NVEC):
                        scale = y * gvecs[j]
                        rows_v[b, r, pl.ds(16 * j, 16)] = (
                            (x[j] - mv) * scale + bvecs[j])
                return carry

            lax.fori_loop(0, CHUNK // RB, blk_body, 0)
            base = base0 + g * CHUNK
            pltpu.sync_copy(rows_v.at[b], out_hbm.at[pl.ds(base, CHUNK)])

        start_gather(0, 0)

        def pair_body(p, carry):
            do_chunk(2 * p, 0)
            do_chunk(2 * p + 1, 1)
            return carry

        lax.fori_loop(0, nchunks // 2, pair_body, 0)

    return k(tok_flat, seg_flat, combo, voc_table, gb)


def kernel(tokens_idx, seg, positional_embedding, voc_table, seg_table, gamma, beta):
    B, L = tokens_idx.shape
    D = voc_table.shape[1]
    combo = (seg_table[:, None, :] + positional_embedding[None, :, :]).reshape(-1, D)
    gb = jnp.concatenate([gamma, beta])
    out = _emb_ln(tokens_idx.reshape(-1), seg.reshape(-1), combo, voc_table, gb, L=L)
    return out.reshape(B, L, D)

# --- scband reference (transcript-rebuilt; emitter-appended) ---
"""Pipeline reference for scband-embbeding-4990751998072 (READ-ONLY COPY).

The authoritative reference and input builder live on the scoring server;
editing this copy changes nothing except your own understanding.
"""

import jax, jax.numpy as jnp
import numpy as np

VOCAB = 100000
D = 64
B = 4096
L = 200
NSEG = 2


def setup_inputs(seed: int = 0) -> dict:
    key = jax.random.key(seed)
    k1, k2, k3, k4, k5 = jax.random.split(key, 5)
    tokens_idx = jax.random.randint(k1, (B, L), 0, VOCAB, dtype=jnp.int32)
    seg = jax.random.randint(k2, (B, L), 0, NSEG, dtype=jnp.int32)
    positional_embedding = jax.random.normal(k3, (L, D), dtype=jnp.float32) * 0.02
    voc_table = jax.random.normal(k4, (VOCAB, D), dtype=jnp.float32) * 0.02
    seg_table = jax.random.normal(k5, (NSEG, D), dtype=jnp.float32) * 0.02
    gamma = jnp.ones((D,), dtype=jnp.float32)
    beta = jnp.zeros((D,), dtype=jnp.float32)
    return {
        "tokens_idx": tokens_idx,
        "seg": seg,
        "positional_embedding": positional_embedding,
        "voc_table": voc_table,
        "seg_table": seg_table,
        "gamma": gamma,
        "beta": beta,
    }


def _layer_norm(x, gamma, beta, eps=1e-5):
    mean = jnp.mean(x, axis=-1, keepdims=True)
    var = jnp.mean((x - mean) ** 2, axis=-1, keepdims=True)
    xhat = (x - mean) / jnp.sqrt(var + eps)
    return xhat * gamma + beta


def reference(tokens_idx, seg, positional_embedding, voc_table, seg_table, gamma, beta):
    # voc_embedding(tokens_idx) + segment_embedding(seg) + positional_embedding
    tok_emb = jnp.take(voc_table, tokens_idx, axis=0)        # [B, L, D]
    seg_emb = jnp.take(seg_table, seg, axis=0)               # [B, L, D]
    x = tok_emb + seg_emb + positional_embedding[None, :, :]  # broadcast [L, D]
    return _layer_norm(x, gamma, beta)

if __name__ == "__main__":
    import jax
    _d = setup_inputs()
    print(jax.jit(kernel)(*tuple(_d.values())))

</pallas_src>

<mosaic_0001>
#map = affine_map<(d0, d1) -> (0)>
#map1 = affine_map<(d0, d1) -> (0, 0)>
module attributes {stable_mosaic.version = 14 : i64} {
  func.func @k(%arg0: i32, %arg1: i32, %arg2: memref<819200xi32, #tpu.memory_space<hbm>>, %arg3: memref<819200xi32, #tpu.memory_space<hbm>>, %arg4: memref<400x64xf32, #tpu.memory_space<hbm>>, %arg5: memref<100000x64xf32, #tpu.memory_space<hbm>>, %arg6: memref<128xf32, #tpu.memory_space<hbm>>, %arg7: memref<819200x64xf32, #tpu.memory_space<hbm>>, %arg8: memref<2x400xi32, #tpu.memory_space<vmem>>, %arg9: memref<2x400xi32, #tpu.memory_space<vmem>>, %arg10: memref<2x400x64xf32, #tpu.memory_space<vmem>>, %arg11: memref<400x64xf32, #tpu.memory_space<vmem>>, %arg12: memref<128xf32, #tpu.memory_space<vmem>>, %arg13: memref<!tpu.dma_semaphore, #tpu.memory_space<semaphore_mem>>, %arg14: memref<!tpu.dma_semaphore, #tpu.memory_space<semaphore_mem>>) attributes {dimension_semantics = [#tpu.dimension_semantics<core_parallel>, #tpu.dimension_semantics<subcore_parallel>], iteration_bounds = array<i64: 2, 16>, scalar_prefetch = 0 : i64, scratch_operands = 7 : i64, tpu.core_type = #tpu.core_type<sc_vector_subcore>, window_params = [{transform_indices = #map}, {transform_indices = #map}, {transform_indices = #map1}, {transform_indices = #map1}, {transform_indices = #map}, {transform_indices = #map1}]} {
    %mul3A = arith.constant 2 : i32
    %mul3A_0 = arith.muli %arg1, %mul3A : i32
    %add3A = arith.addi %mul3A_0, %arg0 : i32
    "tpu.region"() ({
      %run_scoped3A_37 = tpu.sem_alloc : memref<!tpu.dma_semaphore, #tpu.memory_space<semaphore_mem>>
      tpu.enqueue_dma source(%arg4 : memref<400x64xf32, #tpu.memory_space<hbm>>) target(%arg11 : memref<400x64xf32, #tpu.memory_space<vmem>>) target_semaphore(%run_scoped3A_37 : memref<!tpu.dma_semaphore, #tpu.memory_space<semaphore_mem>>)
      tpu.wait_dma2 semaphore(%run_scoped3A_37 : memref<!tpu.dma_semaphore, #tpu.memory_space<semaphore_mem>>) src(%arg4 : memref<400x64xf32, #tpu.memory_space<hbm>>) dst(%arg11 : memref<400x64xf32, #tpu.memory_space<vmem>>)
      tpu.yield
    }) : () -> ()
    "tpu.region"() ({
      %run_scoped3A_37 = tpu.sem_alloc : memref<!tpu.dma_semaphore, #tpu.memory_space<semaphore_mem>>
      tpu.enqueue_dma source(%arg6 : memref<128xf32, #tpu.memory_space<hbm>>) target(%arg12 : memref<128xf32, #tpu.memory_space<vmem>>) target_semaphore(%run_scoped3A_37 : memref<!tpu.dma_semaphore, #tpu.memory_space<semaphore_mem>>)
      tpu.wait_dma2 semaphore(%run_scoped3A_37 : memref<!tpu.dma_semaphore, #tpu.memory_space<semaphore_mem>>) src(%arg6 : memref<128xf32, #tpu.memory_space<hbm>>) dst(%arg12 : memref<128xf32, #tpu.memory_space<vmem>>)
      tpu.yield
    }) : () -> ()
    %get3A = arith.constant 0 : index
    %get3A_1 = tpu.vector_load %arg12[%get3A] {strides = array<i32>} : memref<128xf32, #tpu.memory_space<vmem>>, vector<16xf32>,
    %get3A_2 = arith.constant 16 : index
    %get3A_3 = tpu.vector_load %arg12[%get3A_2] {strides = array<i32>} : memref<128xf32, #tpu.memory_space<vmem>>, vector<16xf32>,
    %get3A_4 = arith.constant 32 : index
    %get3A_5 = tpu.vector_load %arg12[%get3A_4] {strides = array<i32>} : memref<128xf32, #tpu.memory_space<vmem>>, vector<16xf32>,
    %get3A_6 = arith.constant 48 : index
    %get3A_7 = tpu.vector_load %arg12[%get3A_6] {strides = array<i32>} : memref<128xf32, #tpu.memory_space<vmem>>, vector<16xf32>,
    %get3A_8 = arith.constant 64 : index
    %get3A_9 = tpu.vector_load %arg12[%get3A_8] {strides = array<i32>} : memref<128xf32, #tpu.memory_space<vmem>>, vector<16xf32>,
    %get3A_10 = arith.constant 80 : index
    %get3A_11 = tpu.vector_load %arg12[%get3A_10] {strides = array<i32>} : memref<128xf32, #tpu.memory_space<vmem>>, vector<16xf32>,
    %get3A_12 = arith.constant 96 : index
    %get3A_13 = tpu.vector_load %arg12[%get3A_12] {strides = array<i32>} : memref<128xf32, #tpu.memory_space<vmem>>, vector<16xf32>,
    %get3A_14 = arith.constant 112 : index
    %get3A_15 = tpu.vector_load %arg12[%get3A_14] {strides = array<i32>} : memref<128xf32, #tpu.memory_space<vmem>>, vector<16xf32>,
    %mul3A_16 = arith.constant 25600 : i32
    %mul3A_17 = arith.muli %add3A, %mul3A_16 : i32
    %add3A_18 = arith.constant 0 : i32
    %add3A_19 = arith.addi %mul3A_17, %add3A_18 : i32
    %run_scoped3A = arith.constant 0 : i32
    "tpu.region"() ({
      %run_scoped3A_37 = tpu.sem_alloc : memref<!tpu.dma_semaphore, #tpu.memory_space<semaphore_mem>>
      %dma_start3A_38 = arith.constant 0 : i32
      %dma_start3A_39 = tpu.memref_slice %arg8[%run_scoped3A, %dma_start3A_38] : memref<2x400xi32, #tpu.memory_space<vmem>> -> memref<1x400xi32, #tpu.memory_space<vmem>>
      %dma_start3A_40 = tpu.memref_squeeze %dma_start3A_39 : memref<1x400xi32, #tpu.memory_space<vmem>> -> memref<400xi32, #tpu.memory_space<vmem>>
      %dma_start3A_41 = tpu.memref_slice %arg2[%add3A_19] : memref<819200xi32, #tpu.memory_space<hbm>> -> memref<400xi32, #tpu.memory_space<hbm>>
      %dma_start3A_42 = arith.constant 0 : i32
      %dma_start3A_43 = tpu.memref_slice %arg8[%run_scoped3A, %dma_start3A_42] : memref<2x400xi32, #tpu.memory_space<vmem>> -> memref<1x400xi32, #tpu.memory_space<vmem>>
      %dma_start3A_44 = tpu.memref_squeeze %dma_start3A_43 : memref<1x400xi32, #tpu.memory_space<vmem>> -> memref<400xi32, #tpu.memory_space<vmem>>
      %dma_start3A_45 = tpu.memref_slice %arg2[%add3A_19] : memref<819200xi32, #tpu.memory_space<hbm>> -> memref<400xi32, #tpu.memory_space<hbm>>
      tpu.enqueue_dma source(%dma_start3A_45 : memref<400xi32, #tpu.memory_space<hbm>>) target(%dma_start3A_44 : memref<400xi32, #tpu.memory_space<vmem>>) target_semaphore(%run_scoped3A_37 : memref<!tpu.dma_semaphore, #tpu.memory_space<semaphore_mem>>)
      %dma_wait3A = arith.constant 0 : i32
      %dma_wait3A_46 = tpu.memref_slice %arg8[%run_scoped3A, %dma_wait3A] : memref<2x400xi32, #tpu.memory_space<vmem>> -> memref<1x400xi32, #tpu.memory_space<vmem>>
      %dma_wait3A_47 = tpu.memref_squeeze %dma_wait3A_46 : memref<1x400xi32, #tpu.memory_space<vmem>> -> memref<400xi32, #tpu.memory_space<vmem>>
      %dma_wait3A_48 = tpu.memref_slice %arg2[%add3A_19] : memref<819200xi32, #tpu.memory_space<hbm>> -> memref<400xi32, #tpu.memory_space<hbm>>
      %dma_wait3A_49 = arith.constant 0 : i32
      %dma_wait3A_50 = tpu.memref_slice %arg8[%run_scoped3A, %dma_wait3A_49] : memref<2x400xi32, #tpu.memory_space<vmem>> -> memref<1x400xi32, #tpu.memory_space<vmem>>
      %dma_wait3A_51 = tpu.memref_squeeze %dma_wait3A_50 : memref<1x400xi32, #tpu.memory_space<vmem>> -> memref<400xi32, #tpu.memory_space<vmem>>
      %dma_wait3A_52 = tpu.memref_slice %arg2[%add3A_19] : memref<819200xi32, #tpu.memory_space<hbm>> -> memref<400xi32, #tpu.memory_space<hbm>>
      tpu.wait_dma2 semaphore(%run_scoped3A_37 : memref<!tpu.dma_semaphore, #tpu.memory_space<semaphore_mem>>) src(%dma_wait3A_52 : memref<400xi32, #tpu.memory_space<hbm>>) dst(%dma_wait3A_51 : memref<400xi32, #tpu.memory_space<vmem>>)
      tpu.yield
    }) : () -> ()
    %run_scoped3A_20 = arith.constant 0 : i32
    "tpu.region"() ({
      %run_scoped3A_37 = tpu.sem_alloc : memref<!tpu.dma_semaphore, #tpu.memory_space<semaphore_mem>>
      %dma_start3A_38 = arith.constant 0 : i32
      %dma_start3A_39 = tpu.memref_slice %arg9[%run_scoped3A_20, %dma_start3A_38] : memref<2x400xi32, #tpu.memory_space<vmem>> -> memref<1x400xi32, #tpu.memory_space<vmem>>
      %dma_start3A_40 = tpu.memref_squeeze %dma_start3A_39 : memref<1x400xi32, #tpu.memory_space<vmem>> -> memref<400xi32, #tpu.memory_space<vmem>>
      %dma_start3A_41 = tpu.memref_slice %arg3[%add3A_19] : memref<819200xi32, #tpu.memory_space<hbm>> -> memref<400xi32, #tpu.memory_space<hbm>>
      %dma_start3A_42 = arith.constant 0 : i32
      %dma_start3A_43 = tpu.memref_slice %arg9[%run_scoped3A_20, %dma_start3A_42] : memref<2x400xi32, #tpu.memory_space<vmem>> -> memref<1x400xi32, #tpu.memory_space<vmem>>
      %dma_start3A_44 = tpu.memref_squeeze %dma_start3A_43 : memref<1x400xi32, #tpu.memory_space<vmem>> -> memref<400xi32, #tpu.memory_space<vmem>>
      %dma_start3A_45 = tpu.memref_slice %arg3[%add3A_19] : memref<819200xi32, #tpu.memory_space<hbm>> -> memref<400xi32, #tpu.memory_space<hbm>>
      tpu.enqueue_dma source(%dma_start3A_45 : memref<400xi32, #tpu.memory_space<hbm>>) target(%dma_start3A_44 : memref<400xi32, #tpu.memory_space<vmem>>) target_semaphore(%run_scoped3A_37 : memref<!tpu.dma_semaphore, #tpu.memory_space<semaphore_mem>>)
      %dma_wait3A = arith.constant 0 : i32
      %dma_wait3A_46 = tpu.memref_slice %arg9[%run_scoped3A_20, %dma_wait3A] : memref<2x400xi32, #tpu.memory_space<vmem>> -> memref<1x400xi32, #tpu.memory_space<vmem>>
      %dma_wait3A_47 = tpu.memref_squeeze %dma_wait3A_46 : memref<1x400xi32, #tpu.memory_space<vmem>> -> memref<400xi32, #tpu.memory_space<vmem>>
      %dma_wait3A_48 = tpu.memref_slice %arg3[%add3A_19] : memref<819200xi32, #tpu.memory_space<hbm>> -> memref<400xi32, #tpu.memory_space<hbm>>
      %dma_wait3A_49 = arith.constant 0 : i32
      %dma_wait3A_50 = tpu.memref_slice %arg9[%run_scoped3A_20, %dma_wait3A_49] : memref<2x400xi32, #tpu.memory_space<vmem>> -> memref<1x400xi32, #tpu.memory_space<vmem>>
      %dma_wait3A_51 = tpu.memref_squeeze %dma_wait3A_50 : memref<1x400xi32, #tpu.memory_space<vmem>> -> memref<400xi32, #tpu.memory_space<vmem>>
      %dma_wait3A_52 = tpu.memref_slice %arg3[%add3A_19] : memref<819200xi32, #tpu.memory_space<hbm>> -> memref<400xi32, #tpu.memory_space<hbm>>
      tpu.wait_dma2 semaphore(%run_scoped3A_37 : memref<!tpu.dma_semaphore, #tpu.memory_space<semaphore_mem>>) src(%dma_wait3A_52 : memref<400xi32, #tpu.memory_space<hbm>>) dst(%dma_wait3A_51 : memref<400xi32, #tpu.memory_space<vmem>>)
      tpu.yield
    }) : () -> ()
    %dma_start3A = arith.constant 0 : i32
    %dma_start3A_21 = arith.constant 0 : i32
    %dma_start3A_22 = arith.constant 0 : i32
    %dma_start3A_23 = arith.constant 0 : i32
    %dma_start3A_24 = tpu.memref_slice %arg10[%dma_start3A_21, %dma_start3A_22, %dma_start3A_23] : memref<2x400x64xf32, #tpu.memory_space<vmem>> -> memref<1x400x64xf32, #tpu.memory_space<vmem>>
    %dma_start3A_25 = tpu.memref_squeeze %dma_start3A_24 : memref<1x400x64xf32, #tpu.memory_space<vmem>> -> memref<400x64xf32, #tpu.memory_space<vmem>>
    %dma_start3A_26 = arith.constant 0 : i32
    %dma_start3A_27 = tpu.memref_slice %arg8[%dma_start3A, %dma_start3A_26] : memref<2x400xi32, #tpu.memory_space<vmem>> -> memref<1x400xi32, #tpu.memory_space<vmem>>
    %dma_start3A_28 = tpu.memref_squeeze %dma_start3A_27 : memref<1x400xi32, #tpu.memory_space<vmem>> -> memref<400xi32, #tpu.memory_space<vmem>>
    %dma_start3A_29 = arith.constant 0 : i32
    %dma_start3A_30 = arith.constant 0 : i32
    %dma_start3A_31 = tpu.memref_slice %arg5[%dma_start3A_29, %dma_start3A_30] : memref<100000x64xf32, #tpu.memory_space<hbm>> -> memref<100000x64xf32, #tpu.memory_space<hbm>>
    tpu.enqueue_indirect_dma source(%dma_start3A_31 : memref<100000x64xf32, #tpu.memory_space<hbm>>) target(%dma_start3A_25 : memref<400x64xf32, #tpu.memory_space<vmem>>) offsets(%dma_start3A_28 : memref<400xi32, #tpu.memory_space<vmem>>) semaphore(%arg13 : memref<!tpu.dma_semaphore, #tpu.memory_space<semaphore_mem>>)
    %scan3A = arith.constant 0 : i32
    %scan3A_32 = arith.constant 0 : i32
    %scan3A_33 = arith.constant 32 : i32
    %scan3A_34 = arith.addi %scan3A_32, %scan3A_33 : i32
    %scan3A_35 = arith.constant 1 : i32
    scf.for %scan3A_37 = %scan3A_32 to %scan3A_34 step %scan3A_35  : i32 {
      %mul3A_38 = arith.constant 2 : i32
      %mul3A_39 = arith.muli %mul3A_38, %scan3A_37 : i32
      %dma_wait3A = arith.constant 0 : i32
      %dma_wait3A_40 = arith.constant 0 : i32
      %dma_wait3A_41 = arith.constant 0 : i32
      %dma_wait3A_42 = arith.constant 0 : i32
      %dma_wait3A_43 = tpu.memref_slice %arg10[%dma_wait3A_40, %dma_wait3A_41, %dma_wait3A_42] : memref<2x400x64xf32, #tpu.memory_space<vmem>> -> memref<1x400x64xf32, #tpu.memory_space<vmem>>
      %dma_wait3A_44 = tpu.memref_squeeze %dma_wait3A_43 : memref<1x400x64xf32, #tpu.memory_space<vmem>> -> memref<400x64xf32, #tpu.memory_space<vmem>>
      %dma_wait3A_45 = arith.constant 0 : i32
      %dma_wait3A_46 = tpu.memref_slice %arg8[%dma_wait3A, %dma_wait3A_45] : memref<2x400xi32, #tpu.memory_space<vmem>> -> memref<1x400xi32, #tpu.memory_space<vmem>>
      %dma_wait3A_47 = tpu.memref_squeeze %dma_wait3A_46 : memref<1x400xi32, #tpu.memory_space<vmem>> -> memref<400xi32, #tpu.memory_space<vmem>>
      %dma_wait3A_48 = arith.constant 0 : i32
      %dma_wait3A_49 = arith.constant 0 : i32
      %dma_wait3A_50 = tpu.memref_slice %arg5[%dma_wait3A_48, %dma_wait3A_49] : memref<100000x64xf32, #tpu.memory_space<hbm>> -> memref<100000x64xf32, #tpu.memory_space<hbm>>
      tpu.wait_indirect_dma semaphore(%arg13 : memref<!tpu.dma_semaphore, #tpu.memory_space<semaphore_mem>>) src(%dma_wait3A_50 : memref<100000x64xf32, #tpu.memory_space<hbm>>) dst(%dma_wait3A_44 : memref<400x64xf32, #tpu.memory_space<vmem>>)
      %add3A_51 = arith.constant 1 : i32
      %add3A_52 = arith.addi %mul3A_39, %add3A_51 : i32
      %lt3A = arith.constant 64 : i32
      %lt3A_53 = arith.cmpi slt, %add3A_52, %lt3A : i32
      %convert_element_type3A = arith.extui %lt3A_53 : i1 to i32
      %cond3A = arith.constant 0 : i32
      %cond3A_54 = arith.cmpi ne, %convert_element_type3A, %cond3A : i32
      scf.if %cond3A_54 {
        %add3A_98 = arith.constant 1 : i32
        %add3A_99 = arith.addi %mul3A_39, %add3A_98 : i32
        %mul3A_100 = arith.constant 400 : i32
        %mul3A_101 = arith.muli %add3A_99, %mul3A_100 : i32
        %add3A_102 = arith.addi %mul3A_17, %mul3A_101 : i32
        %run_scoped3A_103 = arith.constant 1 : i32
        "tpu.region"() ({
          %run_scoped3A_117 = tpu.sem_alloc : memref<!tpu.dma_semaphore, #tpu.memory_space<semaphore_mem>>
          %dma_start3A_118 = arith.constant 0 : i32
          %dma_start3A_119 = tpu.memref_slice %arg8[%run_scoped3A_103, %dma_start3A_118] : memref<2x400xi32, #tpu.memory_space<vmem>> -> memref<1x400xi32, #tpu.memory_space<vmem>>
          %dma_start3A_120 = tpu.memref_squeeze %dma_start3A_119 : memref<1x400xi32, #tpu.memory_space<vmem>> -> memref<400xi32, #tpu.memory_space<vmem>>
          %dma_start3A_121 = tpu.memref_slice %arg2[%add3A_102] : memref<819200xi32, #tpu.memory_space<hbm>> -> memref<400xi32, #tpu.memory_space<hbm>>
          %dma_start3A_122 = arith.constant 0 : i32
          %dma_start3A_123 = tpu.memref_slice %arg8[%run_scoped3A_103, %dma_start3A_122] : memref<2x400xi32, #tpu.memory_space<vmem>> -> memref<1x400xi32, #tpu.memory_space<vmem>>
          %dma_start3A_124 = tpu.memref_squeeze %dma_start3A_123 : memref<1x400xi32, #tpu.memory_space<vmem>> -> memref<400xi32, #tpu.memory_space<vmem>>
          %dma_start3A_125 = tpu.memref_slice %arg2[%add3A_102] : memref<819200xi32, #tpu.memory_space<hbm>> -> memref<400xi32, #tpu.memory_space<hbm>>
          tpu.enqueue_dma source(%dma_start3A_125 : memref<400xi32, #tpu.memory_space<hbm>>) target(%dma_start3A_124 : memref<400xi32, #tpu.memory_space<vmem>>) target_semaphore(%run_scoped3A_117 : memref<!tpu.dma_semaphore, #tpu.memory_space<semaphore_mem>>)
          %dma_wait3A_126 = arith.constant 0 : i32
          %dma_wait3A_127 = tpu.memref_slice %arg8[%run_scoped3A_103, %dma_wait3A_126] : memref<2x400xi32, #tpu.memory_space<vmem>> -> memref<1x400xi32, #tpu.memory_space<vmem>>
          %dma_wait3A_128 = tpu.memref_squeeze %dma_wait3A_127 : memref<1x400xi32, #tpu.memory_space<vmem>> -> memref<400xi32, #tpu.memory_space<vmem>>
          %dma_wait3A_129 = tpu.memref_slice %arg2[%add3A_102] : memref<819200xi32, #tpu.memory_space<hbm>> -> memref<400xi32, #tpu.memory_space<hbm>>
          %dma_wait3A_130 = arith.constant 0 : i32
          %dma_wait3A_131 = tpu.memref_slice %arg8[%run_scoped3A_103, %dma_wait3A_130] : memref<2x400xi32, #tpu.memory_space<vmem>> -> memref<1x400xi32, #tpu.memory_space<vmem>>
          %dma_wait3A_132 = tpu.memref_squeeze %dma_wait3A_131 : memref<1x400xi32, #tpu.memory_space<vmem>> -> memref<400xi32, #tpu.memory_space<vmem>>
          %dma_wait3A_133 = tpu.memref_slice %arg2[%add3A_102] : memref<819200xi32, #tpu.memory_space<hbm>> -> memref<400xi32, #tpu.memory_space<hbm>>
          tpu.wait_dma2 semaphore(%run_scoped3A_117 : memref<!tpu.dma_semaphore, #tpu.memory_space<semaphore_mem>>) src(%dma_wait3A_133 : memref<400xi32, #tpu.memory_space<hbm>>) dst(%dma_wait3A_132 : memref<400xi32, #tpu.memory_space<vmem>>)
          tpu.yield
        }) : () -> ()
        %run_scoped3A_104 = arith.constant 1 : i32
        "tpu.region"() ({
          %run_scoped3A_117 = tpu.sem_alloc : memref<!tpu.dma_semaphore, #tpu.memory_space<semaphore_mem>>
          %dma_start3A_118 = arith.constant 0 : i32
          %dma_start3A_119 = tpu.memref_slice %arg9[%run_scoped3A_104, %dma_start3A_118] : memref<2x400xi32, #tpu.memory_space<vmem>> -> memref<1x400xi32, #tpu.memory_space<vmem>>
          %dma_start3A_120 = tpu.memref_squeeze %dma_start3A_119 : memref<1x400xi32, #tpu.memory_space<vmem>> -> memref<400xi32, #tpu.memory_space<vmem>>
          %dma_start3A_121 = tpu.memref_slice %arg3[%add3A_102] : memref<819200xi32, #tpu.memory_space<hbm>> -> memref<400xi32, #tpu.memory_space<hbm>>
          %dma_start3A_122 = arith.constant 0 : i32
          %dma_start3A_123 = tpu.memref_slice %arg9[%run_scoped3A_104, %dma_start3A_122] : memref<2x400xi32, #tpu.memory_space<vmem>> -> memref<1x400xi32, #tpu.memory_space<vmem>>
          %dma_start3A_124 = tpu.memref_squeeze %dma_start3A_123 : memref<1x400xi32, #tpu.memory_space<vmem>> -> memref<400xi32, #tpu.memory_space<vmem>>
          %dma_start3A_125 = tpu.memref_slice %arg3[%add3A_102] : memref<819200xi32, #tpu.memory_space<hbm>> -> memref<400xi32, #tpu.memory_space<hbm>>
          tpu.enqueue_dma source(%dma_start3A_125 : memref<400xi32, #tpu.memory_space<hbm>>) target(%dma_start3A_124 : memref<400xi32, #tpu.memory_space<vmem>>) target_semaphore(%run_scoped3A_117 : memref<!tpu.dma_semaphore, #tpu.memory_space<semaphore_mem>>)
          %dma_wait3A_126 = arith.constant 0 : i32
          %dma_wait3A_127 = tpu.memref_slice %arg9[%run_scoped3A_104, %dma_wait3A_126] : memref<2x400xi32, #tpu.memory_space<vmem>> -> memref<1x400xi32, #tpu.memory_space<vmem>>
          %dma_wait3A_128 = tpu.memref_squeeze %dma_wait3A_127 : memref<1x400xi32, #tpu.memory_space<vmem>> -> memref<400xi32, #tpu.memory_space<vmem>>
          %dma_wait3A_129 = tpu.memref_slice %arg3[%add3A_102] : memref<819200xi32, #tpu.memory_space<hbm>> -> memref<400xi32, #tpu.memory_space<hbm>>
          %dma_wait3A_130 = arith.constant 0 : i32
          %dma_wait3A_131 = tpu.memref_slice %arg9[%run_scoped3A_104, %dma_wait3A_130] : memref<2x400xi32, #tpu.memory_space<vmem>> -> memref<1x400xi32, #tpu.memory_space<vmem>>
          %dma_wait3A_132 = tpu.memref_squeeze %dma_wait3A_131 : memref<1x400xi32, #tpu.memory_space<vmem>> -> memref<400xi32, #tpu.memory_space<vmem>>
          %dma_wait3A_133 = tpu.memref_slice %arg3[%add3A_102] : memref<819200xi32, #tpu.memory_space<hbm>> -> memref<400xi32, #tpu.memory_space<hbm>>
          tpu.wait_dma2 semaphore(%run_scoped3A_117 : memref<!tpu.dma_semaphore, #tpu.memory_space<semaphore_mem>>) src(%dma_wait3A_133 : memref<400xi32, #tpu.memory_space<hbm>>) dst(%dma_wait3A_132 : memref<400xi32, #tpu.memory_space<vmem>>)
          tpu.yield
        }) : () -> ()
        %dma_start3A_105 = arith.constant 1 : i32
        %dma_start3A_106 = arith.constant 1 : i32
        %dma_start3A_107 = arith.constant 0 : i32
        %dma_start3A_108 = arith.constant 0 : i32
        %dma_start3A_109 = tpu.memref_slice %arg10[%dma_start3A_106, %dma_start3A_107, %dma_start3A_108] : memref<2x400x64xf32, #tpu.memory_space<vmem>> -> memref<1x400x64xf32, #tpu.memory_space<vmem>>
        %dma_start3A_110 = tpu.memref_squeeze %dma_start3A_109 : memref<1x400x64xf32, #tpu.memory_space<vmem>> -> memref<400x64xf32, #tpu.memory_space<vmem>>
        %dma_start3A_111 = arith.constant 0 : i32
        %dma_start3A_112 = tpu.memref_slice %arg8[%dma_start3A_105, %dma_start3A_111] : memref<2x400xi32, #tpu.memory_space<vmem>> -> memref<1x400xi32, #tpu.memory_space<vmem>>
        %dma_start3A_113 = tpu.memref_squeeze %dma_start3A_112 : memref<1x400xi32, #tpu.memory_space<vmem>> -> memref<400xi32, #tpu.memory_space<vmem>>
        %dma_start3A_114 = arith.constant 0 : i32
        %dma_start3A_115 = arith.constant 0 : i32
        %dma_start3A_116 = tpu.memref_slice %arg5[%dma_start3A_114, %dma_start3A_115] : memref<100000x64xf32, #tpu.memory_space<hbm>> -> memref<100000x64xf32, #tpu.memory_space<hbm>>
        tpu.enqueue_indirect_dma source(%dma_start3A_116 : memref<100000x64xf32, #tpu.memory_space<hbm>>) target(%dma_start3A_110 : memref<400x64xf32, #tpu.memory_space<vmem>>) offsets(%dma_start3A_113 : memref<400xi32, #tpu.memory_space<vmem>>) semaphore(%arg14 : memref<!tpu.dma_semaphore, #tpu.memory_space<semaphore_mem>>)
      } else {
      }
      %scan3A_55 = arith.constant 0 : i32
      %scan3A_56 = arith.constant 0 : i32
      %scan3A_57 = arith.constant 25 : i32
      %scan3A_58 = arith.addi %scan3A_56, %scan3A_57 : i32
      %scan3A_59 = arith.constant 1 : i32
      scf.for %scan3A_98 = %scan3A_56 to %scan3A_58 step %scan3A_59  : i32 {
        %mul3A_99 = arith.constant 16 : i32
        %mul3A_100 = arith.muli %scan3A_98, %mul3A_99 : i32
        %get3A_101 = arith.constant 0 : i32
        %get3A_102 = arith.index_cast %get3A_101 : i32 to index
        %get3A_103 = arith.index_cast %mul3A_100 : i32 to index
        %get3A_104 = tpu.vector_load %arg9[%get3A_102, %get3A_103] {strides = array<i32>} : memref<2x400xi32, #tpu.memory_space<vmem>>, vector<16xi32>,
        %add3A_105 = arith.constant 0 : i32
        %add3A_106 = arith.addi %mul3A_100, %add3A_105 : i32
        %rem3A = arith.constant 200 : i32
        %rem3A_107 = arith.remsi %add3A_106, %rem3A : i32
        %slice3A = vector.extract_strided_slice %get3A_104 {offsets = [0], sizes = [1], strides = [1]} : vector<16xi32> to vector<1xi32>
        %squeeze3A = vector.extract %slice3A[0] : i32 from vector<1xi32>
        %mul3A_108 = arith.constant 200 : i32
        %mul3A_109 = arith.muli %squeeze3A, %mul3A_108 : i32
        %add3A_110 = arith.addi %mul3A_109, %rem3A_107 : i32
        %get3A_111 = arith.constant 0 : i32
        %get3A_112 = arith.index_cast %get3A_111 : i32 to index
        %get3A_113 = arith.index_cast %add3A_106 : i32 to index
        %get3A_114 = arith.constant 0 : index
        %get3A_115 = tpu.vector_load %arg10[%get3A_112, %get3A_113, %get3A_114] {strides = array<i32>} : memref<2x400x64xf32, #tpu.memory_space<vmem>>, vector<16xf32>,
        %get3A_116 = arith.index_cast %add3A_110 : i32 to index
        %get3A_117 = arith.constant 0 : index
        %get3A_118 = tpu.vector_load %arg11[%get3A_116, %get3A_117] {strides = array<i32>} : memref<400x64xf32, #tpu.memory_space<vmem>>, vector<16xf32>,
        %add3A_119 = arith.addf %get3A_115, %get3A_118 : vector<16xf32>
        %get3A_120 = arith.constant 0 : i32
        %get3A_121 = arith.index_cast %get3A_120 : i32 to index
        %get3A_122 = arith.index_cast %add3A_106 : i32 to index
        %get3A_123 = arith.constant 16 : index
        %get3A_124 = tpu.vector_load %arg10[%get3A_121, %get3A_122, %get3A_123] {strides = array<i32>} : memref<2x400x64xf32, #tpu.memory_space<vmem>>, vector<16xf32>,
        %get3A_125 = arith.index_cast %add3A_110 : i32 to index
        %get3A_126 = arith.constant 16 : index
        %get3A_127 = tpu.vector_load %arg11[%get3A_125, %get3A_126] {strides = array<i32>} : memref<400x64xf32, #tpu.memory_space<vmem>>, vector<16xf32>,
        %add3A_128 = arith.addf %get3A_124, %get3A_127 : vector<16xf32>
        %get3A_129 = arith.constant 0 : i32
        %get3A_130 = arith.index_cast %get3A_129 : i32 to index
        %get3A_131 = arith.index_cast %add3A_106 : i32 to index
        %get3A_132 = arith.constant 32 : index
        %get3A_133 = tpu.vector_load %arg10[%get3A_130, %get3A_131, %get3A_132] {strides = array<i32>} : memref<2x400x64xf32, #tpu.memory_space<vmem>>, vector<16xf32>,
        %get3A_134 = arith.index_cast %add3A_110 : i32 to index
        %get3A_135 = arith.constant 32 : index
        %get3A_136 = tpu.vector_load %arg11[%get3A_134, %get3A_135] {strides = array<i32>} : memref<400x64xf32, #tpu.memory_space<vmem>>, vector<16xf32>,
        %add3A_137 = arith.addf %get3A_133, %get3A_136 : vector<16xf32>
        %get3A_138 = arith.constant 0 : i32
        %get3A_139 = arith.index_cast %get3A_138 : i32 to index
        %get3A_140 = arith.index_cast %add3A_106 : i32 to index
        %get3A_141 = arith.constant 48 : index
        %get3A_142 = tpu.vector_load %arg10[%get3A_139, %get3A_140, %get3A_141] {strides = array<i32>} : memref<2x400x64xf32, #tpu.memory_space<vmem>>, vector<16xf32>,
        %get3A_143 = arith.index_cast %add3A_110 : i32 to index
        %get3A_144 = arith.constant 48 : index
        %get3A_145 = tpu.vector_load %arg11[%get3A_143, %get3A_144] {strides = array<i32>} : memref<400x64xf32, #tpu.memory_space<vmem>>, vector<16xf32>,
        %add3A_146 = arith.addf %get3A_142, %get3A_145 : vector<16xf32>
        %add3A_147 = arith.addf %add3A_119, %add3A_128 : vector<16xf32>
        %add3A_148 = arith.addf %add3A_137, %add3A_146 : vector<16xf32>
        %add3A_149 = arith.addf %add3A_147, %add3A_148 : vector<16xf32>
        %reduce_sum3A = arith.constant true
        %reduce_sum3A_150 = vector.broadcast %reduce_sum3A : i1 to vector<16xi1>
        %reduce_sum3A_151 = tpu.scan <sum>, %add3A_149 masked %reduce_sum3A_150 : vector<16xf32>, vector<16xi1> -> vector<16xf32>
        %reduce_sum3A_152 = vector.extract %reduce_sum3A_151[15] : f32 from vector<16xf32>
        %mul3A_153 = arith.mulf %add3A_119, %add3A_119 : vector<16xf32>
        %mul3A_154 = arith.mulf %add3A_128, %add3A_128 : vector<16xf32>
        %add3A_155 = arith.addf %mul3A_153, %mul3A_154 : vector<16xf32>
        %mul3A_156 = arith.mulf %add3A_137, %add3A_137 : vector<16xf32>
        %add3A_157 = arith.addf %add3A_155, %mul3A_156 : vector<16xf32>
        %mul3A_158 = arith.mulf %add3A_146, %add3A_146 : vector<16xf32>
        %add3A_159 = arith.addf %add3A_157, %mul3A_158 : vector<16xf32>
        %reduce_sum3A_160 = arith.constant true
        %reduce_sum3A_161 = vector.broadcast %reduce_sum3A_160 : i1 to vector<16xi1>
        %reduce_sum3A_162 = tpu.scan <sum>, %add3A_159 masked %reduce_sum3A_161 : vector<16xf32>, vector<16xi1> -> vector<16xf32>
        %reduce_sum3A_163 = vector.extract %reduce_sum3A_162[15] : f32 from vector<16xf32>
        %mul3A_164 = arith.constant 1.562500e-02 : f32
        %mul3A_165 = arith.mulf %reduce_sum3A_152, %mul3A_164 : f32
        %mul3A_166 = arith.constant 1.562500e-02 : f32
        %mul3A_167 = arith.mulf %reduce_sum3A_163, %mul3A_166 : f32
        %mul3A_168 = arith.mulf %mul3A_165, %mul3A_165 : f32
        %sub3A = arith.subf %mul3A_167, %mul3A_168 : f32
        %add3A_169 = arith.constant 9.99999974E-6 : f32
        %add3A_170 = arith.addf %sub3A, %add3A_169 : f32
        %broadcast_in_dim3A = vector.broadcast %add3A_170 : f32 to vector<16xf32>
        %broadcast_in_dim3A_171 = vector.broadcast %mul3A_165 : f32 to vector<16xf32>
        %bitcast_convert_type3A = tpu.bitcast %broadcast_in_dim3A : vector<16xf32> -> vector<16xi32>
        %shift_right_arithmetic3A = arith.constant 1 : i32
        %shift_right_arithmetic3A_172 = vector.broadcast %shift_right_arithmetic3A : i32 to vector<16xi32>
        %shift_right_arithmetic3A_173 = arith.shrsi %bitcast_convert_type3A, %shift_right_arithmetic3A_172 : vector<16xi32>
        %sub3A_174 = arith.constant 1597463007 : i32
        %sub3A_175 = vector.broadcast %sub3A_174 : i32 to vector<16xi32>
        %sub3A_176 = arith.subi %sub3A_175, %shift_right_arithmetic3A_173 : vector<16xi32>
        %bitcast_convert_type3A_177 = tpu.bitcast %sub3A_176 : vector<16xi32> -> vector<16xf32>
        %mul3A_178 = arith.constant 5.000000e-01 : f32
        %mul3A_179 = vector.broadcast %mul3A_178 : f32 to vector<16xf32>
        %mul3A_180 = arith.mulf %broadcast_in_dim3A, %mul3A_179 : vector<16xf32>
        %mul3A_181 = arith.mulf %mul3A_180, %bitcast_convert_type3A_177 : vector<16xf32>
        %mul3A_182 = arith.mulf %mul3A_181, %bitcast_convert_type3A_177 : vector<16xf32>
        %sub3A_183 = arith.constant 1.500000e+00 : f32
        %sub3A_184 = vector.broadcast %sub3A_183 : f32 to vector<16xf32>
        %sub3A_185 = arith.subf %sub3A_184, %mul3A_182 : vector<16xf32>
        %mul3A_186 = arith.mulf %bitcast_convert_type3A_177, %sub3A_185 : vector<16xf32>
        %mul3A_187 = arith.mulf %mul3A_180, %mul3A_186 : vector<16xf32>
        %mul3A_188 = arith.mulf %mul3A_187, %mul3A_186 : vector<16xf32>
        %sub3A_189 = arith.constant 1.500000e+00 : f32
        %sub3A_190 = vector.broadcast %sub3A_189 : f32 to vector<16xf32>
        %sub3A_191 = arith.subf %sub3A_190, %mul3A_188 : vector<16xf32>
        %mul3A_192 = arith.mulf %mul3A_186, %sub3A_191 : vector<16xf32>
        %mul3A_193 = arith.mulf %mul3A_192, %get3A_1 : vector<16xf32>
        %sub3A_194 = arith.subf %add3A_119, %broadcast_in_dim3A_171 : vector<16xf32>
        %mul3A_195 = arith.mulf %sub3A_194, %mul3A_193 : vector<16xf32>
        %add3A_196 = arith.addf %mul3A_195, %get3A_9 : vector<16xf32>
        %swap3A = arith.constant 0 : i32
        %swap3A_197 = arith.index_cast %swap3A : i32 to index
        %swap3A_198 = arith.index_cast %add3A_106 : i32 to index
        %swap3A_199 = arith.constant 0 : index
        %swap3A_200 = tpu.vector_load %arg10[%swap3A_197, %swap3A_198, %swap3A_199] {strides = array<i32>} : memref<2x400x64xf32, #tpu.memory_space<vmem>>, vector<16xf32>,
        tpu.vector_store %arg10[%swap3A_197, %swap3A_198, %swap3A_199], %add3A_196 {strides = array<i32>} : memref<2x400x64xf32, #tpu.memory_space<vmem>>, vector<16xf32>,
        %mul3A_201 = arith.mulf %mul3A_192, %get3A_3 : vector<16xf32>
        %sub3A_202 = arith.subf %add3A_128, %broadcast_in_dim3A_171 : vector<16xf32>
        %mul3A_203 = arith.mulf %sub3A_202, %mul3A_201 : vector<16xf32>
        %add3A_204 = arith.addf %mul3A_203, %get3A_11 : vector<16xf32>
        %swap3A_205 = arith.constant 0 : i32
        %swap3A_206 = arith.index_cast %swap3A_205 : i32 to index
        %swap3A_207 = arith.index_cast %add3A_106 : i32 to index
        %swap3A_208 = arith.constant 16 : index
        %swap3A_209 = tpu.vector_load %arg10[%swap3A_206, %swap3A_207, %swap3A_208] {strides = array<i32>} : memref<2x400x64xf32, #tpu.memory_space<vmem>>, vector<16xf32>,
        tpu.vector_store %arg10[%swap3A_206, %swap3A_207, %swap3A_208], %add3A_204 {strides = array<i32>} : memref<2x400x64xf32, #tpu.memory_space<vmem>>, vector<16xf32>,
        %mul3A_210 = arith.mulf %mul3A_192, %get3A_5 : vector<16xf32>
        %sub3A_211 = arith.subf %add3A_137, %broadcast_in_dim3A_171 : vector<16xf32>
        %mul3A_212 = arith.mulf %sub3A_211, %mul3A_210 : vector<16xf32>
        %add3A_213 = arith.addf %mul3A_212, %get3A_13 : vector<16xf32>
        %swap3A_214 = arith.constant 0 : i32
        %swap3A_215 = arith.index_cast %swap3A_214 : i32 to index
        %swap3A_216 = arith.index_cast %add3A_106 : i32 to index
        %swap3A_217 = arith.constant 32 : index
        %swap3A_218 = tpu.vector_load %arg10[%swap3A_215, %swap3A_216, %swap3A_217] {strides = array<i32>} : memref<2x400x64xf32, #tpu.memory_space<vmem>>, vector<16xf32>,
        tpu.vector_store %arg10[%swap3A_215, %swap3A_216, %swap3A_217], %add3A_213 {strides = array<i32>} : memref<2x400x64xf32, #tpu.memory_space<vmem>>, vector<16xf32>,
        %mul3A_219 = arith.mulf %mul3A_192, %get3A_7 : vector<16xf32>
        %sub3A_220 = arith.subf %add3A_146, %broadcast_in_dim3A_171 : vector<16xf32>
        %mul3A_221 = arith.mulf %sub3A_220, %mul3A_219 : vector<16xf32>
        %add3A_222 = arith.addf %mul3A_221, %get3A_15 : vector<16xf32>
        %swap3A_223 = arith.constant 0 : i32
        %swap3A_224 = arith.index_cast %swap3A_223 : i32 to index
        %swap3A_225 = arith.index_cast %add3A_106 : i32 to index
        %swap3A_226 = arith.constant 48 : index
        %swap3A_227 = tpu.vector_load %arg10[%swap3A_224, %swap3A_225, %swap3A_226] {strides = array<i32>} : memref<2x400x64xf32, #tpu.memory_space<vmem>>, vector<16xf32>,
        tpu.vector_store %arg10[%swap3A_224, %swap3A_225, %swap3A_226], %add3A_222 {strides = array<i32>} : memref<2x400x64xf32, #tpu.memory_space<vmem>>, vector<16xf32>,
        %add3A_228 = arith.constant 1 : i32
        %add3A_229 = arith.addi %mul3A_100, %add3A_228 : i32
        %rem3A_230 = arith.constant 200 : i32
        %rem3A_231 = arith.remsi %add3A_229, %rem3A_230 : i32
        %slice3A_232 = vector.extract_strided_slice %get3A_104 {offsets = [1], sizes = [1], strides = [1]} : vector<16xi32> to vector<1xi32>
        %squeeze3A_233 = vector.extract %slice3A_232[0] : i32 from vector<1xi32>
        %mul3A_234 = arith.constant 200 : i32
        %mul3A_235 = arith.muli %squeeze3A_233, %mul3A_234 : i32
        %add3A_236 = arith.addi %mul3A_235, %rem3A_231 : i32
        %get3A_237 = arith.constant 0 : i32
        %get3A_238 = arith.index_cast %get3A_237 : i32 to index
        %get3A_239 = arith.index_cast %add3A_229 : i32 to index
        %get3A_240 = arith.constant 0 : index
        %get3A_241 = tpu.vector_load %arg10[%get3A_238, %get3A_239, %get3A_240] {strides = array<i32>} : memref<2x400x64xf32, #tpu.memory_space<vmem>>, vector<16xf32>,
        %get3A_242 = arith.index_cast %add3A_236 : i32 to index
        %get3A_243 = arith.constant 0 : index
        %get3A_244 = tpu.vector_load %arg11[%get3A_242, %get3A_243] {strides = array<i32>} : memref<400x64xf32, #tpu.memory_space<vmem>>, vector<16xf32>,
        %add3A_245 = arith.addf %get3A_241, %get3A_244 : vector<16xf32>
        %get3A_246 = arith.constant 0 : i32
        %get3A_247 = arith.index_cast %get3A_246 : i32 to index
        %get3A_248 = arith.index_cast %add3A_229 : i32 to index
        %get3A_249 = arith.constant 16 : index
        %get3A_250 = tpu.vector_load %arg10[%get3A_247, %get3A_248, %get3A_249] {strides = array<i32>} : memref<2x400x64xf32, #tpu.memory_space<vmem>>, vector<16xf32>,
        %get3A_251 = arith.index_cast %add3A_236 : i32 to index
        %get3A_252 = arith.constant 16 : index
        %get3A_253 = tpu.vector_load %arg11[%get3A_251, %get3A_252] {strides = array<i32>} : memref<400x64xf32, #tpu.memory_space<vmem>>, vector<16xf32>,
        %add3A_254 = arith.addf %get3A_250, %get3A_253 : vector<16xf32>
        %get3A_255 = arith.constant 0 : i32
        %get3A_256 = arith.index_cast %get3A_255 : i32 to index
        %get3A_257 = arith.index_cast %add3A_229 : i32 to index
        %get3A_258 = arith.constant 32 : index
        %get3A_259 = tpu.vector_load %arg10[%get3A_256, %get3A_257, %get3A_258] {strides = array<i32>} : memref<2x400x64xf32, #tpu.memory_space<vmem>>, vector<16xf32>,
        %get3A_260 = arith.index_cast %add3A_236 : i32 to index
        %get3A_261 = arith.constant 32 : index
        %get3A_262 = tpu.vector_load %arg11[%get3A_260, %get3A_261] {strides = array<i32>} : memref<400x64xf32, #tpu.memory_space<vmem>>, vector<16xf32>,
        %add3A_263 = arith.addf %get3A_259, %get3A_262 : vector<16xf32>
        %get3A_264 = arith.constant 0 : i32
        %get3A_265 = arith.index_cast %get3A_264 : i32 to index
        %get3A_266 = arith.index_cast %add3A_229 : i32 to index
        %get3A_267 = arith.constant 48 : index
        %get3A_268 = tpu.vector_load %arg10[%get3A_265, %get3A_266, %get3A_267] {strides = array<i32>} : memref<2x400x64xf32, #tpu.memory_space<vmem>>, vector<16xf32>,
        %get3A_269 = arith.index_cast %add3A_236 : i32 to index
        %get3A_270 = arith.constant 48 : index
        %get3A_271 = tpu.vector_load %arg11[%get3A_269, %get3A_270] {strides = array<i32>} : memref<400x64xf32, #tpu.memory_space<vmem>>, vector<16xf32>,
        %add3A_272 = arith.addf %get3A_268, %get3A_271 : vector<16xf32>
        %add3A_273 = arith.addf %add3A_245, %add3A_254 : vector<16xf32>
        %add3A_274 = arith.addf %add3A_263, %add3A_272 : vector<16xf32>
        %add3A_275 = arith.addf %add3A_273, %add3A_274 : vector<16xf32>
        %reduce_sum3A_276 = arith.constant true
        %reduce_sum3A_277 = vector.broadcast %reduce_sum3A_276 : i1 to vector<16xi1>
        %reduce_sum3A_278 = tpu.scan <sum>, %add3A_275 masked %reduce_sum3A_277 : vector<16xf32>, vector<16xi1> -> vector<16xf32>
        %reduce_sum3A_279 = vector.extract %reduce_sum3A_278[15] : f32 from vector<16xf32>
        %mul3A_280 = arith.mulf %add3A_245, %add3A_245 : vector<16xf32>
        %mul3A_281 = arith.mulf %add3A_254, %add3A_254 : vector<16xf32>
        %add3A_282 = arith.addf %mul3A_280, %mul3A_281 : vector<16xf32>
        %mul3A_283 = arith.mulf %add3A_263, %add3A_263 : vector<16xf32>
        %add3A_284 = arith.addf %add3A_282, %mul3A_283 : vector<16xf32>
        %mul3A_285 = arith.mulf %add3A_272, %add3A_272 : vector<16xf32>
        %add3A_286 = arith.addf %add3A_284, %mul3A_285 : vector<16xf32>
        %reduce_sum3A_287 = arith.constant true
        %reduce_sum3A_288 = vector.broadcast %reduce_sum3A_287 : i1 to vector<16xi1>
        %reduce_sum3A_289 = tpu.scan <sum>, %add3A_286 masked %reduce_sum3A_288 : vector<16xf32>, vector<16xi1> -> vector<16xf32>
        %reduce_sum3A_290 = vector.extract %reduce_sum3A_289[15] : f32 from vector<16xf32>
        %mul3A_291 = arith.constant 1.562500e-02 : f32
        %mul3A_292 = arith.mulf %reduce_sum3A_279, %mul3A_291 : f32
        %mul3A_293 = arith.constant 1.562500e-02 : f32
        %mul3A_294 = arith.mulf %reduce_sum3A_290, %mul3A_293 : f32
        %mul3A_295 = arith.mulf %mul3A_292, %mul3A_292 : f32
        %sub3A_296 = arith.subf %mul3A_294, %mul3A_295 : f32
        %add3A_297 = arith.constant 9.99999974E-6 : f32
        %add3A_298 = arith.addf %sub3A_296, %add3A_297 : f32
        %broadcast_in_dim3A_299 = vector.broadcast %add3A_298 : f32 to vector<16xf32>
        %broadcast_in_dim3A_300 = vector.broadcast %mul3A_292 : f32 to vector<16xf32>
        %bitcast_convert_type3A_301 = tpu.bitcast %broadcast_in_dim3A_299 : vector<16xf32> -> vector<16xi32>
        %shift_right_arithmetic3A_302 = arith.constant 1 : i32
        %shift_right_arithmetic3A_303 = vector.broadcast %shift_right_arithmetic3A_302 : i32 to vector<16xi32>
        %shift_right_arithmetic3A_304 = arith.shrsi %bitcast_convert_type3A_301, %shift_right_arithmetic3A_303 : vector<16xi32>
        %sub3A_305 = arith.constant 1597463007 : i32
        %sub3A_306 = vector.broadcast %sub3A_305 : i32 to vector<16xi32>
        %sub3A_307 = arith.subi %sub3A_306, %shift_right_arithmetic3A_304 : vector<16xi32>
        %bitcast_convert_type3A_308 = tpu.bitcast %sub3A_307 : vector<16xi32> -> vector<16xf32>
        %mul3A_309 = arith.constant 5.000000e-01 : f32
        %mul3A_310 = vector.broadcast %mul3A_309 : f32 to vector<16xf32>
        %mul3A_311 = arith.mulf %broadcast_in_dim3A_299, %mul3A_310 : vector<16xf32>
        %mul3A_312 = arith.mulf %mul3A_311, %bitcast_convert_type3A_308 : vector<16xf32>
        %mul3A_313 = arith.mulf %mul3A_312, %bitcast_convert_type3A_308 : vector<16xf32>
        %sub3A_314 = arith.constant 1.500000e+00 : f32
        %sub3A_315 = vector.broadcast %sub3A_314 : f32 to vector<16xf32>
        %sub3A_316 = arith.subf %sub3A_315, %mul3A_313 : vector<16xf32>
        %mul3A_317 = arith.mulf %bitcast_convert_type3A_308, %sub3A_316 : vector<16xf32>
        %mul3A_318 = arith.mulf %mul3A_311, %mul3A_317 : vector<16xf32>
        %mul3A_319 = arith.mulf %mul3A_318, %mul3A_317 : vector<16xf32>
        %sub3A_320 = arith.constant 1.500000e+00 : f32
        %sub3A_321 = vector.broadcast %sub3A_320 : f32 to vector<16xf32>
        %sub3A_322 = arith.subf %sub3A_321, %mul3A_319 : vector<16xf32>
        %mul3A_323 = arith.mulf %mul3A_317, %sub3A_322 : vector<16xf32>
        %mul3A_324 = arith.mulf %mul3A_323, %get3A_1 : vector<16xf32>
        %sub3A_325 = arith.subf %add3A_245, %broadcast_in_dim3A_300 : vector<16xf32>
        %mul3A_326 = arith.mulf %sub3A_325, %mul3A_324 : vector<16xf32>
        %add3A_327 = arith.addf %mul3A_326, %get3A_9 : vector<16xf32>
        %swap3A_328 = arith.constant 0 : i32
        %swap3A_329 = arith.index_cast %swap3A_328 : i32 to index
        %swap3A_330 = arith.index_cast %add3A_229 : i32 to index
        %swap3A_331 = arith.constant 0 : index
        %swap3A_332 = tpu.vector_load %arg10[%swap3A_329, %swap3A_330, %swap3A_331] {strides = array<i32>} : memref<2x400x64xf32, #tpu.memory_space<vmem>>, vector<16xf32>,
        tpu.vector_store %arg10[%swap3A_329, %swap3A_330, %swap3A_331], %add3A_327 {strides = array<i32>} : memref<2x400x64xf32, #tpu.memory_space<vmem>>, vector<16xf32>,
        %mul3A_333 = arith.mulf %mul3A_323, %get3A_3 : vector<16xf32>
        %sub3A_334 = arith.subf %add3A_254, %broadcast_in_dim3A_300 : vector<16xf32>
        %mul3A_335 = arith.mulf %sub3A_334, %mul3A_333 : vector<16xf32>
        %add3A_336 = arith.addf %mul3A_335, %get3A_11 : vector<16xf32>
        %swap3A_337 = arith.constant 0 : i32
        %swap3A_338 = arith.index_cast %swap3A_337 : i32 to index
        %swap3A_339 = arith.index_cast %add3A_229 : i32 to index
        %swap3A_340 = arith.constant 16 : index
        %swap3A_341 = tpu.vector_load %arg10[%swap3A_338, %swap3A_339, %swap3A_340] {strides = array<i32>} : memref<2x400x64xf32, #tpu.memory_space<vmem>>, vector<16xf32>,
        tpu.vector_store %arg10[%swap3A_338, %swap3A_339, %swap3A_340], %add3A_336 {strides = array<i32>} : memref<2x400x64xf32, #tpu.memory_space<vmem>>, vector<16xf32>,
        %mul3A_342 = arith.mulf %mul3A_323, %get3A_5 : vector<16xf32>
        %sub3A_343 = arith.subf %add3A_263, %broadcast_in_dim3A_300 : vector<16xf32>
        %mul3A_344 = arith.mulf %sub3A_343, %mul3A_342 : vector<16xf32>
        %add3A_345 = arith.addf %mul3A_344, %get3A_13 : vector<16xf32>
        %swap3A_346 = arith.constant 0 : i32
        %swap3A_347 = arith.index_cast %swap3A_346 : i32 to index
        %swap3A_348 = arith.index_cast %add3A_229 : i32 to index
        %swap3A_349 = arith.constant 32 : index
        %swap3A_350 = tpu.vector_load %arg10[%swap3A_347, %swap3A_348, %swap3A_349] {strides = array<i32>} : memref<2x400x64xf32, #tpu.memory_space<vmem>>, vector<16xf32>,
        tpu.vector_store %arg10[%swap3A_347, %swap3A_348, %swap3A_349], %add3A_345 {strides = array<i32>} : memref<2x400x64xf32, #tpu.memory_space<vmem>>, vector<16xf32>,
        %mul3A_351 = arith.mulf %mul3A_323, %get3A_7 : vector<16xf32>
        %sub3A_352 = arith.subf %add3A_272, %broadcast_in_dim3A_300 : vector<16xf32>
        %mul3A_353 = arith.mulf %sub3A_352, %mul3A_351 : vector<16xf32>
        %add3A_354 = arith.addf %mul3A_353, %get3A_15 : vector<16xf32>
        %swap3A_355 = arith.constant 0 : i32
        %swap3A_356 = arith.index_cast %swap3A_355 : i32 to index
        %swap3A_357 = arith.index_cast %add3A_229 : i32 to index
        %swap3A_358 = arith.constant 48 : index
        %swap3A_359 = tpu.vector_load %arg10[%swap3A_356, %swap3A_357, %swap3A_358] {strides = array<i32>} : memref<2x400x64xf32, #tpu.memory_space<vmem>>, vector<16xf32>,
        tpu.vector_store %arg10[%swap3A_356, %swap3A_357, %swap3A_358], %add3A_354 {strides = array<i32>} : memref<2x400x64xf32, #tpu.memory_space<vmem>>, vector<16xf32>,
        %add3A_360 = arith.constant 2 : i32
        %add3A_361 = arith.addi %mul3A_100, %add3A_360 : i32
        %rem3A_362 = arith.constant 200 : i32
        %rem3A_363 = arith.remsi %add3A_361, %rem3A_362 : i32
        %slice3A_364 = vector.extract_strided_slice %get3A_104 {offsets = [2], sizes = [1], strides = [1]} : vector<16xi32> to vector<1xi32>
        %squeeze3A_365 = vector.extract %slice3A_364[0] : i32 from vector<1xi32>
        %mul3A_366 = arith.constant 200 : i32
        %mul3A_367 = arith.muli %squeeze3A_365, %mul3A_366 : i32
        %add3A_368 = arith.addi %mul3A_367, %rem3A_363 : i32
        %get3A_369 = arith.constant 0 : i32
        %get3A_370 = arith.index_cast %get3A_369 : i32 to index
        %get3A_371 = arith.index_cast %add3A_361 : i32 to index
        %get3A_372 = arith.constant 0 : index
        %get3A_373 = tpu.vector_load %arg10[%get3A_370, %get3A_371, %get3A_372] {strides = array<i32>} : memref<2x400x64xf32, #tpu.memory_space<vmem>>, vector<16xf32>,
        %get3A_374 = arith.index_cast %add3A_368 : i32 to index
        %get3A_375 = arith.constant 0 : index
        %get3A_376 = tpu.vector_load %arg11[%get3A_374, %get3A_375] {strides = array<i32>} : memref<400x64xf32, #tpu.memory_space<vmem>>, vector<16xf32>,
        %add3A_377 = arith.addf %get3A_373, %get3A_376 : vector<16xf32>
        %get3A_378 = arith.constant 0 : i32
        %get3A_379 = arith.index_cast %get3A_378 : i32 to index
        %get3A_380 = arith.index_cast %add3A_361 : i32 to index
        %get3A_381 = arith.constant 16 : index
        %get3A_382 = tpu.vector_load %arg10[%get3A_379, %get3A_380, %get3A_381] {strides = array<i32>} : memref<2x400x64xf32, #tpu.memory_space<vmem>>, vector<16xf32>,
        %get3A_383 = arith.index_cast %add3A_368 : i32 to index
        %get3A_384 = arith.constant 16 : index
        %get3A_385 = tpu.vector_load %arg11[%get3A_383, %get3A_384] {strides = array<i32>} : memref<400x64xf32, #tpu.memory_space<vmem>>, vector<16xf32>,
        %add3A_386 = arith.addf %get3A_382, %get3A_385 : vector<16xf32>
        %get3A_387 = arith.constant 0 : i32
        %get3A_388 = arith.index_cast %get3A_387 : i32 to index
        %get3A_389 = arith.index_cast %add3A_361 : i32 to index
        %get3A_390 = arith.constant 32 : index
        %get3A_391 = tpu.vector_load %arg10[%get3A_388, %get3A_389, %get3A_390] {strides = array<i32>} : memref<2x400x64xf32, #tpu.memory_space<vmem>>, vector<16xf32>,
        %get3A_392 = arith.index_cast %add3A_368 : i32 to index
        %get3A_393 = arith.constant 32 : index
        %get3A_394 = tpu.vector_load %arg11[%get3A_392, %get3A_393] {strides = array<i32>} : memref<400x64xf32, #tpu.memory_space<vmem>>, vector<16xf32>,
        %add3A_395 = arith.addf %get3A_391, %get3A_394 : vector<16xf32>
        %get3A_396 = arith.constant 0 : i32
        %get3A_397 = arith.index_cast %get3A_396 : i32 to index
        %get3A_398 = arith.index_cast %add3A_361 : i32 to index
        %get3A_399 = arith.constant 48 : index
        %get3A_400 = tpu.vector_load %arg10[%get3A_397, %get3A_398, %get3A_399] {strides = array<i32>} : memref<2x400x64xf32, #tpu.memory_space<vmem>>, vector<16xf32>,
        %get3A_401 = arith.index_cast %add3A_368 : i32 to index
        %get3A_402 = arith.constant 48 : index
        %get3A_403 = tpu.vector_load %arg11[%get3A_401, %get3A_402] {strides = array<i32>} : memref<400x64xf32, #tpu.memory_space<vmem>>, vector<16xf32>,
        %add3A_404 = arith.addf %get3A_400, %get3A_403 : vector<16xf32>
        %add3A_405 = arith.addf %add3A_377, %add3A_386 : vector<16xf32>
        %add3A_406 = arith.addf %add3A_395, %add3A_404 : vector<16xf32>
        %add3A_407 = arith.addf %add3A_405, %add3A_406 : vector<16xf32>
        %reduce_sum3A_408 = arith.constant true
        %reduce_sum3A_409 = vector.broadcast %reduce_sum3A_408 : i1 to vector<16xi1>
        %reduce_sum3A_410 = tpu.scan <sum>, %add3A_407 masked %reduce_sum3A_409 : vector<16xf32>, vector<16xi1> -> vector<16xf32>
        %reduce_sum3A_411 = vector.extract %reduce_sum3A_410[15] : f32 from vector<16xf32>
        %mul3A_412 = arith.mulf %add3A_377, %add3A_377 : vector<16xf32>
        %mul3A_413 = arith.mulf %add3A_386, %add3A_386 : vector<16xf32>
        %add3A_414 = arith.addf %mul3A_412, %mul3A_413 : vector<16xf32>
        %mul3A_415 = arith.mulf %add3A_395, %add3A_395 : vector<16xf32>
        %add3A_416 = arith.addf %add3A_414, %mul3A_415 : vector<16xf32>
        %mul3A_417 = arith.mulf %add3A_404, %add3A_404 : vector<16xf32>
        %add3A_418 = arith.addf %add3A_416, %mul3A_417 : vector<16xf32>
        %reduce_sum3A_419 = arith.constant true
        %reduce_sum3A_420 = vector.broadcast %reduce_sum3A_419 : i1 to vector<16xi1>
        %reduce_sum3A_421 = tpu.scan <sum>, %add3A_418 masked %reduce_sum3A_420 : vector<16xf32>, vector<16xi1> -> vector<16xf32>
        %reduce_sum3A_422 = vector.extract %reduce_sum3A_421[15] : f32 from vector<16xf32>
        %mul3A_423 = arith.constant 1.562500e-02 : f32
        %mul3A_424 = arith.mulf %reduce_sum3A_411, %mul3A_423 : f32
        %mul3A_425 = arith.constant 1.562500e-02 : f32
        %mul3A_426 = arith.mulf %reduce_sum3A_422, %mul3A_425 : f32
        %mul3A_427 = arith.mulf %mul3A_424, %mul3A_424 : f32
        %sub3A_428 = arith.subf %mul3A_426, %mul3A_427 : f32
        %add3A_429 = arith.constant 9.99999974E-6 : f32
        %add3A_430 = arith.addf %sub3A_428, %add3A_429 : f32
        %broadcast_in_dim3A_431 = vector.broadcast %add3A_430 : f32 to vector<16xf32>
        %broadcast_in_dim3A_432 = vector.broadcast %mul3A_424 : f32 to vector<16xf32>
        %bitcast_convert_type3A_433 = tpu.bitcast %broadcast_in_dim3A_431 : vector<16xf32> -> vector<16xi32>
        %shift_right_arithmetic3A_434 = arith.constant 1 : i32
        %shift_right_arithmetic3A_435 = vector.broadcast %shift_right_arithmetic3A_434 : i32 to vector<16xi32>
        %shift_right_arithmetic3A_436 = arith.shrsi %bitcast_convert_type3A_433, %shift_right_arithmetic3A_435 : vector<16xi32>
        %sub3A_437 = arith.constant 1597463007 : i32
        %sub3A_438 = vector.broadcast %sub3A_437 : i32 to vector<16xi32>
        %sub3A_439 = arith.subi %sub3A_438, %shift_right_arithmetic3A_436 : vector<16xi32>
        %bitcast_convert_type3A_440 = tpu.bitcast %sub3A_439 : vector<16xi32> -> vector<16xf32>
        %mul3A_441 = arith.constant 5.000000e-01 : f32
        %mul3A_442 = vector.broadcast %mul3A_441 : f32 to vector<16xf32>
        %mul3A_443 = arith.mulf %broadcast_in_dim3A_431, %mul3A_442 : vector<16xf32>
        %mul3A_444 = arith.mulf %mul3A_443, %bitcast_convert_type3A_440 : vector<16xf32>
        %mul3A_445 = arith.mulf %mul3A_444, %bitcast_convert_type3A_440 : vector<16xf32>
        %sub3A_446 = arith.constant 1.500000e+00 : f32
        %sub3A_447 = vector.broadcast %sub3A_446 : f32 to vector<16xf32>
        %sub3A_448 = arith.subf %sub3A_447, %mul3A_445 : vector<16xf32>
        %mul3A_449 = arith.mulf %bitcast_convert_type3A_440, %sub3A_448 : vector<16xf32>
        %mul3A_450 = arith.mulf %mul3A_443, %mul3A_449 : vector<16xf32>
        %mul3A_451 = arith.mulf %mul3A_450, %mul3A_449 : vector<16xf32>
        %sub3A_452 = arith.constant 1.500000e+00 : f32
        %sub3A_453 = vector.broadcast %sub3A_452 : f32 to vector<16xf32>
        %sub3A_454 = arith.subf %sub3A_453, %mul3A_451 : vector<16xf32>
        %mul3A_455 = arith.mulf %mul3A_449, %sub3A_454 : vector<16xf32>
        %mul3A_456 = arith.mulf %mul3A_455, %get3A_1 : vector<16xf32>
        %sub3A_457 = arith.subf %add3A_377, %broadcast_in_dim3A_432 : vector<16xf32>
        %mul3A_458 = arith.mulf %sub3A_457, %mul3A_456 : vector<16xf32>
        %add3A_459 = arith.addf %mul3A_458, %get3A_9 : vector<16xf32>
        %swap3A_460 = arith.constant 0 : i32
        %swap3A_461 = arith.index_cast %swap3A_460 : i32 to index
        %swap3A_462 = arith.index_cast %add3A_361 : i32 to index
        %swap3A_463 = arith.constant 0 : index
        %swap3A_464 = tpu.vector_load %arg10[%swap3A_461, %swap3A_462, %swap3A_463] {strides = array<i32>} : memref<2x400x64xf32, #tpu.memory_space<vmem>>, vector<16xf32>,
        tpu.vector_store %arg10[%swap3A_461, %swap3A_462, %swap3A_463], %add3A_459 {strides = array<i32>} : memref<2x400x64xf32, #tpu.memory_space<vmem>>, vector<16xf32>,
        %mul3A_465 = arith.mulf %mul3A_455, %get3A_3 : vector<16xf32>
        %sub3A_466 = arith.subf %add3A_386, %broadcast_in_dim3A_432 : vector<16xf32>
        %mul3A_467 = arith.mulf %sub3A_466, %mul3A_465 : vector<16xf32>
        %add3A_468 = arith.addf %mul3A_467, %get3A_11 : vector<16xf32>
        %swap3A_469 = arith.constant 0 : i32
        %swap3A_470 = arith.index_cast %swap3A_469 : i32 to index
        %swap3A_471 = arith.index_cast %add3A_361 : i32 to index
        %swap3A_472 = arith.constant 16 : index
        %swap3A_473 = tpu.vector_load %arg10[%swap3A_470, %swap3A_471, %swap3A_472] {strides = array<i32>} : memref<2x400x64xf32, #tpu.memory_space<vmem>>, vector<16xf32>,
        tpu.vector_store %arg10[%swap3A_470, %swap3A_471, %swap3A_472], %add3A_468 {strides = array<i32>} : memref<2x400x64xf32, #tpu.memory_space<vmem>>, vector<16xf32>,
        %mul3A_474 = arith.mulf %mul3A_455, %get3A_5 : vector<16xf32>
        %sub3A_475 = arith.subf %add3A_395, %broadcast_in_dim3A_432 : vector<16xf32>
        %mul3A_476 = arith.mulf %sub3A_475, %mul3A_474 : vector<16xf32>
        %add3A_477 = arith.addf %mul3A_476, %get3A_13 : vector<16xf32>
        %swap3A_478 = arith.constant 0 : i32
        %swap3A_479 = arith.index_cast %swap3A_478 : i32 to index
        %swap3A_480 = arith.index_cast %add3A_361 : i32 to index
        %swap3A_481 = arith.constant 32 : index
        %swap3A_482 = tpu.vector_load %arg10[%swap3A_479, %swap3A_480, %swap3A_481] {strides = array<i32>} : memref<2x400x64xf32, #tpu.memory_space<vmem>>, vector<16xf32>,
        tpu.vector_store %arg10[%swap3A_479, %swap3A_480, %swap3A_481], %add3A_477 {strides = array<i32>} : memref<2x400x64xf32, #tpu.memory_space<vmem>>, vector<16xf32>,
        %mul3A_483 = arith.mulf %mul3A_455, %get3A_7 : vector<16xf32>
        %sub3A_484 = arith.subf %add3A_404, %broadcast_in_dim3A_432 : vector<16xf32>
        %mul3A_485 = arith.mulf %sub3A_484, %mul3A_483 : vector<16xf32>
        %add3A_486 = arith.addf %mul3A_485, %get3A_15 : vector<16xf32>
        %swap3A_487 = arith.constant 0 : i32
        %swap3A_488 = arith.index_cast %swap3A_487 : i32 to index
        %swap3A_489 = arith.index_cast %add3A_361 : i32 to index
        %swap3A_490 = arith.constant 48 : index
        %swap3A_491 = tpu.vector_load %arg10[%swap3A_488, %swap3A_489, %swap3A_490] {strides = array<i32>} : memref<2x400x64xf32, #tpu.memory_space<vmem>>, vector<16xf32>,
        tpu.vector_store %arg10[%swap3A_488, %swap3A_489, %swap3A_490], %add3A_486 {strides = array<i32>} : memref<2x400x64xf32, #tpu.memory_space<vmem>>, vector<16xf32>,
        %add3A_492 = arith.constant 3 : i32
        %add3A_493 = arith.addi %mul3A_100, %add3A_492 : i32
        %rem3A_494 = arith.constant 200 : i32
        %rem3A_495 = arith.remsi %add3A_493, %rem3A_494 : i32
        %slice3A_496 = vector.extract_strided_slice %get3A_104 {offsets = [3], sizes = [1], strides = [1]} : vector<16xi32> to vector<1xi32>
        %squeeze3A_497 = vector.extract %slice3A_496[0] : i32 from vector<1xi32>
        %mul3A_498 = arith.constant 200 : i32
        %mul3A_499 = arith.muli %squeeze3A_497, %mul3A_498 : i32
        %add3A_500 = arith.addi %mul3A_499, %rem3A_495 : i32
        %get3A_501 = arith.constant 0 : i32
        %get3A_502 = arith.index_cast %get3A_501 : i32 to index
        %get3A_503 = arith.index_cast %add3A_493 : i32 to index
        %get3A_504 = arith.constant 0 : index
        %get3A_505 = tpu.vector_load %arg10[%get3A_502, %get3A_503, %get3A_504] {strides = array<i32>} : memref<2x400x64xf32, #tpu.memory_space<vmem>>, vector<16xf32>,
        %get3A_506 = arith.index_cast %add3A_500 : i32 to index
        %get3A_507 = arith.constant 0 : index
        %get3A_508 = tpu.vector_load %arg11[%get3A_506, %get3A_507] {strides = array<i32>} : memref<400x64xf32, #tpu.memory_space<vmem>>, vector<16xf32>,
        %add3A_509 = arith.addf %get3A_505, %get3A_508 : vector<16xf32>
        %get3A_510 = arith.constant 0 : i32
        %get3A_511 = arith.index_cast %get3A_510 : i32 to index
        %get3A_512 = arith.index_cast %add3A_493 : i32 to index
        %get3A_513 = arith.constant 16 : index
        %get3A_514 = tpu.vector_load %arg10[%get3A_511, %get3A_512, %get3A_513] {strides = array<i32>} : memref<2x400x64xf32, #tpu.memory_space<vmem>>, vector<16xf32>,
        %get3A_515 = arith.index_cast %add3A_500 : i32 to index
        %get3A_516 = arith.constant 16 : index
        %get3A_517 = tpu.vector_load %arg11[%get3A_515, %get3A_516] {strides = array<i32>} : memref<400x64xf32, #tpu.memory_space<vmem>>, vector<16xf32>,
        %add3A_518 = arith.addf %get3A_514, %get3A_517 : vector<16xf32>
        %get3A_519 = arith.constant 0 : i32
        %get3A_520 = arith.index_cast %get3A_519 : i32 to index
        %get3A_521 = arith.index_cast %add3A_493 : i32 to index
        %get3A_522 = arith.constant 32 : index
        %get3A_523 = tpu.vector_load %arg10[%get3A_520, %get3A_521, %get3A_522] {strides = array<i32>} : memref<2x400x64xf32, #tpu.memory_space<vmem>>, vector<16xf32>,
        %get3A_524 = arith.index_cast %add3A_500 : i32 to index
        %get3A_525 = arith.constant 32 : index
        %get3A_526 = tpu.vector_load %arg11[%get3A_524, %get3A_525] {strides = array<i32>} : memref<400x64xf32, #tpu.memory_space<vmem>>, vector<16xf32>,
        %add3A_527 = arith.addf %get3A_523, %get3A_526 : vector<16xf32>
        %get3A_528 = arith.constant 0 : i32
        %get3A_529 = arith.index_cast %get3A_528 : i32 to index
        %get3A_530 = arith.index_cast %add3A_493 : i32 to index
        %get3A_531 = arith.constant 48 : index
        %get3A_532 = tpu.vector_load %arg10[%get3A_529, %get3A_530, %get3A_531] {strides = array<i32>} : memref<2x400x64xf32, #tpu.memory_space<vmem>>, vector<16xf32>,
        %get3A_533 = arith.index_cast %add3A_500 : i32 to index
        %get3A_534 = arith.constant 48 : index
        %get3A_535 = tpu.vector_load %arg11[%get3A_533, %get3A_534] {strides = array<i32>} : memref<400x64xf32, #tpu.memory_space<vmem>>, vector<16xf32>,
        %add3A_536 = arith.addf %get3A_532, %get3A_535 : vector<16xf32>
        %add3A_537 = arith.addf %add3A_509, %add3A_518 : vector<16xf32>
        %add3A_538 = arith.addf %add3A_527, %add3A_536 : vector<16xf32>
        %add3A_539 = arith.addf %add3A_537, %add3A_538 : vector<16xf32>
        %reduce_sum3A_540 = arith.constant true
        %reduce_sum3A_541 = vector.broadcast %reduce_sum3A_540 : i1 to vector<16xi1>
        %reduce_sum3A_542 = tpu.scan <sum>, %add3A_539 masked %reduce_sum3A_541 : vector<16xf32>, vector<16xi1> -> vector<16xf32>
        %reduce_sum3A_543 = vector.extract %reduce_sum3A_542[15] : f32 from vector<16xf32>
        %mul3A_544 = arith.mulf %add3A_509, %add3A_509 : vector<16xf32>
        %mul3A_545 = arith.mulf %add3A_518, %add3A_518 : vector<16xf32>
        %add3A_546 = arith.addf %mul3A_544, %mul3A_545 : vector<16xf32>
        %mul3A_547 = arith.mulf %add3A_527, %add3A_527 : vector<16xf32>
        %add3A_548 = arith.addf %add3A_546, %mul3A_547 : vector<16xf32>
        %mul3A_549 = arith.mulf %add3A_536, %add3A_536 : vector<16xf32>
        %add3A_550 = arith.addf %add3A_548, %mul3A_549 : vector<16xf32>
        %reduce_sum3A_551 = arith.constant true
        %reduce_sum3A_552 = vector.broadcast %reduce_sum3A_551 : i1 to vector<16xi1>
        %reduce_sum3A_553 = tpu.scan <sum>, %add3A_550 masked %reduce_sum3A_552 : vector<16xf32>, vector<16xi1> -> vector<16xf32>
        %reduce_sum3A_554 = vector.extract %reduce_sum3A_553[15] : f32 from vector<16xf32>
        %mul3A_555 = arith.constant 1.562500e-02 : f32
        %mul3A_556 = arith.mulf %reduce_sum3A_543, %mul3A_555 : f32
        %mul3A_557 = arith.constant 1.562500e-02 : f32
        %mul3A_558 = arith.mulf %reduce_sum3A_554, %mul3A_557 : f32
        %mul3A_559 = arith.mulf %mul3A_556, %mul3A_556 : f32
        %sub3A_560 = arith.subf %mul3A_558, %mul3A_559 : f32
        %add3A_561 = arith.constant 9.99999974E-6 : f32
        %add3A_562 = arith.addf %sub3A_560, %add3A_561 : f32
        %broadcast_in_dim3A_563 = vector.broadcast %add3A_562 : f32 to vector<16xf32>
        %broadcast_in_dim3A_564 = vector.broadcast %mul3A_556 : f32 to vector<16xf32>
        %bitcast_convert_type3A_565 = tpu.bitcast %broadcast_in_dim3A_563 : vector<16xf32> -> vector<16xi32>
        %shift_right_arithmetic3A_566 = arith.constant 1 : i32
        %shift_right_arithmetic3A_567 = vector.broadcast %shift_right_arithmetic3A_566 : i32 to vector<16xi32>
        %shift_right_arithmetic3A_568 = arith.shrsi %bitcast_convert_type3A_565, %shift_right_arithmetic3A_567 : vector<16xi32>
        %sub3A_569 = arith.constant 1597463007 : i32
        %sub3A_570 = vector.broadcast %sub3A_569 : i32 to vector<16xi32>
        %sub3A_571 = arith.subi %sub3A_570, %shift_right_arithmetic3A_568 : vector<16xi32>
        %bitcast_convert_type3A_572 = tpu.bitcast %sub3A_571 : vector<16xi32> -> vector<16xf32>
        %mul3A_573 = arith.constant 5.000000e-01 : f32
        %mul3A_574 = vector.broadcast %mul3A_573 : f32 to vector<16xf32>
        %mul3A_575 = arith.mulf %broadcast_in_dim3A_563, %mul3A_574 : vector<16xf32>
        %mul3A_576 = arith.mulf %mul3A_575, %bitcast_convert_type3A_572 : vector<16xf32>
        %mul3A_577 = arith.mulf %mul3A_576, %bitcast_convert_type3A_572 : vector<16xf32>
        %sub3A_578 = arith.constant 1.500000e+00 : f32
        %sub3A_579 = vector.broadcast %sub3A_578 : f32 to vector<16xf32>
        %sub3A_580 = arith.subf %sub3A_579, %mul3A_577 : vector<16xf32>
        %mul3A_581 = arith.mulf %bitcast_convert_type3A_572, %sub3A_580 : vector<16xf32>
        %mul3A_582 = arith.mulf %mul3A_575, %mul3A_581 : vector<16xf32>
        %mul3A_583 = arith.mulf %mul3A_582, %mul3A_581 : vector<16xf32>
        %sub3A_584 = arith.constant 1.500000e+00 : f32
        %sub3A_585 = vector.broadcast %sub3A_584 : f32 to vector<16xf32>
        %sub3A_586 = arith.subf %sub3A_585, %mul3A_583 : vector<16xf32>
        %mul3A_587 = arith.mulf %mul3A_581, %sub3A_586 : vector<16xf32>
        %mul3A_588 = arith.mulf %mul3A_587, %get3A_1 : vector<16xf32>
        %sub3A_589 = arith.subf %add3A_509, %broadcast_in_dim3A_564 : vector<16xf32>
        %mul3A_590 = arith.mulf %sub3A_589, %mul3A_588 : vector<16xf32>
        %add3A_591 = arith.addf %mul3A_590, %get3A_9 : vector<16xf32>
        %swap3A_592 = arith.constant 0 : i32
        %swap3A_593 = arith.index_cast %swap3A_592 : i32 to index
        %swap3A_594 = arith.index_cast %add3A_493 : i32 to index
        %swap3A_595 = arith.constant 0 : index
        %swap3A_596 = tpu.vector_load %arg10[%swap3A_593, %swap3A_594, %swap3A_595] {strides = array<i32>} : memref<2x400x64xf32, #tpu.memory_space<vmem>>, vector<16xf32>,
        tpu.vector_store %arg10[%swap3A_593, %swap3A_594, %swap3A_595], %add3A_591 {strides = array<i32>} : memref<2x400x64xf32, #tpu.memory_space<vmem>>, vector<16xf32>,
        %mul3A_597 = arith.mulf %mul3A_587, %get3A_3 : vector<16xf32>
        %sub3A_598 = arith.subf %add3A_518, %broadcast_in_dim3A_564 : vector<16xf32>
        %mul3A_599 = arith.mulf %sub3A_598, %mul3A_597 : vector<16xf32>
        %add3A_600 = arith.addf %mul3A_599, %get3A_11 : vector<16xf32>
        %swap3A_601 = arith.constant 0 : i32
        %swap3A_602 = arith.index_cast %swap3A_601 : i32 to index
        %swap3A_603 = arith.index_cast %add3A_493 : i32 to index
        %swap3A_604 = arith.constant 16 : index
        %swap3A_605 = tpu.vector_load %arg10[%swap3A_602, %swap3A_603, %swap3A_604] {strides = array<i32>} : memref<2x400x64xf32, #tpu.memory_space<vmem>>, vector<16xf32>,
        tpu.vector_store %arg10[%swap3A_602, %swap3A_603, %swap3A_604], %add3A_600 {strides = array<i32>} : memref<2x400x64xf32, #tpu.memory_space<vmem>>, vector<16xf32>,
        %mul3A_606 = arith.mulf %mul3A_587, %get3A_5 : vector<16xf32>
        %sub3A_607 = arith.subf %add3A_527, %broadcast_in_dim3A_564 : vector<16xf32>
        %mul3A_608 = arith.mulf %sub3A_607, %mul3A_606 : vector<16xf32>
        %add3A_609 = arith.addf %mul3A_608, %get3A_13 : vector<16xf32>
        %swap3A_610 = arith.constant 0 : i32
        %swap3A_611 = arith.index_cast %swap3A_610 : i32 to index
        %swap3A_612 = arith.index_cast %add3A_493 : i32 to index
        %swap3A_613 = arith.constant 32 : index
        %swap3A_614 = tpu.vector_load %arg10[%swap3A_611, %swap3A_612, %swap3A_613] {strides = array<i32>} : memref<2x400x64xf32, #tpu.memory_space<vmem>>, vector<16xf32>,
        tpu.vector_store %arg10[%swap3A_611, %swap3A_612, %swap3A_613], %add3A_609 {strides = array<i32>} : memref<2x400x64xf32, #tpu.memory_space<vmem>>, vector<16xf32>,
        %mul3A_615 = arith.mulf %mul3A_587, %get3A_7 : vector<16xf32>
        %sub3A_616 = arith.subf %add3A_536, %broadcast_in_dim3A_564 : vector<16xf32>
        %mul3A_617 = arith.mulf %sub3A_616, %mul3A_615 : vector<16xf32>
        %add3A_618 = arith.addf %mul3A_617, %get3A_15 : vector<16xf32>
        %swap3A_619 = arith.constant 0 : i32
        %swap3A_620 = arith.index_cast %swap3A_619 : i32 to index
        %swap3A_621 = arith.index_cast %add3A_493 : i32 to index
        %swap3A_622 = arith.constant 48 : index
        %swap3A_623 = tpu.vector_load %arg10[%swap3A_620, %swap3A_621, %swap3A_622] {strides = array<i32>} : memref<2x400x64xf32, #tpu.memory_space<vmem>>, vector<16xf32>,
        tpu.vector_store %arg10[%swap3A_620, %swap3A_621, %swap3A_622], %add3A_618 {strides = array<i32>} : memref<2x400x64xf32, #tpu.memory_space<vmem>>, vector<16xf32>,
        %add3A_624 = arith.constant 4 : i32
        %add3A_625 = arith.addi %mul3A_100, %add3A_624 : i32
        %rem3A_626 = arith.constant 200 : i32
        %rem3A_627 = arith.remsi %add3A_625, %rem3A_626 : i32
        %slice3A_628 = vector.extract_strided_slice %get3A_104 {offsets = [4], sizes = [1], strides = [1]} : vector<16xi32> to vector<1xi32>
        %squeeze3A_629 = vector.extract %slice3A_628[0] : i32 from vector<1xi32>
        %mul3A_630 = arith.constant 200 : i32
        %mul3A_631 = arith.muli %squeeze3A_629, %mul3A_630 : i32
        %add3A_632 = arith.addi %mul3A_631, %rem3A_627 : i32
        %get3A_633 = arith.constant 0 : i32
        %get3A_634 = arith.index_cast %get3A_633 : i32 to index
        %get3A_635 = arith.index_cast %add3A_625 : i32 to index
        %get3A_636 = arith.constant 0 : index
        %get3A_637 = tpu.vector_load %arg10[%get3A_634, %get3A_635, %get3A_636] {strides = array<i32>} : memref<2x400x64xf32, #tpu.memory_space<vmem>>, vector<16xf32>,
        %get3A_638 = arith.index_cast %add3A_632 : i32 to index
        %get3A_639 = arith.constant 0 : index
        %get3A_640 = tpu.vector_load %arg11[%get3A_638, %get3A_639] {strides = array<i32>} : memref<400x64xf32, #tpu.memory_space<vmem>>, vector<16xf32>,
        %add3A_641 = arith.addf %get3A_637, %get3A_640 : vector<16xf32>
        %get3A_642 = arith.constant 0 : i32
        %get3A_643 = arith.index_cast %get3A_642 : i32 to index
        %get3A_644 = arith.index_cast %add3A_625 : i32 to index
        %get3A_645 = arith.constant 16 : index
        %get3A_646 = tpu.vector_load %arg10[%get3A_643, %get3A_644, %get3A_645] {strides = array<i32>} : memref<2x400x64xf32, #tpu.memory_space<vmem>>, vector<16xf32>,
        %get3A_647 = arith.index_cast %add3A_632 : i32 to index
        %get3A_648 = arith.constant 16 : index
        %get3A_649 = tpu.vector_load %arg11[%get3A_647, %get3A_648] {strides = array<i32>} : memref<400x64xf32, #tpu.memory_space<vmem>>, vector<16xf32>,
        %add3A_650 = arith.addf %get3A_646, %get3A_649 : vector<16xf32>
        %get3A_651 = arith.constant 0 : i32
        %get3A_652 = arith.index_cast %get3A_651 : i32 to index
        %get3A_653 = arith.index_cast %add3A_625 : i32 to index
        %get3A_654 = arith.constant 32 : index
        %get3A_655 = tpu.vector_load %arg10[%get3A_652, %get3A_653, %get3A_654] {strides = array<i32>} : memref<2x400x64xf32, #tpu.memory_space<vmem>>, vector<16xf32>,
        %get3A_656 = arith.index_cast %add3A_632 : i32 to index
        %get3A_657 = arith.constant 32 : index
        %get3A_658 = tpu.vector_load %arg11[%get3A_656, %get3A_657] {strides = array<i32>} : memref<400x64xf32, #tpu.memory_space<vmem>>, vector<16xf32>,
        %add3A_659 = arith.addf %get3A_655, %get3A_658 : vector<16xf32>
        %get3A_660 = arith.constant 0 : i32
        %get3A_661 = arith.index_cast %get3A_660 : i32 to index
        %get3A_662 = arith.index_cast %add3A_625 : i32 to index
        %get3A_663 = arith.constant 48 : index
        %get3A_664 = tpu.vector_load %arg10[%get3A_661, %get3A_662, %get3A_663] {strides = array<i32>} : memref<2x400x64xf32, #tpu.memory_space<vmem>>, vector<16xf32>,
        %get3A_665 = arith.index_cast %add3A_632 : i32 to index
        %get3A_666 = arith.constant 48 : index
        %get3A_667 = tpu.vector_load %arg11[%get3A_665, %get3A_666] {strides = array<i32>} : memref<400x64xf32, #tpu.memory_space<vmem>>, vector<16xf32>,
        %add3A_668 = arith.addf %get3A_664, %get3A_667 : vector<16xf32>
        %add3A_669 = arith.addf %add3A_641, %add3A_650 : vector<16xf32>
        %add3A_670 = arith.addf %add3A_659, %add3A_668 : vector<16xf32>
        %add3A_671 = arith.addf %add3A_669, %add3A_670 : vector<16xf32>
        %reduce_sum3A_672 = arith.constant true
        %reduce_sum3A_673 = vector.broadcast %reduce_sum3A_672 : i1 to vector<16xi1>
        %reduce_sum3A_674 = tpu.scan <sum>, %add3A_671 masked %reduce_sum3A_673 : vector<16xf32>, vector<16xi1> -> vector<16xf32>
        %reduce_sum3A_675 = vector.extract %reduce_sum3A_674[15] : f32 from vector<16xf32>
        %mul3A_676 = arith.mulf %add3A_641, %add3A_641 : vector<16xf32>
        %mul3A_677 = arith.mulf %add3A_650, %add3A_650 : vector<16xf32>
        %add3A_678 = arith.addf %mul3A_676, %mul3A_677 : vector<16xf32>
        %mul3A_679 = arith.mulf %add3A_659, %add3A_659 : vector<16xf32>
        %add3A_680 = arith.addf %add3A_678, %mul3A_679 : vector<16xf32>
        %mul3A_681 = arith.mulf %add3A_668, %add3A_668 : vector<16xf32>
        %add3A_682 = arith.addf %add3A_680, %mul3A_681 : vector<16xf32>
        %reduce_sum3A_683 = arith.constant true
        %reduce_sum3A_684 = vector.broadcast %reduce_sum3A_683 : i1 to vector<16xi1>
        %reduce_sum3A_685 = tpu.scan <sum>, %add3A_682 masked %reduce_sum3A_684 : vector<16xf32>, vector<16xi1> -> vector<16xf32>
        %reduce_sum3A_686 = vector.extract %reduce_sum3A_685[15] : f32 from vector<16xf32>
        %mul3A_687 = arith.constant 1.562500e-02 : f32
        %mul3A_688 = arith.mulf %reduce_sum3A_675, %mul3A_687 : f32
        %mul3A_689 = arith.constant 1.562500e-02 : f32
        %mul3A_690 = arith.mulf %reduce_sum3A_686, %mul3A_689 : f32
        %mul3A_691 = arith.mulf %mul3A_688, %mul3A_688 : f32
        %sub3A_692 = arith.subf %mul3A_690, %mul3A_691 : f32
        %add3A_693 = arith.constant 9.99999974E-6 : f32
        %add3A_694 = arith.addf %sub3A_692, %add3A_693 : f32
        %broadcast_in_dim3A_695 = vector.broadcast %add3A_694 : f32 to vector<16xf32>
        %broadcast_in_dim3A_696 = vector.broadcast %mul3A_688 : f32 to vector<16xf32>
        %bitcast_convert_type3A_697 = tpu.bitcast %broadcast_in_dim3A_695 : vector<16xf32> -> vector<16xi32>
        %shift_right_arithmetic3A_698 = arith.constant 1 : i32
        %shift_right_arithmetic3A_699 = vector.broadcast %shift_right_arithmetic3A_698 : i32 to vector<16xi32>
        %shift_right_arithmetic3A_700 = arith.shrsi %bitcast_convert_type3A_697, %shift_right_arithmetic3A_699 : vector<16xi32>
        %sub3A_701 = arith.constant 1597463007 : i32
        %sub3A_702 = vector.broadcast %sub3A_701 : i32 to vector<16xi32>
        %sub3A_703 = arith.subi %sub3A_702, %shift_right_arithmetic3A_700 : vector<16xi32>
        %bitcast_convert_type3A_704 = tpu.bitcast %sub3A_703 : vector<16xi32> -> vector<16xf32>
        %mul3A_705 = arith.constant 5.000000e-01 : f32
        %mul3A_706 = vector.broadcast %mul3A_705 : f32 to vector<16xf32>
        %mul3A_707 = arith.mulf %broadcast_in_dim3A_695, %mul3A_706 : vector<16xf32>
        %mul3A_708 = arith.mulf %mul3A_707, %bitcast_convert_type3A_704 : vector<16xf32>
        %mul3A_709 = arith.mulf %mul3A_708, %bitcast_convert_type3A_704 : vector<16xf32>
        %sub3A_710 = arith.constant 1.500000e+00 : f32
        %sub3A_711 = vector.broadcast %sub3A_710 : f32 to vector<16xf32>
        %sub3A_712 = arith.subf %sub3A_711, %mul3A_709 : vector<16xf32>
        %mul3A_713 = arith.mulf %bitcast_convert_type3A_704, %sub3A_712 : vector<16xf32>
        %mul3A_714 = arith.mulf %mul3A_707, %mul3A_713 : vector<16xf32>
        %mul3A_715 = arith.mulf %mul3A_714, %mul3A_713 : vector<16xf32>
        %sub3A_716 = arith.constant 1.500000e+00 : f32
        %sub3A_717 = vector.broadcast %sub3A_716 : f32 to vector<16xf32>
        %sub3A_718 = arith.subf %sub3A_717, %mul3A_715 : vector<16xf32>
        %mul3A_719 = arith.mulf %mul3A_713, %sub3A_718 : vector<16xf32>
        %mul3A_720 = arith.mulf %mul3A_719, %get3A_1 : vector<16xf32>
        %sub3A_721 = arith.subf %add3A_641, %broadcast_in_dim3A_696 : vector<16xf32>
        %mul3A_722 = arith.mulf %sub3A_721, %mul3A_720 : vector<16xf32>
        %add3A_723 = arith.addf %mul3A_722, %get3A_9 : vector<16xf32>
        %swap3A_724 = arith.constant 0 : i32
        %swap3A_725 = arith.index_cast %swap3A_724 : i32 to index
        %swap3A_726 = arith.index_cast %add3A_625 : i32 to index
        %swap3A_727 = arith.constant 0 : index
        %swap3A_728 = tpu.vector_load %arg10[%swap3A_725, %swap3A_726, %swap3A_727] {strides = array<i32>} : memref<2x400x64xf32, #tpu.memory_space<vmem>>, vector<16xf32>,
        tpu.vector_store %arg10[%swap3A_725, %swap3A_726, %swap3A_727], %add3A_723 {strides = array<i32>} : memref<2x400x64xf32, #tpu.memory_space<vmem>>, vector<16xf32>,
        %mul3A_729 = arith.mulf %mul3A_719, %get3A_3 : vector<16xf32>
        %sub3A_730 = arith.subf %add3A_650, %broadcast_in_dim3A_696 : vector<16xf32>
        %mul3A_731 = arith.mulf %sub3A_730, %mul3A_729 : vector<16xf32>
        %add3A_732 = arith.addf %mul3A_731, %get3A_11 : vector<16xf32>
        %swap3A_733 = arith.constant 0 : i32
        %swap3A_734 = arith.index_cast %swap3A_733 : i32 to index
        %swap3A_735 = arith.index_cast %add3A_625 : i32 to index
        %swap3A_736 = arith.constant 16 : index
        %swap3A_737 = tpu.vector_load %arg10[%swap3A_734, %swap3A_735, %swap3A_736] {strides = array<i32>} : memref<2x400x64xf32, #tpu.memory_space<vmem>>, vector<16xf32>,
        tpu.vector_store %arg10[%swap3A_734, %swap3A_735, %swap3A_736], %add3A_732 {strides = array<i32>} : memref<2x400x64xf32, #tpu.memory_space<vmem>>, vector<16xf32>,
        %mul3A_738 = arith.mulf %mul3A_719, %get3A_5 : vector<16xf32>
        %sub3A_739 = arith.subf %add3A_659, %broadcast_in_dim3A_696 : vector<16xf32>
        %mul3A_740 = arith.mulf %sub3A_739, %mul3A_738 : vector<16xf32>
        %add3A_741 = arith.addf %mul3A_740, %get3A_13 : vector<16xf32>
        %swap3A_742 = arith.constant 0 : i32
        %swap3A_743 = arith.index_cast %swap3A_742 : i32 to index
        %swap3A_744 = arith.index_cast %add3A_625 : i32 to index
        %swap3A_745 = arith.constant 32 : index
        %swap3A_746 = tpu.vector_load %arg10[%swap3A_743, %swap3A_744, %swap3A_745] {strides = array<i32>} : memref<2x400x64xf32, #tpu.memory_space<vmem>>, vector<16xf32>,
        tpu.vector_store %arg10[%swap3A_743, %swap3A_744, %swap3A_745], %add3A_741 {strides = array<i32>} : memref<2x400x64xf32, #tpu.memory_space<vmem>>, vector<16xf32>,
        %mul3A_747 = arith.mulf %mul3A_719, %get3A_7 : vector<16xf32>
        %sub3A_748 = arith.subf %add3A_668, %broadcast_in_dim3A_696 : vector<16xf32>
        %mul3A_749 = arith.mulf %sub3A_748, %mul3A_747 : vector<16xf32>
        %add3A_750 = arith.addf %mul3A_749, %get3A_15 : vector<16xf32>
        %swap3A_751 = arith.constant 0 : i32
        %swap3A_752 = arith.index_cast %swap3A_751 : i32 to index
        %swap3A_753 = arith.index_cast %add3A_625 : i32 to index
        %swap3A_754 = arith.constant 48 : index
        %swap3A_755 = tpu.vector_load %arg10[%swap3A_752, %swap3A_753, %swap3A_754] {strides = array<i32>} : memref<2x400x64xf32, #tpu.memory_space<vmem>>, vector<16xf32>,
        tpu.vector_store %arg10[%swap3A_752, %swap3A_753, %swap3A_754], %add3A_750 {strides = array<i32>} : memref<2x400x64xf32, #tpu.memory_space<vmem>>, vector<16xf32>,
        %add3A_756 = arith.constant 5 : i32
        %add3A_757 = arith.addi %mul3A_100, %add3A_756 : i32
        %rem3A_758 = arith.constant 200 : i32
        %rem3A_759 = arith.remsi %add3A_757, %rem3A_758 : i32
        %slice3A_760 = vector.extract_strided_slice %get3A_104 {offsets = [5], sizes = [1], strides = [1]} : vector<16xi32> to vector<1xi32>
        %squeeze3A_761 = vector.extract %slice3A_760[0] : i32 from vector<1xi32>
        %mul3A_762 = arith.constant 200 : i32
        %mul3A_763 = arith.muli %squeeze3A_761, %mul3A_762 : i32
        %add3A_764 = arith.addi %mul3A_763, %rem3A_759 : i32
        %get3A_765 = arith.constant 0 : i32
        %get3A_766 = arith.index_cast %get3A_765 : i32 to index
        %get3A_767 = arith.index_cast %add3A_757 : i32 to index
        %get3A_768 = arith.constant 0 : index
        %get3A_769 = tpu.vector_load %arg10[%get3A_766, %get3A_767, %get3A_768] {strides = array<i32>} : memref<2x400x64xf32, #tpu.memory_space<vmem>>, vector<16xf32>,
        %get3A_770 = arith.index_cast %add3A_764 : i32 to index
        %get3A_771 = arith.constant 0 : index
        %get3A_772 = tpu.vector_load %arg11[%get3A_770, %get3A_771] {strides = array<i32>} : memref<400x64xf32, #tpu.memory_space<vmem>>, vector<16xf32>,
        %add3A_773 = arith.addf %get3A_769, %get3A_772 : vector<16xf32>
        %get3A_774 = arith.constant 0 : i32
        %get3A_775 = arith.index_cast %get3A_774 : i32 to index
        %get3A_776 = arith.index_cast %add3A_757 : i32 to index
        %get3A_777 = arith.constant 16 : index
        %get3A_778 = tpu.vector_load %arg10[%get3A_775, %get3A_776, %get3A_777] {strides = array<i32>} : memref<2x400x64xf32, #tpu.memory_space<vmem>>, vector<16xf32>,
        %get3A_779 = arith.index_cast %add3A_764 : i32 to index
        %get3A_780 = arith.constant 16 : index
        %get3A_781 = tpu.vector_load %arg11[%get3A_779, %get3A_780] {strides = array<i32>} : memref<400x64xf32, #tpu.memory_space<vmem>>, vector<16xf32>,
        %add3A_782 = arith.addf %get3A_778, %get3A_781 : vector<16xf32>
        %get3A_783 = arith.constant 0 : i32
        %get3A_784 = arith.index_cast %get3A_783 : i32 to index
        %get3A_785 = arith.index_cast %add3A_757 : i32 to index
        %get3A_786 = arith.constant 32 : index
        %get3A_787 = tpu.vector_load %arg10[%get3A_784, %get3A_785, %get3A_786] {strides = array<i32>} : memref<2x400x64xf32, #tpu.memory_space<vmem>>, vector<16xf32>,
        %get3A_788 = arith.index_cast %add3A_764 : i32 to index
        %get3A_789 = arith.constant 32 : index
        %get3A_790 = tpu.vector_load %arg11[%get3A_788, %get3A_789] {strides = array<i32>} : memref<400x64xf32, #tpu.memory_space<vmem>>, vector<16xf32>,
        %add3A_791 = arith.addf %get3A_787, %get3A_790 : vector<16xf32>
        %get3A_792 = arith.constant 0 : i32
        %get3A_793 = arith.index_cast %get3A_792 : i32 to index
        %get3A_794 = arith.index_cast %add3A_757 : i32 to index
        %get3A_795 = arith.constant 48 : index
        %get3A_796 = tpu.vector_load %arg10[%get3A_793, %get3A_794, %get3A_795] {strides = array<i32>} : memref<2x400x64xf32, #tpu.memory_space<vmem>>, vector<16xf32>,
        %get3A_797 = arith.index_cast %add3A_764 : i32 to index
        %get3A_798 = arith.constant 48 : index
        %get3A_799 = tpu.vector_load %arg11[%get3A_797, %get3A_798] {strides = array<i32>} : memref<400x64xf32, #tpu.memory_space<vmem>>, vector<16xf32>,
        %add3A_800 = arith.addf %get3A_796, %get3A_799 : vector<16xf32>
        %add3A_801 = arith.addf %add3A_773, %add3A_782 : vector<16xf32>
        %add3A_802 = arith.addf %add3A_791, %add3A_800 : vector<16xf32>
        %add3A_803 = arith.addf %add3A_801, %add3A_802 : vector<16xf32>
        %reduce_sum3A_804 = arith.constant true
        %reduce_sum3A_805 = vector.broadcast %reduce_sum3A_804 : i1 to vector<16xi1>
        %reduce_sum3A_806 = tpu.scan <sum>, %add3A_803 masked %reduce_sum3A_805 : vector<16xf32>, vector<16xi1> -> vector<16xf32>
        %reduce_sum3A_807 = vector.extract %reduce_sum3A_806[15] : f32 from vector<16xf32>
        %mul3A_808 = arith.mulf %add3A_773, %add3A_773 : vector<16xf32>
        %mul3A_809 = arith.mulf %add3A_782, %add3A_782 : vector<16xf32>
        %add3A_810 = arith.addf %mul3A_808, %mul3A_809 : vector<16xf32>
        %mul3A_811 = arith.mulf %add3A_791, %add3A_791 : vector<16xf32>
        %add3A_812 = arith.addf %add3A_810, %mul3A_811 : vector<16xf32>
        %mul3A_813 = arith.mulf %add3A_800, %add3A_800 : vector<16xf32>
        %add3A_814 = arith.addf %add3A_812, %mul3A_813 : vector<16xf32>
        %reduce_sum3A_815 = arith.constant true
        %reduce_sum3A_816 = vector.broadcast %reduce_sum3A_815 : i1 to vector<16xi1>
        %reduce_sum3A_817 = tpu.scan <sum>, %add3A_814 masked %reduce_sum3A_816 : vector<16xf32>, vector<16xi1> -> vector<16xf32>
        %reduce_sum3A_818 = vector.extract %reduce_sum3A_817[15] : f32 from vector<16xf32>
        %mul3A_819 = arith.constant 1.562500e-02 : f32
        %mul3A_820 = arith.mulf %reduce_sum3A_807, %mul3A_819 : f32
        %mul3A_821 = arith.constant 1.562500e-02 : f32
        %mul3A_822 = arith.mulf %reduce_sum3A_818, %mul3A_821 : f32
        %mul3A_823 = arith.mulf %mul3A_820, %mul3A_820 : f32
        %sub3A_824 = arith.subf %mul3A_822, %mul3A_823 : f32
        %add3A_825 = arith.constant 9.99999974E-6 : f32
        %add3A_826 = arith.addf %sub3A_824, %add3A_825 : f32
        %broadcast_in_dim3A_827 = vector.broadcast %add3A_826 : f32 to vector<16xf32>
        %broadcast_in_dim3A_828 = vector.broadcast %mul3A_820 : f32 to vector<16xf32>
        %bitcast_convert_type3A_829 = tpu.bitcast %broadcast_in_dim3A_827 : vector<16xf32> -> vector<16xi32>
        %shift_right_arithmetic3A_830 = arith.constant 1 : i32
        %shift_right_arithmetic3A_831 = vector.broadcast %shift_right_arithmetic3A_830 : i32 to vector<16xi32>
        %shift_right_arithmetic3A_832 = arith.shrsi %bitcast_convert_type3A_829, %shift_right_arithmetic3A_831 : vector<16xi32>
        %sub3A_833 = arith.constant 1597463007 : i32
        %sub3A_834 = vector.broadcast %sub3A_833 : i32 to vector<16xi32>
        %sub3A_835 = arith.subi %sub3A_834, %shift_right_arithmetic3A_832 : vector<16xi32>
        %bitcast_convert_type3A_836 = tpu.bitcast %sub3A_835 : vector<16xi32> -> vector<16xf32>
        %mul3A_837 = arith.constant 5.000000e-01 : f32
        %mul3A_838 = vector.broadcast %mul3A_837 : f32 to vector<16xf32>
        %mul3A_839 = arith.mulf %broadcast_in_dim3A_827, %mul3A_838 : vector<16xf32>
        %mul3A_840 = arith.mulf %mul3A_839, %bitcast_convert_type3A_836 : vector<16xf32>
        %mul3A_841 = arith.mulf %mul3A_840, %bitcast_convert_type3A_836 : vector<16xf32>
        %sub3A_842 = arith.constant 1.500000e+00 : f32
        %sub3A_843 = vector.broadcast %sub3A_842 : f32 to vector<16xf32>
        %sub3A_844 = arith.subf %sub3A_843, %mul3A_841 : vector<16xf32>
        %mul3A_845 = arith.mulf %bitcast_convert_type3A_836, %sub3A_844 : vector<16xf32>
        %mul3A_846 = arith.mulf %mul3A_839, %mul3A_845 : vector<16xf32>
        %mul3A_847 = arith.mulf %mul3A_846, %mul3A_845 : vector<16xf32>
        %sub3A_848 = arith.constant 1.500000e+00 : f32
        %sub3A_849 = vector.broadcast %sub3A_848 : f32 to vector<16xf32>
        %sub3A_850 = arith.subf %sub3A_849, %mul3A_847 : vector<16xf32>
        %mul3A_851 = arith.mulf %mul3A_845, %sub3A_850 : vector<16xf32>
        %mul3A_852 = arith.mulf %mul3A_851, %get3A_1 : vector<16xf32>
        %sub3A_853 = arith.subf %add3A_773, %broadcast_in_dim3A_828 : vector<16xf32>
        %mul3A_854 = arith.mulf %sub3A_853, %mul3A_852 : vector<16xf32>
        %add3A_855 = arith.addf %mul3A_854, %get3A_9 : vector<16xf32>
        %swap3A_856 = arith.constant 0 : i32
        %swap3A_857 = arith.index_cast %swap3A_856 : i32 to index
        %swap3A_858 = arith.index_cast %add3A_757 : i32 to index
        %swap3A_859 = arith.constant 0 : index
        %swap3A_860 = tpu.vector_load %arg10[%swap3A_857, %swap3A_858, %swap3A_859] {strides = array<i32>} : memref<2x400x64xf32, #tpu.memory_space<vmem>>, vector<16xf32>,
        tpu.vector_store %arg10[%swap3A_857, %swap3A_858, %swap3A_859], %add3A_855 {strides = array<i32>} : memref<2x400x64xf32, #tpu.memory_space<vmem>>, vector<16xf32>,
        %mul3A_861 = arith.mulf %mul3A_851, %get3A_3 : vector<16xf32>
        %sub3A_862 = arith.subf %add3A_782, %broadcast_in_dim3A_828 : vector<16xf32>
        %mul3A_863 = arith.mulf %sub3A_862, %mul3A_861 : vector<16xf32>
        %add3A_864 = arith.addf %mul3A_863, %get3A_11 : vector<16xf32>
        %swap3A_865 = arith.constant 0 : i32
        %swap3A_866 = arith.index_cast %swap3A_865 : i32 to index
        %swap3A_867 = arith.index_cast %add3A_757 : i32 to index
        %swap3A_868 = arith.constant 16 : index
        %swap3A_869 = tpu.vector_load %arg10[%swap3A_866, %swap3A_867, %swap3A_868] {strides = array<i32>} : memref<2x400x64xf32, #tpu.memory_space<vmem>>, vector<16xf32>,
        tpu.vector_store %arg10[%swap3A_866, %swap3A_867, %swap3A_868], %add3A_864 {strides = array<i32>} : memref<2x400x64xf32, #tpu.memory_space<vmem>>, vector<16xf32>,
        %mul3A_870 = arith.mulf %mul3A_851, %get3A_5 : vector<16xf32>
        %sub3A_871 = arith.subf %add3A_791, %broadcast_in_dim3A_828 : vector<16xf32>
        %mul3A_872 = arith.mulf %sub3A_871, %mul3A_870 : vector<16xf32>
        %add3A_873 = arith.addf %mul3A_872, %get3A_13 : vector<16xf32>
        %swap3A_874 = arith.constant 0 : i32
        %swap3A_875 = arith.index_cast %swap3A_874 : i32 to index
        %swap3A_876 = arith.index_cast %add3A_757 : i32 to index
        %swap3A_877 = arith.constant 32 : index
        %swap3A_878 = tpu.vector_load %arg10[%swap3A_875, %swap3A_876, %swap3A_877] {strides = array<i32>} : memref<2x400x64xf32, #tpu.memory_space<vmem>>, vector<16xf32>,
        tpu.vector_store %arg10[%swap3A_875, %swap3A_876, %swap3A_877], %add3A_873 {strides = array<i32>} : memref<2x400x64xf32, #tpu.memory_space<vmem>>, vector<16xf32>,
        %mul3A_879 = arith.mulf %mul3A_851, %get3A_7 : vector<16xf32>
        %sub3A_880 = arith.subf %add3A_800, %broadcast_in_dim3A_828 : vector<16xf32>
        %mul3A_881 = arith.mulf %sub3A_880, %mul3A_879 : vector<16xf32>
        %add3A_882 = arith.addf %mul3A_881, %get3A_15 : vector<16xf32>
        %swap3A_883 = arith.constant 0 : i32
        %swap3A_884 = arith.index_cast %swap3A_883 : i32 to index
        %swap3A_885 = arith.index_cast %add3A_757 : i32 to index
        %swap3A_886 = arith.constant 48 : index
        %swap3A_887 = tpu.vector_load %arg10[%swap3A_884, %swap3A_885, %swap3A_886] {strides = array<i32>} : memref<2x400x64xf32, #tpu.memory_space<vmem>>, vector<16xf32>,
        tpu.vector_store %arg10[%swap3A_884, %swap3A_885, %swap3A_886], %add3A_882 {strides = array<i32>} : memref<2x400x64xf32, #tpu.memory_space<vmem>>, vector<16xf32>,
        %add3A_888 = arith.constant 6 : i32
        %add3A_889 = arith.addi %mul3A_100, %add3A_888 : i32
        %rem3A_890 = arith.constant 200 : i32
        %rem3A_891 = arith.remsi %add3A_889, %rem3A_890 : i32
        %slice3A_892 = vector.extract_strided_slice %get3A_104 {offsets = [6], sizes = [1], strides = [1]} : vector<16xi32> to vector<1xi32>
        %squeeze3A_893 = vector.extract %slice3A_892[0] : i32 from vector<1xi32>
        %mul3A_894 = arith.constant 200 : i32
        %mul3A_895 = arith.muli %squeeze3A_893, %mul3A_894 : i32
        %add3A_896 = arith.addi %mul3A_895, %rem3A_891 : i32
        %get3A_897 = arith.constant 0 : i32
        %get3A_898 = arith.index_cast %get3A_897 : i32 to index
        %get3A_899 = arith.index_cast %add3A_889 : i32 to index
        %get3A_900 = arith.constant 0 : index
        %get3A_901 = tpu.vector_load %arg10[%get3A_898, %get3A_899, %get3A_900] {strides = array<i32>} : memref<2x400x64xf32, #tpu.memory_space<vmem>>, vector<16xf32>,
        %get3A_902 = arith.index_cast %add3A_896 : i32 to index
        %get3A_903 = arith.constant 0 : index
        %get3A_904 = tpu.vector_load %arg11[%get3A_902, %get3A_903] {strides = array<i32>} : memref<400x64xf32, #tpu.memory_space<vmem>>, vector<16xf32>,
        %add3A_905 = arith.addf %get3A_901, %get3A_904 : vector<16xf32>
        %get3A_906 = arith.constant 0 : i32
        %get3A_907 = arith.index_cast %get3A_906 : i32 to index
        %get3A_908 = arith.index_cast %add3A_889 : i32 to index
        %get3A_909 = arith.constant 16 : index
        %get3A_910 = tpu.vector_load %arg10[%get3A_907, %get3A_908, %get3A_909] {strides = array<i32>} : memref<2x400x64xf32, #tpu.memory_space<vmem>>, vector<16xf32>,
        %get3A_911 = arith.index_cast %add3A_896 : i32 to index
        %get3A_912 = arith.constant 16 : index
        %get3A_913 = tpu.vector_load %arg11[%get3A_911, %get3A_912] {strides = array<i32>} : memref<400x64xf32, #tpu.memory_space<vmem>>, vector<16xf32>,
        %add3A_914 = arith.addf %get3A_910, %get3A_913 : vector<16xf32>
        %get3A_915 = arith.constant 0 : i32
        %get3A_916 = arith.index_cast %get3A_915 : i32 to index
        %get3A_917 = arith.index_cast %add3A_889 : i32 to index
        %get3A_918 = arith.constant 32 : index
        %get3A_919 = tpu.vector_load %arg10[%get3A_916, %get3A_917, %get3A_918] {strides = array<i32>} : memref<2x400x64xf32, #tpu.memory_space<vmem>>, vector<16xf32>,
        %get3A_920 = arith.index_cast %add3A_896 : i32 to index
        %get3A_921 = arith.constant 32 : index
        %get3A_922 = tpu.vector_load %arg11[%get3A_920, %get3A_921] {strides = array<i32>} : memref<400x64xf32, #tpu.memory_space<vmem>>, vector<16xf32>,
        %add3A_923 = arith.addf %get3A_919, %get3A_922 : vector<16xf32>
        %get3A_924 = arith.constant 0 : i32
        %get3A_925 = arith.index_cast %get3A_924 : i32 to index
        %get3A_926 = arith.index_cast %add3A_889 : i32 to index
        %get3A_927 = arith.constant 48 : index
        %get3A_928 = tpu.vector_load %arg10[%get3A_925, %get3A_926, %get3A_927] {strides = array<i32>} : memref<2x400x64xf32, #tpu.memory_space<vmem>>, vector<16xf32>,
        %get3A_929 = arith.index_cast %add3A_896 : i32 to index
        %get3A_930 = arith.constant 48 : index
        %get3A_931 = tpu.vector_load %arg11[%get3A_929, %get3A_930] {strides = array<i32>} : memref<400x64xf32, #tpu.memory_space<vmem>>, vector<16xf32>,
        %add3A_932 = arith.addf %get3A_928, %get3A_931 : vector<16xf32>
        %add3A_933 = arith.addf %add3A_905, %add3A_914 : vector<16xf32>
        %add3A_934 = arith.addf %add3A_923, %add3A_932 : vector<16xf32>
        %add3A_935 = arith.addf %add3A_933, %add3A_934 : vector<16xf32>
        %reduce_sum3A_936 = arith.constant true
        %reduce_sum3A_937 = vector.broadcast %reduce_sum3A_936 : i1 to vector<16xi1>
        %reduce_sum3A_938 = tpu.scan <sum>, %add3A_935 masked %reduce_sum3A_937 : vector<16xf32>, vector<16xi1> -> vector<16xf32>
        %reduce_sum3A_939 = vector.extract %reduce_sum3A_938[15] : f32 from vector<16xf32>
        %mul3A_940 = arith.mulf %add3A_905, %add3A_905 : vector<16xf32>
        %mul3A_941 = arith.mulf %add3A_914, %add3A_914 : vector<16xf32>
        %add3A_942 = arith.addf %mul3A_940, %mul3A_941 : vector<16xf32>
        %mul3A_943 = arith.mulf %add3A_923, %add3A_923 : vector<16xf32>
        %add3A_944 = arith.addf %add3A_942, %mul3A_943 : vector<16xf32>
        %mul3A_945 = arith.mulf %add3A_932, %add3A_932 : vector<16xf32>
        %add3A_946 = arith.addf %add3A_944, %mul3A_945 : vector<16xf32>
        %reduce_sum3A_947 = arith.constant true
        %reduce_sum3A_948 = vector.broadcast %reduce_sum3A_947 : i1 to vector<16xi1>
        %reduce_sum3A_949 = tpu.scan <sum>, %add3A_946 masked %reduce_sum3A_948 : vector<16xf32>, vector<16xi1> -> vector<16xf32>
        %reduce_sum3A_950 = vector.extract %reduce_sum3A_949[15] : f32 from vector<16xf32>
        %mul3A_951 = arith.constant 1.562500e-02 : f32
        %mul3A_952 = arith.mulf %reduce_sum3A_939, %mul3A_951 : f32
        %mul3A_953 = arith.constant 1.562500e-02 : f32
        %mul3A_954 = arith.mulf %reduce_sum3A_950, %mul3A_953 : f32
        %mul3A_955 = arith.mulf %mul3A_952, %mul3A_952 : f32
        %sub3A_956 = arith.subf %mul3A_954, %mul3A_955 : f32
        %add3A_957 = arith.constant 9.99999974E-6 : f32
        %add3A_958 = arith.addf %sub3A_956, %add3A_957 : f32
        %broadcast_in_dim3A_959 = vector.broadcast %add3A_958 : f32 to vector<16xf32>
        %broadcast_in_dim3A_960 = vector.broadcast %mul3A_952 : f32 to vector<16xf32>
        %bitcast_convert_type3A_961 = tpu.bitcast %broadcast_in_dim3A_959 : vector<16xf32> -> vector<16xi32>
        %shift_right_arithmetic3A_962 = arith.constant 1 : i32
        %shift_right_arithmetic3A_963 = vector.broadcast %shift_right_arithmetic3A_962 : i32 to vector<16xi32>
        %shift_right_arithmetic3A_964 = arith.shrsi %bitcast_convert_type3A_961, %shift_right_arithmetic3A_963 : vector<16xi32>
        %sub3A_965 = arith.constant 1597463007 : i32
        %sub3A_966 = vector.broadcast %sub3A_965 : i32 to vector<16xi32>
        %sub3A_967 = arith.subi %sub3A_966, %shift_right_arithmetic3A_964 : vector<16xi32>
        %bitcast_convert_type3A_968 = tpu.bitcast %sub3A_967 : vector<16xi32> -> vector<16xf32>
        %mul3A_969 = arith.constant 5.000000e-01 : f32
        %mul3A_970 = vector.broadcast %mul3A_969 : f32 to vector<16xf32>
        %mul3A_971 = arith.mulf %broadcast_in_dim3A_959, %mul3A_970 : vector<16xf32>
        %mul3A_972 = arith.mulf %mul3A_971, %bitcast_convert_type3A_968 : vector<16xf32>
        %mul3A_973 = arith.mulf %mul3A_972, %bitcast_convert_type3A_968 : vector<16xf32>
        %sub3A_974 = arith.constant 1.500000e+00 : f32
        %sub3A_975 = vector.broadcast %sub3A_974 : f32 to vector<16xf32>
        %sub3A_976 = arith.subf %sub3A_975, %mul3A_973 : vector<16xf32>
        %mul3A_977 = arith.mulf %bitcast_convert_type3A_968, %sub3A_976 : vector<16xf32>
        %mul3A_978 = arith.mulf %mul3A_971, %mul3A_977 : vector<16xf32>
        %mul3A_979 = arith.mulf %mul3A_978, %mul3A_977 : vector<16xf32>
        %sub3A_980 = arith.constant 1.500000e+00 : f32
        %sub3A_981 = vector.broadcast %sub3A_980 : f32 to vector<16xf32>
        %sub3A_982 = arith.subf %sub3A_981, %mul3A_979 : vector<16xf32>
        %mul3A_983 = arith.mulf %mul3A_977, %sub3A_982 : vector<16xf32>
        %mul3A_984 = arith.mulf %mul3A_983, %get3A_1 : vector<16xf32>
        %sub3A_985 = arith.subf %add3A_905, %broadcast_in_dim3A_960 : vector<16xf32>
        %mul3A_986 = arith.mulf %sub3A_985, %mul3A_984 : vector<16xf32>
        %add3A_987 = arith.addf %mul3A_986, %get3A_9 : vector<16xf32>
        %swap3A_988 = arith.constant 0 : i32
        %swap3A_989 = arith.index_cast %swap3A_988 : i32 to index
        %swap3A_990 = arith.index_cast %add3A_889 : i32 to index
        %swap3A_991 = arith.constant 0 : index
        %swap3A_992 = tpu.vector_load %arg10[%swap3A_989, %swap3A_990, %swap3A_991] {strides = array<i32>} : memref<2x400x64xf32, #tpu.memory_space<vmem>>, vector<16xf32>,
        tpu.vector_store %arg10[%swap3A_989, %swap3A_990, %swap3A_991], %add3A_987 {strides = array<i32>} : memref<2x400x64xf32, #tpu.memory_space<vmem>>, vector<16xf32>,
        %mul3A_993 = arith.mulf %mul3A_983, %get3A_3 : vector<16xf32>
        %sub3A_994 = arith.subf %add3A_914, %broadcast_in_dim3A_960 : vector<16xf32>
        %mul3A_995 = arith.mulf %sub3A_994, %mul3A_993 : vector<16xf32>
        %add3A_996 = arith.addf %mul3A_995, %get3A_11 : vector<16xf32>
        %swap3A_997 = arith.constant 0 : i32
        %swap3A_998 = arith.index_cast %swap3A_997 : i32 to index
        %swap3A_999 = arith.index_cast %add3A_889 : i32 to index
        %swap3A_1000 = arith.constant 16 : index
        %swap3A_1001 = tpu.vector_load %arg10[%swap3A_998, %swap3A_999, %swap3A_1000] {strides = array<i32>} : memref<2x400x64xf32, #tpu.memory_space<vmem>>, vector<16xf32>,
        tpu.vector_store %arg10[%swap3A_998, %swap3A_999, %swap3A_1000], %add3A_996 {strides = array<i32>} : memref<2x400x64xf32, #tpu.memory_space<vmem>>, vector<16xf32>,
        %mul3A_1002 = arith.mulf %mul3A_983, %get3A_5 : vector<16xf32>
        %sub3A_1003 = arith.subf %add3A_923, %broadcast_in_dim3A_960 : vector<16xf32>
        %mul3A_1004 = arith.mulf %sub3A_1003, %mul3A_1002 : vector<16xf32>
        %add3A_1005 = arith.addf %mul3A_1004, %get3A_13 : vector<16xf32>
        %swap3A_1006 = arith.constant 0 : i32
        %swap3A_1007 = arith.index_cast %swap3A_1006 : i32 to index
        %swap3A_1008 = arith.index_cast %add3A_889 : i32 to index
        %swap3A_1009 = arith.constant 32 : index
        %swap3A_1010 = tpu.vector_load %arg10[%swap3A_1007, %swap3A_1008, %swap3A_1009] {strides = array<i32>} : memref<2x400x64xf32, #tpu.memory_space<vmem>>, vector<16xf32>,
        tpu.vector_store %arg10[%swap3A_1007, %swap3A_1008, %swap3A_1009], %add3A_1005 {strides = array<i32>} : memref<2x400x64xf32, #tpu.memory_space<vmem>>, vector<16xf32>,
        %mul3A_1011 = arith.mulf %mul3A_983, %get3A_7 : vector<16xf32>
        %sub3A_1012 = arith.subf %add3A_932, %broadcast_in_dim3A_960 : vector<16xf32>
        %mul3A_1013 = arith.mulf %sub3A_1012, %mul3A_1011 : vector<16xf32>
        %add3A_1014 = arith.addf %mul3A_1013, %get3A_15 : vector<16xf32>
        %swap3A_1015 = arith.constant 0 : i32
        %swap3A_1016 = arith.index_cast %swap3A_1015 : i32 to index
        %swap3A_1017 = arith.index_cast %add3A_889 : i32 to index
        %swap3A_1018 = arith.constant 48 : index
        %swap3A_1019 = tpu.vector_load %arg10[%swap3A_1016, %swap3A_1017, %swap3A_1018] {strides = array<i32>} : memref<2x400x64xf32, #tpu.memory_space<vmem>>, vector<16xf32>,
        tpu.vector_store %arg10[%swap3A_1016, %swap3A_1017, %swap3A_1018], %add3A_1014 {strides = array<i32>} : memref<2x400x64xf32, #tpu.memory_space<vmem>>, vector<16xf32>,
        %add3A_1020 = arith.constant 7 : i32
        %add3A_1021 = arith.addi %mul3A_100, %add3A_1020 : i32
        %rem3A_1022 = arith.constant 200 : i32
        %rem3A_1023 = arith.remsi %add3A_1021, %rem3A_1022 : i32
        %slice3A_1024 = vector.extract_strided_slice %get3A_104 {offsets = [7], sizes = [1], strides = [1]} : vector<16xi32> to vector<1xi32>
        %squeeze3A_1025 = vector.extract %slice3A_1024[0] : i32 from vector<1xi32>
        %mul3A_1026 = arith.constant 200 : i32
        %mul3A_1027 = arith.muli %squeeze3A_1025, %mul3A_1026 : i32
        %add3A_1028 = arith.addi %mul3A_1027, %rem3A_1023 : i32
        %get3A_1029 = arith.constant 0 : i32
        %get3A_1030 = arith.index_cast %get3A_1029 : i32 to index
        %get3A_1031 = arith.index_cast %add3A_1021 : i32 to index
        %get3A_1032 = arith.constant 0 : index
        %get3A_1033 = tpu.vector_load %arg10[%get3A_1030, %get3A_1031, %get3A_1032] {strides = array<i32>} : memref<2x400x64xf32, #tpu.memory_space<vmem>>, vector<16xf32>,
        %get3A_1034 = arith.index_cast %add3A_1028 : i32 to index
        %get3A_1035 = arith.constant 0 : index
        %get3A_1036 = tpu.vector_load %arg11[%get3A_1034, %get3A_1035] {strides = array<i32>} : memref<400x64xf32, #tpu.memory_space<vmem>>, vector<16xf32>,
        %add3A_1037 = arith.addf %get3A_1033, %get3A_1036 : vector<16xf32>
        %get3A_1038 = arith.constant 0 : i32
        %get3A_1039 = arith.index_cast %get3A_1038 : i32 to index
        %get3A_1040 = arith.index_cast %add3A_1021 : i32 to index
        %get3A_1041 = arith.constant 16 : index
        %get3A_1042 = tpu.vector_load %arg10[%get3A_1039, %get3A_1040, %get3A_1041] {strides = array<i32>} : memref<2x400x64xf32, #tpu.memory_space<vmem>>, vector<16xf32>,
        %get3A_1043 = arith.index_cast %add3A_1028 : i32 to index
        %get3A_1044 = arith.constant 16 : index
        %get3A_1045 = tpu.vector_load %arg11[%get3A_1043, %get3A_1044] {strides = array<i32>} : memref<400x64xf32, #tpu.memory_space<vmem>>, vector<16xf32>,
        %add3A_1046 = arith.addf %get3A_1042, %get3A_1045 : vector<16xf32>
        %get3A_1047 = arith.constant 0 : i32
        %get3A_1048 = arith.index_cast %get3A_1047 : i32 to index
        %get3A_1049 = arith.index_cast %add3A_1021 : i32 to index
        %get3A_1050 = arith.constant 32 : index
        %get3A_1051 = tpu.vector_load %arg10[%get3A_1048, %get3A_1049, %get3A_1050] {strides = array<i32>} : memref<2x400x64xf32, #tpu.memory_space<vmem>>, vector<16xf32>,
        %get3A_1052 = arith.index_cast %add3A_1028 : i32 to index
        %get3A_1053 = arith.constant 32 : index
        %get3A_1054 = tpu.vector_load %arg11[%get3A_1052, %get3A_1053] {strides = array<i32>} : memref<400x64xf32, #tpu.memory_space<vmem>>, vector<16xf32>,
        %add3A_1055 = arith.addf %get3A_1051, %get3A_1054 : vector<16xf32>
        %get3A_1056 = arith.constant 0 : i32
        %get3A_1057 = arith.index_cast %get3A_1056 : i32 to index
        %get3A_1058 = arith.index_cast %add3A_1021 : i32 to index
        %get3A_1059 = arith.constant 48 : index
        %get3A_1060 = tpu.vector_load %arg10[%get3A_1057, %get3A_1058, %get3A_1059] {strides = array<i32>} : memref<2x400x64xf32, #tpu.memory_space<vmem>>, vector<16xf32>,
        %get3A_1061 = arith.index_cast %add3A_1028 : i32 to index
        %get3A_1062 = arith.constant 48 : index
        %get3A_1063 = tpu.vector_load %arg11[%get3A_1061, %get3A_1062] {strides = array<i32>} : memref<400x64xf32, #tpu.memory_space<vmem>>, vector<16xf32>,
        %add3A_1064 = arith.addf %get3A_1060, %get3A_1063 : vector<16xf32>
        %add3A_1065 = arith.addf %add3A_1037, %add3A_1046 : vector<16xf32>
        %add3A_1066 = arith.addf %add3A_1055, %add3A_1064 : vector<16xf32>
        %add3A_1067 = arith.addf %add3A_1065, %add3A_1066 : vector<16xf32>
        %reduce_sum3A_1068 = arith.constant true
        %reduce_sum3A_1069 = vector.broadcast %reduce_sum3A_1068 : i1 to vector<16xi1>
        %reduce_sum3A_1070 = tpu.scan <sum>, %add3A_1067 masked %reduce_sum3A_1069 : vector<16xf32>, vector<16xi1> -> vector<16xf32>
        %reduce_sum3A_1071 = vector.extract %reduce_sum3A_1070[15] : f32 from vector<16xf32>
        %mul3A_1072 = arith.mulf %add3A_1037, %add3A_1037 : vector<16xf32>
        %mul3A_1073 = arith.mulf %add3A_1046, %add3A_1046 : vector<16xf32>
        %add3A_1074 = arith.addf %mul3A_1072, %mul3A_1073 : vector<16xf32>
        %mul3A_1075 = arith.mulf %add3A_1055, %add3A_1055 : vector<16xf32>
        %add3A_1076 = arith.addf %add3A_1074, %mul3A_1075 : vector<16xf32>
        %mul3A_1077 = arith.mulf %add3A_1064, %add3A_1064 : vector<16xf32>
        %add3A_1078 = arith.addf %add3A_1076, %mul3A_1077 : vector<16xf32>
        %reduce_sum3A_1079 = arith.constant true
        %reduce_sum3A_1080 = vector.broadcast %reduce_sum3A_1079 : i1 to vector<16xi1>
        %reduce_sum3A_1081 = tpu.scan <sum>, %add3A_1078 masked %reduce_sum3A_1080 : vector<16xf32>, vector<16xi1> -> vector<16xf32>
        %reduce_sum3A_1082 = vector.extract %reduce_sum3A_1081[15] : f32 from vector<16xf32>
        %mul3A_1083 = arith.constant 1.562500e-02 : f32
        %mul3A_1084 = arith.mulf %reduce_sum3A_1071, %mul3A_1083 : f32
        %mul3A_1085 = arith.constant 1.562500e-02 : f32
        %mul3A_1086 = arith.mulf %reduce_sum3A_1082, %mul3A_1085 : f32
        %mul3A_1087 = arith.mulf %mul3A_1084, %mul3A_1084 : f32
        %sub3A_1088 = arith.subf %mul3A_1086, %mul3A_1087 : f32
        %add3A_1089 = arith.constant 9.99999974E-6 : f32
        %add3A_1090 = arith.addf %sub3A_1088, %add3A_1089 : f32
        %broadcast_in_dim3A_1091 = vector.broadcast %add3A_1090 : f32 to vector<16xf32>
        %broadcast_in_dim3A_1092 = vector.broadcast %mul3A_1084 : f32 to vector<16xf32>
        %bitcast_convert_type3A_1093 = tpu.bitcast %broadcast_in_dim3A_1091 : vector<16xf32> -> vector<16xi32>
        %shift_right_arithmetic3A_1094 = arith.constant 1 : i32
        %shift_right_arithmetic3A_1095 = vector.broadcast %shift_right_arithmetic3A_1094 : i32 to vector<16xi32>
        %shift_right_arithmetic3A_1096 = arith.shrsi %bitcast_convert_type3A_1093, %shift_right_arithmetic3A_1095 : vector<16xi32>
        %sub3A_1097 = arith.constant 1597463007 : i32
        %sub3A_1098 = vector.broadcast %sub3A_1097 : i32 to vector<16xi32>
        %sub3A_1099 = arith.subi %sub3A_1098, %shift_right_arithmetic3A_1096 : vector<16xi32>
        %bitcast_convert_type3A_1100 = tpu.bitcast %sub3A_1099 : vector<16xi32> -> vector<16xf32>
        %mul3A_1101 = arith.constant 5.000000e-01 : f32
        %mul3A_1102 = vector.broadcast %mul3A_1101 : f32 to vector<16xf32>
        %mul3A_1103 = arith.mulf %broadcast_in_dim3A_1091, %mul3A_1102 : vector<16xf32>
        %mul3A_1104 = arith.mulf %mul3A_1103, %bitcast_convert_type3A_1100 : vector<16xf32>
        %mul3A_1105 = arith.mulf %mul3A_1104, %bitcast_convert_type3A_1100 : vector<16xf32>
        %sub3A_1106 = arith.constant 1.500000e+00 : f32
        %sub3A_1107 = vector.broadcast %sub3A_1106 : f32 to vector<16xf32>
        %sub3A_1108 = arith.subf %sub3A_1107, %mul3A_1105 : vector<16xf32>
        %mul3A_1109 = arith.mulf %bitcast_convert_type3A_1100, %sub3A_1108 : vector<16xf32>
        %mul3A_1110 = arith.mulf %mul3A_1103, %mul3A_1109 : vector<16xf32>
        %mul3A_1111 = arith.mulf %mul3A_1110, %mul3A_1109 : vector<16xf32>
        %sub3A_1112 = arith.constant 1.500000e+00 : f32
        %sub3A_1113 = vector.broadcast %sub3A_1112 : f32 to vector<16xf32>
        %sub3A_1114 = arith.subf %sub3A_1113, %mul3A_1111 : vector<16xf32>
        %mul3A_1115 = arith.mulf %mul3A_1109, %sub3A_1114 : vector<16xf32>
        %mul3A_1116 = arith.mulf %mul3A_1115, %get3A_1 : vector<16xf32>
        %sub3A_1117 = arith.subf %add3A_1037, %broadcast_in_dim3A_1092 : vector<16xf32>
        %mul3A_1118 = arith.mulf %sub3A_1117, %mul3A_1116 : vector<16xf32>
        %add3A_1119 = arith.addf %mul3A_1118, %get3A_9 : vector<16xf32>
        %swap3A_1120 = arith.constant 0 : i32
        %swap3A_1121 = arith.index_cast %swap3A_1120 : i32 to index
        %swap3A_1122 = arith.index_cast %add3A_1021 : i32 to index
        %swap3A_1123 = arith.constant 0 : index
        %swap3A_1124 = tpu.vector_load %arg10[%swap3A_1121, %swap3A_1122, %swap3A_1123] {strides = array<i32>} : memref<2x400x64xf32, #tpu.memory_space<vmem>>, vector<16xf32>,
        tpu.vector_store %arg10[%swap3A_1121, %swap3A_1122, %swap3A_1123], %add3A_1119 {strides = array<i32>} : memref<2x400x64xf32, #tpu.memory_space<vmem>>, vector<16xf32>,
        %mul3A_1125 = arith.mulf %mul3A_1115, %get3A_3 : vector<16xf32>
        %sub3A_1126 = arith.subf %add3A_1046, %broadcast_in_dim3A_1092 : vector<16xf32>
        %mul3A_1127 = arith.mulf %sub3A_1126, %mul3A_1125 : vector<16xf32>
        %add3A_1128 = arith.addf %mul3A_1127, %get3A_11 : vector<16xf32>
        %swap3A_1129 = arith.constant 0 : i32
        %swap3A_1130 = arith.index_cast %swap3A_1129 : i32 to index
        %swap3A_1131 = arith.index_cast %add3A_1021 : i32 to index
        %swap3A_1132 = arith.constant 16 : index
        %swap3A_1133 = tpu.vector_load %arg10[%swap3A_1130, %swap3A_1131, %swap3A_1132] {strides = array<i32>} : memref<2x400x64xf32, #tpu.memory_space<vmem>>, vector<16xf32>,
        tpu.vector_store %arg10[%swap3A_1130, %swap3A_1131, %swap3A_1132], %add3A_1128 {strides = array<i32>} : memref<2x400x64xf32, #tpu.memory_space<vmem>>, vector<16xf32>,
        %mul3A_1134 = arith.mulf %mul3A_1115, %get3A_5 : vector<16xf32>
        %sub3A_1135 = arith.subf %add3A_1055, %broadcast_in_dim3A_1092 : vector<16xf32>
        %mul3A_1136 = arith.mulf %sub3A_1135, %mul3A_1134 : vector<16xf32>
        %add3A_1137 = arith.addf %mul3A_1136, %get3A_13 : vector<16xf32>
        %swap3A_1138 = arith.constant 0 : i32
        %swap3A_1139 = arith.index_cast %swap3A_1138 : i32 to index
        %swap3A_1140 = arith.index_cast %add3A_1021 : i32 to index
        %swap3A_1141 = arith.constant 32 : index
        %swap3A_1142 = tpu.vector_load %arg10[%swap3A_1139, %swap3A_1140, %swap3A_1141] {strides = array<i32>} : memref<2x400x64xf32, #tpu.memory_space<vmem>>, vector<16xf32>,
        tpu.vector_store %arg10[%swap3A_1139, %swap3A_1140, %swap3A_1141], %add3A_1137 {strides = array<i32>} : memref<2x400x64xf32, #tpu.memory_space<vmem>>, vector<16xf32>,
        %mul3A_1143 = arith.mulf %mul3A_1115, %get3A_7 : vector<16xf32>
        %sub3A_1144 = arith.subf %add3A_1064, %broadcast_in_dim3A_1092 : vector<16xf32>
        %mul3A_1145 = arith.mulf %sub3A_1144, %mul3A_1143 : vector<16xf32>
        %add3A_1146 = arith.addf %mul3A_1145, %get3A_15 : vector<16xf32>
        %swap3A_1147 = arith.constant 0 : i32
        %swap3A_1148 = arith.index_cast %swap3A_1147 : i32 to index
        %swap3A_1149 = arith.index_cast %add3A_1021 : i32 to index
        %swap3A_1150 = arith.constant 48 : index
        %swap3A_1151 = tpu.vector_load %arg10[%swap3A_1148, %swap3A_1149, %swap3A_1150] {strides = array<i32>} : memref<2x400x64xf32, #tpu.memory_space<vmem>>, vector<16xf32>,
        tpu.vector_store %arg10[%swap3A_1148, %swap3A_1149, %swap3A_1150], %add3A_1146 {strides = array<i32>} : memref<2x400x64xf32, #tpu.memory_space<vmem>>, vector<16xf32>,
        %add3A_1152 = arith.constant 8 : i32
        %add3A_1153 = arith.addi %mul3A_100, %add3A_1152 : i32
        %rem3A_1154 = arith.constant 200 : i32
        %rem3A_1155 = arith.remsi %add3A_1153, %rem3A_1154 : i32
        %slice3A_1156 = vector.extract_strided_slice %get3A_104 {offsets = [8], sizes = [1], strides = [1]} : vector<16xi32> to vector<1xi32>
        %squeeze3A_1157 = vector.extract %slice3A_1156[0] : i32 from vector<1xi32>
        %mul3A_1158 = arith.constant 200 : i32
        %mul3A_1159 = arith.muli %squeeze3A_1157, %mul3A_1158 : i32
        %add3A_1160 = arith.addi %mul3A_1159, %rem3A_1155 : i32
        %get3A_1161 = arith.constant 0 : i32
        %get3A_1162 = arith.index_cast %get3A_1161 : i32 to index
        %get3A_1163 = arith.index_cast %add3A_1153 : i32 to index
        %get3A_1164 = arith.constant 0 : index
        %get3A_1165 = tpu.vector_load %arg10[%get3A_1162, %get3A_1163, %get3A_1164] {strides = array<i32>} : memref<2x400x64xf32, #tpu.memory_space<vmem>>, vector<16xf32>,
        %get3A_1166 = arith.index_cast %add3A_1160 : i32 to index
        %get3A_1167 = arith.constant 0 : index
        %get3A_1168 = tpu.vector_load %arg11[%get3A_1166, %get3A_1167] {strides = array<i32>} : memref<400x64xf32, #tpu.memory_space<vmem>>, vector<16xf32>,
        %add3A_1169 = arith.addf %get3A_1165, %get3A_1168 : vector<16xf32>
        %get3A_1170 = arith.constant 0 : i32
        %get3A_1171 = arith.index_cast %get3A_1170 : i32 to index
        %get3A_1172 = arith.index_cast %add3A_1153 : i32 to index
        %get3A_1173 = arith.constant 16 : index
        %get3A_1174 = tpu.vector_load %arg10[%get3A_1171, %get3A_1172, %get3A_1173] {strides = array<i32>} : memref<2x400x64xf32, #tpu.memory_space<vmem>>, vector<16xf32>,
        %get3A_1175 = arith.index_cast %add3A_1160 : i32 to index
        %get3A_1176 = arith.constant 16 : index
        %get3A_1177 = tpu.vector_load %arg11[%get3A_1175, %get3A_1176] {strides = array<i32>} : memref<400x64xf32, #tpu.memory_space<vmem>>, vector<16xf32>,
        %add3A_1178 = arith.addf %get3A_1174, %get3A_1177 : vector<16xf32>
        %get3A_1179 = arith.constant 0 : i32
        %get3A_1180 = arith.index_cast %get3A_1179 : i32 to index
        %get3A_1181 = arith.index_cast %add3A_1153 : i32 to index
        %get3A_1182 = arith.constant 32 : index
        %get3A_1183 = tpu.vector_load %arg10[%get3A_1180, %get3A_1181, %get3A_1182] {strides = array<i32>} : memref<2x400x64xf32, #tpu.memory_space<vmem>>, vector<16xf32>,
        %get3A_1184 = arith.index_cast %add3A_1160 : i32 to index
        %get3A_1185 = arith.constant 32 : index
        %get3A_1186 = tpu.vector_load %arg11[%get3A_1184, %get3A_1185] {strides = array<i32>} : memref<400x64xf32, #tpu.memory_space<vmem>>, vector<16xf32>,
        %add3A_1187 = arith.addf %get3A_1183, %get3A_1186 : vector<16xf32>
        %get3A_1188 = arith.constant 0 : i32
        %get3A_1189 = arith.index_cast %get3A_1188 : i32 to index
        %get3A_1190 = arith.index_cast %add3A_1153 : i32 to index
        %get3A_1191 = arith.constant 48 : index
        %get3A_1192 = tpu.vector_load %arg10[%get3A_1189, %get3A_1190, %get3A_1191] {strides = array<i32>} : memref<2x400x64xf32, #tpu.memory_space<vmem>>, vector<16xf32>,
        %get3A_1193 = arith.index_cast %add3A_1160 : i32 to index
        %get3A_1194 = arith.constant 48 : index
        %get3A_1195 = tpu.vector_load %arg11[%get3A_1193, %get3A_1194] {strides = array<i32>} : memref<400x64xf32, #tpu.memory_space<vmem>>, vector<16xf32>,
        %add3A_1196 = arith.addf %get3A_1192, %get3A_1195 : vector<16xf32>
        %add3A_1197 = arith.addf %add3A_1169, %add3A_1178 : vector<16xf32>
        %add3A_1198 = arith.addf %add3A_1187, %add3A_1196 : vector<16xf32>
        %add3A_1199 = arith.addf %add3A_1197, %add3A_1198 : vector<16xf32>
        %reduce_sum3A_1200 = arith.constant true
        %reduce_sum3A_1201 = vector.broadcast %reduce_sum3A_1200 : i1 to vector<16xi1>
        %reduce_sum3A_1202 = tpu.scan <sum>, %add3A_1199 masked %reduce_sum3A_1201 : vector<16xf32>, vector<16xi1> -> vector<16xf32>
        %reduce_sum3A_1203 = vector.extract %reduce_sum3A_1202[15] : f32 from vector<16xf32>
        %mul3A_1204 = arith.mulf %add3A_1169, %add3A_1169 : vector<16xf32>
        %mul3A_1205 = arith.mulf %add3A_1178, %add3A_1178 : vector<16xf32>
        %add3A_1206 = arith.addf %mul3A_1204, %mul3A_1205 : vector<16xf32>
        %mul3A_1207 = arith.mulf %add3A_1187, %add3A_1187 : vector<16xf32>
        %add3A_1208 = arith.addf %add3A_1206, %mul3A_1207 : vector<16xf32>
        %mul3A_1209 = arith.mulf %add3A_1196, %add3A_1196 : vector<16xf32>
        %add3A_1210 = arith.addf %add3A_1208, %mul3A_1209 : vector<16xf32>
        %reduce_sum3A_1211 = arith.constant true
        %reduce_sum3A_1212 = vector.broadcast %reduce_sum3A_1211 : i1 to vector<16xi1>
        %reduce_sum3A_1213 = tpu.scan <sum>, %add3A_1210 masked %reduce_sum3A_1212 : vector<16xf32>, vector<16xi1> -> vector<16xf32>
        %reduce_sum3A_1214 = vector.extract %reduce_sum3A_1213[15] : f32 from vector<16xf32>
        %mul3A_1215 = arith.constant 1.562500e-02 : f32
        %mul3A_1216 = arith.mulf %reduce_sum3A_1203, %mul3A_1215 : f32
        %mul3A_1217 = arith.constant 1.562500e-02 : f32
        %mul3A_1218 = arith.mulf %reduce_sum3A_1214, %mul3A_1217 : f32
        %mul3A_1219 = arith.mulf %mul3A_1216, %mul3A_1216 : f32
        %sub3A_1220 = arith.subf %mul3A_1218, %mul3A_1219 : f32
        %add3A_1221 = arith.constant 9.99999974E-6 : f32
        %add3A_1222 = arith.addf %sub3A_1220, %add3A_1221 : f32
        %broadcast_in_dim3A_1223 = vector.broadcast %add3A_1222 : f32 to vector<16xf32>
        %broadcast_in_dim3A_1224 = vector.broadcast %mul3A_1216 : f32 to vector<16xf32>
        %bitcast_convert_type3A_1225 = tpu.bitcast %broadcast_in_dim3A_1223 : vector<16xf32> -> vector<16xi32>
        %shift_right_arithmetic3A_1226 = arith.constant 1 : i32
        %shift_right_arithmetic3A_1227 = vector.broadcast %shift_right_arithmetic3A_1226 : i32 to vector<16xi32>
        %shift_right_arithmetic3A_1228 = arith.shrsi %bitcast_convert_type3A_1225, %shift_right_arithmetic3A_1227 : vector<16xi32>
        %sub3A_1229 = arith.constant 1597463007 : i32
        %sub3A_1230 = vector.broadcast %sub3A_1229 : i32 to vector<16xi32>
        %sub3A_1231 = arith.subi %sub3A_1230, %shift_right_arithmetic3A_1228 : vector<16xi32>
        %bitcast_convert_type3A_1232 = tpu.bitcast %sub3A_1231 : vector<16xi32> -> vector<16xf32>
        %mul3A_1233 = arith.constant 5.000000e-01 : f32
        %mul3A_1234 = vector.broadcast %mul3A_1233 : f32 to vector<16xf32>
        %mul3A_1235 = arith.mulf %broadcast_in_dim3A_1223, %mul3A_1234 : vector<16xf32>
        %mul3A_1236 = arith.mulf %mul3A_1235, %bitcast_convert_type3A_1232 : vector<16xf32>
        %mul3A_1237 = arith.mulf %mul3A_1236, %bitcast_convert_type3A_1232 : vector<16xf32>
        %sub3A_1238 = arith.constant 1.500000e+00 : f32
        %sub3A_1239 = vector.broadcast %sub3A_1238 : f32 to vector<16xf32>
        %sub3A_1240 = arith.subf %sub3A_1239, %mul3A_1237 : vector<16xf32>
        %mul3A_1241 = arith.mulf %bitcast_convert_type3A_1232, %sub3A_1240 : vector<16xf32>
        %mul3A_1242 = arith.mulf %mul3A_1235, %mul3A_1241 : vector<16xf32>
        %mul3A_1243 = arith.mulf %mul3A_1242, %mul3A_1241 : vector<16xf32>
        %sub3A_1244 = arith.constant 1.500000e+00 : f32
        %sub3A_1245 = vector.broadcast %sub3A_1244 : f32 to vector<16xf32>
        %sub3A_1246 = arith.subf %sub3A_1245, %mul3A_1243 : vector<16xf32>
        %mul3A_1247 = arith.mulf %mul3A_1241, %sub3A_1246 : vector<16xf32>
        %mul3A_1248 = arith.mulf %mul3A_1247, %get3A_1 : vector<16xf32>
        %sub3A_1249 = arith.subf %add3A_1169, %broadcast_in_dim3A_1224 : vector<16xf32>
        %mul3A_1250 = arith.mulf %sub3A_1249, %mul3A_1248 : vector<16xf32>
        %add3A_1251 = arith.addf %mul3A_1250, %get3A_9 : vector<16xf32>
        %swap3A_1252 = arith.constant 0 : i32
        %swap3A_1253 = arith.index_cast %swap3A_1252 : i32 to index
        %swap3A_1254 = arith.index_cast %add3A_1153 : i32 to index
        %swap3A_1255 = arith.constant 0 : index
        %swap3A_1256 = tpu.vector_load %arg10[%swap3A_1253, %swap3A_1254, %swap3A_1255] {strides = array<i32>} : memref<2x400x64xf32, #tpu.memory_space<vmem>>, vector<16xf32>,
        tpu.vector_store %arg10[%swap3A_1253, %swap3A_1254, %swap3A_1255], %add3A_1251 {strides = array<i32>} : memref<2x400x64xf32, #tpu.memory_space<vmem>>, vector<16xf32>,
        %mul3A_1257 = arith.mulf %mul3A_1247, %get3A_3 : vector<16xf32>
        %sub3A_1258 = arith.subf %add3A_1178, %broadcast_in_dim3A_1224 : vector<16xf32>
        %mul3A_1259 = arith.mulf %sub3A_1258, %mul3A_1257 : vector<16xf32>
        %add3A_1260 = arith.addf %mul3A_1259, %get3A_11 : vector<16xf32>
        %swap3A_1261 = arith.constant 0 : i32
        %swap3A_1262 = arith.index_cast %swap3A_1261 : i32 to index
        %swap3A_1263 = arith.index_cast %add3A_1153 : i32 to index
        %swap3A_1264 = arith.constant 16 : index
        %swap3A_1265 = tpu.vector_load %arg10[%swap3A_1262, %swap3A_1263, %swap3A_1264] {strides = array<i32>} : memref<2x400x64xf32, #tpu.memory_space<vmem>>, vector<16xf32>,
        tpu.vector_store %arg10[%swap3A_1262, %swap3A_1263, %swap3A_1264], %add3A_1260 {strides = array<i32>} : memref<2x400x64xf32, #tpu.memory_space<vmem>>, vector<16xf32>,
        %mul3A_1266 = arith.mulf %mul3A_1247, %get3A_5 : vector<16xf32>
        %sub3A_1267 = arith.subf %add3A_1187, %broadcast_in_dim3A_1224 : vector<16xf32>
        %mul3A_1268 = arith.mulf %sub3A_1267, %mul3A_1266 : vector<16xf32>
        %add3A_1269 = arith.addf %mul3A_1268, %get3A_13 : vector<16xf32>
        %swap3A_1270 = arith.constant 0 : i32
        %swap3A_1271 = arith.index_cast %swap3A_1270 : i32 to index
        %swap3A_1272 = arith.index_cast %add3A_1153 : i32 to index
        %swap3A_1273 = arith.constant 32 : index
        %swap3A_1274 = tpu.vector_load %arg10[%swap3A_1271, %swap3A_1272, %swap3A_1273] {strides = array<i32>} : memref<2x400x64xf32, #tpu.memory_space<vmem>>, vector<16xf32>,
        tpu.vector_store %arg10[%swap3A_1271, %swap3A_1272, %swap3A_1273], %add3A_1269 {strides = array<i32>} : memref<2x400x64xf32, #tpu.memory_space<vmem>>, vector<16xf32>,
        %mul3A_1275 = arith.mulf %mul3A_1247, %get3A_7 : vector<16xf32>
        %sub3A_1276 = arith.subf %add3A_1196, %broadcast_in_dim3A_1224 : vector<16xf32>
        %mul3A_1277 = arith.mulf %sub3A_1276, %mul3A_1275 : vector<16xf32>
        %add3A_1278 = arith.addf %mul3A_1277, %get3A_15 : vector<16xf32>
        %swap3A_1279 = arith.constant 0 : i32
        %swap3A_1280 = arith.index_cast %swap3A_1279 : i32 to index
        %swap3A_1281 = arith.index_cast %add3A_1153 : i32 to index
        %swap3A_1282 = arith.constant 48 : index
        %swap3A_1283 = tpu.vector_load %arg10[%swap3A_1280, %swap3A_1281, %swap3A_1282] {strides = array<i32>} : memref<2x400x64xf32, #tpu.memory_space<vmem>>, vector<16xf32>,
        tpu.vector_store %arg10[%swap3A_1280, %swap3A_1281, %swap3A_1282], %add3A_1278 {strides = array<i32>} : memref<2x400x64xf32, #tpu.memory_space<vmem>>, vector<16xf32>,
        %add3A_1284 = arith.constant 9 : i32
        %add3A_1285 = arith.addi %mul3A_100, %add3A_1284 : i32
        %rem3A_1286 = arith.constant 200 : i32
        %rem3A_1287 = arith.remsi %add3A_1285, %rem3A_1286 : i32
        %slice3A_1288 = vector.extract_strided_slice %get3A_104 {offsets = [9], sizes = [1], strides = [1]} : vector<16xi32> to vector<1xi32>
        %squeeze3A_1289 = vector.extract %slice3A_1288[0] : i32 from vector<1xi32>
        %mul3A_1290 = arith.constant 200 : i32
        %mul3A_1291 = arith.muli %squeeze3A_1289, %mul3A_1290 : i32
        %add3A_1292 = arith.addi %mul3A_1291, %rem3A_1287 : i32
        %get3A_1293 = arith.constant 0 : i32
        %get3A_1294 = arith.index_cast %get3A_1293 : i32 to index
        %get3A_1295 = arith.index_cast %add3A_1285 : i32 to index
        %get3A_1296 = arith.constant 0 : index
        %get3A_1297 = tpu.vector_load %arg10[%get3A_1294, %get3A_1295, %get3A_1296] {strides = array<i32>} : memref<2x400x64xf32, #tpu.memory_space<vmem>>, vector<16xf32>,
        %get3A_1298 = arith.index_cast %add3A_1292 : i32 to index
        %get3A_1299 = arith.constant 0 : index
        %get3A_1300 = tpu.vector_load %arg11[%get3A_1298, %get3A_1299] {strides = array<i32>} : memref<400x64xf32, #tpu.memory_space<vmem>>, vector<16xf32>,
        %add3A_1301 = arith.addf %get3A_1297, %get3A_1300 : vector<16xf32>
        %get3A_1302 = arith.constant 0 : i32
        %get3A_1303 = arith.index_cast %get3A_1302 : i32 to index
        %get3A_1304 = arith.index_cast %add3A_1285 : i32 to index
        %get3A_1305 = arith.constant 16 : index
        %get3A_1306 = tpu.vector_load %arg10[%get3A_1303, %get3A_1304, %get3A_1305] {strides = array<i32>} : memref<2x400x64xf32, #tpu.memory_space<vmem>>, vector<16xf32>,
        %get3A_1307 = arith.index_cast %add3A_1292 : i32 to index
        %get3A_1308 = arith.constant 16 : index
        %get3A_1309 = tpu.vector_load %arg11[%get3A_1307, %get3A_1308] {strides = array<i32>} : memref<400x64xf32, #tpu.memory_space<vmem>>, vector<16xf32>,
        %add3A_1310 = arith.addf %get3A_1306, %get3A_1309 : vector<16xf32>
        %get3A_1311 = arith.constant 0 : i32
        %get3A_1312 = arith.index_cast %get3A_1311 : i32 to index
        %get3A_1313 = arith.index_cast %add3A_1285 : i32 to index
        %get3A_1314 = arith.constant 32 : index
        %get3A_1315 = tpu.vector_load %arg10[%get3A_1312, %get3A_1313, %get3A_1314] {strides = array<i32>} : memref<2x400x64xf32, #tpu.memory_space<vmem>>, vector<16xf32>,
        %get3A_1316 = arith.index_cast %add3A_1292 : i32 to index
        %get3A_1317 = arith.constant 32 : index
        %get3A_1318 = tpu.vector_load %arg11[%get3A_1316, %get3A_1317] {strides = array<i32>} : memref<400x64xf32, #tpu.memory_space<vmem>>, vector<16xf32>,
        %add3A_1319 = arith.addf %get3A_1315, %get3A_1318 : vector<16xf32>
        %get3A_1320 = arith.constant 0 : i32
        %get3A_1321 = arith.index_cast %get3A_1320 : i32 to index
        %get3A_1322 = arith.index_cast %add3A_1285 : i32 to index
        %get3A_1323 = arith.constant 48 : index
        %get3A_1324 = tpu.vector_load %arg10[%get3A_1321, %get3A_1322, %get3A_1323] {strides = array<i32>} : memref<2x400x64xf32, #tpu.memory_space<vmem>>, vector<16xf32>,
        %get3A_1325 = arith.index_cast %add3A_1292 : i32 to index
        %get3A_1326 = arith.constant 48 : index
        %get3A_1327 = tpu.vector_load %arg11[%get3A_1325, %get3A_1326] {strides = array<i32>} : memref<400x64xf32, #tpu.memory_space<vmem>>, vector<16xf32>,
        %add3A_1328 = arith.addf %get3A_1324, %get3A_1327 : vector<16xf32>
        %add3A_1329 = arith.addf %add3A_1301, %add3A_1310 : vector<16xf32>
        %add3A_1330 = arith.addf %add3A_1319, %add3A_1328 : vector<16xf32>
        %add3A_1331 = arith.addf %add3A_1329, %add3A_1330 : vector<16xf32>
        %reduce_sum3A_1332 = arith.constant true
        %reduce_sum3A_1333 = vector.broadcast %reduce_sum3A_1332 : i1 to vector<16xi1>
        %reduce_sum3A_1334 = tpu.scan <sum>, %add3A_1331 masked %reduce_sum3A_1333 : vector<16xf32>, vector<16xi1> -> vector<16xf32>
        %reduce_sum3A_1335 = vector.extract %reduce_sum3A_1334[15] : f32 from vector<16xf32>
        %mul3A_1336 = arith.mulf %add3A_1301, %add3A_1301 : vector<16xf32>
        %mul3A_1337 = arith.mulf %add3A_1310, %add3A_1310 : vector<16xf32>
        %add3A_1338 = arith.addf %mul3A_1336, %mul3A_1337 : vector<16xf32>
        %mul3A_1339 = arith.mulf %add3A_1319, %add3A_1319 : vector<16xf32>
        %add3A_1340 = arith.addf %add3A_1338, %mul3A_1339 : vector<16xf32>
        %mul3A_1341 = arith.mulf %add3A_1328, %add3A_1328 : vector<16xf32>
        %add3A_1342 = arith.addf %add3A_1340, %mul3A_1341 : vector<16xf32>
        %reduce_sum3A_1343 = arith.constant true
        %reduce_sum3A_1344 = vector.broadcast %reduce_sum3A_1343 : i1 to vector<16xi1>
        %reduce_sum3A_1345 = tpu.scan <sum>, %add3A_1342 masked %reduce_sum3A_1344 : vector<16xf32>, vector<16xi1> -> vector<16xf32>
        %reduce_sum3A_1346 = vector.extract %reduce_sum3A_1345[15] : f32 from vector<16xf32>
        %mul3A_1347 = arith.constant 1.562500e-02 : f32
        %mul3A_1348 = arith.mulf %reduce_sum3A_1335, %mul3A_1347 : f32
        %mul3A_1349 = arith.constant 1.562500e-02 : f32
        %mul3A_1350 = arith.mulf %reduce_sum3A_1346, %mul3A_1349 : f32
        %mul3A_1351 = arith.mulf %mul3A_1348, %mul3A_1348 : f32
        %sub3A_1352 = arith.subf %mul3A_1350, %mul3A_1351 : f32
        %add3A_1353 = arith.constant 9.99999974E-6 : f32
        %add3A_1354 = arith.addf %sub3A_1352, %add3A_1353 : f32
        %broadcast_in_dim3A_1355 = vector.broadcast %add3A_1354 : f32 to vector<16xf32>
        %broadcast_in_dim3A_1356 = vector.broadcast %mul3A_1348 : f32 to vector<16xf32>
        %bitcast_convert_type3A_1357 = tpu.bitcast %broadcast_in_dim3A_1355 : vector<16xf32> -> vector<16xi32>
        %shift_right_arithmetic3A_1358 = arith.constant 1 : i32
        %shift_right_arithmetic3A_1359 = vector.broadcast %shift_right_arithmetic3A_1358 : i32 to vector<16xi32>
        %shift_right_arithmetic3A_1360 = arith.shrsi %bitcast_convert_type3A_1357, %shift_right_arithmetic3A_1359 : vector<16xi32>
        %sub3A_1361 = arith.constant 1597463007 : i32
        %sub3A_1362 = vector.broadcast %sub3A_1361 : i32 to vector<16xi32>
        %sub3A_1363 = arith.subi %sub3A_1362, %shift_right_arithmetic3A_1360 : vector<16xi32>
        %bitcast_convert_type3A_1364 = tpu.bitcast %sub3A_1363 : vector<16xi32> -> vector<16xf32>
        %mul3A_1365 = arith.constant 5.000000e-01 : f32
        %mul3A_1366 = vector.broadcast %mul3A_1365 : f32 to vector<16xf32>
        %mul3A_1367 = arith.mulf %broadcast_in_dim3A_1355, %mul3A_1366 : vector<16xf32>
        %mul3A_1368 = arith.mulf %mul3A_1367, %bitcast_convert_type3A_1364 : vector<16xf32>
        %mul3A_1369 = arith.mulf %mul3A_1368, %bitcast_convert_type3A_1364 : vector<16xf32>
        %sub3A_1370 = arith.constant 1.500000e+00 : f32
        %sub3A_1371 = vector.broadcast %sub3A_1370 : f32 to vector<16xf32>
        %sub3A_1372 = arith.subf %sub3A_1371, %mul3A_1369 : vector<16xf32>
        %mul3A_1373 = arith.mulf %bitcast_convert_type3A_1364, %sub3A_1372 : vector<16xf32>
        %mul3A_1374 = arith.mulf %mul3A_1367, %mul3A_1373 : vector<16xf32>
        %mul3A_1375 = arith.mulf %mul3A_1374, %mul3A_1373 : vector<16xf32>
        %sub3A_1376 = arith.constant 1.500000e+00 : f32
        %sub3A_1377 = vector.broadcast %sub3A_1376 : f32 to vector<16xf32>
        %sub3A_1378 = arith.subf %sub3A_1377, %mul3A_1375 : vector<16xf32>
        %mul3A_1379 = arith.mulf %mul3A_1373, %sub3A_1378 : vector<16xf32>
        %mul3A_1380 = arith.mulf %mul3A_1379, %get3A_1 : vector<16xf32>
        %sub3A_1381 = arith.subf %add3A_1301, %broadcast_in_dim3A_1356 : vector<16xf32>
        %mul3A_1382 = arith.mulf %sub3A_1381, %mul3A_1380 : vector<16xf32>
        %add3A_1383 = arith.addf %mul3A_1382, %get3A_9 : vector<16xf32>
        %swap3A_1384 = arith.constant 0 : i32
        %swap3A_1385 = arith.index_cast %swap3A_1384 : i32 to index
        %swap3A_1386 = arith.index_cast %add3A_1285 : i32 to index
        %swap3A_1387 = arith.constant 0 : index
        %swap3A_1388 = tpu.vector_load %arg10[%swap3A_1385, %swap3A_1386, %swap3A_1387] {strides = array<i32>} : memref<2x400x64xf32, #tpu.memory_space<vmem>>, vector<16xf32>,
        tpu.vector_store %arg10[%swap3A_1385, %swap3A_1386, %swap3A_1387], %add3A_1383 {strides = array<i32>} : memref<2x400x64xf32, #tpu.memory_space<vmem>>, vector<16xf32>,
        %mul3A_1389 = arith.mulf %mul3A_1379, %get3A_3 : vector<16xf32>
        %sub3A_1390 = arith.subf %add3A_1310, %broadcast_in_dim3A_1356 : vector<16xf32>
        %mul3A_1391 = arith.mulf %sub3A_1390, %mul3A_1389 : vector<16xf32>
        %add3A_1392 = arith.addf %mul3A_1391, %get3A_11 : vector<16xf32>
        %swap3A_1393 = arith.constant 0 : i32
        %swap3A_1394 = arith.index_cast %swap3A_1393 : i32 to index
        %swap3A_1395 = arith.index_cast %add3A_1285 : i32 to index
        %swap3A_1396 = arith.constant 16 : index
        %swap3A_1397 = tpu.vector_load %arg10[%swap3A_1394, %swap3A_1395, %swap3A_1396] {strides = array<i32>} : memref<2x400x64xf32, #tpu.memory_space<vmem>>, vector<16xf32>,
        tpu.vector_store %arg10[%swap3A_1394, %swap3A_1395, %swap3A_1396], %add3A_1392 {strides = array<i32>} : memref<2x400x64xf32, #tpu.memory_space<vmem>>, vector<16xf32>,
        %mul3A_1398 = arith.mulf %mul3A_1379, %get3A_5 : vector<16xf32>
        %sub3A_1399 = arith.subf %add3A_1319, %broadcast_in_dim3A_1356 : vector<16xf32>
        %mul3A_1400 = arith.mulf %sub3A_1399, %mul3A_1398 : vector<16xf32>
        %add3A_1401 = arith.addf %mul3A_1400, %get3A_13 : vector<16xf32>
        %swap3A_1402 = arith.constant 0 : i32
        %swap3A_1403 = arith.index_cast %swap3A_1402 : i32 to index
        %swap3A_1404 = arith.index_cast %add3A_1285 : i32 to index
        %swap3A_1405 = arith.constant 32 : index
        %swap3A_1406 = tpu.vector_load %arg10[%swap3A_1403, %swap3A_1404, %swap3A_1405] {strides = array<i32>} : memref<2x400x64xf32, #tpu.memory_space<vmem>>, vector<16xf32>,
        tpu.vector_store %arg10[%swap3A_1403, %swap3A_1404, %swap3A_1405], %add3A_1401 {strides = array<i32>} : memref<2x400x64xf32, #tpu.memory_space<vmem>>, vector<16xf32>,
        %mul3A_1407 = arith.mulf %mul3A_1379, %get3A_7 : vector<16xf32>
        %sub3A_1408 = arith.subf %add3A_1328, %broadcast_in_dim3A_1356 : vector<16xf32>
        %mul3A_1409 = arith.mulf %sub3A_1408, %mul3A_1407 : vector<16xf32>
        %add3A_1410 = arith.addf %mul3A_1409, %get3A_15 : vector<16xf32>
        %swap3A_1411 = arith.constant 0 : i32
        %swap3A_1412 = arith.index_cast %swap3A_1411 : i32 to index
        %swap3A_1413 = arith.index_cast %add3A_1285 : i32 to index
        %swap3A_1414 = arith.constant 48 : index
        %swap3A_1415 = tpu.vector_load %arg10[%swap3A_1412, %swap3A_1413, %swap3A_1414] {strides = array<i32>} : memref<2x400x64xf32, #tpu.memory_space<vmem>>, vector<16xf32>,
        tpu.vector_store %arg10[%swap3A_1412, %swap3A_1413, %swap3A_1414], %add3A_1410 {strides = array<i32>} : memref<2x400x64xf32, #tpu.memory_space<vmem>>, vector<16xf32>,
        %add3A_1416 = arith.constant 10 : i32
        %add3A_1417 = arith.addi %mul3A_100, %add3A_1416 : i32
        %rem3A_1418 = arith.constant 200 : i32
        %rem3A_1419 = arith.remsi %add3A_1417, %rem3A_1418 : i32
        %slice3A_1420 = vector.extract_strided_slice %get3A_104 {offsets = [10], sizes = [1], strides = [1]} : vector<16xi32> to vector<1xi32>
        %squeeze3A_1421 = vector.extract %slice3A_1420[0] : i32 from vector<1xi32>
        %mul3A_1422 = arith.constant 200 : i32
        %mul3A_1423 = arith.muli %squeeze3A_1421, %mul3A_1422 : i32
        %add3A_1424 = arith.addi %mul3A_1423, %rem3A_1419 : i32
        %get3A_1425 = arith.constant 0 : i32
        %get3A_1426 = arith.index_cast %get3A_1425 : i32 to index
        %get3A_1427 = arith.index_cast %add3A_1417 : i32 to index
        %get3A_1428 = arith.constant 0 : index
        %get3A_1429 = tpu.vector_load %arg10[%get3A_1426, %get3A_1427, %get3A_1428] {strides = array<i32>} : memref<2x400x64xf32, #tpu.memory_space<vmem>>, vector<16xf32>,
        %get3A_1430 = arith.index_cast %add3A_1424 : i32 to index
        %get3A_1431 = arith.constant 0 : index
        %get3A_1432 = tpu.vector_load %arg11[%get3A_1430, %get3A_1431] {strides = array<i32>} : memref<400x64xf32, #tpu.memory_space<vmem>>, vector<16xf32>,
        %add3A_1433 = arith.addf %get3A_1429, %get3A_1432 : vector<16xf32>
        %get3A_1434 = arith.constant 0 : i32
        %get3A_1435 = arith.index_cast %get3A_1434 : i32 to index
        %get3A_1436 = arith.index_cast %add3A_1417 : i32 to index
        %get3A_1437 = arith.constant 16 : index
        %get3A_1438 = tpu.vector_load %arg10[%get3A_1435, %get3A_1436, %get3A_1437] {strides = array<i32>} : memref<2x400x64xf32, #tpu.memory_space<vmem>>, vector<16xf32>,
        %get3A_1439 = arith.index_cast %add3A_1424 : i32 to index
        %get3A_1440 = arith.constant 16 : index
        %get3A_1441 = tpu.vector_load %arg11[%get3A_1439, %get3A_1440] {strides = array<i32>} : memref<400x64xf32, #tpu.memory_space<vmem>>, vector<16xf32>,
        %add3A_1442 = arith.addf %get3A_1438, %get3A_1441 : vector<16xf32>
        %get3A_1443 = arith.constant 0 : i32
        %get3A_1444 = arith.index_cast %get3A_1443 : i32 to index
        %get3A_1445 = arith.index_cast %add3A_1417 : i32 to index
        %get3A_1446 = arith.constant 32 : index
        %get3A_1447 = tpu.vector_load %arg10[%get3A_1444, %get3A_1445, %get3A_1446] {strides = array<i32>} : memref<2x400x64xf32, #tpu.memory_space<vmem>>, vector<16xf32>,
        %get3A_1448 = arith.index_cast %add3A_1424 : i32 to index
        %get3A_1449 = arith.constant 32 : index
        %get3A_1450 = tpu.vector_load %arg11[%get3A_1448, %get3A_1449] {strides = array<i32>} : memref<400x64xf32, #tpu.memory_space<vmem>>, vector<16xf32>,
        %add3A_1451 = arith.addf %get3A_1447, %get3A_1450 : vector<16xf32>
        %get3A_1452 = arith.constant 0 : i32
        %get3A_1453 = arith.index_cast %get3A_1452 : i32 to index
        %get3A_1454 = arith.index_cast %add3A_1417 : i32 to index
        %get3A_1455 = arith.constant 48 : index
        %get3A_1456 = tpu.vector_load %arg10[%get3A_1453, %get3A_1454, %get3A_1455] {strides = array<i32>} : memref<2x400x64xf32, #tpu.memory_space<vmem>>, vector<16xf32>,
        %get3A_1457 = arith.index_cast %add3A_1424 : i32 to index
        %get3A_1458 = arith.constant 48 : index
        %get3A_1459 = tpu.vector_load %arg11[%get3A_1457, %get3A_1458] {strides = array<i32>} : memref<400x64xf32, #tpu.memory_space<vmem>>, vector<16xf32>,
        %add3A_1460 = arith.addf %get3A_1456, %get3A_1459 : vector<16xf32>
        %add3A_1461 = arith.addf %add3A_1433, %add3A_1442 : vector<16xf32>
        %add3A_1462 = arith.addf %add3A_1451, %add3A_1460 : vector<16xf32>
        %add3A_1463 = arith.addf %add3A_1461, %add3A_1462 : vector<16xf32>
        %reduce_sum3A_1464 = arith.constant true
        %reduce_sum3A_1465 = vector.broadcast %reduce_sum3A_1464 : i1 to vector<16xi1>
        %reduce_sum3A_1466 = tpu.scan <sum>, %add3A_1463 masked %reduce_sum3A_1465 : vector<16xf32>, vector<16xi1> -> vector<16xf32>
        %reduce_sum3A_1467 = vector.extract %reduce_sum3A_1466[15] : f32 from vector<16xf32>
        %mul3A_1468 = arith.mulf %add3A_1433, %add3A_1433 : vector<16xf32>
        %mul3A_1469 = arith.mulf %add3A_1442, %add3A_1442 : vector<16xf32>
        %add3A_1470 = arith.addf %mul3A_1468, %mul3A_1469 : vector<16xf32>
        %mul3A_1471 = arith.mulf %add3A_1451, %add3A_1451 : vector<16xf32>
        %add3A_1472 = arith.addf %add3A_1470, %mul3A_1471 : vector<16xf32>
        %mul3A_1473 = arith.mulf %add3A_1460, %add3A_1460 : vector<16xf32>
        %add3A_1474 = arith.addf %add3A_1472, %mul3A_1473 : vector<16xf32>
        %reduce_sum3A_1475 = arith.constant true
        %reduce_sum3A_1476 = vector.broadcast %reduce_sum3A_1475 : i1 to vector<16xi1>
        %reduce_sum3A_1477 = tpu.scan <sum>, %add3A_1474 masked %reduce_sum3A_1476 : vector<16xf32>, vector<16xi1> -> vector<16xf32>
        %reduce_sum3A_1478 = vector.extract %reduce_sum3A_1477[15] : f32 from vector<16xf32>
        %mul3A_1479 = arith.constant 1.562500e-02 : f32
        %mul3A_1480 = arith.mulf %reduce_sum3A_1467, %mul3A_1479 : f32
        %mul3A_1481 = arith.constant 1.562500e-02 : f32
        %mul3A_1482 = arith.mulf %reduce_sum3A_1478, %mul3A_1481 : f32
        %mul3A_1483 = arith.mulf %mul3A_1480, %mul3A_1480 : f32
        %sub3A_1484 = arith.subf %mul3A_1482, %mul3A_1483 : f32
        %add3A_1485 = arith.constant 9.99999974E-6 : f32
        %add3A_1486 = arith.addf %sub3A_1484, %add3A_1485 : f32
        %broadcast_in_dim3A_1487 = vector.broadcast %add3A_1486 : f32 to vector<16xf32>
        %broadcast_in_dim3A_1488 = vector.broadcast %mul3A_1480 : f32 to vector<16xf32>
        %bitcast_convert_type3A_1489 = tpu.bitcast %broadcast_in_dim3A_1487 : vector<16xf32> -> vector<16xi32>
        %shift_right_arithmetic3A_1490 = arith.constant 1 : i32
        %shift_right_arithmetic3A_1491 = vector.broadcast %shift_right_arithmetic3A_1490 : i32 to vector<16xi32>
        %shift_right_arithmetic3A_1492 = arith.shrsi %bitcast_convert_type3A_1489, %shift_right_arithmetic3A_1491 : vector<16xi32>
        %sub3A_1493 = arith.constant 1597463007 : i32
        %sub3A_1494 = vector.broadcast %sub3A_1493 : i32 to vector<16xi32>
        %sub3A_1495 = arith.subi %sub3A_1494, %shift_right_arithmetic3A_1492 : vector<16xi32>
        %bitcast_convert_type3A_1496 = tpu.bitcast %sub3A_1495 : vector<16xi32> -> vector<16xf32>
        %mul3A_1497 = arith.constant 5.000000e-01 : f32
        %mul3A_1498 = vector.broadcast %mul3A_1497 : f32 to vector<16xf32>
        %mul3A_1499 = arith.mulf %broadcast_in_dim3A_1487, %mul3A_1498 : vector<16xf32>
        %mul3A_1500 = arith.mulf %mul3A_1499, %bitcast_convert_type3A_1496 : vector<16xf32>
        %mul3A_1501 = arith.mulf %mul3A_1500, %bitcast_convert_type3A_1496 : vector<16xf32>
        %sub3A_1502 = arith.constant 1.500000e+00 : f32
        %sub3A_1503 = vector.broadcast %sub3A_1502 : f32 to vector<16xf32>
        %sub3A_1504 = arith.subf %sub3A_1503, %mul3A_1501 : vector<16xf32>
        %mul3A_1505 = arith.mulf %bitcast_convert_type3A_1496, %sub3A_1504 : vector<16xf32>
        %mul3A_1506 = arith.mulf %mul3A_1499, %mul3A_1505 : vector<16xf32>
        %mul3A_1507 = arith.mulf %mul3A_1506, %mul3A_1505 : vector<16xf32>
        %sub3A_1508 = arith.constant 1.500000e+00 : f32
        %sub3A_1509 = vector.broadcast %sub3A_1508 : f32 to vector<16xf32>
        %sub3A_1510 = arith.subf %sub3A_1509, %mul3A_1507 : vector<16xf32>
        %mul3A_1511 = arith.mulf %mul3A_1505, %sub3A_1510 : vector<16xf32>
        %mul3A_1512 = arith.mulf %mul3A_1511, %get3A_1 : vector<16xf32>
        %sub3A_1513 = arith.subf %add3A_1433, %broadcast_in_dim3A_1488 : vector<16xf32>
        %mul3A_1514 = arith.mulf %sub3A_1513, %mul3A_1512 : vector<16xf32>
        %add3A_1515 = arith.addf %mul3A_1514, %get3A_9 : vector<16xf32>
        %swap3A_1516 = arith.constant 0 : i32
        %swap3A_1517 = arith.index_cast %swap3A_1516 : i32 to index
        %swap3A_1518 = arith.index_cast %add3A_1417 : i32 to index
        %swap3A_1519 = arith.constant 0 : index
        %swap3A_1520 = tpu.vector_load %arg10[%swap3A_1517, %swap3A_1518, %swap3A_1519] {strides = array<i32>} : memref<2x400x64xf32, #tpu.memory_space<vmem>>, vector<16xf32>,
        tpu.vector_store %arg10[%swap3A_1517, %swap3A_1518, %swap3A_1519], %add3A_1515 {strides = array<i32>} : memref<2x400x64xf32, #tpu.memory_space<vmem>>, vector<16xf32>,
        %mul3A_1521 = arith.mulf %mul3A_1511, %get3A_3 : vector<16xf32>
        %sub3A_1522 = arith.subf %add3A_1442, %broadcast_in_dim3A_1488 : vector<16xf32>
        %mul3A_1523 = arith.mulf %sub3A_1522, %mul3A_1521 : vector<16xf32>
        %add3A_1524 = arith.addf %mul3A_1523, %get3A_11 : vector<16xf32>
        %swap3A_1525 = arith.constant 0 : i32
        %swap3A_1526 = arith.index_cast %swap3A_1525 : i32 to index
        %swap3A_1527 = arith.index_cast %add3A_1417 : i32 to index
        %swap3A_1528 = arith.constant 16 : index
        %swap3A_1529 = tpu.vector_load %arg10[%swap3A_1526, %swap3A_1527, %swap3A_1528] {strides = array<i32>} : memref<2x400x64xf32, #tpu.memory_space<vmem>>, vector<16xf32>,
        tpu.vector_store %arg10[%swap3A_1526, %swap3A_1527, %swap3A_1528], %add3A_1524 {strides = array<i32>} : memref<2x400x64xf32, #tpu.memory_space<vmem>>, vector<16xf32>,
        %mul3A_1530 = arith.mulf %mul3A_1511, %get3A_5 : vector<16xf32>
        %sub3A_1531 = arith.subf %add3A_1451, %broadcast_in_dim3A_1488 : vector<16xf32>
        %mul3A_1532 = arith.mulf %sub3A_1531, %mul3A_1530 : vector<16xf32>
        %add3A_1533 = arith.addf %mul3A_1532, %get3A_13 : vector<16xf32>
        %swap3A_1534 = arith.constant 0 : i32
        %swap3A_1535 = arith.index_cast %swap3A_1534 : i32 to index
        %swap3A_1536 = arith.index_cast %add3A_1417 : i32 to index
        %swap3A_1537 = arith.constant 32 : index
        %swap3A_1538 = tpu.vector_load %arg10[%swap3A_1535, %swap3A_1536, %swap3A_1537] {strides = array<i32>} : memref<2x400x64xf32, #tpu.memory_space<vmem>>, vector<16xf32>,
        tpu.vector_store %arg10[%swap3A_1535, %swap3A_1536, %swap3A_1537], %add3A_1533 {strides = array<i32>} : memref<2x400x64xf32, #tpu.memory_space<vmem>>, vector<16xf32>,
        %mul3A_1539 = arith.mulf %mul3A_1511, %get3A_7 : vector<16xf32>
        %sub3A_1540 = arith.subf %add3A_1460, %broadcast_in_dim3A_1488 : vector<16xf32>
        %mul3A_1541 = arith.mulf %sub3A_1540, %mul3A_1539 : vector<16xf32>
        %add3A_1542 = arith.addf %mul3A_1541, %get3A_15 : vector<16xf32>
        %swap3A_1543 = arith.constant 0 : i32
        %swap3A_1544 = arith.index_cast %swap3A_1543 : i32 to index
        %swap3A_1545 = arith.index_cast %add3A_1417 : i32 to index
        %swap3A_1546 = arith.constant 48 : index
        %swap3A_1547 = tpu.vector_load %arg10[%swap3A_1544, %swap3A_1545, %swap3A_1546] {strides = array<i32>} : memref<2x400x64xf32, #tpu.memory_space<vmem>>, vector<16xf32>,
        tpu.vector_store %arg10[%swap3A_1544, %swap3A_1545, %swap3A_1546], %add3A_1542 {strides = array<i32>} : memref<2x400x64xf32, #tpu.memory_space<vmem>>, vector<16xf32>,
        %add3A_1548 = arith.constant 11 : i32
        %add3A_1549 = arith.addi %mul3A_100, %add3A_1548 : i32
        %rem3A_1550 = arith.constant 200 : i32
        %rem3A_1551 = arith.remsi %add3A_1549, %rem3A_1550 : i32
        %slice3A_1552 = vector.extract_strided_slice %get3A_104 {offsets = [11], sizes = [1], strides = [1]} : vector<16xi32> to vector<1xi32>
        %squeeze3A_1553 = vector.extract %slice3A_1552[0] : i32 from vector<1xi32>
        %mul3A_1554 = arith.constant 200 : i32
        %mul3A_1555 = arith.muli %squeeze3A_1553, %mul3A_1554 : i32
        %add3A_1556 = arith.addi %mul3A_1555, %rem3A_1551 : i32
        %get3A_1557 = arith.constant 0 : i32
        %get3A_1558 = arith.index_cast %get3A_1557 : i32 to index
        %get3A_1559 = arith.index_cast %add3A_1549 : i32 to index
        %get3A_1560 = arith.constant 0 : index
        %get3A_1561 = tpu.vector_load %arg10[%get3A_1558, %get3A_1559, %get3A_1560] {strides = array<i32>} : memref<2x400x64xf32, #tpu.memory_space<vmem>>, vector<16xf32>,
        %get3A_1562 = arith.index_cast %add3A_1556 : i32 to index
        %get3A_1563 = arith.constant 0 : index
        %get3A_1564 = tpu.vector_load %arg11[%get3A_1562, %get3A_1563] {strides = array<i32>} : memref<400x64xf32, #tpu.memory_space<vmem>>, vector<16xf32>,
        %add3A_1565 = arith.addf %get3A_1561, %get3A_1564 : vector<16xf32>
        %get3A_1566 = arith.constant 0 : i32
        %get3A_1567 = arith.index_cast %get3A_1566 : i32 to index
        %get3A_1568 = arith.index_cast %add3A_1549 : i32 to index
        %get3A_1569 = arith.constant 16 : index
        %get3A_1570 = tpu.vector_load %arg10[%get3A_1567, %get3A_1568, %get3A_1569] {strides = array<i32>} : memref<2x400x64xf32, #tpu.memory_space<vmem>>, vector<16xf32>,
        %get3A_1571 = arith.index_cast %add3A_1556 : i32 to index
        %get3A_1572 = arith.constant 16 : index
        %get3A_1573 = tpu.vector_load %arg11[%get3A_1571, %get3A_1572] {strides = array<i32>} : memref<400x64xf32, #tpu.memory_space<vmem>>, vector<16xf32>,
        %add3A_1574 = arith.addf %get3A_1570, %get3A_1573 : vector<16xf32>
        %get3A_1575 = arith.constant 0 : i32
        %get3A_1576 = arith.index_cast %get3A_1575 : i32 to index
        %get3A_1577 = arith.index_cast %add3A_1549 : i32 to index
        %get3A_1578 = arith.constant 32 : index
        %get3A_1579 = tpu.vector_load %arg10[%get3A_1576, %get3A_1577, %get3A_1578] {strides = array<i32>} : memref<2x400x64xf32, #tpu.memory_space<vmem>>, vector<16xf32>,
        %get3A_1580 = arith.index_cast %add3A_1556 : i32 to index
        %get3A_1581 = arith.constant 32 : index
        %get3A_1582 = tpu.vector_load %arg11[%get3A_1580, %get3A_1581] {strides = array<i32>} : memref<400x64xf32, #tpu.memory_space<vmem>>, vector<16xf32>,
        %add3A_1583 = arith.addf %get3A_1579, %get3A_1582 : vector<16xf32>
        %get3A_1584 = arith.constant 0 : i32
        %get3A_1585 = arith.index_cast %get3A_1584 : i32 to index
        %get3A_1586 = arith.index_cast %add3A_1549 : i32 to index
        %get3A_1587 = arith.constant 48 : index
        %get3A_1588 = tpu.vector_load %arg10[%get3A_1585, %get3A_1586, %get3A_1587] {strides = array<i32>} : memref<2x400x64xf32, #tpu.memory_space<vmem>>, vector<16xf32>,
        %get3A_1589 = arith.index_cast %add3A_1556 : i32 to index
        %get3A_1590 = arith.constant 48 : index
        %get3A_1591 = tpu.vector_load %arg11[%get3A_1589, %get3A_1590] {strides = array<i32>} : memref<400x64xf32, #tpu.memory_space<vmem>>, vector<16xf32>,
        %add3A_1592 = arith.addf %get3A_1588, %get3A_1591 : vector<16xf32>
        %add3A_1593 = arith.addf %add3A_1565, %add3A_1574 : vector<16xf32>
        %add3A_1594 = arith.addf %add3A_1583, %add3A_1592 : vector<16xf32>
        %add3A_1595 = arith.addf %add3A_1593, %add3A_1594 : vector<16xf32>
        %reduce_sum3A_1596 = arith.constant true
        %reduce_sum3A_1597 = vector.broadcast %reduce_sum3A_1596 : i1 to vector<16xi1>
        %reduce_sum3A_1598 = tpu.scan <sum>, %add3A_1595 masked %reduce_sum3A_1597 : vector<16xf32>, vector<16xi1> -> vector<16xf32>
        %reduce_sum3A_1599 = vector.extract %reduce_sum3A_1598[15] : f32 from vector<16xf32>
        %mul3A_1600 = arith.mulf %add3A_1565, %add3A_1565 : vector<16xf32>
        %mul3A_1601 = arith.mulf %add3A_1574, %add3A_1574 : vector<16xf32>
        %add3A_1602 = arith.addf %mul3A_1600, %mul3A_1601 : vector<16xf32>
        %mul3A_1603 = arith.mulf %add3A_1583, %add3A_1583 : vector<16xf32>
        %add3A_1604 = arith.addf %add3A_1602, %mul3A_1603 : vector<16xf32>
        %mul3A_1605 = arith.mulf %add3A_1592, %add3A_1592 : vector<16xf32>
        %add3A_1606 = arith.addf %add3A_1604, %mul3A_1605 : vector<16xf32>
        %reduce_sum3A_1607 = arith.constant true
        %reduce_sum3A_1608 = vector.broadcast %reduce_sum3A_1607 : i1 to vector<16xi1>
        %reduce_sum3A_1609 = tpu.scan <sum>, %add3A_1606 masked %reduce_sum3A_1608 : vector<16xf32>, vector<16xi1> -> vector<16xf32>
        %reduce_sum3A_1610 = vector.extract %reduce_sum3A_1609[15] : f32 from vector<16xf32>
        %mul3A_1611 = arith.constant 1.562500e-02 : f32
        %mul3A_1612 = arith.mulf %reduce_sum3A_1599, %mul3A_1611 : f32
        %mul3A_1613 = arith.constant 1.562500e-02 : f32
        %mul3A_1614 = arith.mulf %reduce_sum3A_1610, %mul3A_1613 : f32
        %mul3A_1615 = arith.mulf %mul3A_1612, %mul3A_1612 : f32
        %sub3A_1616 = arith.subf %mul3A_1614, %mul3A_1615 : f32
        %add3A_1617 = arith.constant 9.99999974E-6 : f32
        %add3A_1618 = arith.addf %sub3A_1616, %add3A_1617 : f32
        %broadcast_in_dim3A_1619 = vector.broadcast %add3A_1618 : f32 to vector<16xf32>
        %broadcast_in_dim3A_1620 = vector.broadcast %mul3A_1612 : f32 to vector<16xf32>
        %bitcast_convert_type3A_1621 = tpu.bitcast %broadcast_in_dim3A_1619 : vector<16xf32> -> vector<16xi32>
        %shift_right_arithmetic3A_1622 = arith.constant 1 : i32
        %shift_right_arithmetic3A_1623 = vector.broadcast %shift_right_arithmetic3A_1622 : i32 to vector<16xi32>
        %shift_right_arithmetic3A_1624 = arith.shrsi %bitcast_convert_type3A_1621, %shift_right_arithmetic3A_1623 : vector<16xi32>
        %sub3A_1625 = arith.constant 1597463007 : i32
        %sub3A_1626 = vector.broadcast %sub3A_1625 : i32 to vector<16xi32>
        %sub3A_1627 = arith.subi %sub3A_1626, %shift_right_arithmetic3A_1624 : vector<16xi32>
        %bitcast_convert_type3A_1628 = tpu.bitcast %sub3A_1627 : vector<16xi32> -> vector<16xf32>
        %mul3A_1629 = arith.constant 5.000000e-01 : f32
        %mul3A_1630 = vector.broadcast %mul3A_1629 : f32 to vector<16xf32>
        %mul3A_1631 = arith.mulf %broadcast_in_dim3A_1619, %mul3A_1630 : vector<16xf32>
        %mul3A_1632 = arith.mulf %mul3A_1631, %bitcast_convert_type3A_1628 : vector<16xf32>
        %mul3A_1633 = arith.mulf %mul3A_1632, %bitcast_convert_type3A_1628 : vector<16xf32>
        %sub3A_1634 = arith.constant 1.500000e+00 : f32
        %sub3A_1635 = vector.broadcast %sub3A_1634 : f32 to vector<16xf32>
        %sub3A_1636 = arith.subf %sub3A_1635, %mul3A_1633 : vector<16xf32>
        %mul3A_1637 = arith.mulf %bitcast_convert_type3A_1628, %sub3A_1636 : vector<16xf32>
        %mul3A_1638 = arith.mulf %mul3A_1631, %mul3A_1637 : vector<16xf32>
        %mul3A_1639 = arith.mulf %mul3A_1638, %mul3A_1637 : vector<16xf32>
        %sub3A_1640 = arith.constant 1.500000e+00 : f32
        %sub3A_1641 = vector.broadcast %sub3A_1640 : f32 to vector<16xf32>
        %sub3A_1642 = arith.subf %sub3A_1641, %mul3A_1639 : vector<16xf32>
        %mul3A_1643 = arith.mulf %mul3A_1637, %sub3A_1642 : vector<16xf32>
        %mul3A_1644 = arith.mulf %mul3A_1643, %get3A_1 : vector<16xf32>
        %sub3A_1645 = arith.subf %add3A_1565, %broadcast_in_dim3A_1620 : vector<16xf32>
        %mul3A_1646 = arith.mulf %sub3A_1645, %mul3A_1644 : vector<16xf32>
        %add3A_1647 = arith.addf %mul3A_1646, %get3A_9 : vector<16xf32>
        %swap3A_1648 = arith.constant 0 : i32
        %swap3A_1649 = arith.index_cast %swap3A_1648 : i32 to index
        %swap3A_1650 = arith.index_cast %add3A_1549 : i32 to index
        %swap3A_1651 = arith.constant 0 : index
        %swap3A_1652 = tpu.vector_load %arg10[%swap3A_1649, %swap3A_1650, %swap3A_1651] {strides = array<i32>} : memref<2x400x64xf32, #tpu.memory_space<vmem>>, vector<16xf32>,
        tpu.vector_store %arg10[%swap3A_1649, %swap3A_1650, %swap3A_1651], %add3A_1647 {strides = array<i32>} : memref<2x400x64xf32, #tpu.memory_space<vmem>>, vector<16xf32>,
        %mul3A_1653 = arith.mulf %mul3A_1643, %get3A_3 : vector<16xf32>
        %sub3A_1654 = arith.subf %add3A_1574, %broadcast_in_dim3A_1620 : vector<16xf32>
        %mul3A_1655 = arith.mulf %sub3A_1654, %mul3A_1653 : vector<16xf32>
        %add3A_1656 = arith.addf %mul3A_1655, %get3A_11 : vector<16xf32>
        %swap3A_1657 = arith.constant 0 : i32
        %swap3A_1658 = arith.index_cast %swap3A_1657 : i32 to index
        %swap3A_1659 = arith.index_cast %add3A_1549 : i32 to index
        %swap3A_1660 = arith.constant 16 : index
        %swap3A_1661 = tpu.vector_load %arg10[%swap3A_1658, %swap3A_1659, %swap3A_1660] {strides = array<i32>} : memref<2x400x64xf32, #tpu.memory_space<vmem>>, vector<16xf32>,
        tpu.vector_store %arg10[%swap3A_1658, %swap3A_1659, %swap3A_1660], %add3A_1656 {strides = array<i32>} : memref<2x400x64xf32, #tpu.memory_space<vmem>>, vector<16xf32>,
        %mul3A_1662 = arith.mulf %mul3A_1643, %get3A_5 : vector<16xf32>
        %sub3A_1663 = arith.subf %add3A_1583, %broadcast_in_dim3A_1620 : vector<16xf32>
        %mul3A_1664 = arith.mulf %sub3A_1663, %mul3A_1662 : vector<16xf32>
        %add3A_1665 = arith.addf %mul3A_1664, %get3A_13 : vector<16xf32>
        %swap3A_1666 = arith.constant 0 : i32
        %swap3A_1667 = arith.index_cast %swap3A_1666 : i32 to index
        %swap3A_1668 = arith.index_cast %add3A_1549 : i32 to index
        %swap3A_1669 = arith.constant 32 : index
        %swap3A_1670 = tpu.vector_load %arg10[%swap3A_1667, %swap3A_1668, %swap3A_1669] {strides = array<i32>} : memref<2x400x64xf32, #tpu.memory_space<vmem>>, vector<16xf32>,
        tpu.vector_store %arg10[%swap3A_1667, %swap3A_1668, %swap3A_1669], %add3A_1665 {strides = array<i32>} : memref<2x400x64xf32, #tpu.memory_space<vmem>>, vector<16xf32>,
        %mul3A_1671 = arith.mulf %mul3A_1643, %get3A_7 : vector<16xf32>
        %sub3A_1672 = arith.subf %add3A_1592, %broadcast_in_dim3A_1620 : vector<16xf32>
        %mul3A_1673 = arith.mulf %sub3A_1672, %mul3A_1671 : vector<16xf32>
        %add3A_1674 = arith.addf %mul3A_1673, %get3A_15 : vector<16xf32>
        %swap3A_1675 = arith.constant 0 : i32
        %swap3A_1676 = arith.index_cast %swap3A_1675 : i32 to index
        %swap3A_1677 = arith.index_cast %add3A_1549 : i32 to index
        %swap3A_1678 = arith.constant 48 : index
        %swap3A_1679 = tpu.vector_load %arg10[%swap3A_1676, %swap3A_1677, %swap3A_1678] {strides = array<i32>} : memref<2x400x64xf32, #tpu.memory_space<vmem>>, vector<16xf32>,
        tpu.vector_store %arg10[%swap3A_1676, %swap3A_1677, %swap3A_1678], %add3A_1674 {strides = array<i32>} : memref<2x400x64xf32, #tpu.memory_space<vmem>>, vector<16xf32>,
        %add3A_1680 = arith.constant 12 : i32
        %add3A_1681 = arith.addi %mul3A_100, %add3A_1680 : i32
        %rem3A_1682 = arith.constant 200 : i32
        %rem3A_1683 = arith.remsi %add3A_1681, %rem3A_1682 : i32
        %slice3A_1684 = vector.extract_strided_slice %get3A_104 {offsets = [12], sizes = [1], strides = [1]} : vector<16xi32> to vector<1xi32>
        %squeeze3A_1685 = vector.extract %slice3A_1684[0] : i32 from vector<1xi32>
        %mul3A_1686 = arith.constant 200 : i32
        %mul3A_1687 = arith.muli %squeeze3A_1685, %mul3A_1686 : i32
        %add3A_1688 = arith.addi %mul3A_1687, %rem3A_1683 : i32
        %get3A_1689 = arith.constant 0 : i32
        %get3A_1690 = arith.index_cast %get3A_1689 : i32 to index
        %get3A_1691 = arith.index_cast %add3A_1681 : i32 to index
        %get3A_1692 = arith.constant 0 : index
        %get3A_1693 = tpu.vector_load %arg10[%get3A_1690, %get3A_1691, %get3A_1692] {strides = array<i32>} : memref<2x400x64xf32, #tpu.memory_space<vmem>>, vector<16xf32>,
        %get3A_1694 = arith.index_cast %add3A_1688 : i32 to index
        %get3A_1695 = arith.constant 0 : index
        %get3A_1696 = tpu.vector_load %arg11[%get3A_1694, %get3A_1695] {strides = array<i32>} : memref<400x64xf32, #tpu.memory_space<vmem>>, vector<16xf32>,
        %add3A_1697 = arith.addf %get3A_1693, %get3A_1696 : vector<16xf32>
        %get3A_1698 = arith.constant 0 : i32
        %get3A_1699 = arith.index_cast %get3A_1698 : i32 to index
        %get3A_1700 = arith.index_cast %add3A_1681 : i32 to index
        %get3A_1701 = arith.constant 16 : index
        %get3A_1702 = tpu.vector_load %arg10[%get3A_1699, %get3A_1700, %get3A_1701] {strides = array<i32>} : memref<2x400x64xf32, #tpu.memory_space<vmem>>, vector<16xf32>,
        %get3A_1703 = arith.index_cast %add3A_1688 : i32 to index
        %get3A_1704 = arith.constant 16 : index
        %get3A_1705 = tpu.vector_load %arg11[%get3A_1703, %get3A_1704] {strides = array<i32>} : memref<400x64xf32, #tpu.memory_space<vmem>>, vector<16xf32>,
        %add3A_1706 = arith.addf %get3A_1702, %get3A_1705 : vector<16xf32>
        %get3A_1707 = arith.constant 0 : i32
        %get3A_1708 = arith.index_cast %get3A_1707 : i32 to index
        %get3A_1709 = arith.index_cast %add3A_1681 : i32 to index
        %get3A_1710 = arith.constant 32 : index
        %get3A_1711 = tpu.vector_load %arg10[%get3A_1708, %get3A_1709, %get3A_1710] {strides = array<i32>} : memref<2x400x64xf32, #tpu.memory_space<vmem>>, vector<16xf32>,
        %get3A_1712 = arith.index_cast %add3A_1688 : i32 to index
        %get3A_1713 = arith.constant 32 : index
        %get3A_1714 = tpu.vector_load %arg11[%get3A_1712, %get3A_1713] {strides = array<i32>} : memref<400x64xf32, #tpu.memory_space<vmem>>, vector<16xf32>,
        %add3A_1715 = arith.addf %get3A_1711, %get3A_1714 : vector<16xf32>
        %get3A_1716 = arith.constant 0 : i32
        %get3A_1717 = arith.index_cast %get3A_1716 : i32 to index
        %get3A_1718 = arith.index_cast %add3A_1681 : i32 to index
        %get3A_1719 = arith.constant 48 : index
        %get3A_1720 = tpu.vector_load %arg10[%get3A_1717, %get3A_1718, %get3A_1719] {strides = array<i32>} : memref<2x400x64xf32, #tpu.memory_space<vmem>>, vector<16xf32>,
        %get3A_1721 = arith.index_cast %add3A_1688 : i32 to index
        %get3A_1722 = arith.constant 48 : index
        %get3A_1723 = tpu.vector_load %arg11[%get3A_1721, %get3A_1722] {strides = array<i32>} : memref<400x64xf32, #tpu.memory_space<vmem>>, vector<16xf32>,
        %add3A_1724 = arith.addf %get3A_1720, %get3A_1723 : vector<16xf32>
        %add3A_1725 = arith.addf %add3A_1697, %add3A_1706 : vector<16xf32>
        %add3A_1726 = arith.addf %add3A_1715, %add3A_1724 : vector<16xf32>
        %add3A_1727 = arith.addf %add3A_1725, %add3A_1726 : vector<16xf32>
        %reduce_sum3A_1728 = arith.constant true
        %reduce_sum3A_1729 = vector.broadcast %reduce_sum3A_1728 : i1 to vector<16xi1>
        %reduce_sum3A_1730 = tpu.scan <sum>, %add3A_1727 masked %reduce_sum3A_1729 : vector<16xf32>, vector<16xi1> -> vector<16xf32>
        %reduce_sum3A_1731 = vector.extract %reduce_sum3A_1730[15] : f32 from vector<16xf32>
        %mul3A_1732 = arith.mulf %add3A_1697, %add3A_1697 : vector<16xf32>
        %mul3A_1733 = arith.mulf %add3A_1706, %add3A_1706 : vector<16xf32>
        %add3A_1734 = arith.addf %mul3A_1732, %mul3A_1733 : vector<16xf32>
        %mul3A_1735 = arith.mulf %add3A_1715, %add3A_1715 : vector<16xf32>
        %add3A_1736 = arith.addf %add3A_1734, %mul3A_1735 : vector<16xf32>
        %mul3A_1737 = arith.mulf %add3A_1724, %add3A_1724 : vector<16xf32>
        %add3A_1738 = arith.addf %add3A_1736, %mul3A_1737 : vector<16xf32>
        %reduce_sum3A_1739 = arith.constant true
        %reduce_sum3A_1740 = vector.broadcast %reduce_sum3A_1739 : i1 to vector<16xi1>
        %reduce_sum3A_1741 = tpu.scan <sum>, %add3A_1738 masked %reduce_sum3A_1740 : vector<16xf32>, vector<16xi1> -> vector<16xf32>
        %reduce_sum3A_1742 = vector.extract %reduce_sum3A_1741[15] : f32 from vector<16xf32>
        %mul3A_1743 = arith.constant 1.562500e-02 : f32
        %mul3A_1744 = arith.mulf %reduce_sum3A_1731, %mul3A_1743 : f32
        %mul3A_1745 = arith.constant 1.562500e-02 : f32
        %mul3A_1746 = arith.mulf %reduce_sum3A_1742, %mul3A_1745 : f32
        %mul3A_1747 = arith.mulf %mul3A_1744, %mul3A_1744 : f32
        %sub3A_1748 = arith.subf %mul3A_1746, %mul3A_1747 : f32
        %add3A_1749 = arith.constant 9.99999974E-6 : f32
        %add3A_1750 = arith.addf %sub3A_1748, %add3A_1749 : f32
        %broadcast_in_dim3A_1751 = vector.broadcast %add3A_1750 : f32 to vector<16xf32>
        %broadcast_in_dim3A_1752 = vector.broadcast %mul3A_1744 : f32 to vector<16xf32>
        %bitcast_convert_type3A_1753 = tpu.bitcast %broadcast_in_dim3A_1751 : vector<16xf32> -> vector<16xi32>
        %shift_right_arithmetic3A_1754 = arith.constant 1 : i32
        %shift_right_arithmetic3A_1755 = vector.broadcast %shift_right_arithmetic3A_1754 : i32 to vector<16xi32>
        %shift_right_arithmetic3A_1756 = arith.shrsi %bitcast_convert_type3A_1753, %shift_right_arithmetic3A_1755 : vector<16xi32>
        %sub3A_1757 = arith.constant 1597463007 : i32
        %sub3A_1758 = vector.broadcast %sub3A_1757 : i32 to vector<16xi32>
        %sub3A_1759 = arith.subi %sub3A_1758, %shift_right_arithmetic3A_1756 : vector<16xi32>
        %bitcast_convert_type3A_1760 = tpu.bitcast %sub3A_1759 : vector<16xi32> -> vector<16xf32>
        %mul3A_1761 = arith.constant 5.000000e-01 : f32
        %mul3A_1762 = vector.broadcast %mul3A_1761 : f32 to vector<16xf32>
        %mul3A_1763 = arith.mulf %broadcast_in_dim3A_1751, %mul3A_1762 : vector<16xf32>
        %mul3A_1764 = arith.mulf %mul3A_1763, %bitcast_convert_type3A_1760 : vector<16xf32>
        %mul3A_1765 = arith.mulf %mul3A_1764, %bitcast_convert_type3A_1760 : vector<16xf32>
        %sub3A_1766 = arith.constant 1.500000e+00 : f32
        %sub3A_1767 = vector.broadcast %sub3A_1766 : f32 to vector<16xf32>
        %sub3A_1768 = arith.subf %sub3A_1767, %mul3A_1765 : vector<16xf32>
        %mul3A_1769 = arith.mulf %bitcast_convert_type3A_1760, %sub3A_1768 : vector<16xf32>
        %mul3A_1770 = arith.mulf %mul3A_1763, %mul3A_1769 : vector<16xf32>
        %mul3A_1771 = arith.mulf %mul3A_1770, %mul3A_1769 : vector<16xf32>
        %sub3A_1772 = arith.constant 1.500000e+00 : f32
        %sub3A_1773 = vector.broadcast %sub3A_1772 : f32 to vector<16xf32>
        %sub3A_1774 = arith.subf %sub3A_1773, %mul3A_1771 : vector<16xf32>
        %mul3A_1775 = arith.mulf %mul3A_1769, %sub3A_1774 : vector<16xf32>
        %mul3A_1776 = arith.mulf %mul3A_1775, %get3A_1 : vector<16xf32>
        %sub3A_1777 = arith.subf %add3A_1697, %broadcast_in_dim3A_1752 : vector<16xf32>
        %mul3A_1778 = arith.mulf %sub3A_1777, %mul3A_1776 : vector<16xf32>
        %add3A_1779 = arith.addf %mul3A_1778, %get3A_9 : vector<16xf32>
        %swap3A_1780 = arith.constant 0 : i32
        %swap3A_1781 = arith.index_cast %swap3A_1780 : i32 to index
        %swap3A_1782 = arith.index_cast %add3A_1681 : i32 to index
        %swap3A_1783 = arith.constant 0 : index
        %swap3A_1784 = tpu.vector_load %arg10[%swap3A_1781, %swap3A_1782, %swap3A_1783] {strides = array<i32>} : memref<2x400x64xf32, #tpu.memory_space<vmem>>, vector<16xf32>,
        tpu.vector_store %arg10[%swap3A_1781, %swap3A_1782, %swap3A_1783], %add3A_1779 {strides = array<i32>} : memref<2x400x64xf32, #tpu.memory_space<vmem>>, vector<16xf32>,
        %mul3A_1785 = arith.mulf %mul3A_1775, %get3A_3 : vector<16xf32>
        %sub3A_1786 = arith.subf %add3A_1706, %broadcast_in_dim3A_1752 : vector<16xf32>
        %mul3A_1787 = arith.mulf %sub3A_1786, %mul3A_1785 : vector<16xf32>
        %add3A_1788 = arith.addf %mul3A_1787, %get3A_11 : vector<16xf32>
        %swap3A_1789 = arith.constant 0 : i32
        %swap3A_1790 = arith.index_cast %swap3A_1789 : i32 to index
        %swap3A_1791 = arith.index_cast %add3A_1681 : i32 to index
        %swap3A_1792 = arith.constant 16 : index
        %swap3A_1793 = tpu.vector_load %arg10[%swap3A_1790, %swap3A_1791, %swap3A_1792] {strides = array<i32>} : memref<2x400x64xf32, #tpu.memory_space<vmem>>, vector<16xf32>,
        tpu.vector_store %arg10[%swap3A_1790, %swap3A_1791, %swap3A_1792], %add3A_1788 {strides = array<i32>} : memref<2x400x64xf32, #tpu.memory_space<vmem>>, vector<16xf32>,
        %mul3A_1794 = arith.mulf %mul3A_1775, %get3A_5 : vector<16xf32>
        %sub3A_1795 = arith.subf %add3A_1715, %broadcast_in_dim3A_1752 : vector<16xf32>
        %mul3A_1796 = arith.mulf %sub3A_1795, %mul3A_1794 : vector<16xf32>
        %add3A_1797 = arith.addf %mul3A_1796, %get3A_13 : vector<16xf32>
        %swap3A_1798 = arith.constant 0 : i32
        %swap3A_1799 = arith.index_cast %swap3A_1798 : i32 to index
        %swap3A_1800 = arith.index_cast %add3A_1681 : i32 to index
        %swap3A_1801 = arith.constant 32 : index
        %swap3A_1802 = tpu.vector_load %arg10[%swap3A_1799, %swap3A_1800, %swap3A_1801] {strides = array<i32>} : memref<2x400x64xf32, #tpu.memory_space<vmem>>, vector<16xf32>,
        tpu.vector_store %arg10[%swap3A_1799, %swap3A_1800, %swap3A_1801], %add3A_1797 {strides = array<i32>} : memref<2x400x64xf32, #tpu.memory_space<vmem>>, vector<16xf32>,
        %mul3A_1803 = arith.mulf %mul3A_1775, %get3A_7 : vector<16xf32>
        %sub3A_1804 = arith.subf %add3A_1724, %broadcast_in_dim3A_1752 : vector<16xf32>
        %mul3A_1805 = arith.mulf %sub3A_1804, %mul3A_1803 : vector<16xf32>
        %add3A_1806 = arith.addf %mul3A_1805, %get3A_15 : vector<16xf32>
        %swap3A_1807 = arith.constant 0 : i32
        %swap3A_1808 = arith.index_cast %swap3A_1807 : i32 to index
        %swap3A_1809 = arith.index_cast %add3A_1681 : i32 to index
        %swap3A_1810 = arith.constant 48 : index
        %swap3A_1811 = tpu.vector_load %arg10[%swap3A_1808, %swap3A_1809, %swap3A_1810] {strides = array<i32>} : memref<2x400x64xf32, #tpu.memory_space<vmem>>, vector<16xf32>,
        tpu.vector_store %arg10[%swap3A_1808, %swap3A_1809, %swap3A_1810], %add3A_1806 {strides = array<i32>} : memref<2x400x64xf32, #tpu.memory_space<vmem>>, vector<16xf32>,
        %add3A_1812 = arith.constant 13 : i32
        %add3A_1813 = arith.addi %mul3A_100, %add3A_1812 : i32
        %rem3A_1814 = arith.constant 200 : i32
        %rem3A_1815 = arith.remsi %add3A_1813, %rem3A_1814 : i32
        %slice3A_1816 = vector.extract_strided_slice %get3A_104 {offsets = [13], sizes = [1], strides = [1]} : vector<16xi32> to vector<1xi32>
        %squeeze3A_1817 = vector.extract %slice3A_1816[0] : i32 from vector<1xi32>
        %mul3A_1818 = arith.constant 200 : i32
        %mul3A_1819 = arith.muli %squeeze3A_1817, %mul3A_1818 : i32
        %add3A_1820 = arith.addi %mul3A_1819, %rem3A_1815 : i32
        %get3A_1821 = arith.constant 0 : i32
        %get3A_1822 = arith.index_cast %get3A_1821 : i32 to index
        %get3A_1823 = arith.index_cast %add3A_1813 : i32 to index
        %get3A_1824 = arith.constant 0 : index
        %get3A_1825 = tpu.vector_load %arg10[%get3A_1822, %get3A_1823, %get3A_1824] {strides = array<i32>} : memref<2x400x64xf32, #tpu.memory_space<vmem>>, vector<16xf32>,
        %get3A_1826 = arith.index_cast %add3A_1820 : i32 to index
        %get3A_1827 = arith.constant 0 : index
        %get3A_1828 = tpu.vector_load %arg11[%get3A_1826, %get3A_1827] {strides = array<i32>} : memref<400x64xf32, #tpu.memory_space<vmem>>, vector<16xf32>,
        %add3A_1829 = arith.addf %get3A_1825, %get3A_1828 : vector<16xf32>
        %get3A_1830 = arith.constant 0 : i32
        %get3A_1831 = arith.index_cast %get3A_1830 : i32 to index
        %get3A_1832 = arith.index_cast %add3A_1813 : i32 to index
        %get3A_1833 = arith.constant 16 : index
        %get3A_1834 = tpu.vector_load %arg10[%get3A_1831, %get3A_1832, %get3A_1833] {strides = array<i32>} : memref<2x400x64xf32, #tpu.memory_space<vmem>>, vector<16xf32>,
        %get3A_1835 = arith.index_cast %add3A_1820 : i32 to index
        %get3A_1836 = arith.constant 16 : index
        %get3A_1837 = tpu.vector_load %arg11[%get3A_1835, %get3A_1836] {strides = array<i32>} : memref<400x64xf32, #tpu.memory_space<vmem>>, vector<16xf32>,
        %add3A_1838 = arith.addf %get3A_1834, %get3A_1837 : vector<16xf32>
        %get3A_1839 = arith.constant 0 : i32
        %get3A_1840 = arith.index_cast %get3A_1839 : i32 to index
        %get3A_1841 = arith.index_cast %add3A_1813 : i32 to index
        %get3A_1842 = arith.constant 32 : index
        %get3A_1843 = tpu.vector_load %arg10[%get3A_1840, %get3A_1841, %get3A_1842] {strides = array<i32>} : memref<2x400x64xf32, #tpu.memory_space<vmem>>, vector<16xf32>,
        %get3A_1844 = arith.index_cast %add3A_1820 : i32 to index
        %get3A_1845 = arith.constant 32 : index
        %get3A_1846 = tpu.vector_load %arg11[%get3A_1844, %get3A_1845] {strides = array<i32>} : memref<400x64xf32, #tpu.memory_space<vmem>>, vector<16xf32>,
        %add3A_1847 = arith.addf %get3A_1843, %get3A_1846 : vector<16xf32>
        %get3A_1848 = arith.constant 0 : i32
        %get3A_1849 = arith.index_cast %get3A_1848 : i32 to index
        %get3A_1850 = arith.index_cast %add3A_1813 : i32 to index
        %get3A_1851 = arith.constant 48 : index
        %get3A_1852 = tpu.vector_load %arg10[%get3A_1849, %get3A_1850, %get3A_1851] {strides = array<i32>} : memref<2x400x64xf32, #tpu.memory_space<vmem>>, vector<16xf32>,
        %get3A_1853 = arith.index_cast %add3A_1820 : i32 to index
        %get3A_1854 = arith.constant 48 : index
        %get3A_1855 = tpu.vector_load %arg11[%get3A_1853, %get3A_1854] {strides = array<i32>} : memref<400x64xf32, #tpu.memory_space<vmem>>, vector<16xf32>,
        %add3A_1856 = arith.addf %get3A_1852, %get3A_1855 : vector<16xf32>
        %add3A_1857 = arith.addf %add3A_1829, %add3A_1838 : vector<16xf32>
        %add3A_1858 = arith.addf %add3A_1847, %add3A_1856 : vector<16xf32>
        %add3A_1859 = arith.addf %add3A_1857, %add3A_1858 : vector<16xf32>
        %reduce_sum3A_1860 = arith.constant true
        %reduce_sum3A_1861 = vector.broadcast %reduce_sum3A_1860 : i1 to vector<16xi1>
        %reduce_sum3A_1862 = tpu.scan <sum>, %add3A_1859 masked %reduce_sum3A_1861 : vector<16xf32>, vector<16xi1> -> vector<16xf32>
        %reduce_sum3A_1863 = vector.extract %reduce_sum3A_1862[15] : f32 from vector<16xf32>
        %mul3A_1864 = arith.mulf %add3A_1829, %add3A_1829 : vector<16xf32>
        %mul3A_1865 = arith.mulf %add3A_1838, %add3A_1838 : vector<16xf32>
        %add3A_1866 = arith.addf %mul3A_1864, %mul3A_1865 : vector<16xf32>
        %mul3A_1867 = arith.mulf %add3A_1847, %add3A_1847 : vector<16xf32>
        %add3A_1868 = arith.addf %add3A_1866, %mul3A_1867 : vector<16xf32>
        %mul3A_1869 = arith.mulf %add3A_1856, %add3A_1856 : vector<16xf32>
        %add3A_1870 = arith.addf %add3A_1868, %mul3A_1869 : vector<16xf32>
        %reduce_sum3A_1871 = arith.constant true
        %reduce_sum3A_1872 = vector.broadcast %reduce_sum3A_1871 : i1 to vector<16xi1>
        %reduce_sum3A_1873 = tpu.scan <sum>, %add3A_1870 masked %reduce_sum3A_1872 : vector<16xf32>, vector<16xi1> -> vector<16xf32>
        %reduce_sum3A_1874 = vector.extract %reduce_sum3A_1873[15] : f32 from vector<16xf32>
        %mul3A_1875 = arith.constant 1.562500e-02 : f32
        %mul3A_1876 = arith.mulf %reduce_sum3A_1863, %mul3A_1875 : f32
        %mul3A_1877 = arith.constant 1.562500e-02 : f32
        %mul3A_1878 = arith.mulf %reduce_sum3A_1874, %mul3A_1877 : f32
        %mul3A_1879 = arith.mulf %mul3A_1876, %mul3A_1876 : f32
        %sub3A_1880 = arith.subf %mul3A_1878, %mul3A_1879 : f32
        %add3A_1881 = arith.constant 9.99999974E-6 : f32
        %add3A_1882 = arith.addf %sub3A_1880, %add3A_1881 : f32
        %broadcast_in_dim3A_1883 = vector.broadcast %add3A_1882 : f32 to vector<16xf32>
        %broadcast_in_dim3A_1884 = vector.broadcast %mul3A_1876 : f32 to vector<16xf32>
        %bitcast_convert_type3A_1885 = tpu.bitcast %broadcast_in_dim3A_1883 : vector<16xf32> -> vector<16xi32>
        %shift_right_arithmetic3A_1886 = arith.constant 1 : i32
        %shift_right_arithmetic3A_1887 = vector.broadcast %shift_right_arithmetic3A_1886 : i32 to vector<16xi32>
        %shift_right_arithmetic3A_1888 = arith.shrsi %bitcast_convert_type3A_1885, %shift_right_arithmetic3A_1887 : vector<16xi32>
        %sub3A_1889 = arith.constant 1597463007 : i32
        %sub3A_1890 = vector.broadcast %sub3A_1889 : i32 to vector<16xi32>
        %sub3A_1891 = arith.subi %sub3A_1890, %shift_right_arithmetic3A_1888 : vector<16xi32>
        %bitcast_convert_type3A_1892 = tpu.bitcast %sub3A_1891 : vector<16xi32> -> vector<16xf32>
        %mul3A_1893 = arith.constant 5.000000e-01 : f32
        %mul3A_1894 = vector.broadcast %mul3A_1893 : f32 to vector<16xf32>
        %mul3A_1895 = arith.mulf %broadcast_in_dim3A_1883, %mul3A_1894 : vector<16xf32>
        %mul3A_1896 = arith.mulf %mul3A_1895, %bitcast_convert_type3A_1892 : vector<16xf32>
        %mul3A_1897 = arith.mulf %mul3A_1896, %bitcast_convert_type3A_1892 : vector<16xf32>
        %sub3A_1898 = arith.constant 1.500000e+00 : f32
        %sub3A_1899 = vector.broadcast %sub3A_1898 : f32 to vector<16xf32>
        %sub3A_1900 = arith.subf %sub3A_1899, %mul3A_1897 : vector<16xf32>
        %mul3A_1901 = arith.mulf %bitcast_convert_type3A_1892, %sub3A_1900 : vector<16xf32>
        %mul3A_1902 = arith.mulf %mul3A_1895, %mul3A_1901 : vector<16xf32>
        %mul3A_1903 = arith.mulf %mul3A_1902, %mul3A_1901 : vector<16xf32>
        %sub3A_1904 = arith.constant 1.500000e+00 : f32
        %sub3A_1905 = vector.broadcast %sub3A_1904 : f32 to vector<16xf32>
        %sub3A_1906 = arith.subf %sub3A_1905, %mul3A_1903 : vector<16xf32>
        %mul3A_1907 = arith.mulf %mul3A_1901, %sub3A_1906 : vector<16xf32>
        %mul3A_1908 = arith.mulf %mul3A_1907, %get3A_1 : vector<16xf32>
        %sub3A_1909 = arith.subf %add3A_1829, %broadcast_in_dim3A_1884 : vector<16xf32>
        %mul3A_1910 = arith.mulf %sub3A_1909, %mul3A_1908 : vector<16xf32>
        %add3A_1911 = arith.addf %mul3A_1910, %get3A_9 : vector<16xf32>
        %swap3A_1912 = arith.constant 0 : i32
        %swap3A_1913 = arith.index_cast %swap3A_1912 : i32 to index
        %swap3A_1914 = arith.index_cast %add3A_1813 : i32 to index
        %swap3A_1915 = arith.constant 0 : index
        %swap3A_1916 = tpu.vector_load %arg10[%swap3A_1913, %swap3A_1914, %swap3A_1915] {strides = array<i32>} : memref<2x400x64xf32, #tpu.memory_space<vmem>>, vector<16xf32>,
        tpu.vector_store %arg10[%swap3A_1913, %swap3A_1914, %swap3A_1915], %add3A_1911 {strides = array<i32>} : memref<2x400x64xf32, #tpu.memory_space<vmem>>, vector<16xf32>,
        %mul3A_1917 = arith.mulf %mul3A_1907, %get3A_3 : vector<16xf32>
        %sub3A_1918 = arith.subf %add3A_1838, %broadcast_in_dim3A_1884 : vector<16xf32>
        %mul3A_1919 = arith.mulf %sub3A_1918, %mul3A_1917 : vector<16xf32>
        %add3A_1920 = arith.addf %mul3A_1919, %get3A_11 : vector<16xf32>
        %swap3A_1921 = arith.constant 0 : i32
        %swap3A_1922 = arith.index_cast %swap3A_1921 : i32 to index
        %swap3A_1923 = arith.index_cast %add3A_1813 : i32 to index
        %swap3A_1924 = arith.constant 16 : index
        %swap3A_1925 = tpu.vector_load %arg10[%swap3A_1922, %swap3A_1923, %swap3A_1924] {strides = array<i32>} : memref<2x400x64xf32, #tpu.memory_space<vmem>>, vector<16xf32>,
        tpu.vector_store %arg10[%swap3A_1922, %swap3A_1923, %swap3A_1924], %add3A_1920 {strides = array<i32>} : memref<2x400x64xf32, #tpu.memory_space<vmem>>, vector<16xf32>,
        %mul3A_1926 = arith.mulf %mul3A_1907, %get3A_5 : vector<16xf32>
        %sub3A_1927 = arith.subf %add3A_1847, %broadcast_in_dim3A_1884 : vector<16xf32>
        %mul3A_1928 = arith.mulf %sub3A_1927, %mul3A_1926 : vector<16xf32>
        %add3A_1929 = arith.addf %mul3A_1928, %get3A_13 : vector<16xf32>
        %swap3A_1930 = arith.constant 0 : i32
        %swap3A_1931 = arith.index_cast %swap3A_1930 : i32 to index
        %swap3A_1932 = arith.index_cast %add3A_1813 : i32 to index
        %swap3A_1933 = arith.constant 32 : index
        %swap3A_1934 = tpu.vector_load %arg10[%swap3A_1931, %swap3A_1932, %swap3A_1933] {strides = array<i32>} : memref<2x400x64xf32, #tpu.memory_space<vmem>>, vector<16xf32>,
        tpu.vector_store %arg10[%swap3A_1931, %swap3A_1932, %swap3A_1933], %add3A_1929 {strides = array<i32>} : memref<2x400x64xf32, #tpu.memory_space<vmem>>, vector<16xf32>,
        %mul3A_1935 = arith.mulf %mul3A_1907, %get3A_7 : vector<16xf32>
        %sub3A_1936 = arith.subf %add3A_1856, %broadcast_in_dim3A_1884 : vector<16xf32>
        %mul3A_1937 = arith.mulf %sub3A_1936, %mul3A_1935 : vector<16xf32>
        %add3A_1938 = arith.addf %mul3A_1937, %get3A_15 : vector<16xf32>
        %swap3A_1939 = arith.constant 0 : i32
        %swap3A_1940 = arith.index_cast %swap3A_1939 : i32 to index
        %swap3A_1941 = arith.index_cast %add3A_1813 : i32 to index
        %swap3A_1942 = arith.constant 48 : index
        %swap3A_1943 = tpu.vector_load %arg10[%swap3A_1940, %swap3A_1941, %swap3A_1942] {strides = array<i32>} : memref<2x400x64xf32, #tpu.memory_space<vmem>>, vector<16xf32>,
        tpu.vector_store %arg10[%swap3A_1940, %swap3A_1941, %swap3A_1942], %add3A_1938 {strides = array<i32>} : memref<2x400x64xf32, #tpu.memory_space<vmem>>, vector<16xf32>,
        %add3A_1944 = arith.constant 14 : i32
        %add3A_1945 = arith.addi %mul3A_100, %add3A_1944 : i32
        %rem3A_1946 = arith.constant 200 : i32
        %rem3A_1947 = arith.remsi %add3A_1945, %rem3A_1946 : i32
        %slice3A_1948 = vector.extract_strided_slice %get3A_104 {offsets = [14], sizes = [1], strides = [1]} : vector<16xi32> to vector<1xi32>
        %squeeze3A_1949 = vector.extract %slice3A_1948[0] : i32 from vector<1xi32>
        %mul3A_1950 = arith.constant 200 : i32
        %mul3A_1951 = arith.muli %squeeze3A_1949, %mul3A_1950 : i32
        %add3A_1952 = arith.addi %mul3A_1951, %rem3A_1947 : i32
        %get3A_1953 = arith.constant 0 : i32
        %get3A_1954 = arith.index_cast %get3A_1953 : i32 to index
        %get3A_1955 = arith.index_cast %add3A_1945 : i32 to index
        %get3A_1956 = arith.constant 0 : index
        %get3A_1957 = tpu.vector_load %arg10[%get3A_1954, %get3A_1955, %get3A_1956] {strides = array<i32>} : memref<2x400x64xf32, #tpu.memory_space<vmem>>, vector<16xf32>,
        %get3A_1958 = arith.index_cast %add3A_1952 : i32 to index
        %get3A_1959 = arith.constant 0 : index
        %get3A_1960 = tpu.vector_load %arg11[%get3A_1958, %get3A_1959] {strides = array<i32>} : memref<400x64xf32, #tpu.memory_space<vmem>>, vector<16xf32>,
        %add3A_1961 = arith.addf %get3A_1957, %get3A_1960 : vector<16xf32>
        %get3A_1962 = arith.constant 0 : i32
        %get3A_1963 = arith.index_cast %get3A_1962 : i32 to index
        %get3A_1964 = arith.index_cast %add3A_1945 : i32 to index
        %get3A_1965 = arith.constant 16 : index
        %get3A_1966 = tpu.vector_load %arg10[%get3A_1963, %get3A_1964, %get3A_1965] {strides = array<i32>} : memref<2x400x64xf32, #tpu.memory_space<vmem>>, vector<16xf32>,
        %get3A_1967 = arith.index_cast %add3A_1952 : i32 to index
        %get3A_1968 = arith.constant 16 : index
        %get3A_1969 = tpu.vector_load %arg11[%get3A_1967, %get3A_1968] {strides = array<i32>} : memref<400x64xf32, #tpu.memory_space<vmem>>, vector<16xf32>,
        %add3A_1970 = arith.addf %get3A_1966, %get3A_1969 : vector<16xf32>
        %get3A_1971 = arith.constant 0 : i32
        %get3A_1972 = arith.index_cast %get3A_1971 : i32 to index
        %get3A_1973 = arith.index_cast %add3A_1945 : i32 to index
        %get3A_1974 = arith.constant 32 : index
        %get3A_1975 = tpu.vector_load %arg10[%get3A_1972, %get3A_1973, %get3A_1974] {strides = array<i32>} : memref<2x400x64xf32, #tpu.memory_space<vmem>>, vector<16xf32>,
        %get3A_1976 = arith.index_cast %add3A_1952 : i32 to index
        %get3A_1977 = arith.constant 32 : index
        %get3A_1978 = tpu.vector_load %arg11[%get3A_1976, %get3A_1977] {strides = array<i32>} : memref<400x64xf32, #tpu.memory_space<vmem>>, vector<16xf32>,
        %add3A_1979 = arith.addf %get3A_1975, %get3A_1978 : vector<16xf32>
        %get3A_1980 = arith.constant 0 : i32
        %get3A_1981 = arith.index_cast %get3A_1980 : i32 to index
        %get3A_1982 = arith.index_cast %add3A_1945 : i32 to index
        %get3A_1983 = arith.constant 48 : index
        %get3A_1984 = tpu.vector_load %arg10[%get3A_1981, %get3A_1982, %get3A_1983] {strides = array<i32>} : memref<2x400x64xf32, #tpu.memory_space<vmem>>, vector<16xf32>,
        %get3A_1985 = arith.index_cast %add3A_1952 : i32 to index
        %get3A_1986 = arith.constant 48 : index
        %get3A_1987 = tpu.vector_load %arg11[%get3A_1985, %get3A_1986] {strides = array<i32>} : memref<400x64xf32, #tpu.memory_space<vmem>>, vector<16xf32>,
        %add3A_1988 = arith.addf %get3A_1984, %get3A_1987 : vector<16xf32>
        %add3A_1989 = arith.addf %add3A_1961, %add3A_1970 : vector<16xf32>
        %add3A_1990 = arith.addf %add3A_1979, %add3A_1988 : vector<16xf32>
        %add3A_1991 = arith.addf %add3A_1989, %add3A_1990 : vector<16xf32>
        %reduce_sum3A_1992 = arith.constant true
        %reduce_sum3A_1993 = vector.broadcast %reduce_sum3A_1992 : i1 to vector<16xi1>
        %reduce_sum3A_1994 = tpu.scan <sum>, %add3A_1991 masked %reduce_sum3A_1993 : vector<16xf32>, vector<16xi1> -> vector<16xf32>
        %reduce_sum3A_1995 = vector.extract %reduce_sum3A_1994[15] : f32 from vector<16xf32>
        %mul3A_1996 = arith.mulf %add3A_1961, %add3A_1961 : vector<16xf32>
        %mul3A_1997 = arith.mulf %add3A_1970, %add3A_1970 : vector<16xf32>
        %add3A_1998 = arith.addf %mul3A_1996, %mul3A_1997 : vector<16xf32>
        %mul3A_1999 = arith.mulf %add3A_1979, %add3A_1979 : vector<16xf32>
        %add3A_2000 = arith.addf %add3A_1998, %mul3A_1999 : vector<16xf32>
        %mul3A_2001 = arith.mulf %add3A_1988, %add3A_1988 : vector<16xf32>
        %add3A_2002 = arith.addf %add3A_2000, %mul3A_2001 : vector<16xf32>
        %reduce_sum3A_2003 = arith.constant true
        %reduce_sum3A_2004 = vector.broadcast %reduce_sum3A_2003 : i1 to vector<16xi1>
        %reduce_sum3A_2005 = tpu.scan <sum>, %add3A_2002 masked %reduce_sum3A_2004 : vector<16xf32>, vector<16xi1> -> vector<16xf32>
        %reduce_sum3A_2006 = vector.extract %reduce_sum3A_2005[15] : f32 from vector<16xf32>
        %mul3A_2007 = arith.constant 1.562500e-02 : f32
        %mul3A_2008 = arith.mulf %reduce_sum3A_1995, %mul3A_2007 : f32
        %mul3A_2009 = arith.constant 1.562500e-02 : f32
        %mul3A_2010 = arith.mulf %reduce_sum3A_2006, %mul3A_2009 : f32
        %mul3A_2011 = arith.mulf %mul3A_2008, %mul3A_2008 : f32
        %sub3A_2012 = arith.subf %mul3A_2010, %mul3A_2011 : f32
        %add3A_2013 = arith.constant 9.99999974E-6 : f32
        %add3A_2014 = arith.addf %sub3A_2012, %add3A_2013 : f32
        %broadcast_in_dim3A_2015 = vector.broadcast %add3A_2014 : f32 to vector<16xf32>
        %broadcast_in_dim3A_2016 = vector.broadcast %mul3A_2008 : f32 to vector<16xf32>
        %bitcast_convert_type3A_2017 = tpu.bitcast %broadcast_in_dim3A_2015 : vector<16xf32> -> vector<16xi32>
        %shift_right_arithmetic3A_2018 = arith.constant 1 : i32
        %shift_right_arithmetic3A_2019 = vector.broadcast %shift_right_arithmetic3A_2018 : i32 to vector<16xi32>
        %shift_right_arithmetic3A_2020 = arith.shrsi %bitcast_convert_type3A_2017, %shift_right_arithmetic3A_2019 : vector<16xi32>
        %sub3A_2021 = arith.constant 1597463007 : i32
        %sub3A_2022 = vector.broadcast %sub3A_2021 : i32 to vector<16xi32>
        %sub3A_2023 = arith.subi %sub3A_2022, %shift_right_arithmetic3A_2020 : vector<16xi32>
        %bitcast_convert_type3A_2024 = tpu.bitcast %sub3A_2023 : vector<16xi32> -> vector<16xf32>
        %mul3A_2025 = arith.constant 5.000000e-01 : f32
        %mul3A_2026 = vector.broadcast %mul3A_2025 : f32 to vector<16xf32>
        %mul3A_2027 = arith.mulf %broadcast_in_dim3A_2015, %mul3A_2026 : vector<16xf32>
        %mul3A_2028 = arith.mulf %mul3A_2027, %bitcast_convert_type3A_2024 : vector<16xf32>
        %mul3A_2029 = arith.mulf %mul3A_2028, %bitcast_convert_type3A_2024 : vector<16xf32>
        %sub3A_2030 = arith.constant 1.500000e+00 : f32
        %sub3A_2031 = vector.broadcast %sub3A_2030 : f32 to vector<16xf32>
        %sub3A_2032 = arith.subf %sub3A_2031, %mul3A_2029 : vector<16xf32>
        %mul3A_2033 = arith.mulf %bitcast_convert_type3A_2024, %sub3A_2032 : vector<16xf32>
        %mul3A_2034 = arith.mulf %mul3A_2027, %mul3A_2033 : vector<16xf32>
        %mul3A_2035 = arith.mulf %mul3A_2034, %mul3A_2033 : vector<16xf32>
        %sub3A_2036 = arith.constant 1.500000e+00 : f32
        %sub3A_2037 = vector.broadcast %sub3A_2036 : f32 to vector<16xf32>
        %sub3A_2038 = arith.subf %sub3A_2037, %mul3A_2035 : vector<16xf32>
        %mul3A_2039 = arith.mulf %mul3A_2033, %sub3A_2038 : vector<16xf32>
        %mul3A_2040 = arith.mulf %mul3A_2039, %get3A_1 : vector<16xf32>
        %sub3A_2041 = arith.subf %add3A_1961, %broadcast_in_dim3A_2016 : vector<16xf32>
        %mul3A_2042 = arith.mulf %sub3A_2041, %mul3A_2040 : vector<16xf32>
        %add3A_2043 = arith.addf %mul3A_2042, %get3A_9 : vector<16xf32>
        %swap3A_2044 = arith.constant 0 : i32
        %swap3A_2045 = arith.index_cast %swap3A_2044 : i32 to index
        %swap3A_2046 = arith.index_cast %add3A_1945 : i32 to index
        %swap3A_2047 = arith.constant 0 : index
        %swap3A_2048 = tpu.vector_load %arg10[%swap3A_2045, %swap3A_2046, %swap3A_2047] {strides = array<i32>} : memref<2x400x64xf32, #tpu.memory_space<vmem>>, vector<16xf32>,
        tpu.vector_store %arg10[%swap3A_2045, %swap3A_2046, %swap3A_2047], %add3A_2043 {strides = array<i32>} : memref<2x400x64xf32, #tpu.memory_space<vmem>>, vector<16xf32>,
        %mul3A_2049 = arith.mulf %mul3A_2039, %get3A_3 : vector<16xf32>
        %sub3A_2050 = arith.subf %add3A_1970, %broadcast_in_dim3A_2016 : vector<16xf32>
        %mul3A_2051 = arith.mulf %sub3A_2050, %mul3A_2049 : vector<16xf32>
        %add3A_2052 = arith.addf %mul3A_2051, %get3A_11 : vector<16xf32>
        %swap3A_2053 = arith.constant 0 : i32
        %swap3A_2054 = arith.index_cast %swap3A_2053 : i32 to index
        %swap3A_2055 = arith.index_cast %add3A_1945 : i32 to index
        %swap3A_2056 = arith.constant 16 : index
        %swap3A_2057 = tpu.vector_load %arg10[%swap3A_2054, %swap3A_2055, %swap3A_2056] {strides = array<i32>} : memref<2x400x64xf32, #tpu.memory_space<vmem>>, vector<16xf32>,
        tpu.vector_store %arg10[%swap3A_2054, %swap3A_2055, %swap3A_2056], %add3A_2052 {strides = array<i32>} : memref<2x400x64xf32, #tpu.memory_space<vmem>>, vector<16xf32>,
        %mul3A_2058 = arith.mulf %mul3A_2039, %get3A_5 : vector<16xf32>
        %sub3A_2059 = arith.subf %add3A_1979, %broadcast_in_dim3A_2016 : vector<16xf32>
        %mul3A_2060 = arith.mulf %sub3A_2059, %mul3A_2058 : vector<16xf32>
        %add3A_2061 = arith.addf %mul3A_2060, %get3A_13 : vector<16xf32>
        %swap3A_2062 = arith.constant 0 : i32
        %swap3A_2063 = arith.index_cast %swap3A_2062 : i32 to index
        %swap3A_2064 = arith.index_cast %add3A_1945 : i32 to index
        %swap3A_2065 = arith.constant 32 : index
        %swap3A_2066 = tpu.vector_load %arg10[%swap3A_2063, %swap3A_2064, %swap3A_2065] {strides = array<i32>} : memref<2x400x64xf32, #tpu.memory_space<vmem>>, vector<16xf32>,
        tpu.vector_store %arg10[%swap3A_2063, %swap3A_2064, %swap3A_2065], %add3A_2061 {strides = array<i32>} : memref<2x400x64xf32, #tpu.memory_space<vmem>>, vector<16xf32>,
        %mul3A_2067 = arith.mulf %mul3A_2039, %get3A_7 : vector<16xf32>
        %sub3A_2068 = arith.subf %add3A_1988, %broadcast_in_dim3A_2016 : vector<16xf32>
        %mul3A_2069 = arith.mulf %sub3A_2068, %mul3A_2067 : vector<16xf32>
        %add3A_2070 = arith.addf %mul3A_2069, %get3A_15 : vector<16xf32>
        %swap3A_2071 = arith.constant 0 : i32
        %swap3A_2072 = arith.index_cast %swap3A_2071 : i32 to index
        %swap3A_2073 = arith.index_cast %add3A_1945 : i32 to index
        %swap3A_2074 = arith.constant 48 : index
        %swap3A_2075 = tpu.vector_load %arg10[%swap3A_2072, %swap3A_2073, %swap3A_2074] {strides = array<i32>} : memref<2x400x64xf32, #tpu.memory_space<vmem>>, vector<16xf32>,
        tpu.vector_store %arg10[%swap3A_2072, %swap3A_2073, %swap3A_2074], %add3A_2070 {strides = array<i32>} : memref<2x400x64xf32, #tpu.memory_space<vmem>>, vector<16xf32>,
        %add3A_2076 = arith.constant 15 : i32
        %add3A_2077 = arith.addi %mul3A_100, %add3A_2076 : i32
        %rem3A_2078 = arith.constant 200 : i32
        %rem3A_2079 = arith.remsi %add3A_2077, %rem3A_2078 : i32
        %slice3A_2080 = vector.extract_strided_slice %get3A_104 {offsets = [15], sizes = [1], strides = [1]} : vector<16xi32> to vector<1xi32>
        %squeeze3A_2081 = vector.extract %slice3A_2080[0] : i32 from vector<1xi32>
        %mul3A_2082 = arith.constant 200 : i32
        %mul3A_2083 = arith.muli %squeeze3A_2081, %mul3A_2082 : i32
        %add3A_2084 = arith.addi %mul3A_2083, %rem3A_2079 : i32
        %get3A_2085 = arith.constant 0 : i32
        %get3A_2086 = arith.index_cast %get3A_2085 : i32 to index
        %get3A_2087 = arith.index_cast %add3A_2077 : i32 to index
        %get3A_2088 = arith.constant 0 : index
        %get3A_2089 = tpu.vector_load %arg10[%get3A_2086, %get3A_2087, %get3A_2088] {strides = array<i32>} : memref<2x400x64xf32, #tpu.memory_space<vmem>>, vector<16xf32>,
        %get3A_2090 = arith.index_cast %add3A_2084 : i32 to index
        %get3A_2091 = arith.constant 0 : index
        %get3A_2092 = tpu.vector_load %arg11[%get3A_2090, %get3A_2091] {strides = array<i32>} : memref<400x64xf32, #tpu.memory_space<vmem>>, vector<16xf32>,
        %add3A_2093 = arith.addf %get3A_2089, %get3A_2092 : vector<16xf32>
        %get3A_2094 = arith.constant 0 : i32
        %get3A_2095 = arith.index_cast %get3A_2094 : i32 to index
        %get3A_2096 = arith.index_cast %add3A_2077 : i32 to index
        %get3A_2097 = arith.constant 16 : index
        %get3A_2098 = tpu.vector_load %arg10[%get3A_2095, %get3A_2096, %get3A_2097] {strides = array<i32>} : memref<2x400x64xf32, #tpu.memory_space<vmem>>, vector<16xf32>,
        %get3A_2099 = arith.index_cast %add3A_2084 : i32 to index
        %get3A_2100 = arith.constant 16 : index
        %get3A_2101 = tpu.vector_load %arg11[%get3A_2099, %get3A_2100] {strides = array<i32>} : memref<400x64xf32, #tpu.memory_space<vmem>>, vector<16xf32>,
        %add3A_2102 = arith.addf %get3A_2098, %get3A_2101 : vector<16xf32>
        %get3A_2103 = arith.constant 0 : i32
        %get3A_2104 = arith.index_cast %get3A_2103 : i32 to index
        %get3A_2105 = arith.index_cast %add3A_2077 : i32 to index
        %get3A_2106 = arith.constant 32 : index
        %get3A_2107 = tpu.vector_load %arg10[%get3A_2104, %get3A_2105, %get3A_2106] {strides = array<i32>} : memref<2x400x64xf32, #tpu.memory_space<vmem>>, vector<16xf32>,
        %get3A_2108 = arith.index_cast %add3A_2084 : i32 to index
        %get3A_2109 = arith.constant 32 : index
        %get3A_2110 = tpu.vector_load %arg11[%get3A_2108, %get3A_2109] {strides = array<i32>} : memref<400x64xf32, #tpu.memory_space<vmem>>, vector<16xf32>,
        %add3A_2111 = arith.addf %get3A_2107, %get3A_2110 : vector<16xf32>
        %get3A_2112 = arith.constant 0 : i32
        %get3A_2113 = arith.index_cast %get3A_2112 : i32 to index
        %get3A_2114 = arith.index_cast %add3A_2077 : i32 to index
        %get3A_2115 = arith.constant 48 : index
        %get3A_2116 = tpu.vector_load %arg10[%get3A_2113, %get3A_2114, %get3A_2115] {strides = array<i32>} : memref<2x400x64xf32, #tpu.memory_space<vmem>>, vector<16xf32>,
        %get3A_2117 = arith.index_cast %add3A_2084 : i32 to index
        %get3A_2118 = arith.constant 48 : index
        %get3A_2119 = tpu.vector_load %arg11[%get3A_2117, %get3A_2118] {strides = array<i32>} : memref<400x64xf32, #tpu.memory_space<vmem>>, vector<16xf32>,
        %add3A_2120 = arith.addf %get3A_2116, %get3A_2119 : vector<16xf32>
        %add3A_2121 = arith.addf %add3A_2093, %add3A_2102 : vector<16xf32>
        %add3A_2122 = arith.addf %add3A_2111, %add3A_2120 : vector<16xf32>
        %add3A_2123 = arith.addf %add3A_2121, %add3A_2122 : vector<16xf32>
        %reduce_sum3A_2124 = arith.constant true
        %reduce_sum3A_2125 = vector.broadcast %reduce_sum3A_2124 : i1 to vector<16xi1>
        %reduce_sum3A_2126 = tpu.scan <sum>, %add3A_2123 masked %reduce_sum3A_2125 : vector<16xf32>, vector<16xi1> -> vector<16xf32>
        %reduce_sum3A_2127 = vector.extract %reduce_sum3A_2126[15] : f32 from vector<16xf32>
        %mul3A_2128 = arith.mulf %add3A_2093, %add3A_2093 : vector<16xf32>
        %mul3A_2129 = arith.mulf %add3A_2102, %add3A_2102 : vector<16xf32>
        %add3A_2130 = arith.addf %mul3A_2128, %mul3A_2129 : vector<16xf32>
        %mul3A_2131 = arith.mulf %add3A_2111, %add3A_2111 : vector<16xf32>
        %add3A_2132 = arith.addf %add3A_2130, %mul3A_2131 : vector<16xf32>
        %mul3A_2133 = arith.mulf %add3A_2120, %add3A_2120 : vector<16xf32>
        %add3A_2134 = arith.addf %add3A_2132, %mul3A_2133 : vector<16xf32>
        %reduce_sum3A_2135 = arith.constant true
        %reduce_sum3A_2136 = vector.broadcast %reduce_sum3A_2135 : i1 to vector<16xi1>
        %reduce_sum3A_2137 = tpu.scan <sum>, %add3A_2134 masked %reduce_sum3A_2136 : vector<16xf32>, vector<16xi1> -> vector<16xf32>
        %reduce_sum3A_2138 = vector.extract %reduce_sum3A_2137[15] : f32 from vector<16xf32>
        %mul3A_2139 = arith.constant 1.562500e-02 : f32
        %mul3A_2140 = arith.mulf %reduce_sum3A_2127, %mul3A_2139 : f32
        %mul3A_2141 = arith.constant 1.562500e-02 : f32
        %mul3A_2142 = arith.mulf %reduce_sum3A_2138, %mul3A_2141 : f32
        %mul3A_2143 = arith.mulf %mul3A_2140, %mul3A_2140 : f32
        %sub3A_2144 = arith.subf %mul3A_2142, %mul3A_2143 : f32
        %add3A_2145 = arith.constant 9.99999974E-6 : f32
        %add3A_2146 = arith.addf %sub3A_2144, %add3A_2145 : f32
        %broadcast_in_dim3A_2147 = vector.broadcast %add3A_2146 : f32 to vector<16xf32>
        %broadcast_in_dim3A_2148 = vector.broadcast %mul3A_2140 : f32 to vector<16xf32>
        %bitcast_convert_type3A_2149 = tpu.bitcast %broadcast_in_dim3A_2147 : vector<16xf32> -> vector<16xi32>
        %shift_right_arithmetic3A_2150 = arith.constant 1 : i32
        %shift_right_arithmetic3A_2151 = vector.broadcast %shift_right_arithmetic3A_2150 : i32 to vector<16xi32>
        %shift_right_arithmetic3A_2152 = arith.shrsi %bitcast_convert_type3A_2149, %shift_right_arithmetic3A_2151 : vector<16xi32>
        %sub3A_2153 = arith.constant 1597463007 : i32
        %sub3A_2154 = vector.broadcast %sub3A_2153 : i32 to vector<16xi32>
        %sub3A_2155 = arith.subi %sub3A_2154, %shift_right_arithmetic3A_2152 : vector<16xi32>
        %bitcast_convert_type3A_2156 = tpu.bitcast %sub3A_2155 : vector<16xi32> -> vector<16xf32>
        %mul3A_2157 = arith.constant 5.000000e-01 : f32
        %mul3A_2158 = vector.broadcast %mul3A_2157 : f32 to vector<16xf32>
        %mul3A_2159 = arith.mulf %broadcast_in_dim3A_2147, %mul3A_2158 : vector<16xf32>
        %mul3A_2160 = arith.mulf %mul3A_2159, %bitcast_convert_type3A_2156 : vector<16xf32>
        %mul3A_2161 = arith.mulf %mul3A_2160, %bitcast_convert_type3A_2156 : vector<16xf32>
        %sub3A_2162 = arith.constant 1.500000e+00 : f32
        %sub3A_2163 = vector.broadcast %sub3A_2162 : f32 to vector<16xf32>
        %sub3A_2164 = arith.subf %sub3A_2163, %mul3A_2161 : vector<16xf32>
        %mul3A_2165 = arith.mulf %bitcast_convert_type3A_2156, %sub3A_2164 : vector<16xf32>
        %mul3A_2166 = arith.mulf %mul3A_2159, %mul3A_2165 : vector<16xf32>
        %mul3A_2167 = arith.mulf %mul3A_2166, %mul3A_2165 : vector<16xf32>
        %sub3A_2168 = arith.constant 1.500000e+00 : f32
        %sub3A_2169 = vector.broadcast %sub3A_2168 : f32 to vector<16xf32>
        %sub3A_2170 = arith.subf %sub3A_2169, %mul3A_2167 : vector<16xf32>
        %mul3A_2171 = arith.mulf %mul3A_2165, %sub3A_2170 : vector<16xf32>
        %mul3A_2172 = arith.mulf %mul3A_2171, %get3A_1 : vector<16xf32>
        %sub3A_2173 = arith.subf %add3A_2093, %broadcast_in_dim3A_2148 : vector<16xf32>
        %mul3A_2174 = arith.mulf %sub3A_2173, %mul3A_2172 : vector<16xf32>
        %add3A_2175 = arith.addf %mul3A_2174, %get3A_9 : vector<16xf32>
        %swap3A_2176 = arith.constant 0 : i32
        %swap3A_2177 = arith.index_cast %swap3A_2176 : i32 to index
        %swap3A_2178 = arith.index_cast %add3A_2077 : i32 to index
        %swap3A_2179 = arith.constant 0 : index
        %swap3A_2180 = tpu.vector_load %arg10[%swap3A_2177, %swap3A_2178, %swap3A_2179] {strides = array<i32>} : memref<2x400x64xf32, #tpu.memory_space<vmem>>, vector<16xf32>,
        tpu.vector_store %arg10[%swap3A_2177, %swap3A_2178, %swap3A_2179], %add3A_2175 {strides = array<i32>} : memref<2x400x64xf32, #tpu.memory_space<vmem>>, vector<16xf32>,
        %mul3A_2181 = arith.mulf %mul3A_2171, %get3A_3 : vector<16xf32>
        %sub3A_2182 = arith.subf %add3A_2102, %broadcast_in_dim3A_2148 : vector<16xf32>
        %mul3A_2183 = arith.mulf %sub3A_2182, %mul3A_2181 : vector<16xf32>
        %add3A_2184 = arith.addf %mul3A_2183, %get3A_11 : vector<16xf32>
        %swap3A_2185 = arith.constant 0 : i32
        %swap3A_2186 = arith.index_cast %swap3A_2185 : i32 to index
        %swap3A_2187 = arith.index_cast %add3A_2077 : i32 to index
        %swap3A_2188 = arith.constant 16 : index
        %swap3A_2189 = tpu.vector_load %arg10[%swap3A_2186, %swap3A_2187, %swap3A_2188] {strides = array<i32>} : memref<2x400x64xf32, #tpu.memory_space<vmem>>, vector<16xf32>,
        tpu.vector_store %arg10[%swap3A_2186, %swap3A_2187, %swap3A_2188], %add3A_2184 {strides = array<i32>} : memref<2x400x64xf32, #tpu.memory_space<vmem>>, vector<16xf32>,
        %mul3A_2190 = arith.mulf %mul3A_2171, %get3A_5 : vector<16xf32>
        %sub3A_2191 = arith.subf %add3A_2111, %broadcast_in_dim3A_2148 : vector<16xf32>
        %mul3A_2192 = arith.mulf %sub3A_2191, %mul3A_2190 : vector<16xf32>
        %add3A_2193 = arith.addf %mul3A_2192, %get3A_13 : vector<16xf32>
        %swap3A_2194 = arith.constant 0 : i32
        %swap3A_2195 = arith.index_cast %swap3A_2194 : i32 to index
        %swap3A_2196 = arith.index_cast %add3A_2077 : i32 to index
        %swap3A_2197 = arith.constant 32 : index
        %swap3A_2198 = tpu.vector_load %arg10[%swap3A_2195, %swap3A_2196, %swap3A_2197] {strides = array<i32>} : memref<2x400x64xf32, #tpu.memory_space<vmem>>, vector<16xf32>,
        tpu.vector_store %arg10[%swap3A_2195, %swap3A_2196, %swap3A_2197], %add3A_2193 {strides = array<i32>} : memref<2x400x64xf32, #tpu.memory_space<vmem>>, vector<16xf32>,
        %mul3A_2199 = arith.mulf %mul3A_2171, %get3A_7 : vector<16xf32>
        %sub3A_2200 = arith.subf %add3A_2120, %broadcast_in_dim3A_2148 : vector<16xf32>
        %mul3A_2201 = arith.mulf %sub3A_2200, %mul3A_2199 : vector<16xf32>
        %add3A_2202 = arith.addf %mul3A_2201, %get3A_15 : vector<16xf32>
        %swap3A_2203 = arith.constant 0 : i32
        %swap3A_2204 = arith.index_cast %swap3A_2203 : i32 to index
        %swap3A_2205 = arith.index_cast %add3A_2077 : i32 to index
        %swap3A_2206 = arith.constant 48 : index
        %swap3A_2207 = tpu.vector_load %arg10[%swap3A_2204, %swap3A_2205, %swap3A_2206] {strides = array<i32>} : memref<2x400x64xf32, #tpu.memory_space<vmem>>, vector<16xf32>,
        tpu.vector_store %arg10[%swap3A_2204, %swap3A_2205, %swap3A_2206], %add3A_2202 {strides = array<i32>} : memref<2x400x64xf32, #tpu.memory_space<vmem>>, vector<16xf32>,
      }
      %scan3A_60 = arith.constant 25 : i32
      %mul3A_61 = arith.constant 400 : i32
      %mul3A_62 = arith.muli %mul3A_39, %mul3A_61 : i32
      %add3A_63 = arith.addi %mul3A_17, %mul3A_62 : i32
      %run_scoped3A_64 = arith.constant 0 : i32
      "tpu.region"() ({
        %run_scoped3A_98 = tpu.sem_alloc : memref<!tpu.dma_semaphore, #tpu.memory_space<semaphore_mem>>
        %dma_start3A_99 = arith.constant 0 : i32
        %dma_start3A_100 = arith.constant 0 : i32
        %dma_start3A_101 = tpu.memref_slice %arg10[%run_scoped3A_64, %dma_start3A_99, %dma_start3A_100] : memref<2x400x64xf32, #tpu.memory_space<vmem>> -> memref<1x400x64xf32, #tpu.memory_space<vmem>>
        %dma_start3A_102 = tpu.memref_squeeze %dma_start3A_101 : memref<1x400x64xf32, #tpu.memory_space<vmem>> -> memref<400x64xf32, #tpu.memory_space<vmem>>
        %dma_start3A_103 = arith.constant 0 : i32
        %dma_start3A_104 = tpu.memref_slice %arg7[%add3A_63, %dma_start3A_103] : memref<819200x64xf32, #tpu.memory_space<hbm>> -> memref<400x64xf32, #tpu.memory_space<hbm>>
        %dma_start3A_105 = arith.constant 0 : i32
        %dma_start3A_106 = tpu.memref_slice %arg7[%add3A_63, %dma_start3A_105] : memref<819200x64xf32, #tpu.memory_space<hbm>> -> memref<400x64xf32, #tpu.memory_space<hbm>>
        %dma_start3A_107 = arith.constant 0 : i32
        %dma_start3A_108 = arith.constant 0 : i32
        %dma_start3A_109 = tpu.memref_slice %arg10[%run_scoped3A_64, %dma_start3A_107, %dma_start3A_108] : memref<2x400x64xf32, #tpu.memory_space<vmem>> -> memref<1x400x64xf32, #tpu.memory_space<vmem>>
        %dma_start3A_110 = tpu.memref_squeeze %dma_start3A_109 : memref<1x400x64xf32, #tpu.memory_space<vmem>> -> memref<400x64xf32, #tpu.memory_space<vmem>>
        tpu.enqueue_dma source(%dma_start3A_110 : memref<400x64xf32, #tpu.memory_space<vmem>>) target(%dma_start3A_106 : memref<400x64xf32, #tpu.memory_space<hbm>>) target_semaphore(%run_scoped3A_98 : memref<!tpu.dma_semaphore, #tpu.memory_space<semaphore_mem>>)
        %dma_wait3A_111 = arith.constant 0 : i32
        %dma_wait3A_112 = arith.constant 0 : i32
        %dma_wait3A_113 = tpu.memref_slice %arg10[%run_scoped3A_64, %dma_wait3A_111, %dma_wait3A_112] : memref<2x400x64xf32, #tpu.memory_space<vmem>> -> memref<1x400x64xf32, #tpu.memory_space<vmem>>
        %dma_wait3A_114 = tpu.memref_squeeze %dma_wait3A_113 : memref<1x400x64xf32, #tpu.memory_space<vmem>> -> memref<400x64xf32, #tpu.memory_space<vmem>>
        %dma_wait3A_115 = arith.constant 0 : i32
        %dma_wait3A_116 = tpu.memref_slice %arg7[%add3A_63, %dma_wait3A_115] : memref<819200x64xf32, #tpu.memory_space<hbm>> -> memref<400x64xf32, #tpu.memory_space<hbm>>
        %dma_wait3A_117 = arith.constant 0 : i32
        %dma_wait3A_118 = tpu.memref_slice %arg7[%add3A_63, %dma_wait3A_117] : memref<819200x64xf32, #tpu.memory_space<hbm>> -> memref<400x64xf32, #tpu.memory_space<hbm>>
        %dma_wait3A_119 = arith.constant 0 : i32
        %dma_wait3A_120 = arith.constant 0 : i32
        %dma_wait3A_121 = tpu.memref_slice %arg10[%run_scoped3A_64, %dma_wait3A_119, %dma_wait3A_120] : memref<2x400x64xf32, #tpu.memory_space<vmem>> -> memref<1x400x64xf32, #tpu.memory_space<vmem>>
        %dma_wait3A_122 = tpu.memref_squeeze %dma_wait3A_121 : memref<1x400x64xf32, #tpu.memory_space<vmem>> -> memref<400x64xf32, #tpu.memory_space<vmem>>
        tpu.wait_dma2 semaphore(%run_scoped3A_98 : memref<!tpu.dma_semaphore, #tpu.memory_space<semaphore_mem>>) src(%dma_wait3A_122 : memref<400x64xf32, #tpu.memory_space<vmem>>) dst(%dma_wait3A_118 : memref<400x64xf32, #tpu.memory_space<hbm>>)
        tpu.yield
      }) : () -> ()
      %mul3A_65 = arith.constant 2 : i32
      %mul3A_66 = arith.muli %mul3A_65, %scan3A_37 : i32
      %add3A_67 = arith.constant 1 : i32
      %add3A_68 = arith.addi %mul3A_66, %add3A_67 : i32
      %dma_wait3A_69 = arith.constant 1 : i32
      %dma_wait3A_70 = arith.constant 1 : i32
      %dma_wait3A_71 = arith.constant 0 : i32
      %dma_wait3A_72 = arith.constant 0 : i32
      %dma_wait3A_73 = tpu.memref_slice %arg10[%dma_wait3A_70, %dma_wait3A_71, %dma_wait3A_72] : memref<2x400x64xf32, #tpu.memory_space<vmem>> -> memref<1x400x64xf32, #tpu.memory_space<vmem>>
      %dma_wait3A_74 = tpu.memref_squeeze %dma_wait3A_73 : memref<1x400x64xf32, #tpu.memory_space<vmem>> -> memref<400x64xf32, #tpu.memory_space<vmem>>
      %dma_wait3A_75 = arith.constant 0 : i32
      %dma_wait3A_76 = tpu.memref_slice %arg8[%dma_wait3A_69, %dma_wait3A_75] : memref<2x400xi32, #tpu.memory_space<vmem>> -> memref<1x400xi32, #tpu.memory_space<vmem>>
      %dma_wait3A_77 = tpu.memref_squeeze %dma_wait3A_76 : memref<1x400xi32, #tpu.memory_space<vmem>> -> memref<400xi32, #tpu.memory_space<vmem>>
      %dma_wait3A_78 = arith.constant 0 : i32
      %dma_wait3A_79 = arith.constant 0 : i32
      %dma_wait3A_80 = tpu.memref_slice %arg5[%dma_wait3A_78, %dma_wait3A_79] : memref<100000x64xf32, #tpu.memory_space<hbm>> -> memref<100000x64xf32, #tpu.memory_space<hbm>>
      tpu.wait_indirect_dma semaphore(%arg14 : memref<!tpu.dma_semaphore, #tpu.memory_space<semaphore_mem>>) src(%dma_wait3A_80 : memref<100000x64xf32, #tpu.memory_space<hbm>>) dst(%dma_wait3A_74 : memref<400x64xf32, #tpu.memory_space<vmem>>)
      %add3A_81 = arith.constant 1 : i32
      %add3A_82 = arith.addi %add3A_68, %add3A_81 : i32
      %lt3A_83 = arith.constant 64 : i32
      %lt3A_84 = arith.cmpi slt, %add3A_82, %lt3A_83 : i32
      %convert_element_type3A_85 = arith.extui %lt3A_84 : i1 to i32
      %cond3A_86 = arith.constant 0 : i32
      %cond3A_87 = arith.cmpi ne, %convert_element_type3A_85, %cond3A_86 : i32
      scf.if %cond3A_87 {
        %add3A_98 = arith.constant 1 : i32
        %add3A_99 = arith.addi %add3A_68, %add3A_98 : i32
        %mul3A_100 = arith.constant 400 : i32
        %mul3A_101 = arith.muli %add3A_99, %mul3A_100 : i32
        %add3A_102 = arith.addi %mul3A_17, %mul3A_101 : i32
        %run_scoped3A_103 = arith.constant 0 : i32
        "tpu.region"() ({
          %run_scoped3A_117 = tpu.sem_alloc : memref<!tpu.dma_semaphore, #tpu.memory_space<semaphore_mem>>
          %dma_start3A_118 = arith.constant 0 : i32
          %dma_start3A_119 = tpu.memref_slice %arg8[%run_scoped3A_103, %dma_start3A_118] : memref<2x400xi32, #tpu.memory_space<vmem>> -> memref<1x400xi32, #tpu.memory_space<vmem>>
          %dma_start3A_120 = tpu.memref_squeeze %dma_start3A_119 : memref<1x400xi32, #tpu.memory_space<vmem>> -> memref<400xi32, #tpu.memory_space<vmem>>
          %dma_start3A_121 = tpu.memref_slice %arg2[%add3A_102] : memref<819200xi32, #tpu.memory_space<hbm>> -> memref<400xi32, #tpu.memory_space<hbm>>
          %dma_start3A_122 = arith.constant 0 : i32
          %dma_start3A_123 = tpu.memref_slice %arg8[%run_scoped3A_103, %dma_start3A_122] : memref<2x400xi32, #tpu.memory_space<vmem>> -> memref<1x400xi32, #tpu.memory_space<vmem>>
          %dma_start3A_124 = tpu.memref_squeeze %dma_start3A_123 : memref<1x400xi32, #tpu.memory_space<vmem>> -> memref<400xi32, #tpu.memory_space<vmem>>
          %dma_start3A_125 = tpu.memref_slice %arg2[%add3A_102] : memref<819200xi32, #tpu.memory_space<hbm>> -> memref<400xi32, #tpu.memory_space<hbm>>
          tpu.enqueue_dma source(%dma_start3A_125 : memref<400xi32, #tpu.memory_space<hbm>>) target(%dma_start3A_124 : memref<400xi32, #tpu.memory_space<vmem>>) target_semaphore(%run_scoped3A_117 : memref<!tpu.dma_semaphore, #tpu.memory_space<semaphore_mem>>)
          %dma_wait3A_126 = arith.constant 0 : i32
          %dma_wait3A_127 = tpu.memref_slice %arg8[%run_scoped3A_103, %dma_wait3A_126] : memref<2x400xi32, #tpu.memory_space<vmem>> -> memref<1x400xi32, #tpu.memory_space<vmem>>
          %dma_wait3A_128 = tpu.memref_squeeze %dma_wait3A_127 : memref<1x400xi32, #tpu.memory_space<vmem>> -> memref<400xi32, #tpu.memory_space<vmem>>
          %dma_wait3A_129 = tpu.memref_slice %arg2[%add3A_102] : memref<819200xi32, #tpu.memory_space<hbm>> -> memref<400xi32, #tpu.memory_space<hbm>>
          %dma_wait3A_130 = arith.constant 0 : i32
          %dma_wait3A_131 = tpu.memref_slice %arg8[%run_scoped3A_103, %dma_wait3A_130] : memref<2x400xi32, #tpu.memory_space<vmem>> -> memref<1x400xi32, #tpu.memory_space<vmem>>
          %dma_wait3A_132 = tpu.memref_squeeze %dma_wait3A_131 : memref<1x400xi32, #tpu.memory_space<vmem>> -> memref<400xi32, #tpu.memory_space<vmem>>
          %dma_wait3A_133 = tpu.memref_slice %arg2[%add3A_102] : memref<819200xi32, #tpu.memory_space<hbm>> -> memref<400xi32, #tpu.memory_space<hbm>>
          tpu.wait_dma2 semaphore(%run_scoped3A_117 : memref<!tpu.dma_semaphore, #tpu.memory_space<semaphore_mem>>) src(%dma_wait3A_133 : memref<400xi32, #tpu.memory_space<hbm>>) dst(%dma_wait3A_132 : memref<400xi32, #tpu.memory_space<vmem>>)
          tpu.yield
        }) : () -> ()
        %run_scoped3A_104 = arith.constant 0 : i32
        "tpu.region"() ({
          %run_scoped3A_117 = tpu.sem_alloc : memref<!tpu.dma_semaphore, #tpu.memory_space<semaphore_mem>>
          %dma_start3A_118 = arith.constant 0 : i32
          %dma_start3A_119 = tpu.memref_slice %arg9[%run_scoped3A_104, %dma_start3A_118] : memref<2x400xi32, #tpu.memory_space<vmem>> -> memref<1x400xi32, #tpu.memory_space<vmem>>
          %dma_start3A_120 = tpu.memref_squeeze %dma_start3A_119 : memref<1x400xi32, #tpu.memory_space<vmem>> -> memref<400xi32, #tpu.memory_space<vmem>>
          %dma_start3A_121 = tpu.memref_slice %arg3[%add3A_102] : memref<819200xi32, #tpu.memory_space<hbm>> -> memref<400xi32, #tpu.memory_space<hbm>>
          %dma_start3A_122 = arith.constant 0 : i32
          %dma_start3A_123 = tpu.memref_slice %arg9[%run_scoped3A_104, %dma_start3A_122] : memref<2x400xi32, #tpu.memory_space<vmem>> -> memref<1x400xi32, #tpu.memory_space<vmem>>
          %dma_start3A_124 = tpu.memref_squeeze %dma_start3A_123 : memref<1x400xi32, #tpu.memory_space<vmem>> -> memref<400xi32, #tpu.memory_space<vmem>>
          %dma_start3A_125 = tpu.memref_slice %arg3[%add3A_102] : memref<819200xi32, #tpu.memory_space<hbm>> -> memref<400xi32, #tpu.memory_space<hbm>>
          tpu.enqueue_dma source(%dma_start3A_125 : memref<400xi32, #tpu.memory_space<hbm>>) target(%dma_start3A_124 : memref<400xi32, #tpu.memory_space<vmem>>) target_semaphore(%run_scoped3A_117 : memref<!tpu.dma_semaphore, #tpu.memory_space<semaphore_mem>>)
          %dma_wait3A_126 = arith.constant 0 : i32
          %dma_wait3A_127 = tpu.memref_slice %arg9[%run_scoped3A_104, %dma_wait3A_126] : memref<2x400xi32, #tpu.memory_space<vmem>> -> memref<1x400xi32, #tpu.memory_space<vmem>>
          %dma_wait3A_128 = tpu.memref_squeeze %dma_wait3A_127 : memref<1x400xi32, #tpu.memory_space<vmem>> -> memref<400xi32, #tpu.memory_space<vmem>>
          %dma_wait3A_129 = tpu.memref_slice %arg3[%add3A_102] : memref<819200xi32, #tpu.memory_space<hbm>> -> memref<400xi32, #tpu.memory_space<hbm>>
          %dma_wait3A_130 = arith.constant 0 : i32
          %dma_wait3A_131 = tpu.memref_slice %arg9[%run_scoped3A_104, %dma_wait3A_130] : memref<2x400xi32, #tpu.memory_space<vmem>> -> memref<1x400xi32, #tpu.memory_space<vmem>>
          %dma_wait3A_132 = tpu.memref_squeeze %dma_wait3A_131 : memref<1x400xi32, #tpu.memory_space<vmem>> -> memref<400xi32, #tpu.memory_space<vmem>>
          %dma_wait3A_133 = tpu.memref_slice %arg3[%add3A_102] : memref<819200xi32, #tpu.memory_space<hbm>> -> memref<400xi32, #tpu.memory_space<hbm>>
          tpu.wait_dma2 semaphore(%run_scoped3A_117 : memref<!tpu.dma_semaphore, #tpu.memory_space<semaphore_mem>>) src(%dma_wait3A_133 : memref<400xi32, #tpu.memory_space<hbm>>) dst(%dma_wait3A_132 : memref<400xi32, #tpu.memory_space<vmem>>)
          tpu.yield
        }) : () -> ()
        %dma_start3A_105 = arith.constant 0 : i32
        %dma_start3A_106 = arith.constant 0 : i32
        %dma_start3A_107 = arith.constant 0 : i32
        %dma_start3A_108 = arith.constant 0 : i32
        %dma_start3A_109 = tpu.memref_slice %arg10[%dma_start3A_106, %dma_start3A_107, %dma_start3A_108] : memref<2x400x64xf32, #tpu.memory_space<vmem>> -> memref<1x400x64xf32, #tpu.memory_space<vmem>>
        %dma_start3A_110 = tpu.memref_squeeze %dma_start3A_109 : memref<1x400x64xf32, #tpu.memory_space<vmem>> -> memref<400x64xf32, #tpu.memory_space<vmem>>
        %dma_start3A_111 = arith.constant 0 : i32
        %dma_start3A_112 = tpu.memref_slice %arg8[%dma_start3A_105, %dma_start3A_111] : memref<2x400xi32, #tpu.memory_space<vmem>> -> memref<1x400xi32, #tpu.memory_space<vmem>>
        %dma_start3A_113 = tpu.memref_squeeze %dma_start3A_112 : memref<1x400xi32, #tpu.memory_space<vmem>> -> memref<400xi32, #tpu.memory_space<vmem>>
        %dma_start3A_114 = arith.constant 0 : i32
        %dma_start3A_115 = arith.constant 0 : i32
        %dma_start3A_116 = tpu.memref_slice %arg5[%dma_start3A_114, %dma_start3A_115] : memref<100000x64xf32, #tpu.memory_space<hbm>> -> memref<100000x64xf32, #tpu.memory_space<hbm>>
        tpu.enqueue_indirect_dma source(%dma_start3A_116 : memref<100000x64xf32, #tpu.memory_space<hbm>>) target(%dma_start3A_110 : memref<400x64xf32, #tpu.memory_space<vmem>>) offsets(%dma_start3A_113 : memref<400xi32, #tpu.memory_space<vmem>>) semaphore(%arg13 : memref<!tpu.dma_semaphore, #tpu.memory_space<semaphore_mem>>)
      } else {
      }
      %scan3A_88 = arith.constant 0 : i32
      %scan3A_89 = arith.constant 0 : i32
      %scan3A_90 = arith.constant 25 : i32
      %scan3A_91 = arith.addi %scan3A_89, %scan3A_90 : i32
      %scan3A_92 = arith.constant 1 : i32
      scf.for %scan3A_98 = %scan3A_89 to %scan3A_91 step %scan3A_92  : i32 {
        %mul3A_99 = arith.constant 16 : i32
        %mul3A_100 = arith.muli %scan3A_98, %mul3A_99 : i32
        %get3A_101 = arith.constant 1 : i32
        %get3A_102 = arith.index_cast %get3A_101 : i32 to index
        %get3A_103 = arith.index_cast %mul3A_100 : i32 to index
        %get3A_104 = tpu.vector_load %arg9[%get3A_102, %get3A_103] {strides = array<i32>} : memref<2x400xi32, #tpu.memory_space<vmem>>, vector<16xi32>,
        %add3A_105 = arith.constant 0 : i32
        %add3A_106 = arith.addi %mul3A_100, %add3A_105 : i32
        %rem3A = arith.constant 200 : i32
        %rem3A_107 = arith.remsi %add3A_106, %rem3A : i32
        %slice3A = vector.extract_strided_slice %get3A_104 {offsets = [0], sizes = [1], strides = [1]} : vector<16xi32> to vector<1xi32>
        %squeeze3A = vector.extract %slice3A[0] : i32 from vector<1xi32>
        %mul3A_108 = arith.constant 200 : i32
        %mul3A_109 = arith.muli %squeeze3A, %mul3A_108 : i32
        %add3A_110 = arith.addi %mul3A_109, %rem3A_107 : i32
        %get3A_111 = arith.constant 1 : i32
        %get3A_112 = arith.index_cast %get3A_111 : i32 to index
        %get3A_113 = arith.index_cast %add3A_106 : i32 to index
        %get3A_114 = arith.constant 0 : index
        %get3A_115 = tpu.vector_load %arg10[%get3A_112, %get3A_113, %get3A_114] {strides = array<i32>} : memref<2x400x64xf32, #tpu.memory_space<vmem>>, vector<16xf32>,
        %get3A_116 = arith.index_cast %add3A_110 : i32 to index
        %get3A_117 = arith.constant 0 : index
        %get3A_118 = tpu.vector_load %arg11[%get3A_116, %get3A_117] {strides = array<i32>} : memref<400x64xf32, #tpu.memory_space<vmem>>, vector<16xf32>,
        %add3A_119 = arith.addf %get3A_115, %get3A_118 : vector<16xf32>
        %get3A_120 = arith.constant 1 : i32
        %get3A_121 = arith.index_cast %get3A_120 : i32 to index
        %get3A_122 = arith.index_cast %add3A_106 : i32 to index
        %get3A_123 = arith.constant 16 : index
        %get3A_124 = tpu.vector_load %arg10[%get3A_121, %get3A_122, %get3A_123] {strides = array<i32>} : memref<2x400x64xf32, #tpu.memory_space<vmem>>, vector<16xf32>,
        %get3A_125 = arith.index_cast %add3A_110 : i32 to index
        %get3A_126 = arith.constant 16 : index
        %get3A_127 = tpu.vector_load %arg11[%get3A_125, %get3A_126] {strides = array<i32>} : memref<400x64xf32, #tpu.memory_space<vmem>>, vector<16xf32>,
        %add3A_128 = arith.addf %get3A_124, %get3A_127 : vector<16xf32>
        %get3A_129 = arith.constant 1 : i32
        %get3A_130 = arith.index_cast %get3A_129 : i32 to index
        %get3A_131 = arith.index_cast %add3A_106 : i32 to index
        %get3A_132 = arith.constant 32 : index
        %get3A_133 = tpu.vector_load %arg10[%get3A_130, %get3A_131, %get3A_132] {strides = array<i32>} : memref<2x400x64xf32, #tpu.memory_space<vmem>>, vector<16xf32>,
        %get3A_134 = arith.index_cast %add3A_110 : i32 to index
        %get3A_135 = arith.constant 32 : index
        %get3A_136 = tpu.vector_load %arg11[%get3A_134, %get3A_135] {strides = array<i32>} : memref<400x64xf32, #tpu.memory_space<vmem>>, vector<16xf32>,
        %add3A_137 = arith.addf %get3A_133, %get3A_136 : vector<16xf32>
        %get3A_138 = arith.constant 1 : i32
        %get3A_139 = arith.index_cast %get3A_138 : i32 to index
        %get3A_140 = arith.index_cast %add3A_106 : i32 to index
        %get3A_141 = arith.constant 48 : index
        %get3A_142 = tpu.vector_load %arg10[%get3A_139, %get3A_140, %get3A_141] {strides = array<i32>} : memref<2x400x64xf32, #tpu.memory_space<vmem>>, vector<16xf32>,
        %get3A_143 = arith.index_cast %add3A_110 : i32 to index
        %get3A_144 = arith.constant 48 : index
        %get3A_145 = tpu.vector_load %arg11[%get3A_143, %get3A_144] {strides = array<i32>} : memref<400x64xf32, #tpu.memory_space<vmem>>, vector<16xf32>,
        %add3A_146 = arith.addf %get3A_142, %get3A_145 : vector<16xf32>
        %add3A_147 = arith.addf %add3A_119, %add3A_128 : vector<16xf32>
        %add3A_148 = arith.addf %add3A_137, %add3A_146 : vector<16xf32>
        %add3A_149 = arith.addf %add3A_147, %add3A_148 : vector<16xf32>
        %reduce_sum3A = arith.constant true
        %reduce_sum3A_150 = vector.broadcast %reduce_sum3A : i1 to vector<16xi1>
        %reduce_sum3A_151 = tpu.scan <sum>, %add3A_149 masked %reduce_sum3A_150 : vector<16xf32>, vector<16xi1> -> vector<16xf32>
        %reduce_sum3A_152 = vector.extract %reduce_sum3A_151[15] : f32 from vector<16xf32>
        %mul3A_153 = arith.mulf %add3A_119, %add3A_119 : vector<16xf32>
        %mul3A_154 = arith.mulf %add3A_128, %add3A_128 : vector<16xf32>
        %add3A_155 = arith.addf %mul3A_153, %mul3A_154 : vector<16xf32>
        %mul3A_156 = arith.mulf %add3A_137, %add3A_137 : vector<16xf32>
        %add3A_157 = arith.addf %add3A_155, %mul3A_156 : vector<16xf32>
        %mul3A_158 = arith.mulf %add3A_146, %add3A_146 : vector<16xf32>
        %add3A_159 = arith.addf %add3A_157, %mul3A_158 : vector<16xf32>
        %reduce_sum3A_160 = arith.constant true
        %reduce_sum3A_161 = vector.broadcast %reduce_sum3A_160 : i1 to vector<16xi1>
        %reduce_sum3A_162 = tpu.scan <sum>, %add3A_159 masked %reduce_sum3A_161 : vector<16xf32>, vector<16xi1> -> vector<16xf32>
        %reduce_sum3A_163 = vector.extract %reduce_sum3A_162[15] : f32 from vector<16xf32>
        %mul3A_164 = arith.constant 1.562500e-02 : f32
        %mul3A_165 = arith.mulf %reduce_sum3A_152, %mul3A_164 : f32
        %mul3A_166 = arith.constant 1.562500e-02 : f32
        %mul3A_167 = arith.mulf %reduce_sum3A_163, %mul3A_166 : f32
        %mul3A_168 = arith.mulf %mul3A_165, %mul3A_165 : f32
        %sub3A = arith.subf %mul3A_167, %mul3A_168 : f32
        %add3A_169 = arith.constant 9.99999974E-6 : f32
        %add3A_170 = arith.addf %sub3A, %add3A_169 : f32
        %broadcast_in_dim3A = vector.broadcast %add3A_170 : f32 to vector<16xf32>
        %broadcast_in_dim3A_171 = vector.broadcast %mul3A_165 : f32 to vector<16xf32>
        %bitcast_convert_type3A = tpu.bitcast %broadcast_in_dim3A : vector<16xf32> -> vector<16xi32>
        %shift_right_arithmetic3A = arith.constant 1 : i32
        %shift_right_arithmetic3A_172 = vector.broadcast %shift_right_arithmetic3A : i32 to vector<16xi32>
        %shift_right_arithmetic3A_173 = arith.shrsi %bitcast_convert_type3A, %shift_right_arithmetic3A_172 : vector<16xi32>
        %sub3A_174 = arith.constant 1597463007 : i32
        %sub3A_175 = vector.broadcast %sub3A_174 : i32 to vector<16xi32>
        %sub3A_176 = arith.subi %sub3A_175, %shift_right_arithmetic3A_173 : vector<16xi32>
        %bitcast_convert_type3A_177 = tpu.bitcast %sub3A_176 : vector<16xi32> -> vector<16xf32>
        %mul3A_178 = arith.constant 5.000000e-01 : f32
        %mul3A_179 = vector.broadcast %mul3A_178 : f32 to vector<16xf32>
        %mul3A_180 = arith.mulf %broadcast_in_dim3A, %mul3A_179 : vector<16xf32>
        %mul3A_181 = arith.mulf %mul3A_180, %bitcast_convert_type3A_177 : vector<16xf32>
        %mul3A_182 = arith.mulf %mul3A_181, %bitcast_convert_type3A_177 : vector<16xf32>
        %sub3A_183 = arith.constant 1.500000e+00 : f32
        %sub3A_184 = vector.broadcast %sub3A_183 : f32 to vector<16xf32>
        %sub3A_185 = arith.subf %sub3A_184, %mul3A_182 : vector<16xf32>
        %mul3A_186 = arith.mulf %bitcast_convert_type3A_177, %sub3A_185 : vector<16xf32>
        %mul3A_187 = arith.mulf %mul3A_180, %mul3A_186 : vector<16xf32>
        %mul3A_188 = arith.mulf %mul3A_187, %mul3A_186 : vector<16xf32>
        %sub3A_189 = arith.constant 1.500000e+00 : f32
        %sub3A_190 = vector.broadcast %sub3A_189 : f32 to vector<16xf32>
        %sub3A_191 = arith.subf %sub3A_190, %mul3A_188 : vector<16xf32>
        %mul3A_192 = arith.mulf %mul3A_186, %sub3A_191 : vector<16xf32>
        %mul3A_193 = arith.mulf %mul3A_192, %get3A_1 : vector<16xf32>
        %sub3A_194 = arith.subf %add3A_119, %broadcast_in_dim3A_171 : vector<16xf32>
        %mul3A_195 = arith.mulf %sub3A_194, %mul3A_193 : vector<16xf32>
        %add3A_196 = arith.addf %mul3A_195, %get3A_9 : vector<16xf32>
        %swap3A = arith.constant 1 : i32
        %swap3A_197 = arith.index_cast %swap3A : i32 to index
        %swap3A_198 = arith.index_cast %add3A_106 : i32 to index
        %swap3A_199 = arith.constant 0 : index
        %swap3A_200 = tpu.vector_load %arg10[%swap3A_197, %swap3A_198, %swap3A_199] {strides = array<i32>} : memref<2x400x64xf32, #tpu.memory_space<vmem>>, vector<16xf32>,
        tpu.vector_store %arg10[%swap3A_197, %swap3A_198, %swap3A_199], %add3A_196 {strides = array<i32>} : memref<2x400x64xf32, #tpu.memory_space<vmem>>, vector<16xf32>,
        %mul3A_201 = arith.mulf %mul3A_192, %get3A_3 : vector<16xf32>
        %sub3A_202 = arith.subf %add3A_128, %broadcast_in_dim3A_171 : vector<16xf32>
        %mul3A_203 = arith.mulf %sub3A_202, %mul3A_201 : vector<16xf32>
        %add3A_204 = arith.addf %mul3A_203, %get3A_11 : vector<16xf32>
        %swap3A_205 = arith.constant 1 : i32
        %swap3A_206 = arith.index_cast %swap3A_205 : i32 to index
        %swap3A_207 = arith.index_cast %add3A_106 : i32 to index
        %swap3A_208 = arith.constant 16 : index
        %swap3A_209 = tpu.vector_load %arg10[%swap3A_206, %swap3A_207, %swap3A_208] {strides = array<i32>} : memref<2x400x64xf32, #tpu.memory_space<vmem>>, vector<16xf32>,
        tpu.vector_store %arg10[%swap3A_206, %swap3A_207, %swap3A_208], %add3A_204 {strides = array<i32>} : memref<2x400x64xf32, #tpu.memory_space<vmem>>, vector<16xf32>,
        %mul3A_210 = arith.mulf %mul3A_192, %get3A_5 : vector<16xf32>
        %sub3A_211 = arith.subf %add3A_137, %broadcast_in_dim3A_171 : vector<16xf32>
        %mul3A_212 = arith.mulf %sub3A_211, %mul3A_210 : vector<16xf32>
        %add3A_213 = arith.addf %mul3A_212, %get3A_13 : vector<16xf32>
        %swap3A_214 = arith.constant 1 : i32
        %swap3A_215 = arith.index_cast %swap3A_214 : i32 to index
        %swap3A_216 = arith.index_cast %add3A_106 : i32 to index
        %swap3A_217 = arith.constant 32 : index
        %swap3A_218 = tpu.vector_load %arg10[%swap3A_215, %swap3A_216, %swap3A_217] {strides = array<i32>} : memref<2x400x64xf32, #tpu.memory_space<vmem>>, vector<16xf32>,
        tpu.vector_store %arg10[%swap3A_215, %swap3A_216, %swap3A_217], %add3A_213 {strides = array<i32>} : memref<2x400x64xf32, #tpu.memory_space<vmem>>, vector<16xf32>,
        %mul3A_219 = arith.mulf %mul3A_192, %get3A_7 : vector<16xf32>
        %sub3A_220 = arith.subf %add3A_146, %broadcast_in_dim3A_171 : vector<16xf32>
        %mul3A_221 = arith.mulf %sub3A_220, %mul3A_219 : vector<16xf32>
        %add3A_222 = arith.addf %mul3A_221, %get3A_15 : vector<16xf32>
        %swap3A_223 = arith.constant 1 : i32
        %swap3A_224 = arith.index_cast %swap3A_223 : i32 to index
        %swap3A_225 = arith.index_cast %add3A_106 : i32 to index
        %swap3A_226 = arith.constant 48 : index
        %swap3A_227 = tpu.vector_load %arg10[%swap3A_224, %swap3A_225, %swap3A_226] {strides = array<i32>} : memref<2x400x64xf32, #tpu.memory_space<vmem>>, vector<16xf32>,
        tpu.vector_store %arg10[%swap3A_224, %swap3A_225, %swap3A_226], %add3A_222 {strides = array<i32>} : memref<2x400x64xf32, #tpu.memory_space<vmem>>, vector<16xf32>,
        %add3A_228 = arith.constant 1 : i32
        %add3A_229 = arith.addi %mul3A_100, %add3A_228 : i32
        %rem3A_230 = arith.constant 200 : i32
        %rem3A_231 = arith.remsi %add3A_229, %rem3A_230 : i32
        %slice3A_232 = vector.extract_strided_slice %get3A_104 {offsets = [1], sizes = [1], strides = [1]} : vector<16xi32> to vector<1xi32>
        %squeeze3A_233 = vector.extract %slice3A_232[0] : i32 from vector<1xi32>
        %mul3A_234 = arith.constant 200 : i32
        %mul3A_235 = arith.muli %squeeze3A_233, %mul3A_234 : i32
        %add3A_236 = arith.addi %mul3A_235, %rem3A_231 : i32
        %get3A_237 = arith.constant 1 : i32
        %get3A_238 = arith.index_cast %get3A_237 : i32 to index
        %get3A_239 = arith.index_cast %add3A_229 : i32 to index
        %get3A_240 = arith.constant 0 : index
        %get3A_241 = tpu.vector_load %arg10[%get3A_238, %get3A_239, %get3A_240] {strides = array<i32>} : memref<2x400x64xf32, #tpu.memory_space<vmem>>, vector<16xf32>,
        %get3A_242 = arith.index_cast %add3A_236 : i32 to index
        %get3A_243 = arith.constant 0 : index
        %get3A_244 = tpu.vector_load %arg11[%get3A_242, %get3A_243] {strides = array<i32>} : memref<400x64xf32, #tpu.memory_space<vmem>>, vector<16xf32>,
        %add3A_245 = arith.addf %get3A_241, %get3A_244 : vector<16xf32>
        %get3A_246 = arith.constant 1 : i32
        %get3A_247 = arith.index_cast %get3A_246 : i32 to index
        %get3A_248 = arith.index_cast %add3A_229 : i32 to index
        %get3A_249 = arith.constant 16 : index
        %get3A_250 = tpu.vector_load %arg10[%get3A_247, %get3A_248, %get3A_249] {strides = array<i32>} : memref<2x400x64xf32, #tpu.memory_space<vmem>>, vector<16xf32>,
        %get3A_251 = arith.index_cast %add3A_236 : i32 to index
        %get3A_252 = arith.constant 16 : index
        %get3A_253 = tpu.vector_load %arg11[%get3A_251, %get3A_252] {strides = array<i32>} : memref<400x64xf32, #tpu.memory_space<vmem>>, vector<16xf32>,
        %add3A_254 = arith.addf %get3A_250, %get3A_253 : vector<16xf32>
        %get3A_255 = arith.constant 1 : i32
        %get3A_256 = arith.index_cast %get3A_255 : i32 to index
        %get3A_257 = arith.index_cast %add3A_229 : i32 to index
        %get3A_258 = arith.constant 32 : index
        %get3A_259 = tpu.vector_load %arg10[%get3A_256, %get3A_257, %get3A_258] {strides = array<i32>} : memref<2x400x64xf32, #tpu.memory_space<vmem>>, vector<16xf32>,
        %get3A_260 = arith.index_cast %add3A_236 : i32 to index
        %get3A_261 = arith.constant 32 : index
        %get3A_262 = tpu.vector_load %arg11[%get3A_260, %get3A_261] {strides = array<i32>} : memref<400x64xf32, #tpu.memory_space<vmem>>, vector<16xf32>,
        %add3A_263 = arith.addf %get3A_259, %get3A_262 : vector<16xf32>
        %get3A_264 = arith.constant 1 : i32
        %get3A_265 = arith.index_cast %get3A_264 : i32 to index
        %get3A_266 = arith.index_cast %add3A_229 : i32 to index
        %get3A_267 = arith.constant 48 : index
        %get3A_268 = tpu.vector_load %arg10[%get3A_265, %get3A_266, %get3A_267] {strides = array<i32>} : memref<2x400x64xf32, #tpu.memory_space<vmem>>, vector<16xf32>,
        %get3A_269 = arith.index_cast %add3A_236 : i32 to index
        %get3A_270 = arith.constant 48 : index
        %get3A_271 = tpu.vector_load %arg11[%get3A_269, %get3A_270] {strides = array<i32>} : memref<400x64xf32, #tpu.memory_space<vmem>>, vector<16xf32>,
        %add3A_272 = arith.addf %get3A_268, %get3A_271 : vector<16xf32>
        %add3A_273 = arith.addf %add3A_245, %add3A_254 : vector<16xf32>
        %add3A_274 = arith.addf %add3A_263, %add3A_272 : vector<16xf32>
        %add3A_275 = arith.addf %add3A_273, %add3A_274 : vector<16xf32>
        %reduce_sum3A_276 = arith.constant true
        %reduce_sum3A_277 = vector.broadcast %reduce_sum3A_276 : i1 to vector<16xi1>
        %reduce_sum3A_278 = tpu.scan <sum>, %add3A_275 masked %reduce_sum3A_277 : vector<16xf32>, vector<16xi1> -> vector<16xf32>
        %reduce_sum3A_279 = vector.extract %reduce_sum3A_278[15] : f32 from vector<16xf32>
        %mul3A_280 = arith.mulf %add3A_245, %add3A_245 : vector<16xf32>
        %mul3A_281 = arith.mulf %add3A_254, %add3A_254 : vector<16xf32>
        %add3A_282 = arith.addf %mul3A_280, %mul3A_281 : vector<16xf32>
        %mul3A_283 = arith.mulf %add3A_263, %add3A_263 : vector<16xf32>
        %add3A_284 = arith.addf %add3A_282, %mul3A_283 : vector<16xf32>
        %mul3A_285 = arith.mulf %add3A_272, %add3A_272 : vector<16xf32>
        %add3A_286 = arith.addf %add3A_284, %mul3A_285 : vector<16xf32>
        %reduce_sum3A_287 = arith.constant true
        %reduce_sum3A_288 = vector.broadcast %reduce_sum3A_287 : i1 to vector<16xi1>
        %reduce_sum3A_289 = tpu.scan <sum>, %add3A_286 masked %reduce_sum3A_288 : vector<16xf32>, vector<16xi1> -> vector<16xf32>
        %reduce_sum3A_290 = vector.extract %reduce_sum3A_289[15] : f32 from vector<16xf32>
        %mul3A_291 = arith.constant 1.562500e-02 : f32
        %mul3A_292 = arith.mulf %reduce_sum3A_279, %mul3A_291 : f32
        %mul3A_293 = arith.constant 1.562500e-02 : f32
        %mul3A_294 = arith.mulf %reduce_sum3A_290, %mul3A_293 : f32
        %mul3A_295 = arith.mulf %mul3A_292, %mul3A_292 : f32
        %sub3A_296 = arith.subf %mul3A_294, %mul3A_295 : f32
        %add3A_297 = arith.constant 9.99999974E-6 : f32
        %add3A_298 = arith.addf %sub3A_296, %add3A_297 : f32
        %broadcast_in_dim3A_299 = vector.broadcast %add3A_298 : f32 to vector<16xf32>
        %broadcast_in_dim3A_300 = vector.broadcast %mul3A_292 : f32 to vector<16xf32>
        %bitcast_convert_type3A_301 = tpu.bitcast %broadcast_in_dim3A_299 : vector<16xf32> -> vector<16xi32>
        %shift_right_arithmetic3A_302 = arith.constant 1 : i32
        %shift_right_arithmetic3A_303 = vector.broadcast %shift_right_arithmetic3A_302 : i32 to vector<16xi32>
        %shift_right_arithmetic3A_304 = arith.shrsi %bitcast_convert_type3A_301, %shift_right_arithmetic3A_303 : vector<16xi32>
        %sub3A_305 = arith.constant 1597463007 : i32
        %sub3A_306 = vector.broadcast %sub3A_305 : i32 to vector<16xi32>
        %sub3A_307 = arith.subi %sub3A_306, %shift_right_arithmetic3A_304 : vector<16xi32>
        %bitcast_convert_type3A_308 = tpu.bitcast %sub3A_307 : vector<16xi32> -> vector<16xf32>
        %mul3A_309 = arith.constant 5.000000e-01 : f32
        %mul3A_310 = vector.broadcast %mul3A_309 : f32 to vector<16xf32>
        %mul3A_311 = arith.mulf %broadcast_in_dim3A_299, %mul3A_310 : vector<16xf32>
        %mul3A_312 = arith.mulf %mul3A_311, %bitcast_convert_type3A_308 : vector<16xf32>
        %mul3A_313 = arith.mulf %mul3A_312, %bitcast_convert_type3A_308 : vector<16xf32>
        %sub3A_314 = arith.constant 1.500000e+00 : f32
        %sub3A_315 = vector.broadcast %sub3A_314 : f32 to vector<16xf32>
        %sub3A_316 = arith.subf %sub3A_315, %mul3A_313 : vector<16xf32>
        %mul3A_317 = arith.mulf %bitcast_convert_type3A_308, %sub3A_316 : vector<16xf32>
        %mul3A_318 = arith.mulf %mul3A_311, %mul3A_317 : vector<16xf32>
        %mul3A_319 = arith.mulf %mul3A_318, %mul3A_317 : vector<16xf32>
        %sub3A_320 = arith.constant 1.500000e+00 : f32
        %sub3A_321 = vector.broadcast %sub3A_320 : f32 to vector<16xf32>
        %sub3A_322 = arith.subf %sub3A_321, %mul3A_319 : vector<16xf32>
        %mul3A_323 = arith.mulf %mul3A_317, %sub3A_322 : vector<16xf32>
        %mul3A_324 = arith.mulf %mul3A_323, %get3A_1 : vector<16xf32>
        %sub3A_325 = arith.subf %add3A_245, %broadcast_in_dim3A_300 : vector<16xf32>
        %mul3A_326 = arith.mulf %sub3A_325, %mul3A_324 : vector<16xf32>
        %add3A_327 = arith.addf %mul3A_326, %get3A_9 : vector<16xf32>
        %swap3A_328 = arith.constant 1 : i32
        %swap3A_329 = arith.index_cast %swap3A_328 : i32 to index
        %swap3A_330 = arith.index_cast %add3A_229 : i32 to index
        %swap3A_331 = arith.constant 0 : index
        %swap3A_332 = tpu.vector_load %arg10[%swap3A_329, %swap3A_330, %swap3A_331] {strides = array<i32>} : memref<2x400x64xf32, #tpu.memory_space<vmem>>, vector<16xf32>,
        tpu.vector_store %arg10[%swap3A_329, %swap3A_330, %swap3A_331], %add3A_327 {strides = array<i32>} : memref<2x400x64xf32, #tpu.memory_space<vmem>>, vector<16xf32>,
        %mul3A_333 = arith.mulf %mul3A_323, %get3A_3 : vector<16xf32>
        %sub3A_334 = arith.subf %add3A_254, %broadcast_in_dim3A_300 : vector<16xf32>
        %mul3A_335 = arith.mulf %sub3A_334, %mul3A_333 : vector<16xf32>
        %add3A_336 = arith.addf %mul3A_335, %get3A_11 : vector<16xf32>
        %swap3A_337 = arith.constant 1 : i32
        %swap3A_338 = arith.index_cast %swap3A_337 : i32 to index
        %swap3A_339 = arith.index_cast %add3A_229 : i32 to index
        %swap3A_340 = arith.constant 16 : index
        %swap3A_341 = tpu.vector_load %arg10[%swap3A_338, %swap3A_339, %swap3A_340] {strides = array<i32>} : memref<2x400x64xf32, #tpu.memory_space<vmem>>, vector<16xf32>,
        tpu.vector_store %arg10[%swap3A_338, %swap3A_339, %swap3A_340], %add3A_336 {strides = array<i32>} : memref<2x400x64xf32, #tpu.memory_space<vmem>>, vector<16xf32>,
        %mul3A_342 = arith.mulf %mul3A_323, %get3A_5 : vector<16xf32>
        %sub3A_343 = arith.subf %add3A_263, %broadcast_in_dim3A_300 : vector<16xf32>
        %mul3A_344 = arith.mulf %sub3A_343, %mul3A_342 : vector<16xf32>
        %add3A_345 = arith.addf %mul3A_344, %get3A_13 : vector<16xf32>
        %swap3A_346 = arith.constant 1 : i32
        %swap3A_347 = arith.index_cast %swap3A_346 : i32 to index
        %swap3A_348 = arith.index_cast %add3A_229 : i32 to index
        %swap3A_349 = arith.constant 32 : index
        %swap3A_350 = tpu.vector_load %arg10[%swap3A_347, %swap3A_348, %swap3A_349] {strides = array<i32>} : memref<2x400x64xf32, #tpu.memory_space<vmem>>, vector<16xf32>,
        tpu.vector_store %arg10[%swap3A_347, %swap3A_348, %swap3A_349], %add3A_345 {strides = array<i32>} : memref<2x400x64xf32, #tpu.memory_space<vmem>>, vector<16xf32>,
        %mul3A_351 = arith.mulf %mul3A_323, %get3A_7 : vector<16xf32>
        %sub3A_352 = arith.subf %add3A_272, %broadcast_in_dim3A_300 : vector<16xf32>
        %mul3A_353 = arith.mulf %sub3A_352, %mul3A_351 : vector<16xf32>
        %add3A_354 = arith.addf %mul3A_353, %get3A_15 : vector<16xf32>
        %swap3A_355 = arith.constant 1 : i32
        %swap3A_356 = arith.index_cast %swap3A_355 : i32 to index
        %swap3A_357 = arith.index_cast %add3A_229 : i32 to index
        %swap3A_358 = arith.constant 48 : index
        %swap3A_359 = tpu.vector_load %arg10[%swap3A_356, %swap3A_357, %swap3A_358] {strides = array<i32>} : memref<2x400x64xf32, #tpu.memory_space<vmem>>, vector<16xf32>,
        tpu.vector_store %arg10[%swap3A_356, %swap3A_357, %swap3A_358], %add3A_354 {strides = array<i32>} : memref<2x400x64xf32, #tpu.memory_space<vmem>>, vector<16xf32>,
        %add3A_360 = arith.constant 2 : i32
        %add3A_361 = arith.addi %mul3A_100, %add3A_360 : i32
        %rem3A_362 = arith.constant 200 : i32
        %rem3A_363 = arith.remsi %add3A_361, %rem3A_362 : i32
        %slice3A_364 = vector.extract_strided_slice %get3A_104 {offsets = [2], sizes = [1], strides = [1]} : vector<16xi32> to vector<1xi32>
        %squeeze3A_365 = vector.extract %slice3A_364[0] : i32 from vector<1xi32>
        %mul3A_366 = arith.constant 200 : i32
        %mul3A_367 = arith.muli %squeeze3A_365, %mul3A_366 : i32
        %add3A_368 = arith.addi %mul3A_367, %rem3A_363 : i32
        %get3A_369 = arith.constant 1 : i32
        %get3A_370 = arith.index_cast %get3A_369 : i32 to index
        %get3A_371 = arith.index_cast %add3A_361 : i32 to index
        %get3A_372 = arith.constant 0 : index
        %get3A_373 = tpu.vector_load %arg10[%get3A_370, %get3A_371, %get3A_372] {strides = array<i32>} : memref<2x400x64xf32, #tpu.memory_space<vmem>>, vector<16xf32>,
        %get3A_374 = arith.index_cast %add3A_368 : i32 to index
        %get3A_375 = arith.constant 0 : index
        %get3A_376 = tpu.vector_load %arg11[%get3A_374, %get3A_375] {strides = array<i32>} : memref<400x64xf32, #tpu.memory_space<vmem>>, vector<16xf32>,
        %add3A_377 = arith.addf %get3A_373, %get3A_376 : vector<16xf32>
        %get3A_378 = arith.constant 1 : i32
        %get3A_379 = arith.index_cast %get3A_378 : i32 to index
        %get3A_380 = arith.index_cast %add3A_361 : i32 to index
        %get3A_381 = arith.constant 16 : index
        %get3A_382 = tpu.vector_load %arg10[%get3A_379, %get3A_380, %get3A_381] {strides = array<i32>} : memref<2x400x64xf32, #tpu.memory_space<vmem>>, vector<16xf32>,
        %get3A_383 = arith.index_cast %add3A_368 : i32 to index
        %get3A_384 = arith.constant 16 : index
        %get3A_385 = tpu.vector_load %arg11[%get3A_383, %get3A_384] {strides = array<i32>} : memref<400x64xf32, #tpu.memory_space<vmem>>, vector<16xf32>,
        %add3A_386 = arith.addf %get3A_382, %get3A_385 : vector<16xf32>
        %get3A_387 = arith.constant 1 : i32
        %get3A_388 = arith.index_cast %get3A_387 : i32 to index
        %get3A_389 = arith.index_cast %add3A_361 : i32 to index
        %get3A_390 = arith.constant 32 : index
        %get3A_391 = tpu.vector_load %arg10[%get3A_388, %get3A_389, %get3A_390] {strides = array<i32>} : memref<2x400x64xf32, #tpu.memory_space<vmem>>, vector<16xf32>,
        %get3A_392 = arith.index_cast %add3A_368 : i32 to index
        %get3A_393 = arith.constant 32 : index
        %get3A_394 = tpu.vector_load %arg11[%get3A_392, %get3A_393] {strides = array<i32>} : memref<400x64xf32, #tpu.memory_space<vmem>>, vector<16xf32>,
        %add3A_395 = arith.addf %get3A_391, %get3A_394 : vector<16xf32>
        %get3A_396 = arith.constant 1 : i32
        %get3A_397 = arith.index_cast %get3A_396 : i32 to index
        %get3A_398 = arith.index_cast %add3A_361 : i32 to index
        %get3A_399 = arith.constant 48 : index
        %get3A_400 = tpu.vector_load %arg10[%get3A_397, %get3A_398, %get3A_399] {strides = array<i32>} : memref<2x400x64xf32, #tpu.memory_space<vmem>>, vector<16xf32>,
        %get3A_401 = arith.index_cast %add3A_368 : i32 to index
        %get3A_402 = arith.constant 48 : index
        %get3A_403 = tpu.vector_load %arg11[%get3A_401, %get3A_402] {strides = array<i32>} : memref<400x64xf32, #tpu.memory_space<vmem>>, vector<16xf32>,
        %add3A_404 = arith.addf %get3A_400, %get3A_403 : vector<16xf32>
        %add3A_405 = arith.addf %add3A_377, %add3A_386 : vector<16xf32>
        %add3A_406 = arith.addf %add3A_395, %add3A_404 : vector<16xf32>
        %add3A_407 = arith.addf %add3A_405, %add3A_406 : vector<16xf32>
        %reduce_sum3A_408 = arith.constant true
        %reduce_sum3A_409 = vector.broadcast %reduce_sum3A_408 : i1 to vector<16xi1>
        %reduce_sum3A_410 = tpu.scan <sum>, %add3A_407 masked %reduce_sum3A_409 : vector<16xf32>, vector<16xi1> -> vector<16xf32>
        %reduce_sum3A_411 = vector.extract %reduce_sum3A_410[15] : f32 from vector<16xf32>
        %mul3A_412 = arith.mulf %add3A_377, %add3A_377 : vector<16xf32>
        %mul3A_413 = arith.mulf %add3A_386, %add3A_386 : vector<16xf32>
        %add3A_414 = arith.addf %mul3A_412, %mul3A_413 : vector<16xf32>
        %mul3A_415 = arith.mulf %add3A_395, %add3A_395 : vector<16xf32>
        %add3A_416 = arith.addf %add3A_414, %mul3A_415 : vector<16xf32>
        %mul3A_417 = arith.mulf %add3A_404, %add3A_404 : vector<16xf32>
        %add3A_418 = arith.addf %add3A_416, %mul3A_417 : vector<16xf32>
        %reduce_sum3A_419 = arith.constant true
        %reduce_sum3A_420 = vector.broadcast %reduce_sum3A_419 : i1 to vector<16xi1>
        %reduce_sum3A_421 = tpu.scan <sum>, %add3A_418 masked %reduce_sum3A_420 : vector<16xf32>, vector<16xi1> -> vector<16xf32>
        %reduce_sum3A_422 = vector.extract %reduce_sum3A_421[15] : f32 from vector<16xf32>
        %mul3A_423 = arith.constant 1.562500e-02 : f32
        %mul3A_424 = arith.mulf %reduce_sum3A_411, %mul3A_423 : f32
        %mul3A_425 = arith.constant 1.562500e-02 : f32
        %mul3A_426 = arith.mulf %reduce_sum3A_422, %mul3A_425 : f32
        %mul3A_427 = arith.mulf %mul3A_424, %mul3A_424 : f32
        %sub3A_428 = arith.subf %mul3A_426, %mul3A_427 : f32
        %add3A_429 = arith.constant 9.99999974E-6 : f32
        %add3A_430 = arith.addf %sub3A_428, %add3A_429 : f32
        %broadcast_in_dim3A_431 = vector.broadcast %add3A_430 : f32 to vector<16xf32>
        %broadcast_in_dim3A_432 = vector.broadcast %mul3A_424 : f32 to vector<16xf32>
        %bitcast_convert_type3A_433 = tpu.bitcast %broadcast_in_dim3A_431 : vector<16xf32> -> vector<16xi32>
        %shift_right_arithmetic3A_434 = arith.constant 1 : i32
        %shift_right_arithmetic3A_435 = vector.broadcast %shift_right_arithmetic3A_434 : i32 to vector<16xi32>
        %shift_right_arithmetic3A_436 = arith.shrsi %bitcast_convert_type3A_433, %shift_right_arithmetic3A_435 : vector<16xi32>
        %sub3A_437 = arith.constant 1597463007 : i32
        %sub3A_438 = vector.broadcast %sub3A_437 : i32 to vector<16xi32>
        %sub3A_439 = arith.subi %sub3A_438, %shift_right_arithmetic3A_436 : vector<16xi32>
        %bitcast_convert_type3A_440 = tpu.bitcast %sub3A_439 : vector<16xi32> -> vector<16xf32>
        %mul3A_441 = arith.constant 5.000000e-01 : f32
        %mul3A_442 = vector.broadcast %mul3A_441 : f32 to vector<16xf32>
        %mul3A_443 = arith.mulf %broadcast_in_dim3A_431, %mul3A_442 : vector<16xf32>
        %mul3A_444 = arith.mulf %mul3A_443, %bitcast_convert_type3A_440 : vector<16xf32>
        %mul3A_445 = arith.mulf %mul3A_444, %bitcast_convert_type3A_440 : vector<16xf32>
        %sub3A_446 = arith.constant 1.500000e+00 : f32
        %sub3A_447 = vector.broadcast %sub3A_446 : f32 to vector<16xf32>
        %sub3A_448 = arith.subf %sub3A_447, %mul3A_445 : vector<16xf32>
        %mul3A_449 = arith.mulf %bitcast_convert_type3A_440, %sub3A_448 : vector<16xf32>
        %mul3A_450 = arith.mulf %mul3A_443, %mul3A_449 : vector<16xf32>
        %mul3A_451 = arith.mulf %mul3A_450, %mul3A_449 : vector<16xf32>
        %sub3A_452 = arith.constant 1.500000e+00 : f32
        %sub3A_453 = vector.broadcast %sub3A_452 : f32 to vector<16xf32>
        %sub3A_454 = arith.subf %sub3A_453, %mul3A_451 : vector<16xf32>
        %mul3A_455 = arith.mulf %mul3A_449, %sub3A_454 : vector<16xf32>
        %mul3A_456 = arith.mulf %mul3A_455, %get3A_1 : vector<16xf32>
        %sub3A_457 = arith.subf %add3A_377, %broadcast_in_dim3A_432 : vector<16xf32>
        %mul3A_458 = arith.mulf %sub3A_457, %mul3A_456 : vector<16xf32>
        %add3A_459 = arith.addf %mul3A_458, %get3A_9 : vector<16xf32>
        %swap3A_460 = arith.constant 1 : i32
        %swap3A_461 = arith.index_cast %swap3A_460 : i32 to index
        %swap3A_462 = arith.index_cast %add3A_361 : i32 to index
        %swap3A_463 = arith.constant 0 : index
        %swap3A_464 = tpu.vector_load %arg10[%swap3A_461, %swap3A_462, %swap3A_463] {strides = array<i32>} : memref<2x400x64xf32, #tpu.memory_space<vmem>>, vector<16xf32>,
        tpu.vector_store %arg10[%swap3A_461, %swap3A_462, %swap3A_463], %add3A_459 {strides = array<i32>} : memref<2x400x64xf32, #tpu.memory_space<vmem>>, vector<16xf32>,
        %mul3A_465 = arith.mulf %mul3A_455, %get3A_3 : vector<16xf32>
        %sub3A_466 = arith.subf %add3A_386, %broadcast_in_dim3A_432 : vector<16xf32>
        %mul3A_467 = arith.mulf %sub3A_466, %mul3A_465 : vector<16xf32>
        %add3A_468 = arith.addf %mul3A_467, %get3A_11 : vector<16xf32>
        %swap3A_469 = arith.constant 1 : i32
        %swap3A_470 = arith.index_cast %swap3A_469 : i32 to index
        %swap3A_471 = arith.index_cast %add3A_361 : i32 to index
        %swap3A_472 = arith.constant 16 : index
        %swap3A_473 = tpu.vector_load %arg10[%swap3A_470, %swap3A_471, %swap3A_472] {strides = array<i32>} : memref<2x400x64xf32, #tpu.memory_space<vmem>>, vector<16xf32>,
        tpu.vector_store %arg10[%swap3A_470, %swap3A_471, %swap3A_472], %add3A_468 {strides = array<i32>} : memref<2x400x64xf32, #tpu.memory_space<vmem>>, vector<16xf32>,
        %mul3A_474 = arith.mulf %mul3A_455, %get3A_5 : vector<16xf32>
        %sub3A_475 = arith.subf %add3A_395, %broadcast_in_dim3A_432 : vector<16xf32>
        %mul3A_476 = arith.mulf %sub3A_475, %mul3A_474 : vector<16xf32>
        %add3A_477 = arith.addf %mul3A_476, %get3A_13 : vector<16xf32>
        %swap3A_478 = arith.constant 1 : i32
        %swap3A_479 = arith.index_cast %swap3A_478 : i32 to index
        %swap3A_480 = arith.index_cast %add3A_361 : i32 to index
        %swap3A_481 = arith.constant 32 : index
        %swap3A_482 = tpu.vector_load %arg10[%swap3A_479, %swap3A_480, %swap3A_481] {strides = array<i32>} : memref<2x400x64xf32, #tpu.memory_space<vmem>>, vector<16xf32>,
        tpu.vector_store %arg10[%swap3A_479, %swap3A_480, %swap3A_481], %add3A_477 {strides = array<i32>} : memref<2x400x64xf32, #tpu.memory_space<vmem>>, vector<16xf32>,
        %mul3A_483 = arith.mulf %mul3A_455, %get3A_7 : vector<16xf32>
        %sub3A_484 = arith.subf %add3A_404, %broadcast_in_dim3A_432 : vector<16xf32>
        %mul3A_485 = arith.mulf %sub3A_484, %mul3A_483 : vector<16xf32>
        %add3A_486 = arith.addf %mul3A_485, %get3A_15 : vector<16xf32>
        %swap3A_487 = arith.constant 1 : i32
        %swap3A_488 = arith.index_cast %swap3A_487 : i32 to index
        %swap3A_489 = arith.index_cast %add3A_361 : i32 to index
        %swap3A_490 = arith.constant 48 : index
        %swap3A_491 = tpu.vector_load %arg10[%swap3A_488, %swap3A_489, %swap3A_490] {strides = array<i32>} : memref<2x400x64xf32, #tpu.memory_space<vmem>>, vector<16xf32>,
        tpu.vector_store %arg10[%swap3A_488, %swap3A_489, %swap3A_490], %add3A_486 {strides = array<i32>} : memref<2x400x64xf32, #tpu.memory_space<vmem>>, vector<16xf32>,
        %add3A_492 = arith.constant 3 : i32
        %add3A_493 = arith.addi %mul3A_100, %add3A_492 : i32
        %rem3A_494 = arith.constant 200 : i32
        %rem3A_495 = arith.remsi %add3A_493, %rem3A_494 : i32
        %slice3A_496 = vector.extract_strided_slice %get3A_104 {offsets = [3], sizes = [1], strides = [1]} : vector<16xi32> to vector<1xi32>
        %squeeze3A_497 = vector.extract %slice3A_496[0] : i32 from vector<1xi32>
        %mul3A_498 = arith.constant 200 : i32
        %mul3A_499 = arith.muli %squeeze3A_497, %mul3A_498 : i32
        %add3A_500 = arith.addi %mul3A_499, %rem3A_495 : i32
        %get3A_501 = arith.constant 1 : i32
        %get3A_502 = arith.index_cast %get3A_501 : i32 to index
        %get3A_503 = arith.index_cast %add3A_493 : i32 to index
        %get3A_504 = arith.constant 0 : index
        %get3A_505 = tpu.vector_load %arg10[%get3A_502, %get3A_503, %get3A_504] {strides = array<i32>} : memref<2x400x64xf32, #tpu.memory_space<vmem>>, vector<16xf32>,
        %get3A_506 = arith.index_cast %add3A_500 : i32 to index
        %get3A_507 = arith.constant 0 : index
        %get3A_508 = tpu.vector_load %arg11[%get3A_506, %get3A_507] {strides = array<i32>} : memref<400x64xf32, #tpu.memory_space<vmem>>, vector<16xf32>,
        %add3A_509 = arith.addf %get3A_505, %get3A_508 : vector<16xf32>
        %get3A_510 = arith.constant 1 : i32
        %get3A_511 = arith.index_cast %get3A_510 : i32 to index
        %get3A_512 = arith.index_cast %add3A_493 : i32 to index
        %get3A_513 = arith.constant 16 : index
        %get3A_514 = tpu.vector_load %arg10[%get3A_511, %get3A_512, %get3A_513] {strides = array<i32>} : memref<2x400x64xf32, #tpu.memory_space<vmem>>, vector<16xf32>,
        %get3A_515 = arith.index_cast %add3A_500 : i32 to index
        %get3A_516 = arith.constant 16 : index
        %get3A_517 = tpu.vector_load %arg11[%get3A_515, %get3A_516] {strides = array<i32>} : memref<400x64xf32, #tpu.memory_space<vmem>>, vector<16xf32>,
        %add3A_518 = arith.addf %get3A_514, %get3A_517 : vector<16xf32>
        %get3A_519 = arith.constant 1 : i32
        %get3A_520 = arith.index_cast %get3A_519 : i32 to index
        %get3A_521 = arith.index_cast %add3A_493 : i32 to index
        %get3A_522 = arith.constant 32 : index
        %get3A_523 = tpu.vector_load %arg10[%get3A_520, %get3A_521, %get3A_522] {strides = array<i32>} : memref<2x400x64xf32, #tpu.memory_space<vmem>>, vector<16xf32>,
        %get3A_524 = arith.index_cast %add3A_500 : i32 to index
        %get3A_525 = arith.constant 32 : index
        %get3A_526 = tpu.vector_load %arg11[%get3A_524, %get3A_525] {strides = array<i32>} : memref<400x64xf32, #tpu.memory_space<vmem>>, vector<16xf32>,
        %add3A_527 = arith.addf %get3A_523, %get3A_526 : vector<16xf32>
        %get3A_528 = arith.constant 1 : i32
        %get3A_529 = arith.index_cast %get3A_528 : i32 to index
        %get3A_530 = arith.index_cast %add3A_493 : i32 to index
        %get3A_531 = arith.constant 48 : index
        %get3A_532 = tpu.vector_load %arg10[%get3A_529, %get3A_530, %get3A_531] {strides = array<i32>} : memref<2x400x64xf32, #tpu.memory_space<vmem>>, vector<16xf32>,
        %get3A_533 = arith.index_cast %add3A_500 : i32 to index
        %get3A_534 = arith.constant 48 : index
        %get3A_535 = tpu.vector_load %arg11[%get3A_533, %get3A_534] {strides = array<i32>} : memref<400x64xf32, #tpu.memory_space<vmem>>, vector<16xf32>,
        %add3A_536 = arith.addf %get3A_532, %get3A_535 : vector<16xf32>
        %add3A_537 = arith.addf %add3A_509, %add3A_518 : vector<16xf32>
        %add3A_538 = arith.addf %add3A_527, %add3A_536 : vector<16xf32>
        %add3A_539 = arith.addf %add3A_537, %add3A_538 : vector<16xf32>
        %reduce_sum3A_540 = arith.constant true
        %reduce_sum3A_541 = vector.broadcast %reduce_sum3A_540 : i1 to vector<16xi1>
        %reduce_sum3A_542 = tpu.scan <sum>, %add3A_539 masked %reduce_sum3A_541 : vector<16xf32>, vector<16xi1> -> vector<16xf32>
        %reduce_sum3A_543 = vector.extract %reduce_sum3A_542[15] : f32 from vector<16xf32>
        %mul3A_544 = arith.mulf %add3A_509, %add3A_509 : vector<16xf32>
        %mul3A_545 = arith.mulf %add3A_518, %add3A_518 : vector<16xf32>
        %add3A_546 = arith.addf %mul3A_544, %mul3A_545 : vector<16xf32>
        %mul3A_547 = arith.mulf %add3A_527, %add3A_527 : vector<16xf32>
        %add3A_548 = arith.addf %add3A_546, %mul3A_547 : vector<16xf32>
        %mul3A_549 = arith.mulf %add3A_536, %add3A_536 : vector<16xf32>
        %add3A_550 = arith.addf %add3A_548, %mul3A_549 : vector<16xf32>
        %reduce_sum3A_551 = arith.constant true
        %reduce_sum3A_552 = vector.broadcast %reduce_sum3A_551 : i1 to vector<16xi1>
        %reduce_sum3A_553 = tpu.scan <sum>, %add3A_550 masked %reduce_sum3A_552 : vector<16xf32>, vector<16xi1> -> vector<16xf32>
        %reduce_sum3A_554 = vector.extract %reduce_sum3A_553[15] : f32 from vector<16xf32>
        %mul3A_555 = arith.constant 1.562500e-02 : f32
        %mul3A_556 = arith.mulf %reduce_sum3A_543, %mul3A_555 : f32
        %mul3A_557 = arith.constant 1.562500e-02 : f32
        %mul3A_558 = arith.mulf %reduce_sum3A_554, %mul3A_557 : f32
        %mul3A_559 = arith.mulf %mul3A_556, %mul3A_556 : f32
        %sub3A_560 = arith.subf %mul3A_558, %mul3A_559 : f32
        %add3A_561 = arith.constant 9.99999974E-6 : f32
        %add3A_562 = arith.addf %sub3A_560, %add3A_561 : f32
        %broadcast_in_dim3A_563 = vector.broadcast %add3A_562 : f32 to vector<16xf32>
        %broadcast_in_dim3A_564 = vector.broadcast %mul3A_556 : f32 to vector<16xf32>
        %bitcast_convert_type3A_565 = tpu.bitcast %broadcast_in_dim3A_563 : vector<16xf32> -> vector<16xi32>
        %shift_right_arithmetic3A_566 = arith.constant 1 : i32
        %shift_right_arithmetic3A_567 = vector.broadcast %shift_right_arithmetic3A_566 : i32 to vector<16xi32>
        %shift_right_arithmetic3A_568 = arith.shrsi %bitcast_convert_type3A_565, %shift_right_arithmetic3A_567 : vector<16xi32>
        %sub3A_569 = arith.constant 1597463007 : i32
        %sub3A_570 = vector.broadcast %sub3A_569 : i32 to vector<16xi32>
        %sub3A_571 = arith.subi %sub3A_570, %shift_right_arithmetic3A_568 : vector<16xi32>
        %bitcast_convert_type3A_572 = tpu.bitcast %sub3A_571 : vector<16xi32> -> vector<16xf32>
        %mul3A_573 = arith.constant 5.000000e-01 : f32
        %mul3A_574 = vector.broadcast %mul3A_573 : f32 to vector<16xf32>
        %mul3A_575 = arith.mulf %broadcast_in_dim3A_563, %mul3A_574 : vector<16xf32>
        %mul3A_576 = arith.mulf %mul3A_575, %bitcast_convert_type3A_572 : vector<16xf32>
        %mul3A_577 = arith.mulf %mul3A_576, %bitcast_convert_type3A_572 : vector<16xf32>
        %sub3A_578 = arith.constant 1.500000e+00 : f32
        %sub3A_579 = vector.broadcast %sub3A_578 : f32 to vector<16xf32>
        %sub3A_580 = arith.subf %sub3A_579, %mul3A_577 : vector<16xf32>
        %mul3A_581 = arith.mulf %bitcast_convert_type3A_572, %sub3A_580 : vector<16xf32>
        %mul3A_582 = arith.mulf %mul3A_575, %mul3A_581 : vector<16xf32>
        %mul3A_583 = arith.mulf %mul3A_582, %mul3A_581 : vector<16xf32>
        %sub3A_584 = arith.constant 1.500000e+00 : f32
        %sub3A_585 = vector.broadcast %sub3A_584 : f32 to vector<16xf32>
        %sub3A_586 = arith.subf %sub3A_585, %mul3A_583 : vector<16xf32>
        %mul3A_587 = arith.mulf %mul3A_581, %sub3A_586 : vector<16xf32>
        %mul3A_588 = arith.mulf %mul3A_587, %get3A_1 : vector<16xf32>
        %sub3A_589 = arith.subf %add3A_509, %broadcast_in_dim3A_564 : vector<16xf32>
        %mul3A_590 = arith.mulf %sub3A_589, %mul3A_588 : vector<16xf32>
        %add3A_591 = arith.addf %mul3A_590, %get3A_9 : vector<16xf32>
        %swap3A_592 = arith.constant 1 : i32
        %swap3A_593 = arith.index_cast %swap3A_592 : i32 to index
        %swap3A_594 = arith.index_cast %add3A_493 : i32 to index
        %swap3A_595 = arith.constant 0 : index
        %swap3A_596 = tpu.vector_load %arg10[%swap3A_593, %swap3A_594, %swap3A_595] {strides = array<i32>} : memref<2x400x64xf32, #tpu.memory_space<vmem>>, vector<16xf32>,
        tpu.vector_store %arg10[%swap3A_593, %swap3A_594, %swap3A_595], %add3A_591 {strides = array<i32>} : memref<2x400x64xf32, #tpu.memory_space<vmem>>, vector<16xf32>,
        %mul3A_597 = arith.mulf %mul3A_587, %get3A_3 : vector<16xf32>
        %sub3A_598 = arith.subf %add3A_518, %broadcast_in_dim3A_564 : vector<16xf32>
        %mul3A_599 = arith.mulf %sub3A_598, %mul3A_597 : vector<16xf32>
        %add3A_600 = arith.addf %mul3A_599, %get3A_11 : vector<16xf32>
        %swap3A_601 = arith.constant 1 : i32
        %swap3A_602 = arith.index_cast %swap3A_601 : i32 to index
        %swap3A_603 = arith.index_cast %add3A_493 : i32 to index
        %swap3A_604 = arith.constant 16 : index
        %swap3A_605 = tpu.vector_load %arg10[%swap3A_602, %swap3A_603, %swap3A_604] {strides = array<i32>} : memref<2x400x64xf32, #tpu.memory_space<vmem>>, vector<16xf32>,
        tpu.vector_store %arg10[%swap3A_602, %swap3A_603, %swap3A_604], %add3A_600 {strides = array<i32>} : memref<2x400x64xf32, #tpu.memory_space<vmem>>, vector<16xf32>,
        %mul3A_606 = arith.mulf %mul3A_587, %get3A_5 : vector<16xf32>
        %sub3A_607 = arith.subf %add3A_527, %broadcast_in_dim3A_564 : vector<16xf32>
        %mul3A_608 = arith.mulf %sub3A_607, %mul3A_606 : vector<16xf32>
        %add3A_609 = arith.addf %mul3A_608, %get3A_13 : vector<16xf32>
        %swap3A_610 = arith.constant 1 : i32
        %swap3A_611 = arith.index_cast %swap3A_610 : i32 to index
        %swap3A_612 = arith.index_cast %add3A_493 : i32 to index
        %swap3A_613 = arith.constant 32 : index
        %swap3A_614 = tpu.vector_load %arg10[%swap3A_611, %swap3A_612, %swap3A_613] {strides = array<i32>} : memref<2x400x64xf32, #tpu.memory_space<vmem>>, vector<16xf32>,
        tpu.vector_store %arg10[%swap3A_611, %swap3A_612, %swap3A_613], %add3A_609 {strides = array<i32>} : memref<2x400x64xf32, #tpu.memory_space<vmem>>, vector<16xf32>,
        %mul3A_615 = arith.mulf %mul3A_587, %get3A_7 : vector<16xf32>
        %sub3A_616 = arith.subf %add3A_536, %broadcast_in_dim3A_564 : vector<16xf32>
        %mul3A_617 = arith.mulf %sub3A_616, %mul3A_615 : vector<16xf32>
        %add3A_618 = arith.addf %mul3A_617, %get3A_15 : vector<16xf32>
        %swap3A_619 = arith.constant 1 : i32
        %swap3A_620 = arith.index_cast %swap3A_619 : i32 to index
        %swap3A_621 = arith.index_cast %add3A_493 : i32 to index
        %swap3A_622 = arith.constant 48 : index
        %swap3A_623 = tpu.vector_load %arg10[%swap3A_620, %swap3A_621, %swap3A_622] {strides = array<i32>} : memref<2x400x64xf32, #tpu.memory_space<vmem>>, vector<16xf32>,
        tpu.vector_store %arg10[%swap3A_620, %swap3A_621, %swap3A_622], %add3A_618 {strides = array<i32>} : memref<2x400x64xf32, #tpu.memory_space<vmem>>, vector<16xf32>,
        %add3A_624 = arith.constant 4 : i32
        %add3A_625 = arith.addi %mul3A_100, %add3A_624 : i32
        %rem3A_626 = arith.constant 200 : i32
        %rem3A_627 = arith.remsi %add3A_625, %rem3A_626 : i32
        %slice3A_628 = vector.extract_strided_slice %get3A_104 {offsets = [4], sizes = [1], strides = [1]} : vector<16xi32> to vector<1xi32>
        %squeeze3A_629 = vector.extract %slice3A_628[0] : i32 from vector<1xi32>
        %mul3A_630 = arith.constant 200 : i32
        %mul3A_631 = arith.muli %squeeze3A_629, %mul3A_630 : i32
        %add3A_632 = arith.addi %mul3A_631, %rem3A_627 : i32
        %get3A_633 = arith.constant 1 : i32
        %get3A_634 = arith.index_cast %get3A_633 : i32 to index
        %get3A_635 = arith.index_cast %add3A_625 : i32 to index
        %get3A_636 = arith.constant 0 : index
        %get3A_637 = tpu.vector_load %arg10[%get3A_634, %get3A_635, %get3A_636] {strides = array<i32>} : memref<2x400x64xf32, #tpu.memory_space<vmem>>, vector<16xf32>,
        %get3A_638 = arith.index_cast %add3A_632 : i32 to index
        %get3A_639 = arith.constant 0 : index
        %get3A_640 = tpu.vector_load %arg11[%get3A_638, %get3A_639] {strides = array<i32>} : memref<400x64xf32, #tpu.memory_space<vmem>>, vector<16xf32>,
        %add3A_641 = arith.addf %get3A_637, %get3A_640 : vector<16xf32>
        %get3A_642 = arith.constant 1 : i32
        %get3A_643 = arith.index_cast %get3A_642 : i32 to index
        %get3A_644 = arith.index_cast %add3A_625 : i32 to index
        %get3A_645 = arith.constant 16 : index
        %get3A_646 = tpu.vector_load %arg10[%get3A_643, %get3A_644, %get3A_645] {strides = array<i32>} : memref<2x400x64xf32, #tpu.memory_space<vmem>>, vector<16xf32>,
        %get3A_647 = arith.index_cast %add3A_632 : i32 to index
        %get3A_648 = arith.constant 16 : index
        %get3A_649 = tpu.vector_load %arg11[%get3A_647, %get3A_648] {strides = array<i32>} : memref<400x64xf32, #tpu.memory_space<vmem>>, vector<16xf32>,
        %add3A_650 = arith.addf %get3A_646, %get3A_649 : vector<16xf32>
        %get3A_651 = arith.constant 1 : i32
        %get3A_652 = arith.index_cast %get3A_651 : i32 to index
        %get3A_653 = arith.index_cast %add3A_625 : i32 to index
        %get3A_654 = arith.constant 32 : index
        %get3A_655 = tpu.vector_load %arg10[%get3A_652, %get3A_653, %get3A_654] {strides = array<i32>} : memref<2x400x64xf32, #tpu.memory_space<vmem>>, vector<16xf32>,
        %get3A_656 = arith.index_cast %add3A_632 : i32 to index
        %get3A_657 = arith.constant 32 : index
        %get3A_658 = tpu.vector_load %arg11[%get3A_656, %get3A_657] {strides = array<i32>} : memref<400x64xf32, #tpu.memory_space<vmem>>, vector<16xf32>,
        %add3A_659 = arith.addf %get3A_655, %get3A_658 : vector<16xf32>
        %get3A_660 = arith.constant 1 : i32
        %get3A_661 = arith.index_cast %get3A_660 : i32 to index
        %get3A_662 = arith.index_cast %add3A_625 : i32 to index
        %get3A_663 = arith.constant 48 : index
        %get3A_664 = tpu.vector_load %arg10[%get3A_661, %get3A_662, %get3A_663] {strides = array<i32>} : memref<2x400x64xf32, #tpu.memory_space<vmem>>, vector<16xf32>,
        %get3A_665 = arith.index_cast %add3A_632 : i32 to index
        %get3A_666 = arith.constant 48 : index
        %get3A_667 = tpu.vector_load %arg11[%get3A_665, %get3A_666] {strides = array<i32>} : memref<400x64xf32, #tpu.memory_space<vmem>>, vector<16xf32>,
        %add3A_668 = arith.addf %get3A_664, %get3A_667 : vector<16xf32>
        %add3A_669 = arith.addf %add3A_641, %add3A_650 : vector<16xf32>
        %add3A_670 = arith.addf %add3A_659, %add3A_668 : vector<16xf32>
        %add3A_671 = arith.addf %add3A_669, %add3A_670 : vector<16xf32>
        %reduce_sum3A_672 = arith.constant true
        %reduce_sum3A_673 = vector.broadcast %reduce_sum3A_672 : i1 to vector<16xi1>
        %reduce_sum3A_674 = tpu.scan <sum>, %add3A_671 masked %reduce_sum3A_673 : vector<16xf32>, vector<16xi1> -> vector<16xf32>
        %reduce_sum3A_675 = vector.extract %reduce_sum3A_674[15] : f32 from vector<16xf32>
        %mul3A_676 = arith.mulf %add3A_641, %add3A_641 : vector<16xf32>
        %mul3A_677 = arith.mulf %add3A_650, %add3A_650 : vector<16xf32>
        %add3A_678 = arith.addf %mul3A_676, %mul3A_677 : vector<16xf32>
        %mul3A_679 = arith.mulf %add3A_659, %add3A_659 : vector<16xf32>
        %add3A_680 = arith.addf %add3A_678, %mul3A_679 : vector<16xf32>
        %mul3A_681 = arith.mulf %add3A_668, %add3A_668 : vector<16xf32>
        %add3A_682 = arith.addf %add3A_680, %mul3A_681 : vector<16xf32>
        %reduce_sum3A_683 = arith.constant true
        %reduce_sum3A_684 = vector.broadcast %reduce_sum3A_683 : i1 to vector<16xi1>
        %reduce_sum3A_685 = tpu.scan <sum>, %add3A_682 masked %reduce_sum3A_684 : vector<16xf32>, vector<16xi1> -> vector<16xf32>
        %reduce_sum3A_686 = vector.extract %reduce_sum3A_685[15] : f32 from vector<16xf32>
        %mul3A_687 = arith.constant 1.562500e-02 : f32
        %mul3A_688 = arith.mulf %reduce_sum3A_675, %mul3A_687 : f32
        %mul3A_689 = arith.constant 1.562500e-02 : f32
        %mul3A_690 = arith.mulf %reduce_sum3A_686, %mul3A_689 : f32
        %mul3A_691 = arith.mulf %mul3A_688, %mul3A_688 : f32
        %sub3A_692 = arith.subf %mul3A_690, %mul3A_691 : f32
        %add3A_693 = arith.constant 9.99999974E-6 : f32
        %add3A_694 = arith.addf %sub3A_692, %add3A_693 : f32
        %broadcast_in_dim3A_695 = vector.broadcast %add3A_694 : f32 to vector<16xf32>
        %broadcast_in_dim3A_696 = vector.broadcast %mul3A_688 : f32 to vector<16xf32>
        %bitcast_convert_type3A_697 = tpu.bitcast %broadcast_in_dim3A_695 : vector<16xf32> -> vector<16xi32>
        %shift_right_arithmetic3A_698 = arith.constant 1 : i32
        %shift_right_arithmetic3A_699 = vector.broadcast %shift_right_arithmetic3A_698 : i32 to vector<16xi32>
        %shift_right_arithmetic3A_700 = arith.shrsi %bitcast_convert_type3A_697, %shift_right_arithmetic3A_699 : vector<16xi32>
        %sub3A_701 = arith.constant 1597463007 : i32
        %sub3A_702 = vector.broadcast %sub3A_701 : i32 to vector<16xi32>
        %sub3A_703 = arith.subi %sub3A_702, %shift_right_arithmetic3A_700 : vector<16xi32>
        %bitcast_convert_type3A_704 = tpu.bitcast %sub3A_703 : vector<16xi32> -> vector<16xf32>
        %mul3A_705 = arith.constant 5.000000e-01 : f32
        %mul3A_706 = vector.broadcast %mul3A_705 : f32 to vector<16xf32>
        %mul3A_707 = arith.mulf %broadcast_in_dim3A_695, %mul3A_706 : vector<16xf32>
        %mul3A_708 = arith.mulf %mul3A_707, %bitcast_convert_type3A_704 : vector<16xf32>
        %mul3A_709 = arith.mulf %mul3A_708, %bitcast_convert_type3A_704 : vector<16xf32>
        %sub3A_710 = arith.constant 1.500000e+00 : f32
        %sub3A_711 = vector.broadcast %sub3A_710 : f32 to vector<16xf32>
        %sub3A_712 = arith.subf %sub3A_711, %mul3A_709 : vector<16xf32>
        %mul3A_713 = arith.mulf %bitcast_convert_type3A_704, %sub3A_712 : vector<16xf32>
        %mul3A_714 = arith.mulf %mul3A_707, %mul3A_713 : vector<16xf32>
        %mul3A_715 = arith.mulf %mul3A_714, %mul3A_713 : vector<16xf32>
        %sub3A_716 = arith.constant 1.500000e+00 : f32
        %sub3A_717 = vector.broadcast %sub3A_716 : f32 to vector<16xf32>
        %sub3A_718 = arith.subf %sub3A_717, %mul3A_715 : vector<16xf32>
        %mul3A_719 = arith.mulf %mul3A_713, %sub3A_718 : vector<16xf32>
        %mul3A_720 = arith.mulf %mul3A_719, %get3A_1 : vector<16xf32>
        %sub3A_721 = arith.subf %add3A_641, %broadcast_in_dim3A_696 : vector<16xf32>
        %mul3A_722 = arith.mulf %sub3A_721, %mul3A_720 : vector<16xf32>
        %add3A_723 = arith.addf %mul3A_722, %get3A_9 : vector<16xf32>
        %swap3A_724 = arith.constant 1 : i32
        %swap3A_725 = arith.index_cast %swap3A_724 : i32 to index
        %swap3A_726 = arith.index_cast %add3A_625 : i32 to index
        %swap3A_727 = arith.constant 0 : index
        %swap3A_728 = tpu.vector_load %arg10[%swap3A_725, %swap3A_726, %swap3A_727] {strides = array<i32>} : memref<2x400x64xf32, #tpu.memory_space<vmem>>, vector<16xf32>,
        tpu.vector_store %arg10[%swap3A_725, %swap3A_726, %swap3A_727], %add3A_723 {strides = array<i32>} : memref<2x400x64xf32, #tpu.memory_space<vmem>>, vector<16xf32>,
        %mul3A_729 = arith.mulf %mul3A_719, %get3A_3 : vector<16xf32>
        %sub3A_730 = arith.subf %add3A_650, %broadcast_in_dim3A_696 : vector<16xf32>
        %mul3A_731 = arith.mulf %sub3A_730, %mul3A_729 : vector<16xf32>
        %add3A_732 = arith.addf %mul3A_731, %get3A_11 : vector<16xf32>
        %swap3A_733 = arith.constant 1 : i32
        %swap3A_734 = arith.index_cast %swap3A_733 : i32 to index
        %swap3A_735 = arith.index_cast %add3A_625 : i32 to index
        %swap3A_736 = arith.constant 16 : index
        %swap3A_737 = tpu.vector_load %arg10[%swap3A_734, %swap3A_735, %swap3A_736] {strides = array<i32>} : memref<2x400x64xf32, #tpu.memory_space<vmem>>, vector<16xf32>,
        tpu.vector_store %arg10[%swap3A_734, %swap3A_735, %swap3A_736], %add3A_732 {strides = array<i32>} : memref<2x400x64xf32, #tpu.memory_space<vmem>>, vector<16xf32>,
        %mul3A_738 = arith.mulf %mul3A_719, %get3A_5 : vector<16xf32>
        %sub3A_739 = arith.subf %add3A_659, %broadcast_in_dim3A_696 : vector<16xf32>
        %mul3A_740 = arith.mulf %sub3A_739, %mul3A_738 : vector<16xf32>
        %add3A_741 = arith.addf %mul3A_740, %get3A_13 : vector<16xf32>
        %swap3A_742 = arith.constant 1 : i32
        %swap3A_743 = arith.index_cast %swap3A_742 : i32 to index
        %swap3A_744 = arith.index_cast %add3A_625 : i32 to index
        %swap3A_745 = arith.constant 32 : index
        %swap3A_746 = tpu.vector_load %arg10[%swap3A_743, %swap3A_744, %swap3A_745] {strides = array<i32>} : memref<2x400x64xf32, #tpu.memory_space<vmem>>, vector<16xf32>,
        tpu.vector_store %arg10[%swap3A_743, %swap3A_744, %swap3A_745], %add3A_741 {strides = array<i32>} : memref<2x400x64xf32, #tpu.memory_space<vmem>>, vector<16xf32>,
        %mul3A_747 = arith.mulf %mul3A_719, %get3A_7 : vector<16xf32>
        %sub3A_748 = arith.subf %add3A_668, %broadcast_in_dim3A_696 : vector<16xf32>
        %mul3A_749 = arith.mulf %sub3A_748, %mul3A_747 : vector<16xf32>
        %add3A_750 = arith.addf %mul3A_749, %get3A_15 : vector<16xf32>
        %swap3A_751 = arith.constant 1 : i32
        %swap3A_752 = arith.index_cast %swap3A_751 : i32 to index
        %swap3A_753 = arith.index_cast %add3A_625 : i32 to index
        %swap3A_754 = arith.constant 48 : index
        %swap3A_755 = tpu.vector_load %arg10[%swap3A_752, %swap3A_753, %swap3A_754] {strides = array<i32>} : memref<2x400x64xf32, #tpu.memory_space<vmem>>, vector<16xf32>,
        tpu.vector_store %arg10[%swap3A_752, %swap3A_753, %swap3A_754], %add3A_750 {strides = array<i32>} : memref<2x400x64xf32, #tpu.memory_space<vmem>>, vector<16xf32>,
        %add3A_756 = arith.constant 5 : i32
        %add3A_757 = arith.addi %mul3A_100, %add3A_756 : i32
        %rem3A_758 = arith.constant 200 : i32
        %rem3A_759 = arith.remsi %add3A_757, %rem3A_758 : i32
        %slice3A_760 = vector.extract_strided_slice %get3A_104 {offsets = [5], sizes = [1], strides = [1]} : vector<16xi32> to vector<1xi32>
        %squeeze3A_761 = vector.extract %slice3A_760[0] : i32 from vector<1xi32>
        %mul3A_762 = arith.constant 200 : i32
        %mul3A_763 = arith.muli %squeeze3A_761, %mul3A_762 : i32
        %add3A_764 = arith.addi %mul3A_763, %rem3A_759 : i32
        %get3A_765 = arith.constant 1 : i32
        %get3A_766 = arith.index_cast %get3A_765 : i32 to index
        %get3A_767 = arith.index_cast %add3A_757 : i32 to index
        %get3A_768 = arith.constant 0 : index
        %get3A_769 = tpu.vector_load %arg10[%get3A_766, %get3A_767, %get3A_768] {strides = array<i32>} : memref<2x400x64xf32, #tpu.memory_space<vmem>>, vector<16xf32>,
        %get3A_770 = arith.index_cast %add3A_764 : i32 to index
        %get3A_771 = arith.constant 0 : index
        %get3A_772 = tpu.vector_load %arg11[%get3A_770, %get3A_771] {strides = array<i32>} : memref<400x64xf32, #tpu.memory_space<vmem>>, vector<16xf32>,
        %add3A_773 = arith.addf %get3A_769, %get3A_772 : vector<16xf32>
        %get3A_774 = arith.constant 1 : i32
        %get3A_775 = arith.index_cast %get3A_774 : i32 to index
        %get3A_776 = arith.index_cast %add3A_757 : i32 to index
        %get3A_777 = arith.constant 16 : index
        %get3A_778 = tpu.vector_load %arg10[%get3A_775, %get3A_776, %get3A_777] {strides = array<i32>} : memref<2x400x64xf32, #tpu.memory_space<vmem>>, vector<16xf32>,
        %get3A_779 = arith.index_cast %add3A_764 : i32 to index
        %get3A_780 = arith.constant 16 : index
        %get3A_781 = tpu.vector_load %arg11[%get3A_779, %get3A_780] {strides = array<i32>} : memref<400x64xf32, #tpu.memory_space<vmem>>, vector<16xf32>,
        %add3A_782 = arith.addf %get3A_778, %get3A_781 : vector<16xf32>
        %get3A_783 = arith.constant 1 : i32
        %get3A_784 = arith.index_cast %get3A_783 : i32 to index
        %get3A_785 = arith.index_cast %add3A_757 : i32 to index
        %get3A_786 = arith.constant 32 : index
        %get3A_787 = tpu.vector_load %arg10[%get3A_784, %get3A_785, %get3A_786] {strides = array<i32>} : memref<2x400x64xf32, #tpu.memory_space<vmem>>, vector<16xf32>,
        %get3A_788 = arith.index_cast %add3A_764 : i32 to index
        %get3A_789 = arith.constant 32 : index
        %get3A_790 = tpu.vector_load %arg11[%get3A_788, %get3A_789] {strides = array<i32>} : memref<400x64xf32, #tpu.memory_space<vmem>>, vector<16xf32>,
        %add3A_791 = arith.addf %get3A_787, %get3A_790 : vector<16xf32>
        %get3A_792 = arith.constant 1 : i32
        %get3A_793 = arith.index_cast %get3A_792 : i32 to index
        %get3A_794 = arith.index_cast %add3A_757 : i32 to index
        %get3A_795 = arith.constant 48 : index
        %get3A_796 = tpu.vector_load %arg10[%get3A_793, %get3A_794, %get3A_795] {strides = array<i32>} : memref<2x400x64xf32, #tpu.memory_space<vmem>>, vector<16xf32>,
        %get3A_797 = arith.index_cast %add3A_764 : i32 to index
        %get3A_798 = arith.constant 48 : index
        %get3A_799 = tpu.vector_load %arg11[%get3A_797, %get3A_798] {strides = array<i32>} : memref<400x64xf32, #tpu.memory_space<vmem>>, vector<16xf32>,
        %add3A_800 = arith.addf %get3A_796, %get3A_799 : vector<16xf32>
        %add3A_801 = arith.addf %add3A_773, %add3A_782 : vector<16xf32>
        %add3A_802 = arith.addf %add3A_791, %add3A_800 : vector<16xf32>
        %add3A_803 = arith.addf %add3A_801, %add3A_802 : vector<16xf32>
        %reduce_sum3A_804 = arith.constant true
        %reduce_sum3A_805 = vector.broadcast %reduce_sum3A_804 : i1 to vector<16xi1>
        %reduce_sum3A_806 = tpu.scan <sum>, %add3A_803 masked %reduce_sum3A_805 : vector<16xf32>, vector<16xi1> -> vector<16xf32>
        %reduce_sum3A_807 = vector.extract %reduce_sum3A_806[15] : f32 from vector<16xf32>
        %mul3A_808 = arith.mulf %add3A_773, %add3A_773 : vector<16xf32>
        %mul3A_809 = arith.mulf %add3A_782, %add3A_782 : vector<16xf32>
        %add3A_810 = arith.addf %mul3A_808, %mul3A_809 : vector<16xf32>
        %mul3A_811 = arith.mulf %add3A_791, %add3A_791 : vector<16xf32>
        %add3A_812 = arith.addf %add3A_810, %mul3A_811 : vector<16xf32>
        %mul3A_813 = arith.mulf %add3A_800, %add3A_800 : vector<16xf32>
        %add3A_814 = arith.addf %add3A_812, %mul3A_813 : vector<16xf32>
        %reduce_sum3A_815 = arith.constant true
        %reduce_sum3A_816 = vector.broadcast %reduce_sum3A_815 : i1 to vector<16xi1>
        %reduce_sum3A_817 = tpu.scan <sum>, %add3A_814 masked %reduce_sum3A_816 : vector<16xf32>, vector<16xi1> -> vector<16xf32>
        %reduce_sum3A_818 = vector.extract %reduce_sum3A_817[15] : f32 from vector<16xf32>
        %mul3A_819 = arith.constant 1.562500e-02 : f32
        %mul3A_820 = arith.mulf %reduce_sum3A_807, %mul3A_819 : f32
        %mul3A_821 = arith.constant 1.562500e-02 : f32
        %mul3A_822 = arith.mulf %reduce_sum3A_818, %mul3A_821 : f32
        %mul3A_823 = arith.mulf %mul3A_820, %mul3A_820 : f32
        %sub3A_824 = arith.subf %mul3A_822, %mul3A_823 : f32
        %add3A_825 = arith.constant 9.99999974E-6 : f32
        %add3A_826 = arith.addf %sub3A_824, %add3A_825 : f32
        %broadcast_in_dim3A_827 = vector.broadcast %add3A_826 : f32 to vector<16xf32>
        %broadcast_in_dim3A_828 = vector.broadcast %mul3A_820 : f32 to vector<16xf32>
        %bitcast_convert_type3A_829 = tpu.bitcast %broadcast_in_dim3A_827 : vector<16xf32> -> vector<16xi32>
        %shift_right_arithmetic3A_830 = arith.constant 1 : i32
        %shift_right_arithmetic3A_831 = vector.broadcast %shift_right_arithmetic3A_830 : i32 to vector<16xi32>
        %shift_right_arithmetic3A_832 = arith.shrsi %bitcast_convert_type3A_829, %shift_right_arithmetic3A_831 : vector<16xi32>
        %sub3A_833 = arith.constant 1597463007 : i32
        %sub3A_834 = vector.broadcast %sub3A_833 : i32 to vector<16xi32>
        %sub3A_835 = arith.subi %sub3A_834, %shift_right_arithmetic3A_832 : vector<16xi32>
        %bitcast_convert_type3A_836 = tpu.bitcast %sub3A_835 : vector<16xi32> -> vector<16xf32>
        %mul3A_837 = arith.constant 5.000000e-01 : f32
        %mul3A_838 = vector.broadcast %mul3A_837 : f32 to vector<16xf32>
        %mul3A_839 = arith.mulf %broadcast_in_dim3A_827, %mul3A_838 : vector<16xf32>
        %mul3A_840 = arith.mulf %mul3A_839, %bitcast_convert_type3A_836 : vector<16xf32>
        %mul3A_841 = arith.mulf %mul3A_840, %bitcast_convert_type3A_836 : vector<16xf32>
        %sub3A_842 = arith.constant 1.500000e+00 : f32
        %sub3A_843 = vector.broadcast %sub3A_842 : f32 to vector<16xf32>
        %sub3A_844 = arith.subf %sub3A_843, %mul3A_841 : vector<16xf32>
        %mul3A_845 = arith.mulf %bitcast_convert_type3A_836, %sub3A_844 : vector<16xf32>
        %mul3A_846 = arith.mulf %mul3A_839, %mul3A_845 : vector<16xf32>
        %mul3A_847 = arith.mulf %mul3A_846, %mul3A_845 : vector<16xf32>
        %sub3A_848 = arith.constant 1.500000e+00 : f32
        %sub3A_849 = vector.broadcast %sub3A_848 : f32 to vector<16xf32>
        %sub3A_850 = arith.subf %sub3A_849, %mul3A_847 : vector<16xf32>
        %mul3A_851 = arith.mulf %mul3A_845, %sub3A_850 : vector<16xf32>
        %mul3A_852 = arith.mulf %mul3A_851, %get3A_1 : vector<16xf32>
        %sub3A_853 = arith.subf %add3A_773, %broadcast_in_dim3A_828 : vector<16xf32>
        %mul3A_854 = arith.mulf %sub3A_853, %mul3A_852 : vector<16xf32>
        %add3A_855 = arith.addf %mul3A_854, %get3A_9 : vector<16xf32>
        %swap3A_856 = arith.constant 1 : i32
        %swap3A_857 = arith.index_cast %swap3A_856 : i32 to index
        %swap3A_858 = arith.index_cast %add3A_757 : i32 to index
        %swap3A_859 = arith.constant 0 : index
        %swap3A_860 = tpu.vector_load %arg10[%swap3A_857, %swap3A_858, %swap3A_859] {strides = array<i32>} : memref<2x400x64xf32, #tpu.memory_space<vmem>>, vector<16xf32>,
        tpu.vector_store %arg10[%swap3A_857, %swap3A_858, %swap3A_859], %add3A_855 {strides = array<i32>} : memref<2x400x64xf32, #tpu.memory_space<vmem>>, vector<16xf32>,
        %mul3A_861 = arith.mulf %mul3A_851, %get3A_3 : vector<16xf32>
        %sub3A_862 = arith.subf %add3A_782, %broadcast_in_dim3A_828 : vector<16xf32>
        %mul3A_863 = arith.mulf %sub3A_862, %mul3A_861 : vector<16xf32>
        %add3A_864 = arith.addf %mul3A_863, %get3A_11 : vector<16xf32>
        %swap3A_865 = arith.constant 1 : i32
        %swap3A_866 = arith.index_cast %swap3A_865 : i32 to index
        %swap3A_867 = arith.index_cast %add3A_757 : i32 to index
        %swap3A_868 = arith.constant 16 : index
        %swap3A_869 = tpu.vector_load %arg10[%swap3A_866, %swap3A_867, %swap3A_868] {strides = array<i32>} : memref<2x400x64xf32, #tpu.memory_space<vmem>>, vector<16xf32>,
        tpu.vector_store %arg10[%swap3A_866, %swap3A_867, %swap3A_868], %add3A_864 {strides = array<i32>} : memref<2x400x64xf32, #tpu.memory_space<vmem>>, vector<16xf32>,
        %mul3A_870 = arith.mulf %mul3A_851, %get3A_5 : vector<16xf32>
        %sub3A_871 = arith.subf %add3A_791, %broadcast_in_dim3A_828 : vector<16xf32>
        %mul3A_872 = arith.mulf %sub3A_871, %mul3A_870 : vector<16xf32>
        %add3A_873 = arith.addf %mul3A_872, %get3A_13 : vector<16xf32>
        %swap3A_874 = arith.constant 1 : i32
        %swap3A_875 = arith.index_cast %swap3A_874 : i32 to index
        %swap3A_876 = arith.index_cast %add3A_757 : i32 to index
        %swap3A_877 = arith.constant 32 : index
        %swap3A_878 = tpu.vector_load %arg10[%swap3A_875, %swap3A_876, %swap3A_877] {strides = array<i32>} : memref<2x400x64xf32, #tpu.memory_space<vmem>>, vector<16xf32>,
        tpu.vector_store %arg10[%swap3A_875, %swap3A_876, %swap3A_877], %add3A_873 {strides = array<i32>} : memref<2x400x64xf32, #tpu.memory_space<vmem>>, vector<16xf32>,
        %mul3A_879 = arith.mulf %mul3A_851, %get3A_7 : vector<16xf32>
        %sub3A_880 = arith.subf %add3A_800, %broadcast_in_dim3A_828 : vector<16xf32>
        %mul3A_881 = arith.mulf %sub3A_880, %mul3A_879 : vector<16xf32>
        %add3A_882 = arith.addf %mul3A_881, %get3A_15 : vector<16xf32>
        %swap3A_883 = arith.constant 1 : i32
        %swap3A_884 = arith.index_cast %swap3A_883 : i32 to index
        %swap3A_885 = arith.index_cast %add3A_757 : i32 to index
        %swap3A_886 = arith.constant 48 : index
        %swap3A_887 = tpu.vector_load %arg10[%swap3A_884, %swap3A_885, %swap3A_886] {strides = array<i32>} : memref<2x400x64xf32, #tpu.memory_space<vmem>>, vector<16xf32>,
        tpu.vector_store %arg10[%swap3A_884, %swap3A_885, %swap3A_886], %add3A_882 {strides = array<i32>} : memref<2x400x64xf32, #tpu.memory_space<vmem>>, vector<16xf32>,
        %add3A_888 = arith.constant 6 : i32
        %add3A_889 = arith.addi %mul3A_100, %add3A_888 : i32
        %rem3A_890 = arith.constant 200 : i32
        %rem3A_891 = arith.remsi %add3A_889, %rem3A_890 : i32
        %slice3A_892 = vector.extract_strided_slice %get3A_104 {offsets = [6], sizes = [1], strides = [1]} : vector<16xi32> to vector<1xi32>
        %squeeze3A_893 = vector.extract %slice3A_892[0] : i32 from vector<1xi32>
        %mul3A_894 = arith.constant 200 : i32
        %mul3A_895 = arith.muli %squeeze3A_893, %mul3A_894 : i32
        %add3A_896 = arith.addi %mul3A_895, %rem3A_891 : i32
        %get3A_897 = arith.constant 1 : i32
        %get3A_898 = arith.index_cast %get3A_897 : i32 to index
        %get3A_899 = arith.index_cast %add3A_889 : i32 to index
        %get3A_900 = arith.constant 0 : index
        %get3A_901 = tpu.vector_load %arg10[%get3A_898, %get3A_899, %get3A_900] {strides = array<i32>} : memref<2x400x64xf32, #tpu.memory_space<vmem>>, vector<16xf32>,
        %get3A_902 = arith.index_cast %add3A_896 : i32 to index
        %get3A_903 = arith.constant 0 : index
        %get3A_904 = tpu.vector_load %arg11[%get3A_902, %get3A_903] {strides = array<i32>} : memref<400x64xf32, #tpu.memory_space<vmem>>, vector<16xf32>,
        %add3A_905 = arith.addf %get3A_901, %get3A_904 : vector<16xf32>
        %get3A_906 = arith.constant 1 : i32
        %get3A_907 = arith.index_cast %get3A_906 : i32 to index
        %get3A_908 = arith.index_cast %add3A_889 : i32 to index
        %get3A_909 = arith.constant 16 : index
        %get3A_910 = tpu.vector_load %arg10[%get3A_907, %get3A_908, %get3A_909] {strides = array<i32>} : memref<2x400x64xf32, #tpu.memory_space<vmem>>, vector<16xf32>,
        %get3A_911 = arith.index_cast %add3A_896 : i32 to index
        %get3A_912 = arith.constant 16 : index
        %get3A_913 = tpu.vector_load %arg11[%get3A_911, %get3A_912] {strides = array<i32>} : memref<400x64xf32, #tpu.memory_space<vmem>>, vector<16xf32>,
        %add3A_914 = arith.addf %get3A_910, %get3A_913 : vector<16xf32>
        %get3A_915 = arith.constant 1 : i32
        %get3A_916 = arith.index_cast %get3A_915 : i32 to index
        %get3A_917 = arith.index_cast %add3A_889 : i32 to index
        %get3A_918 = arith.constant 32 : index
        %get3A_919 = tpu.vector_load %arg10[%get3A_916, %get3A_917, %get3A_918] {strides = array<i32>} : memref<2x400x64xf32, #tpu.memory_space<vmem>>, vector<16xf32>,
        %get3A_920 = arith.index_cast %add3A_896 : i32 to index
        %get3A_921 = arith.constant 32 : index
        %get3A_922 = tpu.vector_load %arg11[%get3A_920, %get3A_921] {strides = array<i32>} : memref<400x64xf32, #tpu.memory_space<vmem>>, vector<16xf32>,
        %add3A_923 = arith.addf %get3A_919, %get3A_922 : vector<16xf32>
        %get3A_924 = arith.constant 1 : i32
        %get3A_925 = arith.index_cast %get3A_924 : i32 to index
        %get3A_926 = arith.index_cast %add3A_889 : i32 to index
        %get3A_927 = arith.constant 48 : index
        %get3A_928 = tpu.vector_load %arg10[%get3A_925, %get3A_926, %get3A_927] {strides = array<i32>} : memref<2x400x64xf32, #tpu.memory_space<vmem>>, vector<16xf32>,
        %get3A_929 = arith.index_cast %add3A_896 : i32 to index
        %get3A_930 = arith.constant 48 : index
        %get3A_931 = tpu.vector_load %arg11[%get3A_929, %get3A_930] {strides = array<i32>} : memref<400x64xf32, #tpu.memory_space<vmem>>, vector<16xf32>,
        %add3A_932 = arith.addf %get3A_928, %get3A_931 : vector<16xf32>
        %add3A_933 = arith.addf %add3A_905, %add3A_914 : vector<16xf32>
        %add3A_934 = arith.addf %add3A_923, %add3A_932 : vector<16xf32>
        %add3A_935 = arith.addf %add3A_933, %add3A_934 : vector<16xf32>
        %reduce_sum3A_936 = arith.constant true
        %reduce_sum3A_937 = vector.broadcast %reduce_sum3A_936 : i1 to vector<16xi1>
        %reduce_sum3A_938 = tpu.scan <sum>, %add3A_935 masked %reduce_sum3A_937 : vector<16xf32>, vector<16xi1> -> vector<16xf32>
        %reduce_sum3A_939 = vector.extract %reduce_sum3A_938[15] : f32 from vector<16xf32>
        %mul3A_940 = arith.mulf %add3A_905, %add3A_905 : vector<16xf32>
        %mul3A_941 = arith.mulf %add3A_914, %add3A_914 : vector<16xf32>
        %add3A_942 = arith.addf %mul3A_940, %mul3A_941 : vector<16xf32>
        %mul3A_943 = arith.mulf %add3A_923, %add3A_923 : vector<16xf32>
        %add3A_944 = arith.addf %add3A_942, %mul3A_943 : vector<16xf32>
        %mul3A_945 = arith.mulf %add3A_932, %add3A_932 : vector<16xf32>
        %add3A_946 = arith.addf %add3A_944, %mul3A_945 : vector<16xf32>
        %reduce_sum3A_947 = arith.constant true
        %reduce_sum3A_948 = vector.broadcast %reduce_sum3A_947 : i1 to vector<16xi1>
        %reduce_sum3A_949 = tpu.scan <sum>, %add3A_946 masked %reduce_sum3A_948 : vector<16xf32>, vector<16xi1> -> vector<16xf32>
        %reduce_sum3A_950 = vector.extract %reduce_sum3A_949[15] : f32 from vector<16xf32>
        %mul3A_951 = arith.constant 1.562500e-02 : f32
        %mul3A_952 = arith.mulf %reduce_sum3A_939, %mul3A_951 : f32
        %mul3A_953 = arith.constant 1.562500e-02 : f32
        %mul3A_954 = arith.mulf %reduce_sum3A_950, %mul3A_953 : f32
        %mul3A_955 = arith.mulf %mul3A_952, %mul3A_952 : f32
        %sub3A_956 = arith.subf %mul3A_954, %mul3A_955 : f32
        %add3A_957 = arith.constant 9.99999974E-6 : f32
        %add3A_958 = arith.addf %sub3A_956, %add3A_957 : f32
        %broadcast_in_dim3A_959 = vector.broadcast %add3A_958 : f32 to vector<16xf32>
        %broadcast_in_dim3A_960 = vector.broadcast %mul3A_952 : f32 to vector<16xf32>
        %bitcast_convert_type3A_961 = tpu.bitcast %broadcast_in_dim3A_959 : vector<16xf32> -> vector<16xi32>
        %shift_right_arithmetic3A_962 = arith.constant 1 : i32
        %shift_right_arithmetic3A_963 = vector.broadcast %shift_right_arithmetic3A_962 : i32 to vector<16xi32>
        %shift_right_arithmetic3A_964 = arith.shrsi %bitcast_convert_type3A_961, %shift_right_arithmetic3A_963 : vector<16xi32>
        %sub3A_965 = arith.constant 1597463007 : i32
        %sub3A_966 = vector.broadcast %sub3A_965 : i32 to vector<16xi32>
        %sub3A_967 = arith.subi %sub3A_966, %shift_right_arithmetic3A_964 : vector<16xi32>
        %bitcast_convert_type3A_968 = tpu.bitcast %sub3A_967 : vector<16xi32> -> vector<16xf32>
        %mul3A_969 = arith.constant 5.000000e-01 : f32
        %mul3A_970 = vector.broadcast %mul3A_969 : f32 to vector<16xf32>
        %mul3A_971 = arith.mulf %broadcast_in_dim3A_959, %mul3A_970 : vector<16xf32>
        %mul3A_972 = arith.mulf %mul3A_971, %bitcast_convert_type3A_968 : vector<16xf32>
        %mul3A_973 = arith.mulf %mul3A_972, %bitcast_convert_type3A_968 : vector<16xf32>
        %sub3A_974 = arith.constant 1.500000e+00 : f32
        %sub3A_975 = vector.broadcast %sub3A_974 : f32 to vector<16xf32>
        %sub3A_976 = arith.subf %sub3A_975, %mul3A_973 : vector<16xf32>
        %mul3A_977 = arith.mulf %bitcast_convert_type3A_968, %sub3A_976 : vector<16xf32>
        %mul3A_978 = arith.mulf %mul3A_971, %mul3A_977 : vector<16xf32>
        %mul3A_979 = arith.mulf %mul3A_978, %mul3A_977 : vector<16xf32>
        %sub3A_980 = arith.constant 1.500000e+00 : f32
        %sub3A_981 = vector.broadcast %sub3A_980 : f32 to vector<16xf32>
        %sub3A_982 = arith.subf %sub3A_981, %mul3A_979 : vector<16xf32>
        %mul3A_983 = arith.mulf %mul3A_977, %sub3A_982 : vector<16xf32>
        %mul3A_984 = arith.mulf %mul3A_983, %get3A_1 : vector<16xf32>
        %sub3A_985 = arith.subf %add3A_905, %broadcast_in_dim3A_960 : vector<16xf32>
        %mul3A_986 = arith.mulf %sub3A_985, %mul3A_984 : vector<16xf32>
        %add3A_987 = arith.addf %mul3A_986, %get3A_9 : vector<16xf32>
        %swap3A_988 = arith.constant 1 : i32
        %swap3A_989 = arith.index_cast %swap3A_988 : i32 to index
        %swap3A_990 = arith.index_cast %add3A_889 : i32 to index
        %swap3A_991 = arith.constant 0 : index
        %swap3A_992 = tpu.vector_load %arg10[%swap3A_989, %swap3A_990, %swap3A_991] {strides = array<i32>} : memref<2x400x64xf32, #tpu.memory_space<vmem>>, vector<16xf32>,
        tpu.vector_store %arg10[%swap3A_989, %swap3A_990, %swap3A_991], %add3A_987 {strides = array<i32>} : memref<2x400x64xf32, #tpu.memory_space<vmem>>, vector<16xf32>,
        %mul3A_993 = arith.mulf %mul3A_983, %get3A_3 : vector<16xf32>
        %sub3A_994 = arith.subf %add3A_914, %broadcast_in_dim3A_960 : vector<16xf32>
        %mul3A_995 = arith.mulf %sub3A_994, %mul3A_993 : vector<16xf32>
        %add3A_996 = arith.addf %mul3A_995, %get3A_11 : vector<16xf32>
        %swap3A_997 = arith.constant 1 : i32
        %swap3A_998 = arith.index_cast %swap3A_997 : i32 to index
        %swap3A_999 = arith.index_cast %add3A_889 : i32 to index
        %swap3A_1000 = arith.constant 16 : index
        %swap3A_1001 = tpu.vector_load %arg10[%swap3A_998, %swap3A_999, %swap3A_1000] {strides = array<i32>} : memref<2x400x64xf32, #tpu.memory_space<vmem>>, vector<16xf32>,
        tpu.vector_store %arg10[%swap3A_998, %swap3A_999, %swap3A_1000], %add3A_996 {strides = array<i32>} : memref<2x400x64xf32, #tpu.memory_space<vmem>>, vector<16xf32>,
        %mul3A_1002 = arith.mulf %mul3A_983, %get3A_5 : vector<16xf32>
        %sub3A_1003 = arith.subf %add3A_923, %broadcast_in_dim3A_960 : vector<16xf32>
        %mul3A_1004 = arith.mulf %sub3A_1003, %mul3A_1002 : vector<16xf32>
        %add3A_1005 = arith.addf %mul3A_1004, %get3A_13 : vector<16xf32>
        %swap3A_1006 = arith.constant 1 : i32
        %swap3A_1007 = arith.index_cast %swap3A_1006 : i32 to index
        %swap3A_1008 = arith.index_cast %add3A_889 : i32 to index
        %swap3A_1009 = arith.constant 32 : index
        %swap3A_1010 = tpu.vector_load %arg10[%swap3A_1007, %swap3A_1008, %swap3A_1009] {strides = array<i32>} : memref<2x400x64xf32, #tpu.memory_space<vmem>>, vector<16xf32>,
        tpu.vector_store %arg10[%swap3A_1007, %swap3A_1008, %swap3A_1009], %add3A_1005 {strides = array<i32>} : memref<2x400x64xf32, #tpu.memory_space<vmem>>, vector<16xf32>,
        %mul3A_1011 = arith.mulf %mul3A_983, %get3A_7 : vector<16xf32>
        %sub3A_1012 = arith.subf %add3A_932, %broadcast_in_dim3A_960 : vector<16xf32>
        %mul3A_1013 = arith.mulf %sub3A_1012, %mul3A_1011 : vector<16xf32>
        %add3A_1014 = arith.addf %mul3A_1013, %get3A_15 : vector<16xf32>
        %swap3A_1015 = arith.constant 1 : i32
        %swap3A_1016 = arith.index_cast %swap3A_1015 : i32 to index
        %swap3A_1017 = arith.index_cast %add3A_889 : i32 to index
        %swap3A_1018 = arith.constant 48 : index
        %swap3A_1019 = tpu.vector_load %arg10[%swap3A_1016, %swap3A_1017, %swap3A_1018] {strides = array<i32>} : memref<2x400x64xf32, #tpu.memory_space<vmem>>, vector<16xf32>,
        tpu.vector_store %arg10[%swap3A_1016, %swap3A_1017, %swap3A_1018], %add3A_1014 {strides = array<i32>} : memref<2x400x64xf32, #tpu.memory_space<vmem>>, vector<16xf32>,
        %add3A_1020 = arith.constant 7 : i32
        %add3A_1021 = arith.addi %mul3A_100, %add3A_1020 : i32
        %rem3A_1022 = arith.constant 200 : i32
        %rem3A_1023 = arith.remsi %add3A_1021, %rem3A_1022 : i32
        %slice3A_1024 = vector.extract_strided_slice %get3A_104 {offsets = [7], sizes = [1], strides = [1]} : vector<16xi32> to vector<1xi32>
        %squeeze3A_1025 = vector.extract %slice3A_1024[0] : i32 from vector<1xi32>
        %mul3A_1026 = arith.constant 200 : i32
        %mul3A_1027 = arith.muli %squeeze3A_1025, %mul3A_1026 : i32
        %add3A_1028 = arith.addi %mul3A_1027, %rem3A_1023 : i32
        %get3A_1029 = arith.constant 1 : i32
        %get3A_1030 = arith.index_cast %get3A_1029 : i32 to index
        %get3A_1031 = arith.index_cast %add3A_1021 : i32 to index
        %get3A_1032 = arith.constant 0 : index
        %get3A_1033 = tpu.vector_load %arg10[%get3A_1030, %get3A_1031, %get3A_1032] {strides = array<i32>} : memref<2x400x64xf32, #tpu.memory_space<vmem>>, vector<16xf32>,
        %get3A_1034 = arith.index_cast %add3A_1028 : i32 to index
        %get3A_1035 = arith.constant 0 : index
        %get3A_1036 = tpu.vector_load %arg11[%get3A_1034, %get3A_1035] {strides = array<i32>} : memref<400x64xf32, #tpu.memory_space<vmem>>, vector<16xf32>,
        %add3A_1037 = arith.addf %get3A_1033, %get3A_1036 : vector<16xf32>
        %get3A_1038 = arith.constant 1 : i32
        %get3A_1039 = arith.index_cast %get3A_1038 : i32 to index
        %get3A_1040 = arith.index_cast %add3A_1021 : i32 to index
        %get3A_1041 = arith.constant 16 : index
        %get3A_1042 = tpu.vector_load %arg10[%get3A_1039, %get3A_1040, %get3A_1041] {strides = array<i32>} : memref<2x400x64xf32, #tpu.memory_space<vmem>>, vector<16xf32>,
        %get3A_1043 = arith.index_cast %add3A_1028 : i32 to index
        %get3A_1044 = arith.constant 16 : index
        %get3A_1045 = tpu.vector_load %arg11[%get3A_1043, %get3A_1044] {strides = array<i32>} : memref<400x64xf32, #tpu.memory_space<vmem>>, vector<16xf32>,
        %add3A_1046 = arith.addf %get3A_1042, %get3A_1045 : vector<16xf32>
        %get3A_1047 = arith.constant 1 : i32
        %get3A_1048 = arith.index_cast %get3A_1047 : i32 to index
        %get3A_1049 = arith.index_cast %add3A_1021 : i32 to index
        %get3A_1050 = arith.constant 32 : index
        %get3A_1051 = tpu.vector_load %arg10[%get3A_1048, %get3A_1049, %get3A_1050] {strides = array<i32>} : memref<2x400x64xf32, #tpu.memory_space<vmem>>, vector<16xf32>,
        %get3A_1052 = arith.index_cast %add3A_1028 : i32 to index
        %get3A_1053 = arith.constant 32 : index
        %get3A_1054 = tpu.vector_load %arg11[%get3A_1052, %get3A_1053] {strides = array<i32>} : memref<400x64xf32, #tpu.memory_space<vmem>>, vector<16xf32>,
        %add3A_1055 = arith.addf %get3A_1051, %get3A_1054 : vector<16xf32>
        %get3A_1056 = arith.constant 1 : i32
        %get3A_1057 = arith.index_cast %get3A_1056 : i32 to index
        %get3A_1058 = arith.index_cast %add3A_1021 : i32 to index
        %get3A_1059 = arith.constant 48 : index
        %get3A_1060 = tpu.vector_load %arg10[%get3A_1057, %get3A_1058, %get3A_1059] {strides = array<i32>} : memref<2x400x64xf32, #tpu.memory_space<vmem>>, vector<16xf32>,
        %get3A_1061 = arith.index_cast %add3A_1028 : i32 to index
        %get3A_1062 = arith.constant 48 : index
        %get3A_1063 = tpu.vector_load %arg11[%get3A_1061, %get3A_1062] {strides = array<i32>} : memref<400x64xf32, #tpu.memory_space<vmem>>, vector<16xf32>,
        %add3A_1064 = arith.addf %get3A_1060, %get3A_1063 : vector<16xf32>
        %add3A_1065 = arith.addf %add3A_1037, %add3A_1046 : vector<16xf32>
        %add3A_1066 = arith.addf %add3A_1055, %add3A_1064 : vector<16xf32>
        %add3A_1067 = arith.addf %add3A_1065, %add3A_1066 : vector<16xf32>
        %reduce_sum3A_1068 = arith.constant true
        %reduce_sum3A_1069 = vector.broadcast %reduce_sum3A_1068 : i1 to vector<16xi1>
        %reduce_sum3A_1070 = tpu.scan <sum>, %add3A_1067 masked %reduce_sum3A_1069 : vector<16xf32>, vector<16xi1> -> vector<16xf32>
        %reduce_sum3A_1071 = vector.extract %reduce_sum3A_1070[15] : f32 from vector<16xf32>
        %mul3A_1072 = arith.mulf %add3A_1037, %add3A_1037 : vector<16xf32>
        %mul3A_1073 = arith.mulf %add3A_1046, %add3A_1046 : vector<16xf32>
        %add3A_1074 = arith.addf %mul3A_1072, %mul3A_1073 : vector<16xf32>
        %mul3A_1075 = arith.mulf %add3A_1055, %add3A_1055 : vector<16xf32>
        %add3A_1076 = arith.addf %add3A_1074, %mul3A_1075 : vector<16xf32>
        %mul3A_1077 = arith.mulf %add3A_1064, %add3A_1064 : vector<16xf32>
        %add3A_1078 = arith.addf %add3A_1076, %mul3A_1077 : vector<16xf32>
        %reduce_sum3A_1079 = arith.constant true
        %reduce_sum3A_1080 = vector.broadcast %reduce_sum3A_1079 : i1 to vector<16xi1>
        %reduce_sum3A_1081 = tpu.scan <sum>, %add3A_1078 masked %reduce_sum3A_1080 : vector<16xf32>, vector<16xi1> -> vector<16xf32>
        %reduce_sum3A_1082 = vector.extract %reduce_sum3A_1081[15] : f32 from vector<16xf32>
        %mul3A_1083 = arith.constant 1.562500e-02 : f32
        %mul3A_1084 = arith.mulf %reduce_sum3A_1071, %mul3A_1083 : f32
        %mul3A_1085 = arith.constant 1.562500e-02 : f32
        %mul3A_1086 = arith.mulf %reduce_sum3A_1082, %mul3A_1085 : f32
        %mul3A_1087 = arith.mulf %mul3A_1084, %mul3A_1084 : f32
        %sub3A_1088 = arith.subf %mul3A_1086, %mul3A_1087 : f32
        %add3A_1089 = arith.constant 9.99999974E-6 : f32
        %add3A_1090 = arith.addf %sub3A_1088, %add3A_1089 : f32
        %broadcast_in_dim3A_1091 = vector.broadcast %add3A_1090 : f32 to vector<16xf32>
        %broadcast_in_dim3A_1092 = vector.broadcast %mul3A_1084 : f32 to vector<16xf32>
        %bitcast_convert_type3A_1093 = tpu.bitcast %broadcast_in_dim3A_1091 : vector<16xf32> -> vector<16xi32>
        %shift_right_arithmetic3A_1094 = arith.constant 1 : i32
        %shift_right_arithmetic3A_1095 = vector.broadcast %shift_right_arithmetic3A_1094 : i32 to vector<16xi32>
        %shift_right_arithmetic3A_1096 = arith.shrsi %bitcast_convert_type3A_1093, %shift_right_arithmetic3A_1095 : vector<16xi32>
        %sub3A_1097 = arith.constant 1597463007 : i32
        %sub3A_1098 = vector.broadcast %sub3A_1097 : i32 to vector<16xi32>
        %sub3A_1099 = arith.subi %sub3A_1098, %shift_right_arithmetic3A_1096 : vector<16xi32>
        %bitcast_convert_type3A_1100 = tpu.bitcast %sub3A_1099 : vector<16xi32> -> vector<16xf32>
        %mul3A_1101 = arith.constant 5.000000e-01 : f32
        %mul3A_1102 = vector.broadcast %mul3A_1101 : f32 to vector<16xf32>
        %mul3A_1103 = arith.mulf %broadcast_in_dim3A_1091, %mul3A_1102 : vector<16xf32>
        %mul3A_1104 = arith.mulf %mul3A_1103, %bitcast_convert_type3A_1100 : vector<16xf32>
        %mul3A_1105 = arith.mulf %mul3A_1104, %bitcast_convert_type3A_1100 : vector<16xf32>
        %sub3A_1106 = arith.constant 1.500000e+00 : f32
        %sub3A_1107 = vector.broadcast %sub3A_1106 : f32 to vector<16xf32>
        %sub3A_1108 = arith.subf %sub3A_1107, %mul3A_1105 : vector<16xf32>
        %mul3A_1109 = arith.mulf %bitcast_convert_type3A_1100, %sub3A_1108 : vector<16xf32>
        %mul3A_1110 = arith.mulf %mul3A_1103, %mul3A_1109 : vector<16xf32>
        %mul3A_1111 = arith.mulf %mul3A_1110, %mul3A_1109 : vector<16xf32>
        %sub3A_1112 = arith.constant 1.500000e+00 : f32
        %sub3A_1113 = vector.broadcast %sub3A_1112 : f32 to vector<16xf32>
        %sub3A_1114 = arith.subf %sub3A_1113, %mul3A_1111 : vector<16xf32>
        %mul3A_1115 = arith.mulf %mul3A_1109, %sub3A_1114 : vector<16xf32>
        %mul3A_1116 = arith.mulf %mul3A_1115, %get3A_1 : vector<16xf32>
        %sub3A_1117 = arith.subf %add3A_1037, %broadcast_in_dim3A_1092 : vector<16xf32>
        %mul3A_1118 = arith.mulf %sub3A_1117, %mul3A_1116 : vector<16xf32>
        %add3A_1119 = arith.addf %mul3A_1118, %get3A_9 : vector<16xf32>
        %swap3A_1120 = arith.constant 1 : i32
        %swap3A_1121 = arith.index_cast %swap3A_1120 : i32 to index
        %swap3A_1122 = arith.index_cast %add3A_1021 : i32 to index
        %swap3A_1123 = arith.constant 0 : index
        %swap3A_1124 = tpu.vector_load %arg10[%swap3A_1121, %swap3A_1122, %swap3A_1123] {strides = array<i32>} : memref<2x400x64xf32, #tpu.memory_space<vmem>>, vector<16xf32>,
        tpu.vector_store %arg10[%swap3A_1121, %swap3A_1122, %swap3A_1123], %add3A_1119 {strides = array<i32>} : memref<2x400x64xf32, #tpu.memory_space<vmem>>, vector<16xf32>,
        %mul3A_1125 = arith.mulf %mul3A_1115, %get3A_3 : vector<16xf32>
        %sub3A_1126 = arith.subf %add3A_1046, %broadcast_in_dim3A_1092 : vector<16xf32>
        %mul3A_1127 = arith.mulf %sub3A_1126, %mul3A_1125 : vector<16xf32>
        %add3A_1128 = arith.addf %mul3A_1127, %get3A_11 : vector<16xf32>
        %swap3A_1129 = arith.constant 1 : i32
        %swap3A_1130 = arith.index_cast %swap3A_1129 : i32 to index
        %swap3A_1131 = arith.index_cast %add3A_1021 : i32 to index
        %swap3A_1132 = arith.constant 16 : index
        %swap3A_1133 = tpu.vector_load %arg10[%swap3A_1130, %swap3A_1131, %swap3A_1132] {strides = array<i32>} : memref<2x400x64xf32, #tpu.memory_space<vmem>>, vector<16xf32>,
        tpu.vector_store %arg10[%swap3A_1130, %swap3A_1131, %swap3A_1132], %add3A_1128 {strides = array<i32>} : memref<2x400x64xf32, #tpu.memory_space<vmem>>, vector<16xf32>,
        %mul3A_1134 = arith.mulf %mul3A_1115, %get3A_5 : vector<16xf32>
        %sub3A_1135 = arith.subf %add3A_1055, %broadcast_in_dim3A_1092 : vector<16xf32>
        %mul3A_1136 = arith.mulf %sub3A_1135, %mul3A_1134 : vector<16xf32>
        %add3A_1137 = arith.addf %mul3A_1136, %get3A_13 : vector<16xf32>
        %swap3A_1138 = arith.constant 1 : i32
        %swap3A_1139 = arith.index_cast %swap3A_1138 : i32 to index
        %swap3A_1140 = arith.index_cast %add3A_1021 : i32 to index
        %swap3A_1141 = arith.constant 32 : index
        %swap3A_1142 = tpu.vector_load %arg10[%swap3A_1139, %swap3A_1140, %swap3A_1141] {strides = array<i32>} : memref<2x400x64xf32, #tpu.memory_space<vmem>>, vector<16xf32>,
        tpu.vector_store %arg10[%swap3A_1139, %swap3A_1140, %swap3A_1141], %add3A_1137 {strides = array<i32>} : memref<2x400x64xf32, #tpu.memory_space<vmem>>, vector<16xf32>,
        %mul3A_1143 = arith.mulf %mul3A_1115, %get3A_7 : vector<16xf32>
        %sub3A_1144 = arith.subf %add3A_1064, %broadcast_in_dim3A_1092 : vector<16xf32>
        %mul3A_1145 = arith.mulf %sub3A_1144, %mul3A_1143 : vector<16xf32>
        %add3A_1146 = arith.addf %mul3A_1145, %get3A_15 : vector<16xf32>
        %swap3A_1147 = arith.constant 1 : i32
        %swap3A_1148 = arith.index_cast %swap3A_1147 : i32 to index
        %swap3A_1149 = arith.index_cast %add3A_1021 : i32 to index
        %swap3A_1150 = arith.constant 48 : index
        %swap3A_1151 = tpu.vector_load %arg10[%swap3A_1148, %swap3A_1149, %swap3A_1150] {strides = array<i32>} : memref<2x400x64xf32, #tpu.memory_space<vmem>>, vector<16xf32>,
        tpu.vector_store %arg10[%swap3A_1148, %swap3A_1149, %swap3A_1150], %add3A_1146 {strides = array<i32>} : memref<2x400x64xf32, #tpu.memory_space<vmem>>, vector<16xf32>,
        %add3A_1152 = arith.constant 8 : i32
        %add3A_1153 = arith.addi %mul3A_100, %add3A_1152 : i32
        %rem3A_1154 = arith.constant 200 : i32
        %rem3A_1155 = arith.remsi %add3A_1153, %rem3A_1154 : i32
        %slice3A_1156 = vector.extract_strided_slice %get3A_104 {offsets = [8], sizes = [1], strides = [1]} : vector<16xi32> to vector<1xi32>
        %squeeze3A_1157 = vector.extract %slice3A_1156[0] : i32 from vector<1xi32>
        %mul3A_1158 = arith.constant 200 : i32
        %mul3A_1159 = arith.muli %squeeze3A_1157, %mul3A_1158 : i32
        %add3A_1160 = arith.addi %mul3A_1159, %rem3A_1155 : i32
        %get3A_1161 = arith.constant 1 : i32
        %get3A_1162 = arith.index_cast %get3A_1161 : i32 to index
        %get3A_1163 = arith.index_cast %add3A_1153 : i32 to index
        %get3A_1164 = arith.constant 0 : index
        %get3A_1165 = tpu.vector_load %arg10[%get3A_1162, %get3A_1163, %get3A_1164] {strides = array<i32>} : memref<2x400x64xf32, #tpu.memory_space<vmem>>, vector<16xf32>,
        %get3A_1166 = arith.index_cast %add3A_1160 : i32 to index
        %get3A_1167 = arith.constant 0 : index
        %get3A_1168 = tpu.vector_load %arg11[%get3A_1166, %get3A_1167] {strides = array<i32>} : memref<400x64xf32, #tpu.memory_space<vmem>>, vector<16xf32>,
        %add3A_1169 = arith.addf %get3A_1165, %get3A_1168 : vector<16xf32>
        %get3A_1170 = arith.constant 1 : i32
        %get3A_1171 = arith.index_cast %get3A_1170 : i32 to index
        %get3A_1172 = arith.index_cast %add3A_1153 : i32 to index
        %get3A_1173 = arith.constant 16 : index
        %get3A_1174 = tpu.vector_load %arg10[%get3A_1171, %get3A_1172, %get3A_1173] {strides = array<i32>} : memref<2x400x64xf32, #tpu.memory_space<vmem>>, vector<16xf32>,
        %get3A_1175 = arith.index_cast %add3A_1160 : i32 to index
        %get3A_1176 = arith.constant 16 : index
        %get3A_1177 = tpu.vector_load %arg11[%get3A_1175, %get3A_1176] {strides = array<i32>} : memref<400x64xf32, #tpu.memory_space<vmem>>, vector<16xf32>,
        %add3A_1178 = arith.addf %get3A_1174, %get3A_1177 : vector<16xf32>
        %get3A_1179 = arith.constant 1 : i32
        %get3A_1180 = arith.index_cast %get3A_1179 : i32 to index
        %get3A_1181 = arith.index_cast %add3A_1153 : i32 to index
        %get3A_1182 = arith.constant 32 : index
        %get3A_1183 = tpu.vector_load %arg10[%get3A_1180, %get3A_1181, %get3A_1182] {strides = array<i32>} : memref<2x400x64xf32, #tpu.memory_space<vmem>>, vector<16xf32>,
        %get3A_1184 = arith.index_cast %add3A_1160 : i32 to index
        %get3A_1185 = arith.constant 32 : index
        %get3A_1186 = tpu.vector_load %arg11[%get3A_1184, %get3A_1185] {strides = array<i32>} : memref<400x64xf32, #tpu.memory_space<vmem>>, vector<16xf32>,
        %add3A_1187 = arith.addf %get3A_1183, %get3A_1186 : vector<16xf32>
        %get3A_1188 = arith.constant 1 : i32
        %get3A_1189 = arith.index_cast %get3A_1188 : i32 to index
        %get3A_1190 = arith.index_cast %add3A_1153 : i32 to index
        %get3A_1191 = arith.constant 48 : index
        %get3A_1192 = tpu.vector_load %arg10[%get3A_1189, %get3A_1190, %get3A_1191] {strides = array<i32>} : memref<2x400x64xf32, #tpu.memory_space<vmem>>, vector<16xf32>,
        %get3A_1193 = arith.index_cast %add3A_1160 : i32 to index
        %get3A_1194 = arith.constant 48 : index
        %get3A_1195 = tpu.vector_load %arg11[%get3A_1193, %get3A_1194] {strides = array<i32>} : memref<400x64xf32, #tpu.memory_space<vmem>>, vector<16xf32>,
        %add3A_1196 = arith.addf %get3A_1192, %get3A_1195 : vector<16xf32>
        %add3A_1197 = arith.addf %add3A_1169, %add3A_1178 : vector<16xf32>
        %add3A_1198 = arith.addf %add3A_1187, %add3A_1196 : vector<16xf32>
        %add3A_1199 = arith.addf %add3A_1197, %add3A_1198 : vector<16xf32>
        %reduce_sum3A_1200 = arith.constant true
        %reduce_sum3A_1201 = vector.broadcast %reduce_sum3A_1200 : i1 to vector<16xi1>
        %reduce_sum3A_1202 = tpu.scan <sum>, %add3A_1199 masked %reduce_sum3A_1201 : vector<16xf32>, vector<16xi1> -> vector<16xf32>
        %reduce_sum3A_1203 = vector.extract %reduce_sum3A_1202[15] : f32 from vector<16xf32>
        %mul3A_1204 = arith.mulf %add3A_1169, %add3A_1169 : vector<16xf32>
        %mul3A_1205 = arith.mulf %add3A_1178, %add3A_1178 : vector<16xf32>
        %add3A_1206 = arith.addf %mul3A_1204, %mul3A_1205 : vector<16xf32>
        %mul3A_1207 = arith.mulf %add3A_1187, %add3A_1187 : vector<16xf32>
        %add3A_1208 = arith.addf %add3A_1206, %mul3A_1207 : vector<16xf32>
        %mul3A_1209 = arith.mulf %add3A_1196, %add3A_1196 : vector<16xf32>
        %add3A_1210 = arith.addf %add3A_1208, %mul3A_1209 : vector<16xf32>
        %reduce_sum3A_1211 = arith.constant true
        %reduce_sum3A_1212 = vector.broadcast %reduce_sum3A_1211 : i1 to vector<16xi1>
        %reduce_sum3A_1213 = tpu.scan <sum>, %add3A_1210 masked %reduce_sum3A_1212 : vector<16xf32>, vector<16xi1> -> vector<16xf32>
        %reduce_sum3A_1214 = vector.extract %reduce_sum3A_1213[15] : f32 from vector<16xf32>
        %mul3A_1215 = arith.constant 1.562500e-02 : f32
        %mul3A_1216 = arith.mulf %reduce_sum3A_1203, %mul3A_1215 : f32
        %mul3A_1217 = arith.constant 1.562500e-02 : f32
        %mul3A_1218 = arith.mulf %reduce_sum3A_1214, %mul3A_1217 : f32
        %mul3A_1219 = arith.mulf %mul3A_1216, %mul3A_1216 : f32
        %sub3A_1220 = arith.subf %mul3A_1218, %mul3A_1219 : f32
        %add3A_1221 = arith.constant 9.99999974E-6 : f32
        %add3A_1222 = arith.addf %sub3A_1220, %add3A_1221 : f32
        %broadcast_in_dim3A_1223 = vector.broadcast %add3A_1222 : f32 to vector<16xf32>
        %broadcast_in_dim3A_1224 = vector.broadcast %mul3A_1216 : f32 to vector<16xf32>
        %bitcast_convert_type3A_1225 = tpu.bitcast %broadcast_in_dim3A_1223 : vector<16xf32> -> vector<16xi32>
        %shift_right_arithmetic3A_1226 = arith.constant 1 : i32
        %shift_right_arithmetic3A_1227 = vector.broadcast %shift_right_arithmetic3A_1226 : i32 to vector<16xi32>
        %shift_right_arithmetic3A_1228 = arith.shrsi %bitcast_convert_type3A_1225, %shift_right_arithmetic3A_1227 : vector<16xi32>
        %sub3A_1229 = arith.constant 1597463007 : i32
        %sub3A_1230 = vector.broadcast %sub3A_1229 : i32 to vector<16xi32>
        %sub3A_1231 = arith.subi %sub3A_1230, %shift_right_arithmetic3A_1228 : vector<16xi32>
        %bitcast_convert_type3A_1232 = tpu.bitcast %sub3A_1231 : vector<16xi32> -> vector<16xf32>
        %mul3A_1233 = arith.constant 5.000000e-01 : f32
        %mul3A_1234 = vector.broadcast %mul3A_1233 : f32 to vector<16xf32>
        %mul3A_1235 = arith.mulf %broadcast_in_dim3A_1223, %mul3A_1234 : vector<16xf32>
        %mul3A_1236 = arith.mulf %mul3A_1235, %bitcast_convert_type3A_1232 : vector<16xf32>
        %mul3A_1237 = arith.mulf %mul3A_1236, %bitcast_convert_type3A_1232 : vector<16xf32>
        %sub3A_1238 = arith.constant 1.500000e+00 : f32
        %sub3A_1239 = vector.broadcast %sub3A_1238 : f32 to vector<16xf32>
        %sub3A_1240 = arith.subf %sub3A_1239, %mul3A_1237 : vector<16xf32>
        %mul3A_1241 = arith.mulf %bitcast_convert_type3A_1232, %sub3A_1240 : vector<16xf32>
        %mul3A_1242 = arith.mulf %mul3A_1235, %mul3A_1241 : vector<16xf32>
        %mul3A_1243 = arith.mulf %mul3A_1242, %mul3A_1241 : vector<16xf32>
        %sub3A_1244 = arith.constant 1.500000e+00 : f32
        %sub3A_1245 = vector.broadcast %sub3A_1244 : f32 to vector<16xf32>
        %sub3A_1246 = arith.subf %sub3A_1245, %mul3A_1243 : vector<16xf32>
        %mul3A_1247 = arith.mulf %mul3A_1241, %sub3A_1246 : vector<16xf32>
        %mul3A_1248 = arith.mulf %mul3A_1247, %get3A_1 : vector<16xf32>
        %sub3A_1249 = arith.subf %add3A_1169, %broadcast_in_dim3A_1224 : vector<16xf32>
        %mul3A_1250 = arith.mulf %sub3A_1249, %mul3A_1248 : vector<16xf32>
        %add3A_1251 = arith.addf %mul3A_1250, %get3A_9 : vector<16xf32>
        %swap3A_1252 = arith.constant 1 : i32
        %swap3A_1253 = arith.index_cast %swap3A_1252 : i32 to index
        %swap3A_1254 = arith.index_cast %add3A_1153 : i32 to index
        %swap3A_1255 = arith.constant 0 : index
        %swap3A_1256 = tpu.vector_load %arg10[%swap3A_1253, %swap3A_1254, %swap3A_1255] {strides = array<i32>} : memref<2x400x64xf32, #tpu.memory_space<vmem>>, vector<16xf32>,
        tpu.vector_store %arg10[%swap3A_1253, %swap3A_1254, %swap3A_1255], %add3A_1251 {strides = array<i32>} : memref<2x400x64xf32, #tpu.memory_space<vmem>>, vector<16xf32>,
        %mul3A_1257 = arith.mulf %mul3A_1247, %get3A_3 : vector<16xf32>
        %sub3A_1258 = arith.subf %add3A_1178, %broadcast_in_dim3A_1224 : vector<16xf32>
        %mul3A_1259 = arith.mulf %sub3A_1258, %mul3A_1257 : vector<16xf32>
        %add3A_1260 = arith.addf %mul3A_1259, %get3A_11 : vector<16xf32>
        %swap3A_1261 = arith.constant 1 : i32
        %swap3A_1262 = arith.index_cast %swap3A_1261 : i32 to index
        %swap3A_1263 = arith.index_cast %add3A_1153 : i32 to index
        %swap3A_1264 = arith.constant 16 : index
        %swap3A_1265 = tpu.vector_load %arg10[%swap3A_1262, %swap3A_1263, %swap3A_1264] {strides = array<i32>} : memref<2x400x64xf32, #tpu.memory_space<vmem>>, vector<16xf32>,
        tpu.vector_store %arg10[%swap3A_1262, %swap3A_1263, %swap3A_1264], %add3A_1260 {strides = array<i32>} : memref<2x400x64xf32, #tpu.memory_space<vmem>>, vector<16xf32>,
        %mul3A_1266 = arith.mulf %mul3A_1247, %get3A_5 : vector<16xf32>
        %sub3A_1267 = arith.subf %add3A_1187, %broadcast_in_dim3A_1224 : vector<16xf32>
        %mul3A_1268 = arith.mulf %sub3A_1267, %mul3A_1266 : vector<16xf32>
        %add3A_1269 = arith.addf %mul3A_1268, %get3A_13 : vector<16xf32>
        %swap3A_1270 = arith.constant 1 : i32
        %swap3A_1271 = arith.index_cast %swap3A_1270 : i32 to index
        %swap3A_1272 = arith.index_cast %add3A_1153 : i32 to index
        %swap3A_1273 = arith.constant 32 : index
        %swap3A_1274 = tpu.vector_load %arg10[%swap3A_1271, %swap3A_1272, %swap3A_1273] {strides = array<i32>} : memref<2x400x64xf32, #tpu.memory_space<vmem>>, vector<16xf32>,
        tpu.vector_store %arg10[%swap3A_1271, %swap3A_1272, %swap3A_1273], %add3A_1269 {strides = array<i32>} : memref<2x400x64xf32, #tpu.memory_space<vmem>>, vector<16xf32>,
        %mul3A_1275 = arith.mulf %mul3A_1247, %get3A_7 : vector<16xf32>
        %sub3A_1276 = arith.subf %add3A_1196, %broadcast_in_dim3A_1224 : vector<16xf32>
        %mul3A_1277 = arith.mulf %sub3A_1276, %mul3A_1275 : vector<16xf32>
        %add3A_1278 = arith.addf %mul3A_1277, %get3A_15 : vector<16xf32>
        %swap3A_1279 = arith.constant 1 : i32
        %swap3A_1280 = arith.index_cast %swap3A_1279 : i32 to index
        %swap3A_1281 = arith.index_cast %add3A_1153 : i32 to index
        %swap3A_1282 = arith.constant 48 : index
        %swap3A_1283 = tpu.vector_load %arg10[%swap3A_1280, %swap3A_1281, %swap3A_1282] {strides = array<i32>} : memref<2x400x64xf32, #tpu.memory_space<vmem>>, vector<16xf32>,
        tpu.vector_store %arg10[%swap3A_1280, %swap3A_1281, %swap3A_1282], %add3A_1278 {strides = array<i32>} : memref<2x400x64xf32, #tpu.memory_space<vmem>>, vector<16xf32>,
        %add3A_1284 = arith.constant 9 : i32
        %add3A_1285 = arith.addi %mul3A_100, %add3A_1284 : i32
        %rem3A_1286 = arith.constant 200 : i32
        %rem3A_1287 = arith.remsi %add3A_1285, %rem3A_1286 : i32
        %slice3A_1288 = vector.extract_strided_slice %get3A_104 {offsets = [9], sizes = [1], strides = [1]} : vector<16xi32> to vector<1xi32>
        %squeeze3A_1289 = vector.extract %slice3A_1288[0] : i32 from vector<1xi32>
        %mul3A_1290 = arith.constant 200 : i32
        %mul3A_1291 = arith.muli %squeeze3A_1289, %mul3A_1290 : i32
        %add3A_1292 = arith.addi %mul3A_1291, %rem3A_1287 : i32
        %get3A_1293 = arith.constant 1 : i32
        %get3A_1294 = arith.index_cast %get3A_1293 : i32 to index
        %get3A_1295 = arith.index_cast %add3A_1285 : i32 to index
        %get3A_1296 = arith.constant 0 : index
        %get3A_1297 = tpu.vector_load %arg10[%get3A_1294, %get3A_1295, %get3A_1296] {strides = array<i32>} : memref<2x400x64xf32, #tpu.memory_space<vmem>>, vector<16xf32>,
        %get3A_1298 = arith.index_cast %add3A_1292 : i32 to index
        %get3A_1299 = arith.constant 0 : index
        %get3A_1300 = tpu.vector_load %arg11[%get3A_1298, %get3A_1299] {strides = array<i32>} : memref<400x64xf32, #tpu.memory_space<vmem>>, vector<16xf32>,
        %add3A_1301 = arith.addf %get3A_1297, %get3A_1300 : vector<16xf32>
        %get3A_1302 = arith.constant 1 : i32
        %get3A_1303 = arith.index_cast %get3A_1302 : i32 to index
        %get3A_1304 = arith.index_cast %add3A_1285 : i32 to index
        %get3A_1305 = arith.constant 16 : index
        %get3A_1306 = tpu.vector_load %arg10[%get3A_1303, %get3A_1304, %get3A_1305] {strides = array<i32>} : memref<2x400x64xf32, #tpu.memory_space<vmem>>, vector<16xf32>,
        %get3A_1307 = arith.index_cast %add3A_1292 : i32 to index
        %get3A_1308 = arith.constant 16 : index
        %get3A_1309 = tpu.vector_load %arg11[%get3A_1307, %get3A_1308] {strides = array<i32>} : memref<400x64xf32, #tpu.memory_space<vmem>>, vector<16xf32>,
        %add3A_1310 = arith.addf %get3A_1306, %get3A_1309 : vector<16xf32>
        %get3A_1311 = arith.constant 1 : i32
        %get3A_1312 = arith.index_cast %get3A_1311 : i32 to index
        %get3A_1313 = arith.index_cast %add3A_1285 : i32 to index
        %get3A_1314 = arith.constant 32 : index
        %get3A_1315 = tpu.vector_load %arg10[%get3A_1312, %get3A_1313, %get3A_1314] {strides = array<i32>} : memref<2x400x64xf32, #tpu.memory_space<vmem>>, vector<16xf32>,
        %get3A_1316 = arith.index_cast %add3A_1292 : i32 to index
        %get3A_1317 = arith.constant 32 : index
        %get3A_1318 = tpu.vector_load %arg11[%get3A_1316, %get3A_1317] {strides = array<i32>} : memref<400x64xf32, #tpu.memory_space<vmem>>, vector<16xf32>,
        %add3A_1319 = arith.addf %get3A_1315, %get3A_1318 : vector<16xf32>
        %get3A_1320 = arith.constant 1 : i32
        %get3A_1321 = arith.index_cast %get3A_1320 : i32 to index
        %get3A_1322 = arith.index_cast %add3A_1285 : i32 to index
        %get3A_1323 = arith.constant 48 : index
        %get3A_1324 = tpu.vector_load %arg10[%get3A_1321, %get3A_1322, %get3A_1323] {strides = array<i32>} : memref<2x400x64xf32, #tpu.memory_space<vmem>>, vector<16xf32>,
        %get3A_1325 = arith.index_cast %add3A_1292 : i32 to index
        %get3A_1326 = arith.constant 48 : index
        %get3A_1327 = tpu.vector_load %arg11[%get3A_1325, %get3A_1326] {strides = array<i32>} : memref<400x64xf32, #tpu.memory_space<vmem>>, vector<16xf32>,
        %add3A_1328 = arith.addf %get3A_1324, %get3A_1327 : vector<16xf32>
        %add3A_1329 = arith.addf %add3A_1301, %add3A_1310 : vector<16xf32>
        %add3A_1330 = arith.addf %add3A_1319, %add3A_1328 : vector<16xf32>
        %add3A_1331 = arith.addf %add3A_1329, %add3A_1330 : vector<16xf32>
        %reduce_sum3A_1332 = arith.constant true
        %reduce_sum3A_1333 = vector.broadcast %reduce_sum3A_1332 : i1 to vector<16xi1>
        %reduce_sum3A_1334 = tpu.scan <sum>, %add3A_1331 masked %reduce_sum3A_1333 : vector<16xf32>, vector<16xi1> -> vector<16xf32>
        %reduce_sum3A_1335 = vector.extract %reduce_sum3A_1334[15] : f32 from vector<16xf32>
        %mul3A_1336 = arith.mulf %add3A_1301, %add3A_1301 : vector<16xf32>
        %mul3A_1337 = arith.mulf %add3A_1310, %add3A_1310 : vector<16xf32>
        %add3A_1338 = arith.addf %mul3A_1336, %mul3A_1337 : vector<16xf32>
        %mul3A_1339 = arith.mulf %add3A_1319, %add3A_1319 : vector<16xf32>
        %add3A_1340 = arith.addf %add3A_1338, %mul3A_1339 : vector<16xf32>
        %mul3A_1341 = arith.mulf %add3A_1328, %add3A_1328 : vector<16xf32>
        %add3A_1342 = arith.addf %add3A_1340, %mul3A_1341 : vector<16xf32>
        %reduce_sum3A_1343 = arith.constant true
        %reduce_sum3A_1344 = vector.broadcast %reduce_sum3A_1343 : i1 to vector<16xi1>
        %reduce_sum3A_1345 = tpu.scan <sum>, %add3A_1342 masked %reduce_sum3A_1344 : vector<16xf32>, vector<16xi1> -> vector<16xf32>
        %reduce_sum3A_1346 = vector.extract %reduce_sum3A_1345[15] : f32 from vector<16xf32>
        %mul3A_1347 = arith.constant 1.562500e-02 : f32
        %mul3A_1348 = arith.mulf %reduce_sum3A_1335, %mul3A_1347 : f32
        %mul3A_1349 = arith.constant 1.562500e-02 : f32
        %mul3A_1350 = arith.mulf %reduce_sum3A_1346, %mul3A_1349 : f32
        %mul3A_1351 = arith.mulf %mul3A_1348, %mul3A_1348 : f32
        %sub3A_1352 = arith.subf %mul3A_1350, %mul3A_1351 : f32
        %add3A_1353 = arith.constant 9.99999974E-6 : f32
        %add3A_1354 = arith.addf %sub3A_1352, %add3A_1353 : f32
        %broadcast_in_dim3A_1355 = vector.broadcast %add3A_1354 : f32 to vector<16xf32>
        %broadcast_in_dim3A_1356 = vector.broadcast %mul3A_1348 : f32 to vector<16xf32>
        %bitcast_convert_type3A_1357 = tpu.bitcast %broadcast_in_dim3A_1355 : vector<16xf32> -> vector<16xi32>
        %shift_right_arithmetic3A_1358 = arith.constant 1 : i32
        %shift_right_arithmetic3A_1359 = vector.broadcast %shift_right_arithmetic3A_1358 : i32 to vector<16xi32>
        %shift_right_arithmetic3A_1360 = arith.shrsi %bitcast_convert_type3A_1357, %shift_right_arithmetic3A_1359 : vector<16xi32>
        %sub3A_1361 = arith.constant 1597463007 : i32
        %sub3A_1362 = vector.broadcast %sub3A_1361 : i32 to vector<16xi32>
        %sub3A_1363 = arith.subi %sub3A_1362, %shift_right_arithmetic3A_1360 : vector<16xi32>
        %bitcast_convert_type3A_1364 = tpu.bitcast %sub3A_1363 : vector<16xi32> -> vector<16xf32>
        %mul3A_1365 = arith.constant 5.000000e-01 : f32
        %mul3A_1366 = vector.broadcast %mul3A_1365 : f32 to vector<16xf32>
        %mul3A_1367 = arith.mulf %broadcast_in_dim3A_1355, %mul3A_1366 : vector<16xf32>
        %mul3A_1368 = arith.mulf %mul3A_1367, %bitcast_convert_type3A_1364 : vector<16xf32>
        %mul3A_1369 = arith.mulf %mul3A_1368, %bitcast_convert_type3A_1364 : vector<16xf32>
        %sub3A_1370 = arith.constant 1.500000e+00 : f32
        %sub3A_1371 = vector.broadcast %sub3A_1370 : f32 to vector<16xf32>
        %sub3A_1372 = arith.subf %sub3A_1371, %mul3A_1369 : vector<16xf32>
        %mul3A_1373 = arith.mulf %bitcast_convert_type3A_1364, %sub3A_1372 : vector<16xf32>
        %mul3A_1374 = arith.mulf %mul3A_1367, %mul3A_1373 : vector<16xf32>
        %mul3A_1375 = arith.mulf %mul3A_1374, %mul3A_1373 : vector<16xf32>
        %sub3A_1376 = arith.constant 1.500000e+00 : f32
        %sub3A_1377 = vector.broadcast %sub3A_1376 : f32 to vector<16xf32>
        %sub3A_1378 = arith.subf %sub3A_1377, %mul3A_1375 : vector<16xf32>
        %mul3A_1379 = arith.mulf %mul3A_1373, %sub3A_1378 : vector<16xf32>
        %mul3A_1380 = arith.mulf %mul3A_1379, %get3A_1 : vector<16xf32>
        %sub3A_1381 = arith.subf %add3A_1301, %broadcast_in_dim3A_1356 : vector<16xf32>
        %mul3A_1382 = arith.mulf %sub3A_1381, %mul3A_1380 : vector<16xf32>
        %add3A_1383 = arith.addf %mul3A_1382, %get3A_9 : vector<16xf32>
        %swap3A_1384 = arith.constant 1 : i32
        %swap3A_1385 = arith.index_cast %swap3A_1384 : i32 to index
        %swap3A_1386 = arith.index_cast %add3A_1285 : i32 to index
        %swap3A_1387 = arith.constant 0 : index
        %swap3A_1388 = tpu.vector_load %arg10[%swap3A_1385, %swap3A_1386, %swap3A_1387] {strides = array<i32>} : memref<2x400x64xf32, #tpu.memory_space<vmem>>, vector<16xf32>,
        tpu.vector_store %arg10[%swap3A_1385, %swap3A_1386, %swap3A_1387], %add3A_1383 {strides = array<i32>} : memref<2x400x64xf32, #tpu.memory_space<vmem>>, vector<16xf32>,
        %mul3A_1389 = arith.mulf %mul3A_1379, %get3A_3 : vector<16xf32>
        %sub3A_1390 = arith.subf %add3A_1310, %broadcast_in_dim3A_1356 : vector<16xf32>
        %mul3A_1391 = arith.mulf %sub3A_1390, %mul3A_1389 : vector<16xf32>
        %add3A_1392 = arith.addf %mul3A_1391, %get3A_11 : vector<16xf32>
        %swap3A_1393 = arith.constant 1 : i32
        %swap3A_1394 = arith.index_cast %swap3A_1393 : i32 to index
        %swap3A_1395 = arith.index_cast %add3A_1285 : i32 to index
        %swap3A_1396 = arith.constant 16 : index
        %swap3A_1397 = tpu.vector_load %arg10[%swap3A_1394, %swap3A_1395, %swap3A_1396] {strides = array<i32>} : memref<2x400x64xf32, #tpu.memory_space<vmem>>, vector<16xf32>,
        tpu.vector_store %arg10[%swap3A_1394, %swap3A_1395, %swap3A_1396], %add3A_1392 {strides = array<i32>} : memref<2x400x64xf32, #tpu.memory_space<vmem>>, vector<16xf32>,
        %mul3A_1398 = arith.mulf %mul3A_1379, %get3A_5 : vector<16xf32>
        %sub3A_1399 = arith.subf %add3A_1319, %broadcast_in_dim3A_1356 : vector<16xf32>
        %mul3A_1400 = arith.mulf %sub3A_1399, %mul3A_1398 : vector<16xf32>
        %add3A_1401 = arith.addf %mul3A_1400, %get3A_13 : vector<16xf32>
        %swap3A_1402 = arith.constant 1 : i32
        %swap3A_1403 = arith.index_cast %swap3A_1402 : i32 to index
        %swap3A_1404 = arith.index_cast %add3A_1285 : i32 to index
        %swap3A_1405 = arith.constant 32 : index
        %swap3A_1406 = tpu.vector_load %arg10[%swap3A_1403, %swap3A_1404, %swap3A_1405] {strides = array<i32>} : memref<2x400x64xf32, #tpu.memory_space<vmem>>, vector<16xf32>,
        tpu.vector_store %arg10[%swap3A_1403, %swap3A_1404, %swap3A_1405], %add3A_1401 {strides = array<i32>} : memref<2x400x64xf32, #tpu.memory_space<vmem>>, vector<16xf32>,
        %mul3A_1407 = arith.mulf %mul3A_1379, %get3A_7 : vector<16xf32>
        %sub3A_1408 = arith.subf %add3A_1328, %broadcast_in_dim3A_1356 : vector<16xf32>
        %mul3A_1409 = arith.mulf %sub3A_1408, %mul3A_1407 : vector<16xf32>
        %add3A_1410 = arith.addf %mul3A_1409, %get3A_15 : vector<16xf32>
        %swap3A_1411 = arith.constant 1 : i32
        %swap3A_1412 = arith.index_cast %swap3A_1411 : i32 to index
        %swap3A_1413 = arith.index_cast %add3A_1285 : i32 to index
        %swap3A_1414 = arith.constant 48 : index
        %swap3A_1415 = tpu.vector_load %arg10[%swap3A_1412, %swap3A_1413, %swap3A_1414] {strides = array<i32>} : memref<2x400x64xf32, #tpu.memory_space<vmem>>, vector<16xf32>,
        tpu.vector_store %arg10[%swap3A_1412, %swap3A_1413, %swap3A_1414], %add3A_1410 {strides = array<i32>} : memref<2x400x64xf32, #tpu.memory_space<vmem>>, vector<16xf32>,
        %add3A_1416 = arith.constant 10 : i32
        %add3A_1417 = arith.addi %mul3A_100, %add3A_1416 : i32
        %rem3A_1418 = arith.constant 200 : i32
        %rem3A_1419 = arith.remsi %add3A_1417, %rem3A_1418 : i32
        %slice3A_1420 = vector.extract_strided_slice %get3A_104 {offsets = [10], sizes = [1], strides = [1]} : vector<16xi32> to vector<1xi32>
        %squeeze3A_1421 = vector.extract %slice3A_1420[0] : i32 from vector<1xi32>
        %mul3A_1422 = arith.constant 200 : i32
        %mul3A_1423 = arith.muli %squeeze3A_1421, %mul3A_1422 : i32
        %add3A_1424 = arith.addi %mul3A_1423, %rem3A_1419 : i32
        %get3A_1425 = arith.constant 1 : i32
        %get3A_1426 = arith.index_cast %get3A_1425 : i32 to index
        %get3A_1427 = arith.index_cast %add3A_1417 : i32 to index
        %get3A_1428 = arith.constant 0 : index
        %get3A_1429 = tpu.vector_load %arg10[%get3A_1426, %get3A_1427, %get3A_1428] {strides = array<i32>} : memref<2x400x64xf32, #tpu.memory_space<vmem>>, vector<16xf32>,
        %get3A_1430 = arith.index_cast %add3A_1424 : i32 to index
        %get3A_1431 = arith.constant 0 : index
        %get3A_1432 = tpu.vector_load %arg11[%get3A_1430, %get3A_1431] {strides = array<i32>} : memref<400x64xf32, #tpu.memory_space<vmem>>, vector<16xf32>,
        %add3A_1433 = arith.addf %get3A_1429, %get3A_1432 : vector<16xf32>
        %get3A_1434 = arith.constant 1 : i32
        %get3A_1435 = arith.index_cast %get3A_1434 : i32 to index
        %get3A_1436 = arith.index_cast %add3A_1417 : i32 to index
        %get3A_1437 = arith.constant 16 : index
        %get3A_1438 = tpu.vector_load %arg10[%get3A_1435, %get3A_1436, %get3A_1437] {strides = array<i32>} : memref<2x400x64xf32, #tpu.memory_space<vmem>>, vector<16xf32>,
        %get3A_1439 = arith.index_cast %add3A_1424 : i32 to index
        %get3A_1440 = arith.constant 16 : index
        %get3A_1441 = tpu.vector_load %arg11[%get3A_1439, %get3A_1440] {strides = array<i32>} : memref<400x64xf32, #tpu.memory_space<vmem>>, vector<16xf32>,
        %add3A_1442 = arith.addf %get3A_1438, %get3A_1441 : vector<16xf32>
        %get3A_1443 = arith.constant 1 : i32
        %get3A_1444 = arith.index_cast %get3A_1443 : i32 to index
        %get3A_1445 = arith.index_cast %add3A_1417 : i32 to index
        %get3A_1446 = arith.constant 32 : index
        %get3A_1447 = tpu.vector_load %arg10[%get3A_1444, %get3A_1445, %get3A_1446] {strides = array<i32>} : memref<2x400x64xf32, #tpu.memory_space<vmem>>, vector<16xf32>,
        %get3A_1448 = arith.index_cast %add3A_1424 : i32 to index
        %get3A_1449 = arith.constant 32 : index
        %get3A_1450 = tpu.vector_load %arg11[%get3A_1448, %get3A_1449] {strides = array<i32>} : memref<400x64xf32, #tpu.memory_space<vmem>>, vector<16xf32>,
        %add3A_1451 = arith.addf %get3A_1447, %get3A_1450 : vector<16xf32>
        %get3A_1452 = arith.constant 1 : i32
        %get3A_1453 = arith.index_cast %get3A_1452 : i32 to index
        %get3A_1454 = arith.index_cast %add3A_1417 : i32 to index
        %get3A_1455 = arith.constant 48 : index
        %get3A_1456 = tpu.vector_load %arg10[%get3A_1453, %get3A_1454, %get3A_1455] {strides = array<i32>} : memref<2x400x64xf32, #tpu.memory_space<vmem>>, vector<16xf32>,
        %get3A_1457 = arith.index_cast %add3A_1424 : i32 to index
        %get3A_1458 = arith.constant 48 : index
        %get3A_1459 = tpu.vector_load %arg11[%get3A_1457, %get3A_1458] {strides = array<i32>} : memref<400x64xf32, #tpu.memory_space<vmem>>, vector<16xf32>,
        %add3A_1460 = arith.addf %get3A_1456, %get3A_1459 : vector<16xf32>
        %add3A_1461 = arith.addf %add3A_1433, %add3A_1442 : vector<16xf32>
        %add3A_1462 = arith.addf %add3A_1451, %add3A_1460 : vector<16xf32>
        %add3A_1463 = arith.addf %add3A_1461, %add3A_1462 : vector<16xf32>
        %reduce_sum3A_1464 = arith.constant true
        %reduce_sum3A_1465 = vector.broadcast %reduce_sum3A_1464 : i1 to vector<16xi1>
        %reduce_sum3A_1466 = tpu.scan <sum>, %add3A_1463 masked %reduce_sum3A_1465 : vector<16xf32>, vector<16xi1> -> vector<16xf32>
        %reduce_sum3A_1467 = vector.extract %reduce_sum3A_1466[15] : f32 from vector<16xf32>
        %mul3A_1468 = arith.mulf %add3A_1433, %add3A_1433 : vector<16xf32>
        %mul3A_1469 = arith.mulf %add3A_1442, %add3A_1442 : vector<16xf32>
        %add3A_1470 = arith.addf %mul3A_1468, %mul3A_1469 : vector<16xf32>
        %mul3A_1471 = arith.mulf %add3A_1451, %add3A_1451 : vector<16xf32>
        %add3A_1472 = arith.addf %add3A_1470, %mul3A_1471 : vector<16xf32>
        %mul3A_1473 = arith.mulf %add3A_1460, %add3A_1460 : vector<16xf32>
        %add3A_1474 = arith.addf %add3A_1472, %mul3A_1473 : vector<16xf32>
        %reduce_sum3A_1475 = arith.constant true
        %reduce_sum3A_1476 = vector.broadcast %reduce_sum3A_1475 : i1 to vector<16xi1>
        %reduce_sum3A_1477 = tpu.scan <sum>, %add3A_1474 masked %reduce_sum3A_1476 : vector<16xf32>, vector<16xi1> -> vector<16xf32>
        %reduce_sum3A_1478 = vector.extract %reduce_sum3A_1477[15] : f32 from vector<16xf32>
        %mul3A_1479 = arith.constant 1.562500e-02 : f32
        %mul3A_1480 = arith.mulf %reduce_sum3A_1467, %mul3A_1479 : f32
        %mul3A_1481 = arith.constant 1.562500e-02 : f32
        %mul3A_1482 = arith.mulf %reduce_sum3A_1478, %mul3A_1481 : f32
        %mul3A_1483 = arith.mulf %mul3A_1480, %mul3A_1480 : f32
        %sub3A_1484 = arith.subf %mul3A_1482, %mul3A_1483 : f32
        %add3A_1485 = arith.constant 9.99999974E-6 : f32
        %add3A_1486 = arith.addf %sub3A_1484, %add3A_1485 : f32
        %broadcast_in_dim3A_1487 = vector.broadcast %add3A_1486 : f32 to vector<16xf32>
        %broadcast_in_dim3A_1488 = vector.broadcast %mul3A_1480 : f32 to vector<16xf32>
        %bitcast_convert_type3A_1489 = tpu.bitcast %broadcast_in_dim3A_1487 : vector<16xf32> -> vector<16xi32>
        %shift_right_arithmetic3A_1490 = arith.constant 1 : i32
        %shift_right_arithmetic3A_1491 = vector.broadcast %shift_right_arithmetic3A_1490 : i32 to vector<16xi32>
        %shift_right_arithmetic3A_1492 = arith.shrsi %bitcast_convert_type3A_1489, %shift_right_arithmetic3A_1491 : vector<16xi32>
        %sub3A_1493 = arith.constant 1597463007 : i32
        %sub3A_1494 = vector.broadcast %sub3A_1493 : i32 to vector<16xi32>
        %sub3A_1495 = arith.subi %sub3A_1494, %shift_right_arithmetic3A_1492 : vector<16xi32>
        %bitcast_convert_type3A_1496 = tpu.bitcast %sub3A_1495 : vector<16xi32> -> vector<16xf32>
        %mul3A_1497 = arith.constant 5.000000e-01 : f32
        %mul3A_1498 = vector.broadcast %mul3A_1497 : f32 to vector<16xf32>
        %mul3A_1499 = arith.mulf %broadcast_in_dim3A_1487, %mul3A_1498 : vector<16xf32>
        %mul3A_1500 = arith.mulf %mul3A_1499, %bitcast_convert_type3A_1496 : vector<16xf32>
        %mul3A_1501 = arith.mulf %mul3A_1500, %bitcast_convert_type3A_1496 : vector<16xf32>
        %sub3A_1502 = arith.constant 1.500000e+00 : f32
        %sub3A_1503 = vector.broadcast %sub3A_1502 : f32 to vector<16xf32>
        %sub3A_1504 = arith.subf %sub3A_1503, %mul3A_1501 : vector<16xf32>
        %mul3A_1505 = arith.mulf %bitcast_convert_type3A_1496, %sub3A_1504 : vector<16xf32>
        %mul3A_1506 = arith.mulf %mul3A_1499, %mul3A_1505 : vector<16xf32>
        %mul3A_1507 = arith.mulf %mul3A_1506, %mul3A_1505 : vector<16xf32>
        %sub3A_1508 = arith.constant 1.500000e+00 : f32
        %sub3A_1509 = vector.broadcast %sub3A_1508 : f32 to vector<16xf32>
        %sub3A_1510 = arith.subf %sub3A_1509, %mul3A_1507 : vector<16xf32>
        %mul3A_1511 = arith.mulf %mul3A_1505, %sub3A_1510 : vector<16xf32>
        %mul3A_1512 = arith.mulf %mul3A_1511, %get3A_1 : vector<16xf32>
        %sub3A_1513 = arith.subf %add3A_1433, %broadcast_in_dim3A_1488 : vector<16xf32>
        %mul3A_1514 = arith.mulf %sub3A_1513, %mul3A_1512 : vector<16xf32>
        %add3A_1515 = arith.addf %mul3A_1514, %get3A_9 : vector<16xf32>
        %swap3A_1516 = arith.constant 1 : i32
        %swap3A_1517 = arith.index_cast %swap3A_1516 : i32 to index
        %swap3A_1518 = arith.index_cast %add3A_1417 : i32 to index
        %swap3A_1519 = arith.constant 0 : index
        %swap3A_1520 = tpu.vector_load %arg10[%swap3A_1517, %swap3A_1518, %swap3A_1519] {strides = array<i32>} : memref<2x400x64xf32, #tpu.memory_space<vmem>>, vector<16xf32>,
        tpu.vector_store %arg10[%swap3A_1517, %swap3A_1518, %swap3A_1519], %add3A_1515 {strides = array<i32>} : memref<2x400x64xf32, #tpu.memory_space<vmem>>, vector<16xf32>,
        %mul3A_1521 = arith.mulf %mul3A_1511, %get3A_3 : vector<16xf32>
        %sub3A_1522 = arith.subf %add3A_1442, %broadcast_in_dim3A_1488 : vector<16xf32>
        %mul3A_1523 = arith.mulf %sub3A_1522, %mul3A_1521 : vector<16xf32>
        %add3A_1524 = arith.addf %mul3A_1523, %get3A_11 : vector<16xf32>
        %swap3A_1525 = arith.constant 1 : i32
        %swap3A_1526 = arith.index_cast %swap3A_1525 : i32 to index
        %swap3A_1527 = arith.index_cast %add3A_1417 : i32 to index
        %swap3A_1528 = arith.constant 16 : index
        %swap3A_1529 = tpu.vector_load %arg10[%swap3A_1526, %swap3A_1527, %swap3A_1528] {strides = array<i32>} : memref<2x400x64xf32, #tpu.memory_space<vmem>>, vector<16xf32>,
        tpu.vector_store %arg10[%swap3A_1526, %swap3A_1527, %swap3A_1528], %add3A_1524 {strides = array<i32>} : memref<2x400x64xf32, #tpu.memory_space<vmem>>, vector<16xf32>,
        %mul3A_1530 = arith.mulf %mul3A_1511, %get3A_5 : vector<16xf32>
        %sub3A_1531 = arith.subf %add3A_1451, %broadcast_in_dim3A_1488 : vector<16xf32>
        %mul3A_1532 = arith.mulf %sub3A_1531, %mul3A_1530 : vector<16xf32>
        %add3A_1533 = arith.addf %mul3A_1532, %get3A_13 : vector<16xf32>
        %swap3A_1534 = arith.constant 1 : i32
        %swap3A_1535 = arith.index_cast %swap3A_1534 : i32 to index
        %swap3A_1536 = arith.index_cast %add3A_1417 : i32 to index
        %swap3A_1537 = arith.constant 32 : index
        %swap3A_1538 = tpu.vector_load %arg10[%swap3A_1535, %swap3A_1536, %swap3A_1537] {strides = array<i32>} : memref<2x400x64xf32, #tpu.memory_space<vmem>>, vector<16xf32>,
        tpu.vector_store %arg10[%swap3A_1535, %swap3A_1536, %swap3A_1537], %add3A_1533 {strides = array<i32>} : memref<2x400x64xf32, #tpu.memory_space<vmem>>, vector<16xf32>,
        %mul3A_1539 = arith.mulf %mul3A_1511, %get3A_7 : vector<16xf32>
        %sub3A_1540 = arith.subf %add3A_1460, %broadcast_in_dim3A_1488 : vector<16xf32>
        %mul3A_1541 = arith.mulf %sub3A_1540, %mul3A_1539 : vector<16xf32>
        %add3A_1542 = arith.addf %mul3A_1541, %get3A_15 : vector<16xf32>
        %swap3A_1543 = arith.constant 1 : i32
        %swap3A_1544 = arith.index_cast %swap3A_1543 : i32 to index
        %swap3A_1545 = arith.index_cast %add3A_1417 : i32 to index
        %swap3A_1546 = arith.constant 48 : index
        %swap3A_1547 = tpu.vector_load %arg10[%swap3A_1544, %swap3A_1545, %swap3A_1546] {strides = array<i32>} : memref<2x400x64xf32, #tpu.memory_space<vmem>>, vector<16xf32>,
        tpu.vector_store %arg10[%swap3A_1544, %swap3A_1545, %swap3A_1546], %add3A_1542 {strides = array<i32>} : memref<2x400x64xf32, #tpu.memory_space<vmem>>, vector<16xf32>,
        %add3A_1548 = arith.constant 11 : i32
        %add3A_1549 = arith.addi %mul3A_100, %add3A_1548 : i32
        %rem3A_1550 = arith.constant 200 : i32
        %rem3A_1551 = arith.remsi %add3A_1549, %rem3A_1550 : i32
        %slice3A_1552 = vector.extract_strided_slice %get3A_104 {offsets = [11], sizes = [1], strides = [1]} : vector<16xi32> to vector<1xi32>
        %squeeze3A_1553 = vector.extract %slice3A_1552[0] : i32 from vector<1xi32>
        %mul3A_1554 = arith.constant 200 : i32
        %mul3A_1555 = arith.muli %squeeze3A_1553, %mul3A_1554 : i32
        %add3A_1556 = arith.addi %mul3A_1555, %rem3A_1551 : i32
        %get3A_1557 = arith.constant 1 : i32
        %get3A_1558 = arith.index_cast %get3A_1557 : i32 to index
        %get3A_1559 = arith.index_cast %add3A_1549 : i32 to index
        %get3A_1560 = arith.constant 0 : index
        %get3A_1561 = tpu.vector_load %arg10[%get3A_1558, %get3A_1559, %get3A_1560] {strides = array<i32>} : memref<2x400x64xf32, #tpu.memory_space<vmem>>, vector<16xf32>,
        %get3A_1562 = arith.index_cast %add3A_1556 : i32 to index
        %get3A_1563 = arith.constant 0 : index
        %get3A_1564 = tpu.vector_load %arg11[%get3A_1562, %get3A_1563] {strides = array<i32>} : memref<400x64xf32, #tpu.memory_space<vmem>>, vector<16xf32>,
        %add3A_1565 = arith.addf %get3A_1561, %get3A_1564 : vector<16xf32>
        %get3A_1566 = arith.constant 1 : i32
        %get3A_1567 = arith.index_cast %get3A_1566 : i32 to index
        %get3A_1568 = arith.index_cast %add3A_1549 : i32 to index
        %get3A_1569 = arith.constant 16 : index
        %get3A_1570 = tpu.vector_load %arg10[%get3A_1567, %get3A_1568, %get3A_1569] {strides = array<i32>} : memref<2x400x64xf32, #tpu.memory_space<vmem>>, vector<16xf32>,
        %get3A_1571 = arith.index_cast %add3A_1556 : i32 to index
        %get3A_1572 = arith.constant 16 : index
        %get3A_1573 = tpu.vector_load %arg11[%get3A_1571, %get3A_1572] {strides = array<i32>} : memref<400x64xf32, #tpu.memory_space<vmem>>, vector<16xf32>,
        %add3A_1574 = arith.addf %get3A_1570, %get3A_1573 : vector<16xf32>
        %get3A_1575 = arith.constant 1 : i32
        %get3A_1576 = arith.index_cast %get3A_1575 : i32 to index
        %get3A_1577 = arith.index_cast %add3A_1549 : i32 to index
        %get3A_1578 = arith.constant 32 : index
        %get3A_1579 = tpu.vector_load %arg10[%get3A_1576, %get3A_1577, %get3A_1578] {strides = array<i32>} : memref<2x400x64xf32, #tpu.memory_space<vmem>>, vector<16xf32>,
        %get3A_1580 = arith.index_cast %add3A_1556 : i32 to index
        %get3A_1581 = arith.constant 32 : index
        %get3A_1582 = tpu.vector_load %arg11[%get3A_1580, %get3A_1581] {strides = array<i32>} : memref<400x64xf32, #tpu.memory_space<vmem>>, vector<16xf32>,
        %add3A_1583 = arith.addf %get3A_1579, %get3A_1582 : vector<16xf32>
        %get3A_1584 = arith.constant 1 : i32
        %get3A_1585 = arith.index_cast %get3A_1584 : i32 to index
        %get3A_1586 = arith.index_cast %add3A_1549 : i32 to index
        %get3A_1587 = arith.constant 48 : index
        %get3A_1588 = tpu.vector_load %arg10[%get3A_1585, %get3A_1586, %get3A_1587] {strides = array<i32>} : memref<2x400x64xf32, #tpu.memory_space<vmem>>, vector<16xf32>,
        %get3A_1589 = arith.index_cast %add3A_1556 : i32 to index
        %get3A_1590 = arith.constant 48 : index
        %get3A_1591 = tpu.vector_load %arg11[%get3A_1589, %get3A_1590] {strides = array<i32>} : memref<400x64xf32, #tpu.memory_space<vmem>>, vector<16xf32>,
        %add3A_1592 = arith.addf %get3A_1588, %get3A_1591 : vector<16xf32>
        %add3A_1593 = arith.addf %add3A_1565, %add3A_1574 : vector<16xf32>
        %add3A_1594 = arith.addf %add3A_1583, %add3A_1592 : vector<16xf32>
        %add3A_1595 = arith.addf %add3A_1593, %add3A_1594 : vector<16xf32>
        %reduce_sum3A_1596 = arith.constant true
        %reduce_sum3A_1597 = vector.broadcast %reduce_sum3A_1596 : i1 to vector<16xi1>
        %reduce_sum3A_1598 = tpu.scan <sum>, %add3A_1595 masked %reduce_sum3A_1597 : vector<16xf32>, vector<16xi1> -> vector<16xf32>
        %reduce_sum3A_1599 = vector.extract %reduce_sum3A_1598[15] : f32 from vector<16xf32>
        %mul3A_1600 = arith.mulf %add3A_1565, %add3A_1565 : vector<16xf32>
        %mul3A_1601 = arith.mulf %add3A_1574, %add3A_1574 : vector<16xf32>
        %add3A_1602 = arith.addf %mul3A_1600, %mul3A_1601 : vector<16xf32>
        %mul3A_1603 = arith.mulf %add3A_1583, %add3A_1583 : vector<16xf32>
        %add3A_1604 = arith.addf %add3A_1602, %mul3A_1603 : vector<16xf32>
        %mul3A_1605 = arith.mulf %add3A_1592, %add3A_1592 : vector<16xf32>
        %add3A_1606 = arith.addf %add3A_1604, %mul3A_1605 : vector<16xf32>
        %reduce_sum3A_1607 = arith.constant true
        %reduce_sum3A_1608 = vector.broadcast %reduce_sum3A_1607 : i1 to vector<16xi1>
        %reduce_sum3A_1609 = tpu.scan <sum>, %add3A_1606 masked %reduce_sum3A_1608 : vector<16xf32>, vector<16xi1> -> vector<16xf32>
        %reduce_sum3A_1610 = vector.extract %reduce_sum3A_1609[15] : f32 from vector<16xf32>
        %mul3A_1611 = arith.constant 1.562500e-02 : f32
        %mul3A_1612 = arith.mulf %reduce_sum3A_1599, %mul3A_1611 : f32
        %mul3A_1613 = arith.constant 1.562500e-02 : f32
        %mul3A_1614 = arith.mulf %reduce_sum3A_1610, %mul3A_1613 : f32
        %mul3A_1615 = arith.mulf %mul3A_1612, %mul3A_1612 : f32
        %sub3A_1616 = arith.subf %mul3A_1614, %mul3A_1615 : f32
        %add3A_1617 = arith.constant 9.99999974E-6 : f32
        %add3A_1618 = arith.addf %sub3A_1616, %add3A_1617 : f32
        %broadcast_in_dim3A_1619 = vector.broadcast %add3A_1618 : f32 to vector<16xf32>
        %broadcast_in_dim3A_1620 = vector.broadcast %mul3A_1612 : f32 to vector<16xf32>
        %bitcast_convert_type3A_1621 = tpu.bitcast %broadcast_in_dim3A_1619 : vector<16xf32> -> vector<16xi32>
        %shift_right_arithmetic3A_1622 = arith.constant 1 : i32
        %shift_right_arithmetic3A_1623 = vector.broadcast %shift_right_arithmetic3A_1622 : i32 to vector<16xi32>
        %shift_right_arithmetic3A_1624 = arith.shrsi %bitcast_convert_type3A_1621, %shift_right_arithmetic3A_1623 : vector<16xi32>
        %sub3A_1625 = arith.constant 1597463007 : i32
        %sub3A_1626 = vector.broadcast %sub3A_1625 : i32 to vector<16xi32>
        %sub3A_1627 = arith.subi %sub3A_1626, %shift_right_arithmetic3A_1624 : vector<16xi32>
        %bitcast_convert_type3A_1628 = tpu.bitcast %sub3A_1627 : vector<16xi32> -> vector<16xf32>
        %mul3A_1629 = arith.constant 5.000000e-01 : f32
        %mul3A_1630 = vector.broadcast %mul3A_1629 : f32 to vector<16xf32>
        %mul3A_1631 = arith.mulf %broadcast_in_dim3A_1619, %mul3A_1630 : vector<16xf32>
        %mul3A_1632 = arith.mulf %mul3A_1631, %bitcast_convert_type3A_1628 : vector<16xf32>
        %mul3A_1633 = arith.mulf %mul3A_1632, %bitcast_convert_type3A_1628 : vector<16xf32>
        %sub3A_1634 = arith.constant 1.500000e+00 : f32
        %sub3A_1635 = vector.broadcast %sub3A_1634 : f32 to vector<16xf32>
        %sub3A_1636 = arith.subf %sub3A_1635, %mul3A_1633 : vector<16xf32>
        %mul3A_1637 = arith.mulf %bitcast_convert_type3A_1628, %sub3A_1636 : vector<16xf32>
        %mul3A_1638 = arith.mulf %mul3A_1631, %mul3A_1637 : vector<16xf32>
        %mul3A_1639 = arith.mulf %mul3A_1638, %mul3A_1637 : vector<16xf32>
        %sub3A_1640 = arith.constant 1.500000e+00 : f32
        %sub3A_1641 = vector.broadcast %sub3A_1640 : f32 to vector<16xf32>
        %sub3A_1642 = arith.subf %sub3A_1641, %mul3A_1639 : vector<16xf32>
        %mul3A_1643 = arith.mulf %mul3A_1637, %sub3A_1642 : vector<16xf32>
        %mul3A_1644 = arith.mulf %mul3A_1643, %get3A_1 : vector<16xf32>
        %sub3A_1645 = arith.subf %add3A_1565, %broadcast_in_dim3A_1620 : vector<16xf32>
        %mul3A_1646 = arith.mulf %sub3A_1645, %mul3A_1644 : vector<16xf32>
        %add3A_1647 = arith.addf %mul3A_1646, %get3A_9 : vector<16xf32>
        %swap3A_1648 = arith.constant 1 : i32
        %swap3A_1649 = arith.index_cast %swap3A_1648 : i32 to index
        %swap3A_1650 = arith.index_cast %add3A_1549 : i32 to index
        %swap3A_1651 = arith.constant 0 : index
        %swap3A_1652 = tpu.vector_load %arg10[%swap3A_1649, %swap3A_1650, %swap3A_1651] {strides = array<i32>} : memref<2x400x64xf32, #tpu.memory_space<vmem>>, vector<16xf32>,
        tpu.vector_store %arg10[%swap3A_1649, %swap3A_1650, %swap3A_1651], %add3A_1647 {strides = array<i32>} : memref<2x400x64xf32, #tpu.memory_space<vmem>>, vector<16xf32>,
        %mul3A_1653 = arith.mulf %mul3A_1643, %get3A_3 : vector<16xf32>
        %sub3A_1654 = arith.subf %add3A_1574, %broadcast_in_dim3A_1620 : vector<16xf32>
        %mul3A_1655 = arith.mulf %sub3A_1654, %mul3A_1653 : vector<16xf32>
        %add3A_1656 = arith.addf %mul3A_1655, %get3A_11 : vector<16xf32>
        %swap3A_1657 = arith.constant 1 : i32
        %swap3A_1658 = arith.index_cast %swap3A_1657 : i32 to index
        %swap3A_1659 = arith.index_cast %add3A_1549 : i32 to index
        %swap3A_1660 = arith.constant 16 : index
        %swap3A_1661 = tpu.vector_load %arg10[%swap3A_1658, %swap3A_1659, %swap3A_1660] {strides = array<i32>} : memref<2x400x64xf32, #tpu.memory_space<vmem>>, vector<16xf32>,
        tpu.vector_store %arg10[%swap3A_1658, %swap3A_1659, %swap3A_1660], %add3A_1656 {strides = array<i32>} : memref<2x400x64xf32, #tpu.memory_space<vmem>>, vector<16xf32>,
        %mul3A_1662 = arith.mulf %mul3A_1643, %get3A_5 : vector<16xf32>
        %sub3A_1663 = arith.subf %add3A_1583, %broadcast_in_dim3A_1620 : vector<16xf32>
        %mul3A_1664 = arith.mulf %sub3A_1663, %mul3A_1662 : vector<16xf32>
        %add3A_1665 = arith.addf %mul3A_1664, %get3A_13 : vector<16xf32>
        %swap3A_1666 = arith.constant 1 : i32
        %swap3A_1667 = arith.index_cast %swap3A_1666 : i32 to index
        %swap3A_1668 = arith.index_cast %add3A_1549 : i32 to index
        %swap3A_1669 = arith.constant 32 : index
        %swap3A_1670 = tpu.vector_load %arg10[%swap3A_1667, %swap3A_1668, %swap3A_1669] {strides = array<i32>} : memref<2x400x64xf32, #tpu.memory_space<vmem>>, vector<16xf32>,
        tpu.vector_store %arg10[%swap3A_1667, %swap3A_1668, %swap3A_1669], %add3A_1665 {strides = array<i32>} : memref<2x400x64xf32, #tpu.memory_space<vmem>>, vector<16xf32>,
        %mul3A_1671 = arith.mulf %mul3A_1643, %get3A_7 : vector<16xf32>
        %sub3A_1672 = arith.subf %add3A_1592, %broadcast_in_dim3A_1620 : vector<16xf32>
        %mul3A_1673 = arith.mulf %sub3A_1672, %mul3A_1671 : vector<16xf32>
        %add3A_1674 = arith.addf %mul3A_1673, %get3A_15 : vector<16xf32>
        %swap3A_1675 = arith.constant 1 : i32
        %swap3A_1676 = arith.index_cast %swap3A_1675 : i32 to index
        %swap3A_1677 = arith.index_cast %add3A_1549 : i32 to index
        %swap3A_1678 = arith.constant 48 : index
        %swap3A_1679 = tpu.vector_load %arg10[%swap3A_1676, %swap3A_1677, %swap3A_1678] {strides = array<i32>} : memref<2x400x64xf32, #tpu.memory_space<vmem>>, vector<16xf32>,
        tpu.vector_store %arg10[%swap3A_1676, %swap3A_1677, %swap3A_1678], %add3A_1674 {strides = array<i32>} : memref<2x400x64xf32, #tpu.memory_space<vmem>>, vector<16xf32>,
        %add3A_1680 = arith.constant 12 : i32
        %add3A_1681 = arith.addi %mul3A_100, %add3A_1680 : i32
        %rem3A_1682 = arith.constant 200 : i32
        %rem3A_1683 = arith.remsi %add3A_1681, %rem3A_1682 : i32
        %slice3A_1684 = vector.extract_strided_slice %get3A_104 {offsets = [12], sizes = [1], strides = [1]} : vector<16xi32> to vector<1xi32>
        %squeeze3A_1685 = vector.extract %slice3A_1684[0] : i32 from vector<1xi32>
        %mul3A_1686 = arith.constant 200 : i32
        %mul3A_1687 = arith.muli %squeeze3A_1685, %mul3A_1686 : i32
        %add3A_1688 = arith.addi %mul3A_1687, %rem3A_1683 : i32
        %get3A_1689 = arith.constant 1 : i32
        %get3A_1690 = arith.index_cast %get3A_1689 : i32 to index
        %get3A_1691 = arith.index_cast %add3A_1681 : i32 to index
        %get3A_1692 = arith.constant 0 : index
        %get3A_1693 = tpu.vector_load %arg10[%get3A_1690, %get3A_1691, %get3A_1692] {strides = array<i32>} : memref<2x400x64xf32, #tpu.memory_space<vmem>>, vector<16xf32>,
        %get3A_1694 = arith.index_cast %add3A_1688 : i32 to index
        %get3A_1695 = arith.constant 0 : index
        %get3A_1696 = tpu.vector_load %arg11[%get3A_1694, %get3A_1695] {strides = array<i32>} : memref<400x64xf32, #tpu.memory_space<vmem>>, vector<16xf32>,
        %add3A_1697 = arith.addf %get3A_1693, %get3A_1696 : vector<16xf32>
        %get3A_1698 = arith.constant 1 : i32
        %get3A_1699 = arith.index_cast %get3A_1698 : i32 to index
        %get3A_1700 = arith.index_cast %add3A_1681 : i32 to index
        %get3A_1701 = arith.constant 16 : index
        %get3A_1702 = tpu.vector_load %arg10[%get3A_1699, %get3A_1700, %get3A_1701] {strides = array<i32>} : memref<2x400x64xf32, #tpu.memory_space<vmem>>, vector<16xf32>,
        %get3A_1703 = arith.index_cast %add3A_1688 : i32 to index
        %get3A_1704 = arith.constant 16 : index
        %get3A_1705 = tpu.vector_load %arg11[%get3A_1703, %get3A_1704] {strides = array<i32>} : memref<400x64xf32, #tpu.memory_space<vmem>>, vector<16xf32>,
        %add3A_1706 = arith.addf %get3A_1702, %get3A_1705 : vector<16xf32>
        %get3A_1707 = arith.constant 1 : i32
        %get3A_1708 = arith.index_cast %get3A_1707 : i32 to index
        %get3A_1709 = arith.index_cast %add3A_1681 : i32 to index
        %get3A_1710 = arith.constant 32 : index
        %get3A_1711 = tpu.vector_load %arg10[%get3A_1708, %get3A_1709, %get3A_1710] {strides = array<i32>} : memref<2x400x64xf32, #tpu.memory_space<vmem>>, vector<16xf32>,
        %get3A_1712 = arith.index_cast %add3A_1688 : i32 to index
        %get3A_1713 = arith.constant 32 : index
        %get3A_1714 = tpu.vector_load %arg11[%get3A_1712, %get3A_1713] {strides = array<i32>} : memref<400x64xf32, #tpu.memory_space<vmem>>, vector<16xf32>,
        %add3A_1715 = arith.addf %get3A_1711, %get3A_1714 : vector<16xf32>
        %get3A_1716 = arith.constant 1 : i32
        %get3A_1717 = arith.index_cast %get3A_1716 : i32 to index
        %get3A_1718 = arith.index_cast %add3A_1681 : i32 to index
        %get3A_1719 = arith.constant 48 : index
        %get3A_1720 = tpu.vector_load %arg10[%get3A_1717, %get3A_1718, %get3A_1719] {strides = array<i32>} : memref<2x400x64xf32, #tpu.memory_space<vmem>>, vector<16xf32>,
        %get3A_1721 = arith.index_cast %add3A_1688 : i32 to index
        %get3A_1722 = arith.constant 48 : index
        %get3A_1723 = tpu.vector_load %arg11[%get3A_1721, %get3A_1722] {strides = array<i32>} : memref<400x64xf32, #tpu.memory_space<vmem>>, vector<16xf32>,
        %add3A_1724 = arith.addf %get3A_1720, %get3A_1723 : vector<16xf32>
        %add3A_1725 = arith.addf %add3A_1697, %add3A_1706 : vector<16xf32>
        %add3A_1726 = arith.addf %add3A_1715, %add3A_1724 : vector<16xf32>
        %add3A_1727 = arith.addf %add3A_1725, %add3A_1726 : vector<16xf32>
        %reduce_sum3A_1728 = arith.constant true
        %reduce_sum3A_1729 = vector.broadcast %reduce_sum3A_1728 : i1 to vector<16xi1>
        %reduce_sum3A_1730 = tpu.scan <sum>, %add3A_1727 masked %reduce_sum3A_1729 : vector<16xf32>, vector<16xi1> -> vector<16xf32>
        %reduce_sum3A_1731 = vector.extract %reduce_sum3A_1730[15] : f32 from vector<16xf32>
        %mul3A_1732 = arith.mulf %add3A_1697, %add3A_1697 : vector<16xf32>
        %mul3A_1733 = arith.mulf %add3A_1706, %add3A_1706 : vector<16xf32>
        %add3A_1734 = arith.addf %mul3A_1732, %mul3A_1733 : vector<16xf32>
        %mul3A_1735 = arith.mulf %add3A_1715, %add3A_1715 : vector<16xf32>
        %add3A_1736 = arith.addf %add3A_1734, %mul3A_1735 : vector<16xf32>
        %mul3A_1737 = arith.mulf %add3A_1724, %add3A_1724 : vector<16xf32>
        %add3A_1738 = arith.addf %add3A_1736, %mul3A_1737 : vector<16xf32>
        %reduce_sum3A_1739 = arith.constant true
        %reduce_sum3A_1740 = vector.broadcast %reduce_sum3A_1739 : i1 to vector<16xi1>
        %reduce_sum3A_1741 = tpu.scan <sum>, %add3A_1738 masked %reduce_sum3A_1740 : vector<16xf32>, vector<16xi1> -> vector<16xf32>
        %reduce_sum3A_1742 = vector.extract %reduce_sum3A_1741[15] : f32 from vector<16xf32>
        %mul3A_1743 = arith.constant 1.562500e-02 : f32
        %mul3A_1744 = arith.mulf %reduce_sum3A_1731, %mul3A_1743 : f32
        %mul3A_1745 = arith.constant 1.562500e-02 : f32
        %mul3A_1746 = arith.mulf %reduce_sum3A_1742, %mul3A_1745 : f32
        %mul3A_1747 = arith.mulf %mul3A_1744, %mul3A_1744 : f32
        %sub3A_1748 = arith.subf %mul3A_1746, %mul3A_1747 : f32
        %add3A_1749 = arith.constant 9.99999974E-6 : f32
        %add3A_1750 = arith.addf %sub3A_1748, %add3A_1749 : f32
        %broadcast_in_dim3A_1751 = vector.broadcast %add3A_1750 : f32 to vector<16xf32>
        %broadcast_in_dim3A_1752 = vector.broadcast %mul3A_1744 : f32 to vector<16xf32>
        %bitcast_convert_type3A_1753 = tpu.bitcast %broadcast_in_dim3A_1751 : vector<16xf32> -> vector<16xi32>
        %shift_right_arithmetic3A_1754 = arith.constant 1 : i32
        %shift_right_arithmetic3A_1755 = vector.broadcast %shift_right_arithmetic3A_1754 : i32 to vector<16xi32>
        %shift_right_arithmetic3A_1756 = arith.shrsi %bitcast_convert_type3A_1753, %shift_right_arithmetic3A_1755 : vector<16xi32>
        %sub3A_1757 = arith.constant 1597463007 : i32
        %sub3A_1758 = vector.broadcast %sub3A_1757 : i32 to vector<16xi32>
        %sub3A_1759 = arith.subi %sub3A_1758, %shift_right_arithmetic3A_1756 : vector<16xi32>
        %bitcast_convert_type3A_1760 = tpu.bitcast %sub3A_1759 : vector<16xi32> -> vector<16xf32>
        %mul3A_1761 = arith.constant 5.000000e-01 : f32
        %mul3A_1762 = vector.broadcast %mul3A_1761 : f32 to vector<16xf32>
        %mul3A_1763 = arith.mulf %broadcast_in_dim3A_1751, %mul3A_1762 : vector<16xf32>
        %mul3A_1764 = arith.mulf %mul3A_1763, %bitcast_convert_type3A_1760 : vector<16xf32>
        %mul3A_1765 = arith.mulf %mul3A_1764, %bitcast_convert_type3A_1760 : vector<16xf32>
        %sub3A_1766 = arith.constant 1.500000e+00 : f32
        %sub3A_1767 = vector.broadcast %sub3A_1766 : f32 to vector<16xf32>
        %sub3A_1768 = arith.subf %sub3A_1767, %mul3A_1765 : vector<16xf32>
        %mul3A_1769 = arith.mulf %bitcast_convert_type3A_1760, %sub3A_1768 : vector<16xf32>
        %mul3A_1770 = arith.mulf %mul3A_1763, %mul3A_1769 : vector<16xf32>
        %mul3A_1771 = arith.mulf %mul3A_1770, %mul3A_1769 : vector<16xf32>
        %sub3A_1772 = arith.constant 1.500000e+00 : f32
        %sub3A_1773 = vector.broadcast %sub3A_1772 : f32 to vector<16xf32>
        %sub3A_1774 = arith.subf %sub3A_1773, %mul3A_1771 : vector<16xf32>
        %mul3A_1775 = arith.mulf %mul3A_1769, %sub3A_1774 : vector<16xf32>
        %mul3A_1776 = arith.mulf %mul3A_1775, %get3A_1 : vector<16xf32>
        %sub3A_1777 = arith.subf %add3A_1697, %broadcast_in_dim3A_1752 : vector<16xf32>
        %mul3A_1778 = arith.mulf %sub3A_1777, %mul3A_1776 : vector<16xf32>
        %add3A_1779 = arith.addf %mul3A_1778, %get3A_9 : vector<16xf32>
        %swap3A_1780 = arith.constant 1 : i32
        %swap3A_1781 = arith.index_cast %swap3A_1780 : i32 to index
        %swap3A_1782 = arith.index_cast %add3A_1681 : i32 to index
        %swap3A_1783 = arith.constant 0 : index
        %swap3A_1784 = tpu.vector_load %arg10[%swap3A_1781, %swap3A_1782, %swap3A_1783] {strides = array<i32>} : memref<2x400x64xf32, #tpu.memory_space<vmem>>, vector<16xf32>,
        tpu.vector_store %arg10[%swap3A_1781, %swap3A_1782, %swap3A_1783], %add3A_1779 {strides = array<i32>} : memref<2x400x64xf32, #tpu.memory_space<vmem>>, vector<16xf32>,
        %mul3A_1785 = arith.mulf %mul3A_1775, %get3A_3 : vector<16xf32>
        %sub3A_1786 = arith.subf %add3A_1706, %broadcast_in_dim3A_1752 : vector<16xf32>
        %mul3A_1787 = arith.mulf %sub3A_1786, %mul3A_1785 : vector<16xf32>
        %add3A_1788 = arith.addf %mul3A_1787, %get3A_11 : vector<16xf32>
        %swap3A_1789 = arith.constant 1 : i32
        %swap3A_1790 = arith.index_cast %swap3A_1789 : i32 to index
        %swap3A_1791 = arith.index_cast %add3A_1681 : i32 to index
        %swap3A_1792 = arith.constant 16 : index
        %swap3A_1793 = tpu.vector_load %arg10[%swap3A_1790, %swap3A_1791, %swap3A_1792] {strides = array<i32>} : memref<2x400x64xf32, #tpu.memory_space<vmem>>, vector<16xf32>,
        tpu.vector_store %arg10[%swap3A_1790, %swap3A_1791, %swap3A_1792], %add3A_1788 {strides = array<i32>} : memref<2x400x64xf32, #tpu.memory_space<vmem>>, vector<16xf32>,
        %mul3A_1794 = arith.mulf %mul3A_1775, %get3A_5 : vector<16xf32>
        %sub3A_1795 = arith.subf %add3A_1715, %broadcast_in_dim3A_1752 : vector<16xf32>
        %mul3A_1796 = arith.mulf %sub3A_1795, %mul3A_1794 : vector<16xf32>
        %add3A_1797 = arith.addf %mul3A_1796, %get3A_13 : vector<16xf32>
        %swap3A_1798 = arith.constant 1 : i32
        %swap3A_1799 = arith.index_cast %swap3A_1798 : i32 to index
        %swap3A_1800 = arith.index_cast %add3A_1681 : i32 to index
        %swap3A_1801 = arith.constant 32 : index
        %swap3A_1802 = tpu.vector_load %arg10[%swap3A_1799, %swap3A_1800, %swap3A_1801] {strides = array<i32>} : memref<2x400x64xf32, #tpu.memory_space<vmem>>, vector<16xf32>,
        tpu.vector_store %arg10[%swap3A_1799, %swap3A_1800, %swap3A_1801], %add3A_1797 {strides = array<i32>} : memref<2x400x64xf32, #tpu.memory_space<vmem>>, vector<16xf32>,
        %mul3A_1803 = arith.mulf %mul3A_1775, %get3A_7 : vector<16xf32>
        %sub3A_1804 = arith.subf %add3A_1724, %broadcast_in_dim3A_1752 : vector<16xf32>
        %mul3A_1805 = arith.mulf %sub3A_1804, %mul3A_1803 : vector<16xf32>
        %add3A_1806 = arith.addf %mul3A_1805, %get3A_15 : vector<16xf32>
        %swap3A_1807 = arith.constant 1 : i32
        %swap3A_1808 = arith.index_cast %swap3A_1807 : i32 to index
        %swap3A_1809 = arith.index_cast %add3A_1681 : i32 to index
        %swap3A_1810 = arith.constant 48 : index
        %swap3A_1811 = tpu.vector_load %arg10[%swap3A_1808, %swap3A_1809, %swap3A_1810] {strides = array<i32>} : memref<2x400x64xf32, #tpu.memory_space<vmem>>, vector<16xf32>,
        tpu.vector_store %arg10[%swap3A_1808, %swap3A_1809, %swap3A_1810], %add3A_1806 {strides = array<i32>} : memref<2x400x64xf32, #tpu.memory_space<vmem>>, vector<16xf32>,
        %add3A_1812 = arith.constant 13 : i32
        %add3A_1813 = arith.addi %mul3A_100, %add3A_1812 : i32
        %rem3A_1814 = arith.constant 200 : i32
        %rem3A_1815 = arith.remsi %add3A_1813, %rem3A_1814 : i32
        %slice3A_1816 = vector.extract_strided_slice %get3A_104 {offsets = [13], sizes = [1], strides = [1]} : vector<16xi32> to vector<1xi32>
        %squeeze3A_1817 = vector.extract %slice3A_1816[0] : i32 from vector<1xi32>
        %mul3A_1818 = arith.constant 200 : i32
        %mul3A_1819 = arith.muli %squeeze3A_1817, %mul3A_1818 : i32
        %add3A_1820 = arith.addi %mul3A_1819, %rem3A_1815 : i32
        %get3A_1821 = arith.constant 1 : i32
        %get3A_1822 = arith.index_cast %get3A_1821 : i32 to index
        %get3A_1823 = arith.index_cast %add3A_1813 : i32 to index
        %get3A_1824 = arith.constant 0 : index
        %get3A_1825 = tpu.vector_load %arg10[%get3A_1822, %get3A_1823, %get3A_1824] {strides = array<i32>} : memref<2x400x64xf32, #tpu.memory_space<vmem>>, vector<16xf32>,
        %get3A_1826 = arith.index_cast %add3A_1820 : i32 to index
        %get3A_1827 = arith.constant 0 : index
        %get3A_1828 = tpu.vector_load %arg11[%get3A_1826, %get3A_1827] {strides = array<i32>} : memref<400x64xf32, #tpu.memory_space<vmem>>, vector<16xf32>,
        %add3A_1829 = arith.addf %get3A_1825, %get3A_1828 : vector<16xf32>
        %get3A_1830 = arith.constant 1 : i32
        %get3A_1831 = arith.index_cast %get3A_1830 : i32 to index
        %get3A_1832 = arith.index_cast %add3A_1813 : i32 to index
        %get3A_1833 = arith.constant 16 : index
        %get3A_1834 = tpu.vector_load %arg10[%get3A_1831, %get3A_1832, %get3A_1833] {strides = array<i32>} : memref<2x400x64xf32, #tpu.memory_space<vmem>>, vector<16xf32>,
        %get3A_1835 = arith.index_cast %add3A_1820 : i32 to index
        %get3A_1836 = arith.constant 16 : index
        %get3A_1837 = tpu.vector_load %arg11[%get3A_1835, %get3A_1836] {strides = array<i32>} : memref<400x64xf32, #tpu.memory_space<vmem>>, vector<16xf32>,
        %add3A_1838 = arith.addf %get3A_1834, %get3A_1837 : vector<16xf32>
        %get3A_1839 = arith.constant 1 : i32
        %get3A_1840 = arith.index_cast %get3A_1839 : i32 to index
        %get3A_1841 = arith.index_cast %add3A_1813 : i32 to index
        %get3A_1842 = arith.constant 32 : index
        %get3A_1843 = tpu.vector_load %arg10[%get3A_1840, %get3A_1841, %get3A_1842] {strides = array<i32>} : memref<2x400x64xf32, #tpu.memory_space<vmem>>, vector<16xf32>,
        %get3A_1844 = arith.index_cast %add3A_1820 : i32 to index
        %get3A_1845 = arith.constant 32 : index
        %get3A_1846 = tpu.vector_load %arg11[%get3A_1844, %get3A_1845] {strides = array<i32>} : memref<400x64xf32, #tpu.memory_space<vmem>>, vector<16xf32>,
        %add3A_1847 = arith.addf %get3A_1843, %get3A_1846 : vector<16xf32>
        %get3A_1848 = arith.constant 1 : i32
        %get3A_1849 = arith.index_cast %get3A_1848 : i32 to index
        %get3A_1850 = arith.index_cast %add3A_1813 : i32 to index
        %get3A_1851 = arith.constant 48 : index
        %get3A_1852 = tpu.vector_load %arg10[%get3A_1849, %get3A_1850, %get3A_1851] {strides = array<i32>} : memref<2x400x64xf32, #tpu.memory_space<vmem>>, vector<16xf32>,
        %get3A_1853 = arith.index_cast %add3A_1820 : i32 to index
        %get3A_1854 = arith.constant 48 : index
        %get3A_1855 = tpu.vector_load %arg11[%get3A_1853, %get3A_1854] {strides = array<i32>} : memref<400x64xf32, #tpu.memory_space<vmem>>, vector<16xf32>,
        %add3A_1856 = arith.addf %get3A_1852, %get3A_1855 : vector<16xf32>
        %add3A_1857 = arith.addf %add3A_1829, %add3A_1838 : vector<16xf32>
        %add3A_1858 = arith.addf %add3A_1847, %add3A_1856 : vector<16xf32>
        %add3A_1859 = arith.addf %add3A_1857, %add3A_1858 : vector<16xf32>
        %reduce_sum3A_1860 = arith.constant true
        %reduce_sum3A_1861 = vector.broadcast %reduce_sum3A_1860 : i1 to vector<16xi1>
        %reduce_sum3A_1862 = tpu.scan <sum>, %add3A_1859 masked %reduce_sum3A_1861 : vector<16xf32>, vector<16xi1> -> vector<16xf32>
        %reduce_sum3A_1863 = vector.extract %reduce_sum3A_1862[15] : f32 from vector<16xf32>
        %mul3A_1864 = arith.mulf %add3A_1829, %add3A_1829 : vector<16xf32>
        %mul3A_1865 = arith.mulf %add3A_1838, %add3A_1838 : vector<16xf32>
        %add3A_1866 = arith.addf %mul3A_1864, %mul3A_1865 : vector<16xf32>
        %mul3A_1867 = arith.mulf %add3A_1847, %add3A_1847 : vector<16xf32>
        %add3A_1868 = arith.addf %add3A_1866, %mul3A_1867 : vector<16xf32>
        %mul3A_1869 = arith.mulf %add3A_1856, %add3A_1856 : vector<16xf32>
        %add3A_1870 = arith.addf %add3A_1868, %mul3A_1869 : vector<16xf32>
        %reduce_sum3A_1871 = arith.constant true
        %reduce_sum3A_1872 = vector.broadcast %reduce_sum3A_1871 : i1 to vector<16xi1>
        %reduce_sum3A_1873 = tpu.scan <sum>, %add3A_1870 masked %reduce_sum3A_1872 : vector<16xf32>, vector<16xi1> -> vector<16xf32>
        %reduce_sum3A_1874 = vector.extract %reduce_sum3A_1873[15] : f32 from vector<16xf32>
        %mul3A_1875 = arith.constant 1.562500e-02 : f32
        %mul3A_1876 = arith.mulf %reduce_sum3A_1863, %mul3A_1875 : f32
        %mul3A_1877 = arith.constant 1.562500e-02 : f32
        %mul3A_1878 = arith.mulf %reduce_sum3A_1874, %mul3A_1877 : f32
        %mul3A_1879 = arith.mulf %mul3A_1876, %mul3A_1876 : f32
        %sub3A_1880 = arith.subf %mul3A_1878, %mul3A_1879 : f32
        %add3A_1881 = arith.constant 9.99999974E-6 : f32
        %add3A_1882 = arith.addf %sub3A_1880, %add3A_1881 : f32
        %broadcast_in_dim3A_1883 = vector.broadcast %add3A_1882 : f32 to vector<16xf32>
        %broadcast_in_dim3A_1884 = vector.broadcast %mul3A_1876 : f32 to vector<16xf32>
        %bitcast_convert_type3A_1885 = tpu.bitcast %broadcast_in_dim3A_1883 : vector<16xf32> -> vector<16xi32>
        %shift_right_arithmetic3A_1886 = arith.constant 1 : i32
        %shift_right_arithmetic3A_1887 = vector.broadcast %shift_right_arithmetic3A_1886 : i32 to vector<16xi32>
        %shift_right_arithmetic3A_1888 = arith.shrsi %bitcast_convert_type3A_1885, %shift_right_arithmetic3A_1887 : vector<16xi32>
        %sub3A_1889 = arith.constant 1597463007 : i32
        %sub3A_1890 = vector.broadcast %sub3A_1889 : i32 to vector<16xi32>
        %sub3A_1891 = arith.subi %sub3A_1890, %shift_right_arithmetic3A_1888 : vector<16xi32>
        %bitcast_convert_type3A_1892 = tpu.bitcast %sub3A_1891 : vector<16xi32> -> vector<16xf32>
        %mul3A_1893 = arith.constant 5.000000e-01 : f32
        %mul3A_1894 = vector.broadcast %mul3A_1893 : f32 to vector<16xf32>
        %mul3A_1895 = arith.mulf %broadcast_in_dim3A_1883, %mul3A_1894 : vector<16xf32>
        %mul3A_1896 = arith.mulf %mul3A_1895, %bitcast_convert_type3A_1892 : vector<16xf32>
        %mul3A_1897 = arith.mulf %mul3A_1896, %bitcast_convert_type3A_1892 : vector<16xf32>
        %sub3A_1898 = arith.constant 1.500000e+00 : f32
        %sub3A_1899 = vector.broadcast %sub3A_1898 : f32 to vector<16xf32>
        %sub3A_1900 = arith.subf %sub3A_1899, %mul3A_1897 : vector<16xf32>
        %mul3A_1901 = arith.mulf %bitcast_convert_type3A_1892, %sub3A_1900 : vector<16xf32>
        %mul3A_1902 = arith.mulf %mul3A_1895, %mul3A_1901 : vector<16xf32>
        %mul3A_1903 = arith.mulf %mul3A_1902, %mul3A_1901 : vector<16xf32>
        %sub3A_1904 = arith.constant 1.500000e+00 : f32
        %sub3A_1905 = vector.broadcast %sub3A_1904 : f32 to vector<16xf32>
        %sub3A_1906 = arith.subf %sub3A_1905, %mul3A_1903 : vector<16xf32>
        %mul3A_1907 = arith.mulf %mul3A_1901, %sub3A_1906 : vector<16xf32>
        %mul3A_1908 = arith.mulf %mul3A_1907, %get3A_1 : vector<16xf32>
        %sub3A_1909 = arith.subf %add3A_1829, %broadcast_in_dim3A_1884 : vector<16xf32>
        %mul3A_1910 = arith.mulf %sub3A_1909, %mul3A_1908 : vector<16xf32>
        %add3A_1911 = arith.addf %mul3A_1910, %get3A_9 : vector<16xf32>
        %swap3A_1912 = arith.constant 1 : i32
        %swap3A_1913 = arith.index_cast %swap3A_1912 : i32 to index
        %swap3A_1914 = arith.index_cast %add3A_1813 : i32 to index
        %swap3A_1915 = arith.constant 0 : index
        %swap3A_1916 = tpu.vector_load %arg10[%swap3A_1913, %swap3A_1914, %swap3A_1915] {strides = array<i32>} : memref<2x400x64xf32, #tpu.memory_space<vmem>>, vector<16xf32>,
        tpu.vector_store %arg10[%swap3A_1913, %swap3A_1914, %swap3A_1915], %add3A_1911 {strides = array<i32>} : memref<2x400x64xf32, #tpu.memory_space<vmem>>, vector<16xf32>,
        %mul3A_1917 = arith.mulf %mul3A_1907, %get3A_3 : vector<16xf32>
        %sub3A_1918 = arith.subf %add3A_1838, %broadcast_in_dim3A_1884 : vector<16xf32>
        %mul3A_1919 = arith.mulf %sub3A_1918, %mul3A_1917 : vector<16xf32>
        %add3A_1920 = arith.addf %mul3A_1919, %get3A_11 : vector<16xf32>
        %swap3A_1921 = arith.constant 1 : i32
        %swap3A_1922 = arith.index_cast %swap3A_1921 : i32 to index
        %swap3A_1923 = arith.index_cast %add3A_1813 : i32 to index
        %swap3A_1924 = arith.constant 16 : index
        %swap3A_1925 = tpu.vector_load %arg10[%swap3A_1922, %swap3A_1923, %swap3A_1924] {strides = array<i32>} : memref<2x400x64xf32, #tpu.memory_space<vmem>>, vector<16xf32>,
        tpu.vector_store %arg10[%swap3A_1922, %swap3A_1923, %swap3A_1924], %add3A_1920 {strides = array<i32>} : memref<2x400x64xf32, #tpu.memory_space<vmem>>, vector<16xf32>,
        %mul3A_1926 = arith.mulf %mul3A_1907, %get3A_5 : vector<16xf32>
        %sub3A_1927 = arith.subf %add3A_1847, %broadcast_in_dim3A_1884 : vector<16xf32>
        %mul3A_1928 = arith.mulf %sub3A_1927, %mul3A_1926 : vector<16xf32>
        %add3A_1929 = arith.addf %mul3A_1928, %get3A_13 : vector<16xf32>
        %swap3A_1930 = arith.constant 1 : i32
        %swap3A_1931 = arith.index_cast %swap3A_1930 : i32 to index
        %swap3A_1932 = arith.index_cast %add3A_1813 : i32 to index
        %swap3A_1933 = arith.constant 32 : index
        %swap3A_1934 = tpu.vector_load %arg10[%swap3A_1931, %swap3A_1932, %swap3A_1933] {strides = array<i32>} : memref<2x400x64xf32, #tpu.memory_space<vmem>>, vector<16xf32>,
        tpu.vector_store %arg10[%swap3A_1931, %swap3A_1932, %swap3A_1933], %add3A_1929 {strides = array<i32>} : memref<2x400x64xf32, #tpu.memory_space<vmem>>, vector<16xf32>,
        %mul3A_1935 = arith.mulf %mul3A_1907, %get3A_7 : vector<16xf32>
        %sub3A_1936 = arith.subf %add3A_1856, %broadcast_in_dim3A_1884 : vector<16xf32>
        %mul3A_1937 = arith.mulf %sub3A_1936, %mul3A_1935 : vector<16xf32>
        %add3A_1938 = arith.addf %mul3A_1937, %get3A_15 : vector<16xf32>
        %swap3A_1939 = arith.constant 1 : i32
        %swap3A_1940 = arith.index_cast %swap3A_1939 : i32 to index
        %swap3A_1941 = arith.index_cast %add3A_1813 : i32 to index
        %swap3A_1942 = arith.constant 48 : index
        %swap3A_1943 = tpu.vector_load %arg10[%swap3A_1940, %swap3A_1941, %swap3A_1942] {strides = array<i32>} : memref<2x400x64xf32, #tpu.memory_space<vmem>>, vector<16xf32>,
        tpu.vector_store %arg10[%swap3A_1940, %swap3A_1941, %swap3A_1942], %add3A_1938 {strides = array<i32>} : memref<2x400x64xf32, #tpu.memory_space<vmem>>, vector<16xf32>,
        %add3A_1944 = arith.constant 14 : i32
        %add3A_1945 = arith.addi %mul3A_100, %add3A_1944 : i32
        %rem3A_1946 = arith.constant 200 : i32
        %rem3A_1947 = arith.remsi %add3A_1945, %rem3A_1946 : i32
        %slice3A_1948 = vector.extract_strided_slice %get3A_104 {offsets = [14], sizes = [1], strides = [1]} : vector<16xi32> to vector<1xi32>
        %squeeze3A_1949 = vector.extract %slice3A_1948[0] : i32 from vector<1xi32>
        %mul3A_1950 = arith.constant 200 : i32
        %mul3A_1951 = arith.muli %squeeze3A_1949, %mul3A_1950 : i32
        %add3A_1952 = arith.addi %mul3A_1951, %rem3A_1947 : i32
        %get3A_1953 = arith.constant 1 : i32
        %get3A_1954 = arith.index_cast %get3A_1953 : i32 to index
        %get3A_1955 = arith.index_cast %add3A_1945 : i32 to index
        %get3A_1956 = arith.constant 0 : index
        %get3A_1957 = tpu.vector_load %arg10[%get3A_1954, %get3A_1955, %get3A_1956] {strides = array<i32>} : memref<2x400x64xf32, #tpu.memory_space<vmem>>, vector<16xf32>,
        %get3A_1958 = arith.index_cast %add3A_1952 : i32 to index
        %get3A_1959 = arith.constant 0 : index
        %get3A_1960 = tpu.vector_load %arg11[%get3A_1958, %get3A_1959] {strides = array<i32>} : memref<400x64xf32, #tpu.memory_space<vmem>>, vector<16xf32>,
        %add3A_1961 = arith.addf %get3A_1957, %get3A_1960 : vector<16xf32>
        %get3A_1962 = arith.constant 1 : i32
        %get3A_1963 = arith.index_cast %get3A_1962 : i32 to index
        %get3A_1964 = arith.index_cast %add3A_1945 : i32 to index
        %get3A_1965 = arith.constant 16 : index
        %get3A_1966 = tpu.vector_load %arg10[%get3A_1963, %get3A_1964, %get3A_1965] {strides = array<i32>} : memref<2x400x64xf32, #tpu.memory_space<vmem>>, vector<16xf32>,
        %get3A_1967 = arith.index_cast %add3A_1952 : i32 to index
        %get3A_1968 = arith.constant 16 : index
        %get3A_1969 = tpu.vector_load %arg11[%get3A_1967, %get3A_1968] {strides = array<i32>} : memref<400x64xf32, #tpu.memory_space<vmem>>, vector<16xf32>,
        %add3A_1970 = arith.addf %get3A_1966, %get3A_1969 : vector<16xf32>
        %get3A_1971 = arith.constant 1 : i32
        %get3A_1972 = arith.index_cast %get3A_1971 : i32 to index
        %get3A_1973 = arith.index_cast %add3A_1945 : i32 to index
        %get3A_1974 = arith.constant 32 : index
        %get3A_1975 = tpu.vector_load %arg10[%get3A_1972, %get3A_1973, %get3A_1974] {strides = array<i32>} : memref<2x400x64xf32, #tpu.memory_space<vmem>>, vector<16xf32>,
        %get3A_1976 = arith.index_cast %add3A_1952 : i32 to index
        %get3A_1977 = arith.constant 32 : index
        %get3A_1978 = tpu.vector_load %arg11[%get3A_1976, %get3A_1977] {strides = array<i32>} : memref<400x64xf32, #tpu.memory_space<vmem>>, vector<16xf32>,
        %add3A_1979 = arith.addf %get3A_1975, %get3A_1978 : vector<16xf32>
        %get3A_1980 = arith.constant 1 : i32
        %get3A_1981 = arith.index_cast %get3A_1980 : i32 to index
        %get3A_1982 = arith.index_cast %add3A_1945 : i32 to index
        %get3A_1983 = arith.constant 48 : index
        %get3A_1984 = tpu.vector_load %arg10[%get3A_1981, %get3A_1982, %get3A_1983] {strides = array<i32>} : memref<2x400x64xf32, #tpu.memory_space<vmem>>, vector<16xf32>,
        %get3A_1985 = arith.index_cast %add3A_1952 : i32 to index
        %get3A_1986 = arith.constant 48 : index
        %get3A_1987 = tpu.vector_load %arg11[%get3A_1985, %get3A_1986] {strides = array<i32>} : memref<400x64xf32, #tpu.memory_space<vmem>>, vector<16xf32>,
        %add3A_1988 = arith.addf %get3A_1984, %get3A_1987 : vector<16xf32>
        %add3A_1989 = arith.addf %add3A_1961, %add3A_1970 : vector<16xf32>
        %add3A_1990 = arith.addf %add3A_1979, %add3A_1988 : vector<16xf32>
        %add3A_1991 = arith.addf %add3A_1989, %add3A_1990 : vector<16xf32>
        %reduce_sum3A_1992 = arith.constant true
        %reduce_sum3A_1993 = vector.broadcast %reduce_sum3A_1992 : i1 to vector<16xi1>
        %reduce_sum3A_1994 = tpu.scan <sum>, %add3A_1991 masked %reduce_sum3A_1993 : vector<16xf32>, vector<16xi1> -> vector<16xf32>
        %reduce_sum3A_1995 = vector.extract %reduce_sum3A_1994[15] : f32 from vector<16xf32>
        %mul3A_1996 = arith.mulf %add3A_1961, %add3A_1961 : vector<16xf32>
        %mul3A_1997 = arith.mulf %add3A_1970, %add3A_1970 : vector<16xf32>
        %add3A_1998 = arith.addf %mul3A_1996, %mul3A_1997 : vector<16xf32>
        %mul3A_1999 = arith.mulf %add3A_1979, %add3A_1979 : vector<16xf32>
        %add3A_2000 = arith.addf %add3A_1998, %mul3A_1999 : vector<16xf32>
        %mul3A_2001 = arith.mulf %add3A_1988, %add3A_1988 : vector<16xf32>
        %add3A_2002 = arith.addf %add3A_2000, %mul3A_2001 : vector<16xf32>
        %reduce_sum3A_2003 = arith.constant true
        %reduce_sum3A_2004 = vector.broadcast %reduce_sum3A_2003 : i1 to vector<16xi1>
        %reduce_sum3A_2005 = tpu.scan <sum>, %add3A_2002 masked %reduce_sum3A_2004 : vector<16xf32>, vector<16xi1> -> vector<16xf32>
        %reduce_sum3A_2006 = vector.extract %reduce_sum3A_2005[15] : f32 from vector<16xf32>
        %mul3A_2007 = arith.constant 1.562500e-02 : f32
        %mul3A_2008 = arith.mulf %reduce_sum3A_1995, %mul3A_2007 : f32
        %mul3A_2009 = arith.constant 1.562500e-02 : f32
        %mul3A_2010 = arith.mulf %reduce_sum3A_2006, %mul3A_2009 : f32
        %mul3A_2011 = arith.mulf %mul3A_2008, %mul3A_2008 : f32
        %sub3A_2012 = arith.subf %mul3A_2010, %mul3A_2011 : f32
        %add3A_2013 = arith.constant 9.99999974E-6 : f32
        %add3A_2014 = arith.addf %sub3A_2012, %add3A_2013 : f32
        %broadcast_in_dim3A_2015 = vector.broadcast %add3A_2014 : f32 to vector<16xf32>
        %broadcast_in_dim3A_2016 = vector.broadcast %mul3A_2008 : f32 to vector<16xf32>
        %bitcast_convert_type3A_2017 = tpu.bitcast %broadcast_in_dim3A_2015 : vector<16xf32> -> vector<16xi32>
        %shift_right_arithmetic3A_2018 = arith.constant 1 : i32
        %shift_right_arithmetic3A_2019 = vector.broadcast %shift_right_arithmetic3A_2018 : i32 to vector<16xi32>
        %shift_right_arithmetic3A_2020 = arith.shrsi %bitcast_convert_type3A_2017, %shift_right_arithmetic3A_2019 : vector<16xi32>
        %sub3A_2021 = arith.constant 1597463007 : i32
        %sub3A_2022 = vector.broadcast %sub3A_2021 : i32 to vector<16xi32>
        %sub3A_2023 = arith.subi %sub3A_2022, %shift_right_arithmetic3A_2020 : vector<16xi32>
        %bitcast_convert_type3A_2024 = tpu.bitcast %sub3A_2023 : vector<16xi32> -> vector<16xf32>
        %mul3A_2025 = arith.constant 5.000000e-01 : f32
        %mul3A_2026 = vector.broadcast %mul3A_2025 : f32 to vector<16xf32>
        %mul3A_2027 = arith.mulf %broadcast_in_dim3A_2015, %mul3A_2026 : vector<16xf32>
        %mul3A_2028 = arith.mulf %mul3A_2027, %bitcast_convert_type3A_2024 : vector<16xf32>
        %mul3A_2029 = arith.mulf %mul3A_2028, %bitcast_convert_type3A_2024 : vector<16xf32>
        %sub3A_2030 = arith.constant 1.500000e+00 : f32
        %sub3A_2031 = vector.broadcast %sub3A_2030 : f32 to vector<16xf32>
        %sub3A_2032 = arith.subf %sub3A_2031, %mul3A_2029 : vector<16xf32>
        %mul3A_2033 = arith.mulf %bitcast_convert_type3A_2024, %sub3A_2032 : vector<16xf32>
        %mul3A_2034 = arith.mulf %mul3A_2027, %mul3A_2033 : vector<16xf32>
        %mul3A_2035 = arith.mulf %mul3A_2034, %mul3A_2033 : vector<16xf32>
        %sub3A_2036 = arith.constant 1.500000e+00 : f32
        %sub3A_2037 = vector.broadcast %sub3A_2036 : f32 to vector<16xf32>
        %sub3A_2038 = arith.subf %sub3A_2037, %mul3A_2035 : vector<16xf32>
        %mul3A_2039 = arith.mulf %mul3A_2033, %sub3A_2038 : vector<16xf32>
        %mul3A_2040 = arith.mulf %mul3A_2039, %get3A_1 : vector<16xf32>
        %sub3A_2041 = arith.subf %add3A_1961, %broadcast_in_dim3A_2016 : vector<16xf32>
        %mul3A_2042 = arith.mulf %sub3A_2041, %mul3A_2040 : vector<16xf32>
        %add3A_2043 = arith.addf %mul3A_2042, %get3A_9 : vector<16xf32>
        %swap3A_2044 = arith.constant 1 : i32
        %swap3A_2045 = arith.index_cast %swap3A_2044 : i32 to index
        %swap3A_2046 = arith.index_cast %add3A_1945 : i32 to index
        %swap3A_2047 = arith.constant 0 : index
        %swap3A_2048 = tpu.vector_load %arg10[%swap3A_2045, %swap3A_2046, %swap3A_2047] {strides = array<i32>} : memref<2x400x64xf32, #tpu.memory_space<vmem>>, vector<16xf32>,
        tpu.vector_store %arg10[%swap3A_2045, %swap3A_2046, %swap3A_2047], %add3A_2043 {strides = array<i32>} : memref<2x400x64xf32, #tpu.memory_space<vmem>>, vector<16xf32>,
        %mul3A_2049 = arith.mulf %mul3A_2039, %get3A_3 : vector<16xf32>
        %sub3A_2050 = arith.subf %add3A_1970, %broadcast_in_dim3A_2016 : vector<16xf32>
        %mul3A_2051 = arith.mulf %sub3A_2050, %mul3A_2049 : vector<16xf32>
        %add3A_2052 = arith.addf %mul3A_2051, %get3A_11 : vector<16xf32>
        %swap3A_2053 = arith.constant 1 : i32
        %swap3A_2054 = arith.index_cast %swap3A_2053 : i32 to index
        %swap3A_2055 = arith.index_cast %add3A_1945 : i32 to index
        %swap3A_2056 = arith.constant 16 : index
        %swap3A_2057 = tpu.vector_load %arg10[%swap3A_2054, %swap3A_2055, %swap3A_2056] {strides = array<i32>} : memref<2x400x64xf32, #tpu.memory_space<vmem>>, vector<16xf32>,
        tpu.vector_store %arg10[%swap3A_2054, %swap3A_2055, %swap3A_2056], %add3A_2052 {strides = array<i32>} : memref<2x400x64xf32, #tpu.memory_space<vmem>>, vector<16xf32>,
        %mul3A_2058 = arith.mulf %mul3A_2039, %get3A_5 : vector<16xf32>
        %sub3A_2059 = arith.subf %add3A_1979, %broadcast_in_dim3A_2016 : vector<16xf32>
        %mul3A_2060 = arith.mulf %sub3A_2059, %mul3A_2058 : vector<16xf32>
        %add3A_2061 = arith.addf %mul3A_2060, %get3A_13 : vector<16xf32>
        %swap3A_2062 = arith.constant 1 : i32
        %swap3A_2063 = arith.index_cast %swap3A_2062 : i32 to index
        %swap3A_2064 = arith.index_cast %add3A_1945 : i32 to index
        %swap3A_2065 = arith.constant 32 : index
        %swap3A_2066 = tpu.vector_load %arg10[%swap3A_2063, %swap3A_2064, %swap3A_2065] {strides = array<i32>} : memref<2x400x64xf32, #tpu.memory_space<vmem>>, vector<16xf32>,
        tpu.vector_store %arg10[%swap3A_2063, %swap3A_2064, %swap3A_2065], %add3A_2061 {strides = array<i32>} : memref<2x400x64xf32, #tpu.memory_space<vmem>>, vector<16xf32>,
        %mul3A_2067 = arith.mulf %mul3A_2039, %get3A_7 : vector<16xf32>
        %sub3A_2068 = arith.subf %add3A_1988, %broadcast_in_dim3A_2016 : vector<16xf32>
        %mul3A_2069 = arith.mulf %sub3A_2068, %mul3A_2067 : vector<16xf32>
        %add3A_2070 = arith.addf %mul3A_2069, %get3A_15 : vector<16xf32>
        %swap3A_2071 = arith.constant 1 : i32
        %swap3A_2072 = arith.index_cast %swap3A_2071 : i32 to index
        %swap3A_2073 = arith.index_cast %add3A_1945 : i32 to index
        %swap3A_2074 = arith.constant 48 : index
        %swap3A_2075 = tpu.vector_load %arg10[%swap3A_2072, %swap3A_2073, %swap3A_2074] {strides = array<i32>} : memref<2x400x64xf32, #tpu.memory_space<vmem>>, vector<16xf32>,
        tpu.vector_store %arg10[%swap3A_2072, %swap3A_2073, %swap3A_2074], %add3A_2070 {strides = array<i32>} : memref<2x400x64xf32, #tpu.memory_space<vmem>>, vector<16xf32>,
        %add3A_2076 = arith.constant 15 : i32
        %add3A_2077 = arith.addi %mul3A_100, %add3A_2076 : i32
        %rem3A_2078 = arith.constant 200 : i32
        %rem3A_2079 = arith.remsi %add3A_2077, %rem3A_2078 : i32
        %slice3A_2080 = vector.extract_strided_slice %get3A_104 {offsets = [15], sizes = [1], strides = [1]} : vector<16xi32> to vector<1xi32>
        %squeeze3A_2081 = vector.extract %slice3A_2080[0] : i32 from vector<1xi32>
        %mul3A_2082 = arith.constant 200 : i32
        %mul3A_2083 = arith.muli %squeeze3A_2081, %mul3A_2082 : i32
        %add3A_2084 = arith.addi %mul3A_2083, %rem3A_2079 : i32
        %get3A_2085 = arith.constant 1 : i32
        %get3A_2086 = arith.index_cast %get3A_2085 : i32 to index
        %get3A_2087 = arith.index_cast %add3A_2077 : i32 to index
        %get3A_2088 = arith.constant 0 : index
        %get3A_2089 = tpu.vector_load %arg10[%get3A_2086, %get3A_2087, %get3A_2088] {strides = array<i32>} : memref<2x400x64xf32, #tpu.memory_space<vmem>>, vector<16xf32>,
        %get3A_2090 = arith.index_cast %add3A_2084 : i32 to index
        %get3A_2091 = arith.constant 0 : index
        %get3A_2092 = tpu.vector_load %arg11[%get3A_2090, %get3A_2091] {strides = array<i32>} : memref<400x64xf32, #tpu.memory_space<vmem>>, vector<16xf32>,
        %add3A_2093 = arith.addf %get3A_2089, %get3A_2092 : vector<16xf32>
        %get3A_2094 = arith.constant 1 : i32
        %get3A_2095 = arith.index_cast %get3A_2094 : i32 to index
        %get3A_2096 = arith.index_cast %add3A_2077 : i32 to index
        %get3A_2097 = arith.constant 16 : index
        %get3A_2098 = tpu.vector_load %arg10[%get3A_2095, %get3A_2096, %get3A_2097] {strides = array<i32>} : memref<2x400x64xf32, #tpu.memory_space<vmem>>, vector<16xf32>,
        %get3A_2099 = arith.index_cast %add3A_2084 : i32 to index
        %get3A_2100 = arith.constant 16 : index
        %get3A_2101 = tpu.vector_load %arg11[%get3A_2099, %get3A_2100] {strides = array<i32>} : memref<400x64xf32, #tpu.memory_space<vmem>>, vector<16xf32>,
        %add3A_2102 = arith.addf %get3A_2098, %get3A_2101 : vector<16xf32>
        %get3A_2103 = arith.constant 1 : i32
        %get3A_2104 = arith.index_cast %get3A_2103 : i32 to index
        %get3A_2105 = arith.index_cast %add3A_2077 : i32 to index
        %get3A_2106 = arith.constant 32 : index
        %get3A_2107 = tpu.vector_load %arg10[%get3A_2104, %get3A_2105, %get3A_2106] {strides = array<i32>} : memref<2x400x64xf32, #tpu.memory_space<vmem>>, vector<16xf32>,
        %get3A_2108 = arith.index_cast %add3A_2084 : i32 to index
        %get3A_2109 = arith.constant 32 : index
        %get3A_2110 = tpu.vector_load %arg11[%get3A_2108, %get3A_2109] {strides = array<i32>} : memref<400x64xf32, #tpu.memory_space<vmem>>, vector<16xf32>,
        %add3A_2111 = arith.addf %get3A_2107, %get3A_2110 : vector<16xf32>
        %get3A_2112 = arith.constant 1 : i32
        %get3A_2113 = arith.index_cast %get3A_2112 : i32 to index
        %get3A_2114 = arith.index_cast %add3A_2077 : i32 to index
        %get3A_2115 = arith.constant 48 : index
        %get3A_2116 = tpu.vector_load %arg10[%get3A_2113, %get3A_2114, %get3A_2115] {strides = array<i32>} : memref<2x400x64xf32, #tpu.memory_space<vmem>>, vector<16xf32>,
        %get3A_2117 = arith.index_cast %add3A_2084 : i32 to index
        %get3A_2118 = arith.constant 48 : index
        %get3A_2119 = tpu.vector_load %arg11[%get3A_2117, %get3A_2118] {strides = array<i32>} : memref<400x64xf32, #tpu.memory_space<vmem>>, vector<16xf32>,
        %add3A_2120 = arith.addf %get3A_2116, %get3A_2119 : vector<16xf32>
        %add3A_2121 = arith.addf %add3A_2093, %add3A_2102 : vector<16xf32>
        %add3A_2122 = arith.addf %add3A_2111, %add3A_2120 : vector<16xf32>
        %add3A_2123 = arith.addf %add3A_2121, %add3A_2122 : vector<16xf32>
        %reduce_sum3A_2124 = arith.constant true
        %reduce_sum3A_2125 = vector.broadcast %reduce_sum3A_2124 : i1 to vector<16xi1>
        %reduce_sum3A_2126 = tpu.scan <sum>, %add3A_2123 masked %reduce_sum3A_2125 : vector<16xf32>, vector<16xi1> -> vector<16xf32>
        %reduce_sum3A_2127 = vector.extract %reduce_sum3A_2126[15] : f32 from vector<16xf32>
        %mul3A_2128 = arith.mulf %add3A_2093, %add3A_2093 : vector<16xf32>
        %mul3A_2129 = arith.mulf %add3A_2102, %add3A_2102 : vector<16xf32>
        %add3A_2130 = arith.addf %mul3A_2128, %mul3A_2129 : vector<16xf32>
        %mul3A_2131 = arith.mulf %add3A_2111, %add3A_2111 : vector<16xf32>
        %add3A_2132 = arith.addf %add3A_2130, %mul3A_2131 : vector<16xf32>
        %mul3A_2133 = arith.mulf %add3A_2120, %add3A_2120 : vector<16xf32>
        %add3A_2134 = arith.addf %add3A_2132, %mul3A_2133 : vector<16xf32>
        %reduce_sum3A_2135 = arith.constant true
        %reduce_sum3A_2136 = vector.broadcast %reduce_sum3A_2135 : i1 to vector<16xi1>
        %reduce_sum3A_2137 = tpu.scan <sum>, %add3A_2134 masked %reduce_sum3A_2136 : vector<16xf32>, vector<16xi1> -> vector<16xf32>
        %reduce_sum3A_2138 = vector.extract %reduce_sum3A_2137[15] : f32 from vector<16xf32>
        %mul3A_2139 = arith.constant 1.562500e-02 : f32
        %mul3A_2140 = arith.mulf %reduce_sum3A_2127, %mul3A_2139 : f32
        %mul3A_2141 = arith.constant 1.562500e-02 : f32
        %mul3A_2142 = arith.mulf %reduce_sum3A_2138, %mul3A_2141 : f32
        %mul3A_2143 = arith.mulf %mul3A_2140, %mul3A_2140 : f32
        %sub3A_2144 = arith.subf %mul3A_2142, %mul3A_2143 : f32
        %add3A_2145 = arith.constant 9.99999974E-6 : f32
        %add3A_2146 = arith.addf %sub3A_2144, %add3A_2145 : f32
        %broadcast_in_dim3A_2147 = vector.broadcast %add3A_2146 : f32 to vector<16xf32>
        %broadcast_in_dim3A_2148 = vector.broadcast %mul3A_2140 : f32 to vector<16xf32>
        %bitcast_convert_type3A_2149 = tpu.bitcast %broadcast_in_dim3A_2147 : vector<16xf32> -> vector<16xi32>
        %shift_right_arithmetic3A_2150 = arith.constant 1 : i32
        %shift_right_arithmetic3A_2151 = vector.broadcast %shift_right_arithmetic3A_2150 : i32 to vector<16xi32>
        %shift_right_arithmetic3A_2152 = arith.shrsi %bitcast_convert_type3A_2149, %shift_right_arithmetic3A_2151 : vector<16xi32>
        %sub3A_2153 = arith.constant 1597463007 : i32
        %sub3A_2154 = vector.broadcast %sub3A_2153 : i32 to vector<16xi32>
        %sub3A_2155 = arith.subi %sub3A_2154, %shift_right_arithmetic3A_2152 : vector<16xi32>
        %bitcast_convert_type3A_2156 = tpu.bitcast %sub3A_2155 : vector<16xi32> -> vector<16xf32>
        %mul3A_2157 = arith.constant 5.000000e-01 : f32
        %mul3A_2158 = vector.broadcast %mul3A_2157 : f32 to vector<16xf32>
        %mul3A_2159 = arith.mulf %broadcast_in_dim3A_2147, %mul3A_2158 : vector<16xf32>
        %mul3A_2160 = arith.mulf %mul3A_2159, %bitcast_convert_type3A_2156 : vector<16xf32>
        %mul3A_2161 = arith.mulf %mul3A_2160, %bitcast_convert_type3A_2156 : vector<16xf32>
        %sub3A_2162 = arith.constant 1.500000e+00 : f32
        %sub3A_2163 = vector.broadcast %sub3A_2162 : f32 to vector<16xf32>
        %sub3A_2164 = arith.subf %sub3A_2163, %mul3A_2161 : vector<16xf32>
        %mul3A_2165 = arith.mulf %bitcast_convert_type3A_2156, %sub3A_2164 : vector<16xf32>
        %mul3A_2166 = arith.mulf %mul3A_2159, %mul3A_2165 : vector<16xf32>
        %mul3A_2167 = arith.mulf %mul3A_2166, %mul3A_2165 : vector<16xf32>
        %sub3A_2168 = arith.constant 1.500000e+00 : f32
        %sub3A_2169 = vector.broadcast %sub3A_2168 : f32 to vector<16xf32>
        %sub3A_2170 = arith.subf %sub3A_2169, %mul3A_2167 : vector<16xf32>
        %mul3A_2171 = arith.mulf %mul3A_2165, %sub3A_2170 : vector<16xf32>
        %mul3A_2172 = arith.mulf %mul3A_2171, %get3A_1 : vector<16xf32>
        %sub3A_2173 = arith.subf %add3A_2093, %broadcast_in_dim3A_2148 : vector<16xf32>
        %mul3A_2174 = arith.mulf %sub3A_2173, %mul3A_2172 : vector<16xf32>
        %add3A_2175 = arith.addf %mul3A_2174, %get3A_9 : vector<16xf32>
        %swap3A_2176 = arith.constant 1 : i32
        %swap3A_2177 = arith.index_cast %swap3A_2176 : i32 to index
        %swap3A_2178 = arith.index_cast %add3A_2077 : i32 to index
        %swap3A_2179 = arith.constant 0 : index
        %swap3A_2180 = tpu.vector_load %arg10[%swap3A_2177, %swap3A_2178, %swap3A_2179] {strides = array<i32>} : memref<2x400x64xf32, #tpu.memory_space<vmem>>, vector<16xf32>,
        tpu.vector_store %arg10[%swap3A_2177, %swap3A_2178, %swap3A_2179], %add3A_2175 {strides = array<i32>} : memref<2x400x64xf32, #tpu.memory_space<vmem>>, vector<16xf32>,
        %mul3A_2181 = arith.mulf %mul3A_2171, %get3A_3 : vector<16xf32>
        %sub3A_2182 = arith.subf %add3A_2102, %broadcast_in_dim3A_2148 : vector<16xf32>
        %mul3A_2183 = arith.mulf %sub3A_2182, %mul3A_2181 : vector<16xf32>
        %add3A_2184 = arith.addf %mul3A_2183, %get3A_11 : vector<16xf32>
        %swap3A_2185 = arith.constant 1 : i32
        %swap3A_2186 = arith.index_cast %swap3A_2185 : i32 to index
        %swap3A_2187 = arith.index_cast %add3A_2077 : i32 to index
        %swap3A_2188 = arith.constant 16 : index
        %swap3A_2189 = tpu.vector_load %arg10[%swap3A_2186, %swap3A_2187, %swap3A_2188] {strides = array<i32>} : memref<2x400x64xf32, #tpu.memory_space<vmem>>, vector<16xf32>,
        tpu.vector_store %arg10[%swap3A_2186, %swap3A_2187, %swap3A_2188], %add3A_2184 {strides = array<i32>} : memref<2x400x64xf32, #tpu.memory_space<vmem>>, vector<16xf32>,
        %mul3A_2190 = arith.mulf %mul3A_2171, %get3A_5 : vector<16xf32>
        %sub3A_2191 = arith.subf %add3A_2111, %broadcast_in_dim3A_2148 : vector<16xf32>
        %mul3A_2192 = arith.mulf %sub3A_2191, %mul3A_2190 : vector<16xf32>
        %add3A_2193 = arith.addf %mul3A_2192, %get3A_13 : vector<16xf32>
        %swap3A_2194 = arith.constant 1 : i32
        %swap3A_2195 = arith.index_cast %swap3A_2194 : i32 to index
        %swap3A_2196 = arith.index_cast %add3A_2077 : i32 to index
        %swap3A_2197 = arith.constant 32 : index
        %swap3A_2198 = tpu.vector_load %arg10[%swap3A_2195, %swap3A_2196, %swap3A_2197] {strides = array<i32>} : memref<2x400x64xf32, #tpu.memory_space<vmem>>, vector<16xf32>,
        tpu.vector_store %arg10[%swap3A_2195, %swap3A_2196, %swap3A_2197], %add3A_2193 {strides = array<i32>} : memref<2x400x64xf32, #tpu.memory_space<vmem>>, vector<16xf32>,
        %mul3A_2199 = arith.mulf %mul3A_2171, %get3A_7 : vector<16xf32>
        %sub3A_2200 = arith.subf %add3A_2120, %broadcast_in_dim3A_2148 : vector<16xf32>
        %mul3A_2201 = arith.mulf %sub3A_2200, %mul3A_2199 : vector<16xf32>
        %add3A_2202 = arith.addf %mul3A_2201, %get3A_15 : vector<16xf32>
        %swap3A_2203 = arith.constant 1 : i32
        %swap3A_2204 = arith.index_cast %swap3A_2203 : i32 to index
        %swap3A_2205 = arith.index_cast %add3A_2077 : i32 to index
        %swap3A_2206 = arith.constant 48 : index
        %swap3A_2207 = tpu.vector_load %arg10[%swap3A_2204, %swap3A_2205, %swap3A_2206] {strides = array<i32>} : memref<2x400x64xf32, #tpu.memory_space<vmem>>, vector<16xf32>,
        tpu.vector_store %arg10[%swap3A_2204, %swap3A_2205, %swap3A_2206], %add3A_2202 {strides = array<i32>} : memref<2x400x64xf32, #tpu.memory_space<vmem>>, vector<16xf32>,
      }
      %scan3A_93 = arith.constant 25 : i32
      %mul3A_94 = arith.constant 400 : i32
      %mul3A_95 = arith.muli %add3A_68, %mul3A_94 : i32
      %add3A_96 = arith.addi %mul3A_17, %mul3A_95 : i32
      %run_scoped3A_97 = arith.constant 1 : i32
      "tpu.region"() ({
        %run_scoped3A_98 = tpu.sem_alloc : memref<!tpu.dma_semaphore, #tpu.memory_space<semaphore_mem>>
        %dma_start3A_99 = arith.constant 0 : i32
        %dma_start3A_100 = arith.constant 0 : i32
        %dma_start3A_101 = tpu.memref_slice %arg10[%run_scoped3A_97, %dma_start3A_99, %dma_start3A_100] : memref<2x400x64xf32, #tpu.memory_space<vmem>> -> memref<1x400x64xf32, #tpu.memory_space<vmem>>
        %dma_start3A_102 = tpu.memref_squeeze %dma_start3A_101 : memref<1x400x64xf32, #tpu.memory_space<vmem>> -> memref<400x64xf32, #tpu.memory_space<vmem>>
        %dma_start3A_103 = arith.constant 0 : i32
        %dma_start3A_104 = tpu.memref_slice %arg7[%add3A_96, %dma_start3A_103] : memref<819200x64xf32, #tpu.memory_space<hbm>> -> memref<400x64xf32, #tpu.memory_space<hbm>>
        %dma_start3A_105 = arith.constant 0 : i32
        %dma_start3A_106 = tpu.memref_slice %arg7[%add3A_96, %dma_start3A_105] : memref<819200x64xf32, #tpu.memory_space<hbm>> -> memref<400x64xf32, #tpu.memory_space<hbm>>
        %dma_start3A_107 = arith.constant 0 : i32
        %dma_start3A_108 = arith.constant 0 : i32
        %dma_start3A_109 = tpu.memref_slice %arg10[%run_scoped3A_97, %dma_start3A_107, %dma_start3A_108] : memref<2x400x64xf32, #tpu.memory_space<vmem>> -> memref<1x400x64xf32, #tpu.memory_space<vmem>>
        %dma_start3A_110 = tpu.memref_squeeze %dma_start3A_109 : memref<1x400x64xf32, #tpu.memory_space<vmem>> -> memref<400x64xf32, #tpu.memory_space<vmem>>
        tpu.enqueue_dma source(%dma_start3A_110 : memref<400x64xf32, #tpu.memory_space<vmem>>) target(%dma_start3A_106 : memref<400x64xf32, #tpu.memory_space<hbm>>) target_semaphore(%run_scoped3A_98 : memref<!tpu.dma_semaphore, #tpu.memory_space<semaphore_mem>>)
        %dma_wait3A_111 = arith.constant 0 : i32
        %dma_wait3A_112 = arith.constant 0 : i32
        %dma_wait3A_113 = tpu.memref_slice %arg10[%run_scoped3A_97, %dma_wait3A_111, %dma_wait3A_112] : memref<2x400x64xf32, #tpu.memory_space<vmem>> -> memref<1x400x64xf32, #tpu.memory_space<vmem>>
        %dma_wait3A_114 = tpu.memref_squeeze %dma_wait3A_113 : memref<1x400x64xf32, #tpu.memory_space<vmem>> -> memref<400x64xf32, #tpu.memory_space<vmem>>
        %dma_wait3A_115 = arith.constant 0 : i32
        %dma_wait3A_116 = tpu.memref_slice %arg7[%add3A_96, %dma_wait3A_115] : memref<819200x64xf32, #tpu.memory_space<hbm>> -> memref<400x64xf32, #tpu.memory_space<hbm>>
        %dma_wait3A_117 = arith.constant 0 : i32
        %dma_wait3A_118 = tpu.memref_slice %arg7[%add3A_96, %dma_wait3A_117] : memref<819200x64xf32, #tpu.memory_space<hbm>> -> memref<400x64xf32, #tpu.memory_space<hbm>>
        %dma_wait3A_119 = arith.constant 0 : i32
        %dma_wait3A_120 = arith.constant 0 : i32
        %dma_wait3A_121 = tpu.memref_slice %arg10[%run_scoped3A_97, %dma_wait3A_119, %dma_wait3A_120] : memref<2x400x64xf32, #tpu.memory_space<vmem>> -> memref<1x400x64xf32, #tpu.memory_space<vmem>>
        %dma_wait3A_122 = tpu.memref_squeeze %dma_wait3A_121 : memref<1x400x64xf32, #tpu.memory_space<vmem>> -> memref<400x64xf32, #tpu.memory_space<vmem>>
        tpu.wait_dma2 semaphore(%run_scoped3A_98 : memref<!tpu.dma_semaphore, #tpu.memory_space<semaphore_mem>>) src(%dma_wait3A_122 : memref<400x64xf32, #tpu.memory_space<vmem>>) dst(%dma_wait3A_118 : memref<400x64xf32, #tpu.memory_space<hbm>>)
        tpu.yield
      }) : () -> ()
    }
    %scan3A_36 = arith.constant 32 : i32
    return
  }
}

</mosaic_0001>

<sc_bundles>
// kernel: _emb_ln.3.cloned.1.call-start
scs
__scs_entry_jumppad:
0x0: {  	(pc) =	sbr.rel $0x88, $3  }
0x1: {  	(tag) =	ssettag $0x0;
	lr =	simm.s32 $0x1  }
0x2: {  	[smem:$0x3F9C] =	sst lr;
	_ =	strace $0xD0000000  }
0x3: {  	_ = 	snop  }
0x4: {  	_ = 	snop  }
0x5: {  	_ = 	snop  }
0x6: {  	_ = 	snop  }
0x7: {  	_ = 	snop  }
__scs_overlays_trampoline_lowered:
0x8: {  	[smem:$0x3FAB] =	sst s0  }
0x9: {  	[smem:$0x3FAC] =	sst s1  }
0xa: {  	[smem:$0x3FAD] =	sst s2  }
0xb: {  	[smem:$0x3FAE] =	sst s3  }
0xc: {  	[smem:$0x3FAF] =	sst s4  }
0xd: {  	[smem:$0x3FB0] =	sst s5  }
0xe: {  	[smem:$0x3FB1] =	sst s6  }
0xf: {  	[smem:$0x3FB2] =	sst s7  }
0x10: {  	[smem:$0x3FB3] =	sst s8  }
0x11: {  	[smem:$0x3FB4] =	sst s9;
	s0 =	simm.s32 @!p0 $0x0  }
0x12: {  	s1 =	sld [smem:$0x3F9A];
	s0 =	simm.s32 @p0 $0x1  }
0x13: {  	[smem:$0x3FB5] =	sst s0;
	s0 =	simm.s32 @!p1 $0x0  }
0x14: {  	s2 =	sld [smem:$0x3F99];
	s0 =	simm.s32 @p1 $0x1  }
0x15: {  	[smem:$0x3FB6] =	sst s0;
	s0 =	simm.s32 @!p2 $0x0  }
0x16: {  	s3 =	sld [smem:$0x3FDB];
	s0 =	simm.s32 @p2 $0x1  }
0x17: {  	s4 =	simm.s32 $0x1BF5;
	[smem:$0x3FB8] =	sst s0  }
0x18: {  	s0 =	sld [smem:$0x3F9B];
	_ =	swait.ge [sflag:s4], $0x0  }
0x19: {  	s7 =	sld [smem:$0x3F9C]  }
0x1a: {  	s8 =	sadd.s32 $0xFFFFE003, lr  }
0x1b: {  	s9 =	sadd.s32 $0xFFFFFEF7, lr;
	s5 =	simm.s32 $0xFFFFFFFF;
	p2 =	slt.u32 s8, $0xFFFFF086  }
0x1c: {  	p1 =	slt.u32 s9, $0xF7A;
	s5 =	simm.s32 @!p2 $0x0  }
0x1d: {  	s5 =	simm.s32 @p1 $0x1;
	p0 =	seq.s32 s7, s2  }
0x1e: {  	s7 =	smul.u32 @!p0 $0xF7A, s2;
	p2 =	seq.s32 @!p0 s5, $0x0  }
0x1f: {  	s9 =	smul.u32 $0xF7A, s1;
	s8 =	simm.s32 @!p0 $0x1BF5;
	p2 =	por !p2, p0  }
0x20: {  	[sflag:s8] =	ssyncset.s32 @!p0 $0xFFFFF086;
	s6 =	sadd.s32 @!p0 s3, s7;
	s7 =	simm.s32 @!p0 $0x108  }
0x21: {  	s3 =	sadd.s32 s3, s9;
	s6 =	sadd.s32 @!p0 $0x88, s6;
	s7 =	simm.s32 @p2 $0x1082  }
0x22: {  	[simem:s7], [sflag:s8] =	dma.local @!p0 [hbm:s6], $0xF7A  }
0x23: {  	s9 =	sor.u32 $0xD0000000, s2;
	s6 =	simm.s32 $0x108;
	_ =	swait.ge @!p0 [sflag:s8], $0x0  }
0x24: {  	s3 =	sadd.s32 $0x88, s3;
	s6 =	simm.s32 @!p1 $0x1082;
	[sflag:s4] =	ssyncset.s32 $0xFFFFF086  }
0x25: {  	[simem:s6], [sflag:s4] =	dma.local [hbm:s3], $0xF7A  }
0x26: {  	[smem:$0x3F9C] =	sst s1;
	(tag) =	ssettag s2;
	_ =	strace s9  }
0x27: {  	s1 =	sld [smem:$0x3FAC]  }
0x28: {  	s2 =	sld [smem:$0x3FAD]  }
0x29: {  	s4 =	sld [smem:$0x3FAF]  }
0x2a: {  	p0 =	seq.s32 s5, $0x0;
	s5 =	sld [smem:$0x3FB0]  }
0x2b: {  	s6 =	sld [smem:$0x3FB1]  }
0x2c: {  	s7 =	sld [smem:$0x3FB2]  }
0x2d: {  	s3 =	simm.s32 $0x108;
	s8 =	sld [smem:$0x3FB3]  }
0x2e: {  	s3 =	simm.s32 @!p0 $0x1082;
	s9 =	sld [smem:$0x3FB4]  }
0x2f: {  	lr =	sadd.s32 s0, s3;
	s0 =	sld [smem:$0x3FAB]  }
0x30: {  	s3 =	sld [smem:$0x3FAE]  }
0x31: {  	[smem:$0x3FB7] =	sst s10  }
0x32: {  	s10 =	sld [smem:$0x3FB5];
	_ =	sdelay $0x3  }
0x33: {  	p0 =	seq.s32 s10, $0x1;
	s10 =	sld [smem:$0x3FB7];
	_ =	sdelay $0x3  }
0x34: {  	[smem:$0x3FB7] =	sst s10  }
0x35: {  	s10 =	sld [smem:$0x3FB6];
	_ =	sdelay $0x3  }
0x36: {  	p1 =	seq.s32 s10, $0x1;
	s10 =	sld [smem:$0x3FB7];
	_ =	sdelay $0x3  }
0x37: {  	[smem:$0x3FB7] =	sst s10  }
0x38: {  	s10 =	sld [smem:$0x3FB8]  }
0x39: {  	_ = 	snop;
	(pc) =	sbr.ind lr, $3  }
0x3a: {  	_ = 	snop  }
0x3b: {  	_ = 	snop  }
0x3c: {  	p2 =	seq.s32 s10, $0x1;
	s10 =	sld [smem:$0x3FB7]  }
0x3d: {  	_ =	shalt  }
0x3e: {  	_ =	shalt  }
0x3f: {  	_ =	shalt  }
0x40: {  	_ =	shalt  }
0x41: {  	_ =	shalt  }
0x42: {  	_ =	shalt  }
0x43: {  	_ =	shalt  }
0x44: {  	_ =	shalt  }
0x45: {  	_ =	shalt  }
0x46: {  	_ =	shalt  }
0x47: {  	_ =	shalt  }
0x48: {  	_ =	shalt  }
0x49: {  	_ =	shalt  }
0x4a: {  	_ =	shalt  }
0x4b: {  	_ =	shalt  }
0x4c: {  	_ =	shalt  }
0x4d: {  	_ =	shalt  }
0x4e: {  	_ =	shalt  }
0x4f: {  	_ =	shalt  }
0x50: {  	_ =	shalt  }
0x51: {  	_ =	shalt  }
0x52: {  	_ =	shalt  }
0x53: {  	_ =	shalt  }
0x54: {  	_ =	shalt  }
0x55: {  	_ =	shalt  }
0x56: {  	_ =	shalt  }
0x57: {  	_ =	shalt  }
0x58: {  	_ =	shalt  }
0x59: {  	_ =	shalt  }
0x5a: {  	_ =	shalt  }
0x5b: {  	_ =	shalt  }
0x5c: {  	_ =	shalt  }
0x5d: {  	_ =	shalt  }
0x5e: {  	_ =	shalt  }
0x5f: {  	_ =	shalt  }
0x60: {  	_ =	shalt  }
0x61: {  	_ =	shalt  }
0x62: {  	_ =	shalt  }
0x63: {  	_ =	shalt  }
0x64: {  	_ =	shalt  }
0x65: {  	_ =	shalt  }
0x66: {  	_ =	shalt  }
0x67: {  	_ =	shalt  }
0x68: {  	_ =	shalt  }
0x69: {  	_ =	shalt  }
0x6a: {  	_ =	shalt  }
0x6b: {  	_ =	shalt  }
0x6c: {  	_ =	shalt  }
0x6d: {  	_ =	shalt  }
0x6e: {  	_ =	shalt  }
0x6f: {  	_ =	shalt  }
0x70: {  	_ =	shalt  }
0x71: {  	_ =	shalt  }
0x72: {  	_ =	shalt  }
0x73: {  	_ =	shalt  }
0x74: {  	_ =	shalt  }
0x75: {  	_ =	shalt  }
0x76: {  	_ =	shalt  }
0x77: {  	_ =	shalt  }
0x78: {  	_ =	shalt  }
0x79: {  	_ =	shalt  }
0x7a: {  	_ =	shalt  }
0x7b: {  	_ =	shalt  }
0x7c: {  	_ =	shalt  }
0x7d: {  	_ =	shalt  }
0x7e: {  	_ =	shalt  }
0x7f: {  	_ =	shalt  }
0x80: {  	_ =	shalt  }
0x81: {  	_ =	shalt  }
0x82: {  	_ =	shalt  }
0x83: {  	_ =	shalt  }
0x84: {  	_ =	shalt  }
0x85: {  	_ =	shalt  }
0x86: {  	_ =	shalt  }
0x87: {  	_ =	shalt  }
.Lfunc_end0:
.L_simem_size_0:
called_computation.1_lowered:
.L_overlay_start_0:
0x88: {  	s2 =	sld [smem:$0x3FD9]  }
0x89: {  	s3 =	sld [smem:$0x3FFE];
	_ =	sdelay $0x1  }
0x8a: {  	s1 =	srdreg.scid  }
0x8b: {  	s0 =	sand.u32 $0x1, s1  }
0x8c: {  	s17 =	sshll.u32 s0, $0xA;
	s2 =	sadd.s32 s3, s2  }
0x8d: {  	s2 =	sadd.s32 s2, s17  }
0x8e: {  	[smem:$0x3FC3] =	sst s2  }
0x8f: {  	_ = 	snop  }
0x90: {  	s2 =	sld [smem:$0x3FC9]  }
0x91: {  	s18 =	sld [smem:$0x3FC8]  }
0x92: {  	s4 =	sld [smem:$0x3FC5]  }
0x93: {  	s5 =	sld [smem:$0x3FD0];
	(tm) =	ssettm $0x1  }
0x94: {  	s6 =	sld [smem:$0x3FFB];
	_ =	sdelay $0x3  }
0x95: {  	_ =	strace s6  }
0x96: {  	s6 =	sld [smem:$0x3FFC];
	_ =	sdelay $0x3  }
0x97: {  	_ =	strace s6  }
0x98: {  	s6 =	sld [smem:$0x3FFD];
	_ =	sdelay $0x3  }
0x99: {  	_ =	strace s6  }
0x9a: {  	_ =	strace $0x8FFFFFFF  }
0x9b: {  	s19 =	sld [smem:$0x3FDB];
	_ =	sdelay $0x1  }
0x9c: {  	s7 =	simm.s32 $_scs_section_size  }
0x9d: {  	s8 =	simm.s32 $_size__tile_overlayer_lowered;
	s9 =	simm.s32 $_tile_overlayer_lowered  }
0x9e: {  	s22 =	simm.s32 $0x1BFF;
	s21 =	sshll.u32 s9, $0x1;
	s6 =	sadd.s32 s7, s19  }
0x9f: {  	s10 =	simm.s32 $0x0;
	s20 =	sshll.u32 s8, $0x1;
	s8 =	sadd.s32 s21, s6  }
0xa0: {  	[timem:s10], [sflag:s22] =	dma.local [hbm:s8], s20  }
0xa1: {  	_ =	swait.ge [sflag:s22], s20  }
0xa2: {  	s7 =	ssub.s32 $0x0, s20;
	[sflag:s22] =	ssyncset.done $0x0  }
0xa3: {  	[sflag:s22] =	ssyncadd.s32 s7;
	_ =	sdelay $0x1  }
0xa4: {  	s23 =	simm.s32 $0x1B8B  }
0xa5: {  	_ =	swait.ge [sflag:s23], $0x1  }
0xa6: {  	[sflag:s23] =	ssyncset.done $0x0  }
0xa7: {  	s25 =	simm.s32 $0x1B8E;
	s24 =	sld [smem:$0x3FFE];
	[sflag:s23] =	ssyncadd.s32 $0xFFFFFFFF  }
0xa8: {  	s26 =	simm.s32 $execute0_lowered;
	[smem:$0x3FD2] =	sst s25  }
0xa9: {  	s8 =	sshll.u32 s26, $0x1;
	_ =	strace $0x80000046;
	[dreg:$0x1] =	wrdreg $0xFFFFFFFF  }
0xaa: {  	s28 =	simm.s32 $_size_execute0_lowered;
	s6 =	sadd.s32 s6, s8;
	[dreg:$0x0] =	wrdreg $0x0  }
0xab: {  	s8 =	sshll.u32 s28, $0x1;
	[dreg:$0x2] =	wrdreg s6  }
0xac: {  	[dreg:$0x3] =	wrdreg s8  }
0xad: {  	[dreg:$0x4] =	wrdreg $0xC0  }
0xae: {  	_ =	task [dreg:s10], $0x5FFFF  }
0xaf: {  	[dreg:$0x1] =	wrdreg $0xFFFFFFFF  }
0xb0: {  	[dreg:$0x0] =	wrdreg $0x60  }
0xb1: {  	[dreg:$0x2] =	wrdreg s2  }
0xb2: {  	[dreg:$0x3] =	wrdreg s18  }
0xb3: {  	[dreg:$0x4] =	wrdreg s24  }
0xb4: {  	[dreg:$0x5] =	wrdreg s4  }
0xb5: {  	[dreg:$0x6] =	wrdreg s5  }
0xb6: {  	[dreg:$0x7] =	wrdreg $0x9  }
0xb7: {  	_ =	task.clear_ibuf [dreg:s10], $0x8FFFF;
	_ =	strace $0x90000046  }
0xb8: {  	s29 =	simm.s32 $0x9;
	_ =	strace $0x80000048  }
0xb9: {  	_ =	swait.ge [sflag:s29], $0x1  }
0xba: {  	[sflag:s29] =	ssyncadd.s32 $0xFFFFFFFF  }
0xbb: {  	_ =	strace $0x90000048  }
0xbc: {  	_ =	sfence  }
0xbd: {  	s30 =	sld [smem:$0x0];
	_ =	sdelay $0x2  }
0xbe: {  	s31 =	sshll.u32 s1, $0xD;
	s1 =	sshrl.u32 s1, $0x2  }
0xbf: {  	s3 =	sand.u32 $0x4000, s31;
	s1 =	sadd.s32 s1, s30  }
0xc0: {  	s0 =	sor.u32 s3, s0;
	s1 =	sshll.u32 s1, $0x11  }
0xc1: {  	s0 =	sor.u32 s1, s0  }
0xc2: {  	s0 =	sadd.s32 $0x8F2B, s0  }
0xc3: {  	[sflag:s0] =	ssyncadd.remote.s32 $0x1  }
0xc4: {  	_ =	sfence.sel $0xFFFF  }
0xc5: {  	[dreg:$0x0] =	wrdreg $0xFFFFFFFF;
	(pc) =	sbr.abs _section_cstart, $3  }
0xc6: {  	[dreg:$0x1] =	wrdreg $0xFFFFFFFF  }
0xc7: {  	_ =	task.clear_ibuf [dreg:s10], $0x2FFFF;
	_ =	strace $0x9FFFFFFF  }
0xc8: {  	(tm) =	ssettm $0x7FFFFFFF  }
0xc9: {  	_ =	shalt  }
tec
execute0_lowered:
.L_overlay_start_1:
0x0: {  	(tag) =	ssettag $0x1  }
0x1: {  	s0 =	rddreg [dreg:$0x0]  }
0x2: {  	s2 =	rddreg [dreg:$0x1]  }
0x3: {  	s1 =	rddreg [dreg:$0x2];
	s3 =	srdreg.scid  }
0x4: {  	s4 =	stileid.u32;
	s5 =	rddreg [dreg:$0x4]  }
0x5: {  	s6 =	simm.s32 $0x0;
	s16 =	simm.s32 $0x3;
	s18 =	simm.s32 $0x320  }
0x6: {  	s19 =	simm.s32 $0x190;
	s20 =	simm.s32 $0x640;
	s21 =	simm.s32 $0x1  }
0x7: {  	s22 =	simm.s32 $0x4B0;
	s23 =	simm.s32 $0x6A40;
	s24 =	simm.s32 $0x2  }
0x8: {  	s25 =	simm.s32 $0x0;
	s3 =	sand.u32 $0x1, s3;
	s7 =	sshll.u32 s4, $0x1  }
0x9: {  	[smem:$0x7FF] =	sst s6;
	s7 =	sor.u32 s3, s7;
	s3 =	ssub.s32 $0x2, s3  }
0xa: {  	s8 =	sadd.s32 $0x800, s1;
	s7 =	smul.u32 $0x6400, s7;
	s10 =	sshrl.u32 s3, $0x1  }
0xb: {  	s9 =	sadd.s32 $0x1600, s1;
	_ =	strace $0x80000047;
	s31 =	ssub.s32 s3, s10  }
0xc: {  	s11 =	sshrl.u32 s7, $0x3;
	s12 =	sor.u32 $0x190, s7;
	s13 =	sor.u32 $0x320, s7  }
0xd: {  	s14 =	smax.u32 s31, $0x1;
	s10 =	sadd.s32 s0, s11;
	s11 =	sadd.s32 s2, s11  }
.LBB2_1:
0xe: {  	s1 =	simm.s32 $0xCE40  }
0xf: {  	[tilespmem:s1], [sflag:$0x3] =	stream.linear.gather [hbm4b:s8+s6], $0x6400, $0x38;
	[tilespmem:$0x132C0] =	vst v63  }
0x10: {  	_ =	swait.ge [sflag:s16], $0x6400  }
0x11: {  	[sflag:s16] =	ssyncset.done $0x0  }
0x12: {  	[sflag:s16] =	ssyncadd.s32 $0xFFFF9C00  }
0x13: {  	s3 =	simm.s32 $0x13240;
	s31 =	rddreg [dreg:$0x3]  }
0x14: {  	[tilespmem:s3], [sflag:$0x3] =	stream.linear.gather [hbm4b:s31+s6], $0x80, $0x38;
	[tilespmem:$0x132C0] =	vst v63  }
0x15: {  	_ =	swait.ge [sflag:s16], $0x80  }
0x16: {  	[sflag:s16] =	ssyncset.done $0x0  }
0x17: {  	[sflag:s16] =	ssyncadd.s32 $0xFFFFFF80  }
0x18: {  	v0 =	vld [tilespmem:$0x13240]  }
0x19: {  	v1 =	vld [tilespmem:$0x13250]  }
0x1a: {  	v2 =	vld [tilespmem:$0x13260]  }
0x1b: {  	v3 =	vld [tilespmem:$0x13270]  }
0x1c: {  	v4 =	vld [tilespmem:$0x13280]  }
0x1d: {  	v5 =	vld [tilespmem:$0x13290]  }
0x1e: {  	v6 =	vld [tilespmem:$0x132A0]  }
0x1f: {  	v7 =	vld [tilespmem:$0x132B0];
	[tilespmem:s6], [sflag:$0x3] =	stream.linear.gather [hbm4b:s10+s6], $0x190, $0x38  }
0x20: {  	_ =	swait.ge [sflag:s16], $0x190  }
0x21: {  	[sflag:s16] =	ssyncset.done $0x0  }
0x22: {  	[sflag:s16] =	ssyncadd.s32 $0xFFFFFE70  }
0x23: {  	[tilespmem:s18], [sflag:$0x3] =	stream.linear.gather [hbm4b:s11+s6], $0x190, $0x38;
	[tilespmem:$0x132C0] =	vst v63  }
0x24: {  	_ =	swait.ge [sflag:s16], $0x190  }
0x25: {  	[sflag:s16] =	ssyncset.done $0x0  }
0x26: {  	s26 =	simm.s32 $0x0;
	[sflag:s16] =	ssyncadd.s32 $0xFFFFFE70  }
0x27: {  	[tilespmem:s20], [sflag:$0x1] =	stream.indirect.gather [hbm4b:s9+s19], $0x40, s6, s19, $0xb8;
	[tilespmem:$0x132C0] =	vst v63  }
.LBB2_2:
0x28: {  	s29 =	smul.u32 $0x320, s26;
	_ =	sdelay $0x1  }
0x29: {  	_ =	swait.ge [sflag:s21], $0x6400;
	s28 =	sadd.s32 s29, s12  }
0x2a: {  	[sflag:s21] =	ssyncset.done $0x0;
	s1 =	sshrl.u32 s28, $0x3  }
0x2b: {  	s30 =	simm.s32 $0x0;
	[sflag:s21] =	ssyncadd.s32 $0xFFFF9C00;
	s3 =	sadd.s32 s0, s1  }
0x2c: {  	[tilespmem:s19], [sflag:$0x3] =	stream.linear.gather [hbm4b:s3+s30], $0x190, $0x38;
	[tilespmem:$0x132C0] =	vst v63  }
0x2d: {  	_ =	swait.ge [sflag:s16], $0x190  }
0x2e: {  	[sflag:s16] =	ssyncset.done $0x0  }
0x2f: {  	s1 =	sadd.s32 s2, s1;
	[sflag:s16] =	ssyncadd.s32 $0xFFFFFE70  }
0x30: {  	[tilespmem:s22], [sflag:$0x3] =	stream.linear.gather [hbm4b:s1+s30], $0x190, $0x38;
	[tilespmem:$0x132C0] =	vst v63  }
0x31: {  	_ =	swait.ge [sflag:s16], $0x190  }
0x32: {  	s31 =	simm.s32 $0xFFFF47;
	[sflag:s16] =	ssyncset.done $0x0  }
0x33: {  	s3 =	simm.s32 $0x320;
	s1 =	simm.s32 $0x840;
	[sflag:s16] =	ssyncadd.s32 $0xFFFFFE70  }
0x34: {  	[tilespmem:s23], [sflag:$0x2] =	stream.indirect.gather [hbm4b:s9+s19], $0x40, s19, s19, $0xb8;
	[tilespmem:$0x132C0] =	vst v63  }
.LBB2_3:
0x35: {  	v8 =	vld [tilespmem:s3+$0x0];
	_ =	sdelay $0x4  }
0x36: {  	v8 =	vmul.u32 $0xC8, v8;
	_ =	sdelay $0x1  }
0x37: {  	(v2sf) =	vpush v8, $0x0;
	_ =	sdelay $0xd  }
0x38: {  	s4 =	sadd.s32 $0xFF0000B9, s31;
	s15 =	sadd.s32 $0xFFFFFFF1, s31;
	p0 =	slt.u32 s30, $0xD  }
0x39: {  	s15 =	smov.u32 @p0 s4;
	s17 =	spop (v2sf)  }
0x3a: {  	v9 =	vld [tilespmem:s1+$0xFFFFFE00];
	s4 =	sadd.s32 s15, s17  }
0x3b: {  	v11 =	vld [tilespmem:s1+$0xFFFFFE10];
	s4 =	sshll.u32 s4, $0x8  }
0x3c: {  	v13 =	vld [tilespmem:s1+$0xFFFFFE20];
	s4 =	sshra.s32 s4, $0x2  }
0x3d: {  	v10 =	vld [tilespmem:s4+$0xCE40]  }
0x3e: {  	v12 =	vld [tilespmem:s4+$0xCE50]  }
0x3f: {  	v15 =	vld [tilespmem:s1+$0xFFFFFE30]  }
0x40: {  	v14 =	vld [tilespmem:s4+$0xCE60]  }
0x41: {  	v16 =	vld [tilespmem:s4+$0xCE70];
	_ =	sdelay $0x1  }
0x42: {  	v9 =	vadd.f32 v10, v9;
	v62 =	vadd.f32 v12, v11;
	_ =	sdelay $0x1  }
0x43: {  	v63 =	vadd.f32 v14, v13;
	v18 =	vmul.f32 v9, v9;
	v19 =	vmul.f32 v62, v62  }
0x44: {  	v20 =	vadd.f32 v16, v15  }
0x45: {  	v21 =	vmul.f32 v63, v63;
	v12 =	vadd.f32 v19, v18  }
0x46: {  	v22 =	vadd.f32 v62, v9;
	v16 =	vadd.f32 v20, v63  }
0x47: {  	v23 =	vmul.f32 v20, v20;
	v12 =	vadd.f32 v21, v12  }
0x48: {  	v15 =	vadd.f32 v16, v22  }
0x49: {  	v12 =	vadd.f32 v23, v12  }
0x4a: {  	(xrf2) =	vadd.scan.msk.f32 $0xffff, v15  }
0x4b: {  	(xrf2) =	vadd.scan.msk.f32 $0xffff, v12;
	_ =	sdelay $0x8  }
0x4c: {  	v24, _, _ =	vpop (xrf2)  }
0x4d: {  	(v2sf) =	vpush v24, $0xF;
	v25, _, _ =	vpop (xrf2)  }
0x4e: {  	(v2sf) =	vpush v25, $0xF;
	_ =	sdelay $0xd  }
0x4f: {  	s15 =	spop (v2sf)  }
0x50: {  	s4 =	smul.f32 $1.562500000e-02, s15;
	s17 =	spop (v2sf)  }
0x51: {  	s15 =	smul.f32 $1.562500000e-02, s17  }
0x52: {  	s17 =	smul.f32 s4, s4;
	_ =	sdelay $0x1  }
0x53: {  	s15 =	ssub.f32 s15, s17;
	_ =	sdelay $0x1  }
0x54: {  	s15 =	sadd.f32 $9.999999740e-06, s15;
	_ =	sdelay $0x1  }
0x55: {  	v26 =	vmov s15  }
0x56: {  	v27 =	vshra.s32 v26, $0x1;
	v12 =	vmul.f32 $5.000000000e-01, v26  }
0x57: {  	v13 =	vsub.s32 $0x5F3759DF, v27  }
0x58: {  	v28 =	vmul.f32 v13, v12;
	_ =	sdelay $0x1  }
0x59: {  	v15 =	vmul.f32 v13, v28;
	_ =	sdelay $0x1  }
0x5a: {  	v15 =	vsub.f32 $1.500000000e+00, v15;
	_ =	sdelay $0x1  }
0x5b: {  	v13 =	vmul.f32 v13, v15  }
0x5c: {  	(v2sf) =	vpush v8, $0x1  }
0x5d: {  	v12 =	vmul.f32 v13, v12;
	_ =	sdelay $0x1  }
0x5e: {  	v12 =	vmul.f32 v12, v13;
	_ =	sdelay $0x1  }
0x5f: {  	v12 =	vsub.f32 $1.500000000e+00, v12;
	_ =	sdelay $0x1  }
0x60: {  	v12 =	vmul.f32 v12, v13  }
0x61: {  	v29 =	vmov s4  }
0x62: {  	v9 =	vsub.f32 v9, v29;
	v30 =	vmul.f32 v12, v0  }
0x63: {  	v10 =	vsub.f32 v62, v29;
	v31 =	vmul.f32 v12, v1  }
0x64: {  	v11 =	vsub.f32 v63, v29;
	v32 =	vmul.f32 v12, v2;
	v9 =	vmul.f32 v30, v9  }
0x65: {  	v13 =	vsub.f32 v20, v29;
	v12 =	vmul.f32 v12, v3;
	v10 =	vmul.f32 v31, v10  }
0x66: {  	v11 =	vmul.f32 v32, v11;
	v9 =	vadd.f32 v9, v4  }
0x67: {  	s4 =	sadd.s32 $0xFF0000BA, s31;
	s15 =	sadd.s32 $0xFFFFFFF2, s31;
	v12 =	vmul.f32 v12, v13;
	v10 =	vadd.f32 v10, v5  }
0x68: {  	s15 =	smov.u32 @p0 s4;
	s17 =	spop (v2sf);
	v33 =	vadd.f32 v11, v6;
	[tilespmem:s1+$0xFFFFFE00] =	vst v9  }
0x69: {  	v35 =	vld [tilespmem:s1+$0xFFFFFE40];
	s4 =	sadd.s32 s15, s17;
	v34 =	vadd.f32 v12, v7;
	[tilespmem:s1+$0xFFFFFE10] =	vst v10  }
0x6a: {  	v36 =	vld [tilespmem:s1+$0xFFFFFE50];
	s4 =	sshll.u32 s4, $0x8;
	[tilespmem:s1+$0xFFFFFE20] =	vst v33  }
0x6b: {  	v38 =	vld [tilespmem:s1+$0xFFFFFE60];
	s4 =	sshra.s32 s4, $0x2;
	[tilespmem:s1+$0xFFFFFE30] =	vst v34  }
0x6c: {  	v10 =	vld [tilespmem:s4+$0xCE40]  }
0x6d: {  	v37 =	vld [tilespmem:s4+$0xCE50]  }
0x6e: {  	v40 =	vld [tilespmem:s1+$0xFFFFFE70]  }
0x6f: {  	v39 =	vld [tilespmem:s4+$0xCE60]  }
0x70: {  	v41 =	vld [tilespmem:s4+$0xCE70];
	_ =	sdelay $0x1  }
0x71: {  	v9 =	vadd.f32 v10, v35;
	v42 =	vadd.f32 v37, v36;
	_ =	sdelay $0x1  }
0x72: {  	v43 =	vadd.f32 v39, v38;
	v44 =	vmul.f32 v9, v9;
	v45 =	vmul.f32 v42, v42  }
0x73: {  	v46 =	vadd.f32 v41, v40  }
0x74: {  	v47 =	vmul.f32 v43, v43;
	v12 =	vadd.f32 v45, v44  }
0x75: {  	v48 =	vadd.f32 v42, v9;
	v16 =	vadd.f32 v46, v43  }
0x76: {  	v49 =	vmul.f32 v46, v46;
	v12 =	vadd.f32 v47, v12  }
0x77: {  	v15 =	vadd.f32 v16, v48  }
0x78: {  	v12 =	vadd.f32 v49, v12  }
0x79: {  	(xrf2) =	vadd.scan.msk.f32 $0xffff, v15  }
0x7a: {  	(xrf2) =	vadd.scan.msk.f32 $0xffff, v12;
	_ =	sdelay $0x8  }
0x7b: {  	v50, _, _ =	vpop (xrf2)  }
0x7c: {  	(v2sf) =	vpush v50, $0xF;
	v51, _, _ =	vpop (xrf2)  }
0x7d: {  	(v2sf) =	vpush v51, $0xF;
	_ =	sdelay $0xd  }
0x7e: {  	s15 =	spop (v2sf)  }
0x7f: {  	s4 =	smul.f32 $1.562500000e-02, s15;
	s17 =	spop (v2sf)  }
0x80: {  	s15 =	smul.f32 $1.562500000e-02, s17  }
0x81: {  	s17 =	smul.f32 s4, s4;
	_ =	sdelay $0x1  }
0x82: {  	s15 =	ssub.f32 s15, s17;
	_ =	sdelay $0x1  }
0x83: {  	s15 =	sadd.f32 $9.999999740e-06, s15;
	_ =	sdelay $0x1  }
0x84: {  	v52 =	vmov s15  }
0x85: {  	v53 =	vshra.s32 v52, $0x1;
	v12 =	vmul.f32 $5.000000000e-01, v52  }
0x86: {  	v13 =	vsub.s32 $0x5F3759DF, v53  }
0x87: {  	v54 =	vmul.f32 v13, v12;
	_ =	sdelay $0x1  }
0x88: {  	v15 =	vmul.f32 v13, v54;
	_ =	sdelay $0x1  }
0x89: {  	v15 =	vsub.f32 $1.500000000e+00, v15;
	_ =	sdelay $0x1  }
0x8a: {  	v13 =	vmul.f32 v13, v15  }
0x8b: {  	(v2sf) =	vpush v8, $0x2  }
0x8c: {  	v12 =	vmul.f32 v13, v12;
	_ =	sdelay $0x1  }
0x8d: {  	v12 =	vmul.f32 v12, v13;
	_ =	sdelay $0x1  }
0x8e: {  	v12 =	vsub.f32 $1.500000000e+00, v12;
	_ =	sdelay $0x1  }
0x8f: {  	v12 =	vmul.f32 v12, v13  }
0x90: {  	v55 =	vmov s4  }
0x91: {  	v9 =	vsub.f32 v9, v55;
	v56 =	vmul.f32 v12, v0  }
0x92: {  	v10 =	vsub.f32 v42, v55;
	v57 =	vmul.f32 v12, v1  }
0x93: {  	v11 =	vsub.f32 v43, v55;
	v58 =	vmul.f32 v12, v2;
	v9 =	vmul.f32 v56, v9  }
0x94: {  	v13 =	vsub.f32 v46, v55;
	v12 =	vmul.f32 v12, v3;
	v10 =	vmul.f32 v57, v10  }
0x95: {  	v11 =	vmul.f32 v58, v11;
	v9 =	vadd.f32 v9, v4  }
0x96: {  	s4 =	sadd.s32 $0xFF0000BB, s31;
	s15 =	sadd.s32 $0xFFFFFFF3, s31;
	v12 =	vmul.f32 v12, v13;
	v10 =	vadd.f32 v10, v5  }
0x97: {  	s15 =	smov.u32 @p0 s4;
	s17 =	spop (v2sf);
	v59 =	vadd.f32 v11, v6;
	[tilespmem:s1+$0xFFFFFE40] =	vst v9  }
0x98: {  	v61 =	vld [tilespmem:s1+$0xFFFFFE80];
	s4 =	sadd.s32 s15, s17;
	v60 =	vadd.f32 v12, v7;
	[tilespmem:s1+$0xFFFFFE50] =	vst v10  }
0x99: {  	v22 =	vld [tilespmem:s1+$0xFFFFFEB0];
	s4 =	sshll.u32 s4, $0x8;
	[tilespmem:s1+$0xFFFFFE60] =	vst v59  }
0x9a: {  	v62 =	vld [tilespmem:s1+$0xFFFFFE90];
	s4 =	sshra.s32 s4, $0x2;
	[tilespmem:s1+$0xFFFFFE70] =	vst v60  }
0x9b: {  	v10 =	vld [tilespmem:s4+$0xCE40]  }
0x9c: {  	v63 =	vld [tilespmem:s4+$0xCE50]  }
0x9d: {  	v20 =	vld [tilespmem:s1+$0xFFFFFEA0]  }
0x9e: {  	v21 =	vld [tilespmem:s4+$0xCE60]  }
0x9f: {  	v23 =	vld [tilespmem:s4+$0xCE70];
	_ =	sdelay $0x1  }
0xa0: {  	v9 =	vadd.f32 v10, v61;
	v24 =	vadd.f32 v63, v62;
	_ =	sdelay $0x1  }
0xa1: {  	v25 =	vadd.f32 v21, v20;
	v26 =	vmul.f32 v9, v9;
	v27 =	vmul.f32 v24, v24  }
0xa2: {  	v28 =	vadd.f32 v23, v22  }
0xa3: {  	v29 =	vmul.f32 v25, v25;
	v12 =	vadd.f32 v27, v26  }
0xa4: {  	v30 =	vadd.f32 v24, v9;
	v16 =	vadd.f32 v28, v25  }
0xa5: {  	v31 =	vmul.f32 v28, v28;
	v12 =	vadd.f32 v29, v12  }
0xa6: {  	v15 =	vadd.f32 v16, v30  }
0xa7: {  	v12 =	vadd.f32 v31, v12  }
0xa8: {  	(xrf2) =	vadd.scan.msk.f32 $0xffff, v15  }
0xa9: {  	(xrf2) =	vadd.scan.msk.f32 $0xffff, v12;
	_ =	sdelay $0x8  }
0xaa: {  	v32, _, _ =	vpop (xrf2)  }
0xab: {  	(v2sf) =	vpush v32, $0xF;
	v33, _, _ =	vpop (xrf2)  }
0xac: {  	(v2sf) =	vpush v33, $0xF;
	_ =	sdelay $0xd  }
0xad: {  	s15 =	spop (v2sf)  }
0xae: {  	s4 =	smul.f32 $1.562500000e-02, s15;
	s17 =	spop (v2sf)  }
0xaf: {  	s15 =	smul.f32 $1.562500000e-02, s17  }
0xb0: {  	s17 =	smul.f32 s4, s4;
	_ =	sdelay $0x1  }
0xb1: {  	s15 =	ssub.f32 s15, s17;
	_ =	sdelay $0x1  }
0xb2: {  	s15 =	sadd.f32 $9.999999740e-06, s15;
	_ =	sdelay $0x1  }
0xb3: {  	v34 =	vmov s15  }
0xb4: {  	v35 =	vshra.s32 v34, $0x1;
	v12 =	vmul.f32 $5.000000000e-01, v34  }
0xb5: {  	v13 =	vsub.s32 $0x5F3759DF, v35  }
0xb6: {  	v36 =	vmul.f32 v13, v12;
	_ =	sdelay $0x1  }
0xb7: {  	v15 =	vmul.f32 v13, v36;
	_ =	sdelay $0x1  }
0xb8: {  	v15 =	vsub.f32 $1.500000000e+00, v15;
	_ =	sdelay $0x1  }
0xb9: {  	v13 =	vmul.f32 v13, v15  }
0xba: {  	(v2sf) =	vpush v8, $0x3  }
0xbb: {  	v12 =	vmul.f32 v13, v12;
	_ =	sdelay $0x1  }
0xbc: {  	v12 =	vmul.f32 v12, v13;
	_ =	sdelay $0x1  }
0xbd: {  	v12 =	vsub.f32 $1.500000000e+00, v12;
	_ =	sdelay $0x1  }
0xbe: {  	v12 =	vmul.f32 v12, v13  }
0xbf: {  	v37 =	vmov s4  }
0xc0: {  	v9 =	vsub.f32 v9, v37;
	v38 =	vmul.f32 v12, v0  }
0xc1: {  	v10 =	vsub.f32 v24, v37;
	v39 =	vmul.f32 v12, v1  }
0xc2: {  	v11 =	vsub.f32 v25, v37;
	v40 =	vmul.f32 v12, v2;
	v9 =	vmul.f32 v38, v9  }
0xc3: {  	v13 =	vsub.f32 v28, v37;
	v12 =	vmul.f32 v12, v3;
	v10 =	vmul.f32 v39, v10  }
0xc4: {  	v11 =	vmul.f32 v40, v11;
	v9 =	vadd.f32 v9, v4  }
0xc5: {  	s4 =	sadd.s32 $0xFF0000BC, s31;
	s15 =	sadd.s32 $0xFFFFFFF4, s31;
	v12 =	vmul.f32 v12, v13;
	v10 =	vadd.f32 v10, v5  }
0xc6: {  	s15 =	smov.u32 @p0 s4;
	s17 =	spop (v2sf);
	v41 =	vadd.f32 v11, v6;
	[tilespmem:s1+$0xFFFFFE80] =	vst v9  }
0xc7: {  	v44 =	vld [tilespmem:s1+$0xFFFFFED0];
	s4 =	sadd.s32 s15, s17;
	v42 =	vadd.f32 v12, v7;
	[tilespmem:s1+$0xFFFFFE90] =	vst v10  }
0xc8: {  	v48 =	vld [tilespmem:s1+$0xFFFFFEF0];
	s4 =	sshll.u32 s4, $0x8;
	[tilespmem:s1+$0xFFFFFEA0] =	vst v41  }
0xc9: {  	v43 =	vld [tilespmem:s1+$0xFFFFFEC0];
	s4 =	sshra.s32 s4, $0x2;
	[tilespmem:s1+$0xFFFFFEB0] =	vst v42  }
0xca: {  	v10 =	vld [tilespmem:s4+$0xCE40]  }
0xcb: {  	v45 =	vld [tilespmem:s4+$0xCE50]  }
0xcc: {  	v46 =	vld [tilespmem:s1+$0xFFFFFEE0]  }
0xcd: {  	v47 =	vld [tilespmem:s4+$0xCE60]  }
0xce: {  	v49 =	vld [tilespmem:s4+$0xCE70];
	_ =	sdelay $0x1  }
0xcf: {  	v9 =	vadd.f32 v10, v43;
	v50 =	vadd.f32 v45, v44;
	_ =	sdelay $0x1  }
0xd0: {  	v51 =	vadd.f32 v47, v46;
	v52 =	vmul.f32 v9, v9;
	v53 =	vmul.f32 v50, v50  }
0xd1: {  	v54 =	vadd.f32 v49, v48  }
0xd2: {  	v55 =	vmul.f32 v51, v51;
	v12 =	vadd.f32 v53, v52  }
0xd3: {  	v56 =	vadd.f32 v50, v9;
	v16 =	vadd.f32 v54, v51  }
0xd4: {  	v57 =	vmul.f32 v54, v54;
	v12 =	vadd.f32 v55, v12  }
0xd5: {  	v15 =	vadd.f32 v16, v56  }
0xd6: {  	v12 =	vadd.f32 v57, v12  }
0xd7: {  	(xrf2) =	vadd.scan.msk.f32 $0xffff, v15  }
0xd8: {  	(xrf2) =	vadd.scan.msk.f32 $0xffff, v12;
	_ =	sdelay $0x8  }
0xd9: {  	v58, _, _ =	vpop (xrf2)  }
0xda: {  	(v2sf) =	vpush v58, $0xF;
	v59, _, _ =	vpop (xrf2)  }
0xdb: {  	(v2sf) =	vpush v59, $0xF;
	_ =	sdelay $0xd  }
0xdc: {  	s15 =	spop (v2sf)  }
0xdd: {  	s4 =	smul.f32 $1.562500000e-02, s15;
	s17 =	spop (v2sf)  }
0xde: {  	s15 =	smul.f32 $1.562500000e-02, s17  }
0xdf: {  	s17 =	smul.f32 s4, s4;
	_ =	sdelay $0x1  }
0xe0: {  	s15 =	ssub.f32 s15, s17;
	_ =	sdelay $0x1  }
0xe1: {  	s15 =	sadd.f32 $9.999999740e-06, s15;
	_ =	sdelay $0x1  }
0xe2: {  	v60 =	vmov s15  }
0xe3: {  	v61 =	vshra.s32 v60, $0x1;
	v12 =	vmul.f32 $5.000000000e-01, v60  }
0xe4: {  	v13 =	vsub.s32 $0x5F3759DF, v61  }
0xe5: {  	v62 =	vmul.f32 v13, v12;
	_ =	sdelay $0x1  }
0xe6: {  	v15 =	vmul.f32 v13, v62;
	_ =	sdelay $0x1  }
0xe7: {  	v15 =	vsub.f32 $1.500000000e+00, v15;
	_ =	sdelay $0x1  }
0xe8: {  	v13 =	vmul.f32 v13, v15  }
0xe9: {  	(v2sf) =	vpush v8, $0x4  }
0xea: {  	v12 =	vmul.f32 v13, v12;
	_ =	sdelay $0x1  }
0xeb: {  	v12 =	vmul.f32 v12, v13;
	_ =	sdelay $0x1  }
0xec: {  	v12 =	vsub.f32 $1.500000000e+00, v12;
	_ =	sdelay $0x1  }
0xed: {  	v12 =	vmul.f32 v12, v13  }
0xee: {  	v63 =	vmov s4  }
0xef: {  	v9 =	vsub.f32 v9, v63;
	v20 =	vmul.f32 v12, v0  }
0xf0: {  	v10 =	vsub.f32 v50, v63;
	v21 =	vmul.f32 v12, v1  }
0xf1: {  	v11 =	vsub.f32 v51, v63;
	v22 =	vmul.f32 v12, v2;
	v9 =	vmul.f32 v20, v9  }
0xf2: {  	v13 =	vsub.f32 v54, v63;
	v12 =	vmul.f32 v12, v3;
	v10 =	vmul.f32 v21, v10  }
0xf3: {  	v11 =	vmul.f32 v22, v11;
	v9 =	vadd.f32 v9, v4  }
0xf4: {  	s4 =	sadd.s32 $0xFF0000BD, s31;
	s15 =	sadd.s32 $0xFFFFFFF5, s31;
	v12 =	vmul.f32 v12, v13;
	v10 =	vadd.f32 v10, v5  }
0xf5: {  	s15 =	smov.u32 @p0 s4;
	s17 =	spop (v2sf);
	v23 =	vadd.f32 v11, v6;
	[tilespmem:s1+$0xFFFFFEC0] =	vst v9  }
0xf6: {  	v26 =	vld [tilespmem:s1+$0xFFFFFF10];
	s4 =	sadd.s32 s15, s17;
	v24 =	vadd.f32 v12, v7;
	[tilespmem:s1+$0xFFFFFED0] =	vst v10  }
0xf7: {  	v30 =	vld [tilespmem:s1+$0xFFFFFF30];
	s4 =	sshll.u32 s4, $0x8;
	[tilespmem:s1+$0xFFFFFEE0] =	vst v23  }
0xf8: {  	v25 =	vld [tilespmem:s1+$0xFFFFFF00];
	s4 =	sshra.s32 s4, $0x2;
	[tilespmem:s1+$0xFFFFFEF0] =	vst v24  }
0xf9: {  	v10 =	vld [tilespmem:s4+$0xCE40]  }
0xfa: {  	v27 =	vld [tilespmem:s4+$0xCE50]  }
0xfb: {  	v28 =	vld [tilespmem:s1+$0xFFFFFF20]  }
0xfc: {  	v29 =	vld [tilespmem:s4+$0xCE60]  }
0xfd: {  	v31 =	vld [tilespmem:s4+$0xCE70];
	_ =	sdelay $0x1  }
0xfe: {  	v9 =	vadd.f32 v10, v25;
	v32 =	vadd.f32 v27, v26;
	_ =	sdelay $0x1  }
0xff: {  	v33 =	vadd.f32 v29, v28;
	v34 =	vmul.f32 v9, v9;
	v35 =	vmul.f32 v32, v32  }
0x100: {  	v36 =	vadd.f32 v31, v30  }
0x101: {  	v37 =	vmul.f32 v33, v33;
	v12 =	vadd.f32 v35, v34  }
0x102: {  	v38 =	vadd.f32 v32, v9;
	v16 =	vadd.f32 v36, v33  }
0x103: {  	v39 =	vmul.f32 v36, v36;
	v12 =	vadd.f32 v37, v12  }
0x104: {  	v15 =	vadd.f32 v16, v38  }
0x105: {  	v12 =	vadd.f32 v39, v12  }
0x106: {  	(xrf2) =	vadd.scan.msk.f32 $0xffff, v15  }
0x107: {  	(xrf2) =	vadd.scan.msk.f32 $0xffff, v12;
	_ =	sdelay $0x8  }
0x108: {  	v40, _, _ =	vpop (xrf2)  }
0x109: {  	(v2sf) =	vpush v40, $0xF;
	v41, _, _ =	vpop (xrf2)  }
0x10a: {  	(v2sf) =	vpush v41, $0xF;
	_ =	sdelay $0xd  }
0x10b: {  	s15 =	spop (v2sf)  }
0x10c: {  	s4 =	smul.f32 $1.562500000e-02, s15;
	s17 =	spop (v2sf)  }
0x10d: {  	s15 =	smul.f32 $1.562500000e-02, s17  }
0x10e: {  	s17 =	smul.f32 s4, s4;
	_ =	sdelay $0x1  }
0x10f: {  	s15 =	ssub.f32 s15, s17;
	_ =	sdelay $0x1  }
0x110: {  	s15 =	sadd.f32 $9.999999740e-06, s15;
	_ =	sdelay $0x1  }
0x111: {  	v42 =	vmov s15  }
0x112: {  	v43 =	vshra.s32 v42, $0x1;
	v12 =	vmul.f32 $5.000000000e-01, v42  }
0x113: {  	v13 =	vsub.s32 $0x5F3759DF, v43  }
0x114: {  	v44 =	vmul.f32 v13, v12;
	_ =	sdelay $0x1  }
0x115: {  	v15 =	vmul.f32 v13, v44;
	_ =	sdelay $0x1  }
0x116: {  	v15 =	vsub.f32 $1.500000000e+00, v15;
	_ =	sdelay $0x1  }
0x117: {  	v13 =	vmul.f32 v13, v15  }
0x118: {  	(v2sf) =	vpush v8, $0x5  }
0x119: {  	v12 =	vmul.f32 v13, v12;
	_ =	sdelay $0x1  }
0x11a: {  	v12 =	vmul.f32 v12, v13;
	_ =	sdelay $0x1  }
0x11b: {  	v12 =	vsub.f32 $1.500000000e+00, v12;
	_ =	sdelay $0x1  }
0x11c: {  	v12 =	vmul.f32 v12, v13  }
0x11d: {  	v45 =	vmov s4  }
0x11e: {  	v9 =	vsub.f32 v9, v45;
	v46 =	vmul.f32 v12, v0  }
0x11f: {  	v10 =	vsub.f32 v32, v45;
	v47 =	vmul.f32 v12, v1  }
0x120: {  	v11 =	vsub.f32 v33, v45;
	v48 =	vmul.f32 v12, v2;
	v9 =	vmul.f32 v46, v9  }
0x121: {  	v13 =	vsub.f32 v36, v45;
	v12 =	vmul.f32 v12, v3;
	v10 =	vmul.f32 v47, v10  }
0x122: {  	v11 =	vmul.f32 v48, v11;
	v9 =	vadd.f32 v9, v4  }
0x123: {  	s4 =	sadd.s32 $0xFF0000BE, s31;
	s15 =	sadd.s32 $0xFFFFFFF6, s31;
	v12 =	vmul.f32 v12, v13;
	v10 =	vadd.f32 v10, v5  }
0x124: {  	s15 =	smov.u32 @p0 s4;
	s17 =	spop (v2sf);
	v49 =	vadd.f32 v11, v6;
	[tilespmem:s1+$0xFFFFFF00] =	vst v9  }
0x125: {  	v52 =	vld [tilespmem:s1+$0xFFFFFF50];
	s4 =	sadd.s32 s15, s17;
	v50 =	vadd.f32 v12, v7;
	[tilespmem:s1+$0xFFFFFF10] =	vst v10  }
0x126: {  	v56 =	vld [tilespmem:s1+$0xFFFFFF70];
	s4 =	sshll.u32 s4, $0x8;
	[tilespmem:s1+$0xFFFFFF20] =	vst v49  }
0x127: {  	v51 =	vld [tilespmem:s1+$0xFFFFFF40];
	s4 =	sshra.s32 s4, $0x2;
	[tilespmem:s1+$0xFFFFFF30] =	vst v50  }
0x128: {  	v10 =	vld [tilespmem:s4+$0xCE40]  }
0x129: {  	v53 =	vld [tilespmem:s4+$0xCE50]  }
0x12a: {  	v54 =	vld [tilespmem:s1+$0xFFFFFF60]  }
0x12b: {  	v55 =	vld [tilespmem:s4+$0xCE60]  }
0x12c: {  	v57 =	vld [tilespmem:s4+$0xCE70];
	_ =	sdelay $0x1  }
0x12d: {  	v9 =	vadd.f32 v10, v51;
	v58 =	vadd.f32 v53, v52;
	_ =	sdelay $0x1  }
0x12e: {  	v59 =	vadd.f32 v55, v54;
	v60 =	vmul.f32 v9, v9;
	v61 =	vmul.f32 v58, v58  }
0x12f: {  	v62 =	vadd.f32 v57, v56  }
0x130: {  	v63 =	vmul.f32 v59, v59;
	v12 =	vadd.f32 v61, v60  }
0x131: {  	v20 =	vadd.f32 v58, v9;
	v16 =	vadd.f32 v62, v59  }
0x132: {  	v21 =	vmul.f32 v62, v62;
	v12 =	vadd.f32 v63, v12  }
0x133: {  	v15 =	vadd.f32 v16, v20  }
0x134: {  	v12 =	vadd.f32 v21, v12  }
0x135: {  	(xrf2) =	vadd.scan.msk.f32 $0xffff, v15  }
0x136: {  	(xrf2) =	vadd.scan.msk.f32 $0xffff, v12;
	_ =	sdelay $0x8  }
0x137: {  	v22, _, _ =	vpop (xrf2)  }
0x138: {  	(v2sf) =	vpush v22, $0xF;
	v23, _, _ =	vpop (xrf2)  }
0x139: {  	(v2sf) =	vpush v23, $0xF;
	_ =	sdelay $0xd  }
0x13a: {  	s15 =	spop (v2sf)  }
0x13b: {  	s4 =	smul.f32 $1.562500000e-02, s15;
	s17 =	spop (v2sf)  }
0x13c: {  	s15 =	smul.f32 $1.562500000e-02, s17  }
0x13d: {  	s17 =	smul.f32 s4, s4;
	_ =	sdelay $0x1  }
0x13e: {  	s15 =	ssub.f32 s15, s17;
	_ =	sdelay $0x1  }
0x13f: {  	s15 =	sadd.f32 $9.999999740e-06, s15;
	_ =	sdelay $0x1  }
0x140: {  	v24 =	vmov s15  }
0x141: {  	v25 =	vshra.s32 v24, $0x1;
	v12 =	vmul.f32 $5.000000000e-01, v24  }
0x142: {  	v13 =	vsub.s32 $0x5F3759DF, v25  }
0x143: {  	v26 =	vmul.f32 v13, v12;
	_ =	sdelay $0x1  }
0x144: {  	v15 =	vmul.f32 v13, v26;
	_ =	sdelay $0x1  }
0x145: {  	v15 =	vsub.f32 $1.500000000e+00, v15;
	_ =	sdelay $0x1  }
0x146: {  	v13 =	vmul.f32 v13, v15  }
0x147: {  	(v2sf) =	vpush v8, $0x6  }
0x148: {  	v12 =	vmul.f32 v13, v12;
	_ =	sdelay $0x1  }
0x149: {  	v12 =	vmul.f32 v12, v13;
	_ =	sdelay $0x1  }
0x14a: {  	v12 =	vsub.f32 $1.500000000e+00, v12;
	_ =	sdelay $0x1  }
0x14b: {  	v12 =	vmul.f32 v12, v13  }
0x14c: {  	v27 =	vmov s4  }
0x14d: {  	v9 =	vsub.f32 v9, v27;
	v28 =	vmul.f32 v12, v0  }
0x14e: {  	v10 =	vsub.f32 v58, v27;
	v29 =	vmul.f32 v12, v1  }
0x14f: {  	v11 =	vsub.f32 v59, v27;
	v30 =	vmul.f32 v12, v2;
	v9 =	vmul.f32 v28, v9  }
0x150: {  	v13 =	vsub.f32 v62, v27;
	v12 =	vmul.f32 v12, v3;
	v10 =	vmul.f32 v29, v10  }
0x151: {  	v11 =	vmul.f32 v30, v11;
	v9 =	vadd.f32 v9, v4  }
0x152: {  	s4 =	sadd.s32 $0xFF0000BF, s31;
	s15 =	sadd.s32 $0xFFFFFFF7, s31;
	v12 =	vmul.f32 v12, v13;
	v10 =	vadd.f32 v10, v5  }
0x153: {  	s15 =	smov.u32 @p0 s4;
	s17 =	spop (v2sf);
	v31 =	vadd.f32 v11, v6;
	[tilespmem:s1+$0xFFFFFF40] =	vst v9  }
0x154: {  	v34 =	vld [tilespmem:s1+$0xFFFFFF90];
	s4 =	sadd.s32 s15, s17;
	v32 =	vadd.f32 v12, v7;
	[tilespmem:s1+$0xFFFFFF50] =	vst v10  }
0x155: {  	v38 =	vld [tilespmem:s1+$0xFFFFFFB0];
	s4 =	sshll.u32 s4, $0x8;
	[tilespmem:s1+$0xFFFFFF60] =	vst v31  }
0x156: {  	v33 =	vld [tilespmem:s1+$0xFFFFFF80];
	s4 =	sshra.s32 s4, $0x2;
	[tilespmem:s1+$0xFFFFFF70] =	vst v32  }
0x157: {  	v10 =	vld [tilespmem:s4+$0xCE40]  }
0x158: {  	v35 =	vld [tilespmem:s4+$0xCE50]  }
0x159: {  	v36 =	vld [tilespmem:s1+$0xFFFFFFA0]  }
0x15a: {  	v37 =	vld [tilespmem:s4+$0xCE60]  }
0x15b: {  	v39 =	vld [tilespmem:s4+$0xCE70];
	_ =	sdelay $0x1  }
0x15c: {  	v9 =	vadd.f32 v10, v33;
	v40 =	vadd.f32 v35, v34;
	_ =	sdelay $0x1  }
0x15d: {  	v41 =	vadd.f32 v37, v36;
	v42 =	vmul.f32 v9, v9;
	v43 =	vmul.f32 v40, v40  }
0x15e: {  	v44 =	vadd.f32 v39, v38  }
0x15f: {  	v45 =	vmul.f32 v41, v41;
	v12 =	vadd.f32 v43, v42  }
0x160: {  	v46 =	vadd.f32 v40, v9;
	v16 =	vadd.f32 v44, v41  }
0x161: {  	v47 =	vmul.f32 v44, v44;
	v12 =	vadd.f32 v45, v12  }
0x162: {  	v15 =	vadd.f32 v16, v46  }
0x163: {  	v12 =	vadd.f32 v47, v12  }
0x164: {  	(xrf2) =	vadd.scan.msk.f32 $0xffff, v15  }
0x165: {  	(xrf2) =	vadd.scan.msk.f32 $0xffff, v12;
	_ =	sdelay $0x8  }
0x166: {  	v48, _, _ =	vpop (xrf2)  }
0x167: {  	(v2sf) =	vpush v48, $0xF;
	v49, _, _ =	vpop (xrf2)  }
0x168: {  	(v2sf) =	vpush v49, $0xF;
	_ =	sdelay $0xd  }
0x169: {  	s15 =	spop (v2sf)  }
0x16a: {  	s4 =	smul.f32 $1.562500000e-02, s15;
	s17 =	spop (v2sf)  }
0x16b: {  	s15 =	smul.f32 $1.562500000e-02, s17  }
0x16c: {  	s17 =	smul.f32 s4, s4;
	_ =	sdelay $0x1  }
0x16d: {  	s15 =	ssub.f32 s15, s17;
	_ =	sdelay $0x1  }
0x16e: {  	s15 =	sadd.f32 $9.999999740e-06, s15;
	_ =	sdelay $0x1  }
0x16f: {  	v50 =	vmov s15  }
0x170: {  	v51 =	vshra.s32 v50, $0x1;
	v12 =	vmul.f32 $5.000000000e-01, v50  }
0x171: {  	v13 =	vsub.s32 $0x5F3759DF, v51  }
0x172: {  	v52 =	vmul.f32 v13, v12;
	_ =	sdelay $0x1  }
0x173: {  	v15 =	vmul.f32 v13, v52;
	_ =	sdelay $0x1  }
0x174: {  	v15 =	vsub.f32 $1.500000000e+00, v15;
	_ =	sdelay $0x1  }
0x175: {  	v13 =	vmul.f32 v13, v15  }
0x176: {  	(v2sf) =	vpush v8, $0x7  }
0x177: {  	v12 =	vmul.f32 v13, v12;
	_ =	sdelay $0x1  }
0x178: {  	v12 =	vmul.f32 v12, v13;
	_ =	sdelay $0x1  }
0x179: {  	v12 =	vsub.f32 $1.500000000e+00, v12;
	_ =	sdelay $0x1  }
0x17a: {  	v12 =	vmul.f32 v12, v13  }
0x17b: {  	v53 =	vmov s4  }
0x17c: {  	v9 =	vsub.f32 v9, v53;
	v54 =	vmul.f32 v12, v0  }
0x17d: {  	v10 =	vsub.f32 v40, v53;
	v55 =	vmul.f32 v12, v1  }
0x17e: {  	v11 =	vsub.f32 v41, v53;
	v56 =	vmul.f32 v12, v2;
	v9 =	vmul.f32 v54, v9  }
0x17f: {  	v13 =	vsub.f32 v44, v53;
	v12 =	vmul.f32 v12, v3;
	v10 =	vmul.f32 v55, v10  }
0x180: {  	v11 =	vmul.f32 v56, v11;
	v9 =	vadd.f32 v9, v4  }
0x181: {  	s4 =	sadd.s32 $0xFF0000C0, s31;
	s15 =	sadd.s32 $0xFFFFFFF8, s31;
	v12 =	vmul.f32 v12, v13;
	v10 =	vadd.f32 v10, v5  }
0x182: {  	s15 =	smov.u32 @p0 s4;
	s17 =	spop (v2sf);
	v57 =	vadd.f32 v11, v6;
	[tilespmem:s1+$0xFFFFFF80] =	vst v9  }
0x183: {  	v60 =	vld [tilespmem:s1+$0xFFFFFFD0];
	s4 =	sadd.s32 s15, s17;
	v58 =	vadd.f32 v12, v7;
	[tilespmem:s1+$0xFFFFFF90] =	vst v10  }
0x184: {  	v20 =	vld [tilespmem:s1+$0xFFFFFFF0];
	s4 =	sshll.u32 s4, $0x8;
	[tilespmem:s1+$0xFFFFFFA0] =	vst v57  }
0x185: {  	v59 =	vld [tilespmem:s1+$0xFFFFFFC0];
	s4 =	sshra.s32 s4, $0x2;
	[tilespmem:s1+$0xFFFFFFB0] =	vst v58  }
0x186: {  	v10 =	vld [tilespmem:s4+$0xCE40]  }
0x187: {  	v61 =	vld [tilespmem:s4+$0xCE50]  }
0x188: {  	v62 =	vld [tilespmem:s1+$0xFFFFFFE0]  }
0x189: {  	v63 =	vld [tilespmem:s4+$0xCE60]  }
0x18a: {  	v21 =	vld [tilespmem:s4+$0xCE70];
	_ =	sdelay $0x1  }
0x18b: {  	v9 =	vadd.f32 v10, v59;
	v22 =	vadd.f32 v61, v60;
	_ =	sdelay $0x1  }
0x18c: {  	v23 =	vadd.f32 v63, v62;
	v24 =	vmul.f32 v9, v9;
	v25 =	vmul.f32 v22, v22  }
0x18d: {  	v26 =	vadd.f32 v21, v20  }
0x18e: {  	v27 =	vmul.f32 v23, v23;
	v12 =	vadd.f32 v25, v24  }
0x18f: {  	v28 =	vadd.f32 v22, v9;
	v16 =	vadd.f32 v26, v23  }
0x190: {  	v29 =	vmul.f32 v26, v26;
	v12 =	vadd.f32 v27, v12  }
0x191: {  	v15 =	vadd.f32 v16, v28  }
0x192: {  	v12 =	vadd.f32 v29, v12  }
0x193: {  	(xrf2) =	vadd.scan.msk.f32 $0xffff, v15  }
0x194: {  	(xrf2) =	vadd.scan.msk.f32 $0xffff, v12;
	_ =	sdelay $0x8  }
0x195: {  	v30, _, _ =	vpop (xrf2)  }
0x196: {  	(v2sf) =	vpush v30, $0xF;
	v31, _, _ =	vpop (xrf2)  }
0x197: {  	(v2sf) =	vpush v31, $0xF;
	_ =	sdelay $0xd  }
0x198: {  	s15 =	spop (v2sf)  }
0x199: {  	s4 =	smul.f32 $1.562500000e-02, s15;
	s17 =	spop (v2sf)  }
0x19a: {  	s15 =	smul.f32 $1.562500000e-02, s17  }
0x19b: {  	s17 =	smul.f32 s4, s4;
	_ =	sdelay $0x1  }
0x19c: {  	s15 =	ssub.f32 s15, s17;
	_ =	sdelay $0x1  }
0x19d: {  	s15 =	sadd.f32 $9.999999740e-06, s15;
	_ =	sdelay $0x1  }
0x19e: {  	v32 =	vmov s15  }
0x19f: {  	v33 =	vshra.s32 v32, $0x1;
	v12 =	vmul.f32 $5.000000000e-01, v32  }
0x1a0: {  	v13 =	vsub.s32 $0x5F3759DF, v33  }
0x1a1: {  	v34 =	vmul.f32 v13, v12;
	_ =	sdelay $0x1  }
0x1a2: {  	v15 =	vmul.f32 v13, v34;
	_ =	sdelay $0x1  }
0x1a3: {  	v15 =	vsub.f32 $1.500000000e+00, v15;
	_ =	sdelay $0x1  }
0x1a4: {  	v13 =	vmul.f32 v13, v15  }
0x1a5: {  	(v2sf) =	vpush v8, $0x8  }
0x1a6: {  	v12 =	vmul.f32 v13, v12;
	_ =	sdelay $0x1  }
0x1a7: {  	v12 =	vmul.f32 v12, v13;
	_ =	sdelay $0x1  }
0x1a8: {  	v12 =	vsub.f32 $1.500000000e+00, v12;
	_ =	sdelay $0x1  }
0x1a9: {  	v12 =	vmul.f32 v12, v13  }
0x1aa: {  	v35 =	vmov s4  }
0x1ab: {  	v9 =	vsub.f32 v9, v35;
	v36 =	vmul.f32 v12, v0  }
0x1ac: {  	v10 =	vsub.f32 v22, v35;
	v37 =	vmul.f32 v12, v1  }
0x1ad: {  	v11 =	vsub.f32 v23, v35;
	v38 =	vmul.f32 v12, v2;
	v9 =	vmul.f32 v36, v9  }
0x1ae: {  	v13 =	vsub.f32 v26, v35;
	v12 =	vmul.f32 v12, v3;
	v10 =	vmul.f32 v37, v10  }
0x1af: {  	s4 =	sadd.s32 $0xFF0000C1, s31;
	v11 =	vmul.f32 v38, v11;
	v9 =	vadd.f32 v9, v4  }
0x1b0: {  	p0 =	slt.u32 s4, $0xC8;
	s15 =	sadd.s32 $0xFFFFFFF9, s31;
	v12 =	vmul.f32 v12, v13;
	v10 =	vadd.f32 v10, v5  }
0x1b1: {  	s15 =	smov.u32 @p0 s4;
	s17 =	spop (v2sf);
	v39 =	vadd.f32 v11, v6;
	[tilespmem:s1+$0xFFFFFFC0] =	vst v9  }
0x1b2: {  	v42 =	vld [tilespmem:s1+$0x10];
	s4 =	sadd.s32 s15, s17;
	v40 =	vadd.f32 v12, v7;
	[tilespmem:s1+$0xFFFFFFD0] =	vst v10  }
0x1b3: {  	v46 =	vld [tilespmem:s1+$0x30];
	s4 =	sshll.u32 s4, $0x8;
	[tilespmem:s1+$0xFFFFFFE0] =	vst v39  }
0x1b4: {  	v41 =	vld [tilespmem:s1+$0x0];
	s4 =	sshra.s32 s4, $0x2;
	[tilespmem:s1+$0xFFFFFFF0] =	vst v40  }
0x1b5: {  	v10 =	vld [tilespmem:s4+$0xCE40]  }
0x1b6: {  	v43 =	vld [tilespmem:s4+$0xCE50]  }
0x1b7: {  	v44 =	vld [tilespmem:s1+$0x20]  }
0x1b8: {  	v45 =	vld [tilespmem:s4+$0xCE60]  }
0x1b9: {  	v47 =	vld [tilespmem:s4+$0xCE70];
	_ =	sdelay $0x1  }
0x1ba: {  	v9 =	vadd.f32 v10, v41;
	v48 =	vadd.f32 v43, v42;
	_ =	sdelay $0x1  }
0x1bb: {  	v49 =	vadd.f32 v45, v44;
	v50 =	vmul.f32 v9, v9;
	v51 =	vmul.f32 v48, v48  }
0x1bc: {  	v52 =	vadd.f32 v47, v46  }
0x1bd: {  	v53 =	vmul.f32 v49, v49;
	v12 =	vadd.f32 v51, v50  }
0x1be: {  	v54 =	vadd.f32 v48, v9;
	v16 =	vadd.f32 v52, v49  }
0x1bf: {  	v55 =	vmul.f32 v52, v52;
	v12 =	vadd.f32 v53, v12  }
0x1c0: {  	v15 =	vadd.f32 v16, v54  }
0x1c1: {  	v12 =	vadd.f32 v55, v12  }
0x1c2: {  	(xrf2) =	vadd.scan.msk.f32 $0xffff, v15  }
0x1c3: {  	(xrf2) =	vadd.scan.msk.f32 $0xffff, v12;
	_ =	sdelay $0x8  }
0x1c4: {  	v56, _, _ =	vpop (xrf2)  }
0x1c5: {  	(v2sf) =	vpush v56, $0xF;
	v57, _, _ =	vpop (xrf2)  }
0x1c6: {  	(v2sf) =	vpush v57, $0xF;
	_ =	sdelay $0xd  }
0x1c7: {  	s15 =	spop (v2sf)  }
0x1c8: {  	s4 =	smul.f32 $1.562500000e-02, s15;
	s17 =	spop (v2sf)  }
0x1c9: {  	s15 =	smul.f32 $1.562500000e-02, s17  }
0x1ca: {  	s17 =	smul.f32 s4, s4;
	_ =	sdelay $0x1  }
0x1cb: {  	s15 =	ssub.f32 s15, s17;
	_ =	sdelay $0x1  }
0x1cc: {  	s15 =	sadd.f32 $9.999999740e-06, s15;
	_ =	sdelay $0x1  }
0x1cd: {  	v58 =	vmov s15  }
0x1ce: {  	v59 =	vshra.s32 v58, $0x1;
	v12 =	vmul.f32 $5.000000000e-01, v58  }
0x1cf: {  	v13 =	vsub.s32 $0x5F3759DF, v59  }
0x1d0: {  	v60 =	vmul.f32 v13, v12;
	_ =	sdelay $0x1  }
0x1d1: {  	v15 =	vmul.f32 v13, v60;
	_ =	sdelay $0x1  }
0x1d2: {  	v15 =	vsub.f32 $1.500000000e+00, v15;
	_ =	sdelay $0x1  }
0x1d3: {  	v13 =	vmul.f32 v13, v15  }
0x1d4: {  	(v2sf) =	vpush v8, $0x9  }
0x1d5: {  	v12 =	vmul.f32 v13, v12;
	_ =	sdelay $0x1  }
0x1d6: {  	v12 =	vmul.f32 v12, v13;
	_ =	sdelay $0x1  }
0x1d7: {  	v12 =	vsub.f32 $1.500000000e+00, v12;
	_ =	sdelay $0x1  }
0x1d8: {  	v12 =	vmul.f32 v12, v13  }
0x1d9: {  	v61 =	vmov s4  }
0x1da: {  	v9 =	vsub.f32 v9, v61;
	v62 =	vmul.f32 v12, v0  }
0x1db: {  	v10 =	vsub.f32 v48, v61;
	v63 =	vmul.f32 v12, v1  }
0x1dc: {  	v11 =	vsub.f32 v49, v61;
	v19 =	vmul.f32 v12, v2;
	v9 =	vmul.f32 v62, v9  }
0x1dd: {  	v13 =	vsub.f32 v52, v61;
	v12 =	vmul.f32 v12, v3;
	v10 =	vmul.f32 v63, v10  }
0x1de: {  	s4 =	sadd.s32 $0xFF0000C2, s31;
	v11 =	vmul.f32 v19, v11;
	v9 =	vadd.f32 v9, v4  }
0x1df: {  	p0 =	slt.u32 s4, $0xC8;
	s15 =	sadd.s32 $0xFFFFFFFA, s31;
	v12 =	vmul.f32 v12, v13;
	v10 =	vadd.f32 v10, v5  }
0x1e0: {  	s15 =	smov.u32 @p0 s4;
	s17 =	spop (v2sf);
	v20 =	vadd.f32 v11, v6;
	[tilespmem:s1+$0x0] =	vst v9  }
0x1e1: {  	v25 =	vld [tilespmem:s1+$0x60];
	s4 =	sadd.s32 s15, s17;
	v21 =	vadd.f32 v12, v7;
	[tilespmem:s1+$0x10] =	vst v10  }
0x1e2: {  	v22 =	vld [tilespmem:s1+$0x40];
	s4 =	sshll.u32 s4, $0x8;
	[tilespmem:s1+$0x20] =	vst v20  }
0x1e3: {  	v23 =	vld [tilespmem:s1+$0x50];
	s4 =	sshra.s32 s4, $0x2;
	[tilespmem:s1+$0x30] =	vst v21  }
0x1e4: {  	v10 =	vld [tilespmem:s4+$0xCE40]  }
0x1e5: {  	v24 =	vld [tilespmem:s4+$0xCE50]  }
0x1e6: {  	v27 =	vld [tilespmem:s1+$0x70]  }
0x1e7: {  	v26 =	vld [tilespmem:s4+$0xCE60]  }
0x1e8: {  	v28 =	vld [tilespmem:s4+$0xCE70];
	_ =	sdelay $0x1  }
0x1e9: {  	v9 =	vadd.f32 v10, v22;
	v29 =	vadd.f32 v24, v23;
	_ =	sdelay $0x1  }
0x1ea: {  	v30 =	vadd.f32 v26, v25;
	v31 =	vmul.f32 v9, v9;
	v32 =	vmul.f32 v29, v29  }
0x1eb: {  	v33 =	vadd.f32 v28, v27  }
0x1ec: {  	v34 =	vmul.f32 v30, v30;
	v12 =	vadd.f32 v32, v31  }
0x1ed: {  	v35 =	vadd.f32 v29, v9;
	v16 =	vadd.f32 v33, v30  }
0x1ee: {  	v36 =	vmul.f32 v33, v33;
	v12 =	vadd.f32 v34, v12  }
0x1ef: {  	v15 =	vadd.f32 v16, v35  }
0x1f0: {  	v12 =	vadd.f32 v36, v12  }
0x1f1: {  	(xrf2) =	vadd.scan.msk.f32 $0xffff, v15  }
0x1f2: {  	(xrf2) =	vadd.scan.msk.f32 $0xffff, v12;
	_ =	sdelay $0x8  }
0x1f3: {  	v37, _, _ =	vpop (xrf2)  }
0x1f4: {  	(v2sf) =	vpush v37, $0xF;
	v38, _, _ =	vpop (xrf2)  }
0x1f5: {  	(v2sf) =	vpush v38, $0xF;
	_ =	sdelay $0xd  }
0x1f6: {  	s15 =	spop (v2sf)  }
0x1f7: {  	s4 =	smul.f32 $1.562500000e-02, s15;
	s17 =	spop (v2sf)  }
0x1f8: {  	s15 =	smul.f32 $1.562500000e-02, s17  }
0x1f9: {  	s17 =	smul.f32 s4, s4;
	_ =	sdelay $0x1  }
0x1fa: {  	s15 =	ssub.f32 s15, s17;
	_ =	sdelay $0x1  }
0x1fb: {  	s15 =	sadd.f32 $9.999999740e-06, s15;
	_ =	sdelay $0x1  }
0x1fc: {  	v39 =	vmov s15  }
0x1fd: {  	v40 =	vshra.s32 v39, $0x1;
	v12 =	vmul.f32 $5.000000000e-01, v39  }
0x1fe: {  	v13 =	vsub.s32 $0x5F3759DF, v40  }
0x1ff: {  	v41 =	vmul.f32 v13, v12;
	_ =	sdelay $0x1  }
0x200: {  	v15 =	vmul.f32 v13, v41;
	_ =	sdelay $0x1  }
0x201: {  	v15 =	vsub.f32 $1.500000000e+00, v15;
	_ =	sdelay $0x1  }
0x202: {  	v13 =	vmul.f32 v13, v15  }
0x203: {  	(v2sf) =	vpush v8, $0xA  }
0x204: {  	v12 =	vmul.f32 v13, v12;
	_ =	sdelay $0x1  }
0x205: {  	v12 =	vmul.f32 v12, v13;
	_ =	sdelay $0x1  }
0x206: {  	v12 =	vsub.f32 $1.500000000e+00, v12;
	_ =	sdelay $0x1  }
0x207: {  	v12 =	vmul.f32 v12, v13  }
0x208: {  	v42 =	vmov s4  }
0x209: {  	v9 =	vsub.f32 v9, v42;
	v43 =	vmul.f32 v12, v0  }
0x20a: {  	v10 =	vsub.f32 v29, v42;
	v44 =	vmul.f32 v12, v1  }
0x20b: {  	v11 =	vsub.f32 v30, v42;
	v45 =	vmul.f32 v12, v2;
	v9 =	vmul.f32 v43, v9  }
0x20c: {  	v13 =	vsub.f32 v33, v42;
	v12 =	vmul.f32 v12, v3;
	v10 =	vmul.f32 v44, v10  }
0x20d: {  	s4 =	sadd.s32 $0xFF0000C3, s31;
	v11 =	vmul.f32 v45, v11;
	v9 =	vadd.f32 v9, v4  }
0x20e: {  	p0 =	slt.u32 s4, $0xC8;
	s15 =	sadd.s32 $0xFFFFFFFB, s31;
	v12 =	vmul.f32 v12, v13;
	v10 =	vadd.f32 v10, v5  }
0x20f: {  	s15 =	smov.u32 @p0 s4;
	s17 =	spop (v2sf);
	v46 =	vadd.f32 v11, v6;
	[tilespmem:s1+$0x40] =	vst v9  }
0x210: {  	v51 =	vld [tilespmem:s1+$0xA0];
	s4 =	sadd.s32 s15, s17;
	v47 =	vadd.f32 v12, v7;
	[tilespmem:s1+$0x50] =	vst v10  }
0x211: {  	v48 =	vld [tilespmem:s1+$0x80];
	s4 =	sshll.u32 s4, $0x8;
	[tilespmem:s1+$0x60] =	vst v46  }
0x212: {  	v49 =	vld [tilespmem:s1+$0x90];
	s4 =	sshra.s32 s4, $0x2;
	[tilespmem:s1+$0x70] =	vst v47  }
0x213: {  	v10 =	vld [tilespmem:s4+$0xCE40]  }
0x214: {  	v50 =	vld [tilespmem:s4+$0xCE50]  }
0x215: {  	v53 =	vld [tilespmem:s1+$0xB0]  }
0x216: {  	v52 =	vld [tilespmem:s4+$0xCE60]  }
0x217: {  	v54 =	vld [tilespmem:s4+$0xCE70];
	_ =	sdelay $0x1  }
0x218: {  	v9 =	vadd.f32 v10, v48;
	v55 =	vadd.f32 v50, v49;
	_ =	sdelay $0x1  }
0x219: {  	v56 =	vadd.f32 v52, v51;
	v57 =	vmul.f32 v9, v9;
	v58 =	vmul.f32 v55, v55  }
0x21a: {  	v59 =	vadd.f32 v54, v53  }
0x21b: {  	v60 =	vmul.f32 v56, v56;
	v12 =	vadd.f32 v58, v57  }
0x21c: {  	v61 =	vadd.f32 v55, v9;
	v16 =	vadd.f32 v59, v56  }
0x21d: {  	v62 =	vmul.f32 v59, v59;
	v12 =	vadd.f32 v60, v12  }
0x21e: {  	v15 =	vadd.f32 v16, v61  }
0x21f: {  	v12 =	vadd.f32 v62, v12  }
0x220: {  	(xrf2) =	vadd.scan.msk.f32 $0xffff, v15  }
0x221: {  	(xrf2) =	vadd.scan.msk.f32 $0xffff, v12;
	_ =	sdelay $0x8  }
0x222: {  	v63, _, _ =	vpop (xrf2)  }
0x223: {  	(v2sf) =	vpush v63, $0xF;
	v16, _, _ =	vpop (xrf2)  }
0x224: {  	(v2sf) =	vpush v16, $0xF;
	_ =	sdelay $0xd  }
0x225: {  	s15 =	spop (v2sf)  }
0x226: {  	s4 =	smul.f32 $1.562500000e-02, s15;
	s17 =	spop (v2sf)  }
0x227: {  	s15 =	smul.f32 $1.562500000e-02, s17  }
0x228: {  	s17 =	smul.f32 s4, s4;
	_ =	sdelay $0x1  }
0x229: {  	s15 =	ssub.f32 s15, s17;
	_ =	sdelay $0x1  }
0x22a: {  	s15 =	sadd.f32 $9.999999740e-06, s15;
	_ =	sdelay $0x1  }
0x22b: {  	v17 =	vmov s15  }
0x22c: {  	v18 =	vshra.s32 v17, $0x1;
	v12 =	vmul.f32 $5.000000000e-01, v17  }
0x22d: {  	v13 =	vsub.s32 $0x5F3759DF, v18  }
0x22e: {  	v19 =	vmul.f32 v13, v12;
	_ =	sdelay $0x1  }
0x22f: {  	v15 =	vmul.f32 v13, v19;
	_ =	sdelay $0x1  }
0x230: {  	v15 =	vsub.f32 $1.500000000e+00, v15;
	_ =	sdelay $0x1  }
0x231: {  	v13 =	vmul.f32 v13, v15  }
0x232: {  	(v2sf) =	vpush v8, $0xB  }
0x233: {  	v12 =	vmul.f32 v13, v12;
	_ =	sdelay $0x1  }
0x234: {  	v12 =	vmul.f32 v12, v13;
	_ =	sdelay $0x1  }
0x235: {  	v12 =	vsub.f32 $1.500000000e+00, v12;
	_ =	sdelay $0x1  }
0x236: {  	v12 =	vmul.f32 v12, v13  }
0x237: {  	v20 =	vmov s4  }
0x238: {  	v9 =	vsub.f32 v9, v20;
	v21 =	vmul.f32 v12, v0  }
0x239: {  	v10 =	vsub.f32 v55, v20;
	v22 =	vmul.f32 v12, v1  }
0x23a: {  	v11 =	vsub.f32 v56, v20;
	v23 =	vmul.f32 v12, v2;
	v9 =	vmul.f32 v21, v9  }
0x23b: {  	v13 =	vsub.f32 v59, v20;
	v12 =	vmul.f32 v12, v3;
	v10 =	vmul.f32 v22, v10  }
0x23c: {  	s4 =	sadd.s32 $0xFF0000C4, s31;
	v11 =	vmul.f32 v23, v11;
	v9 =	vadd.f32 v9, v4  }
0x23d: {  	p0 =	slt.u32 s4, $0xC8;
	s15 =	sadd.s32 $0xFFFFFFFC, s31;
	v12 =	vmul.f32 v12, v13;
	v10 =	vadd.f32 v10, v5  }
0x23e: {  	s15 =	smov.u32 @p0 s4;
	s17 =	spop (v2sf);
	v24 =	vadd.f32 v11, v6;
	[tilespmem:s1+$0x80] =	vst v9  }
0x23f: {  	v26 =	vld [tilespmem:s1+$0xC0];
	s4 =	sadd.s32 s15, s17;
	v25 =	vadd.f32 v12, v7;
	[tilespmem:s1+$0x90] =	vst v10  }
0x240: {  	v27 =	vld [tilespmem:s1+$0xD0];
	s4 =	sshll.u32 s4, $0x8;
	[tilespmem:s1+$0xA0] =	vst v24  }
0x241: {  	v31 =	vld [tilespmem:s1+$0xF0];
	s4 =	sshra.s32 s4, $0x2;
	[tilespmem:s1+$0xB0] =	vst v25  }
0x242: {  	v10 =	vld [tilespmem:s4+$0xCE40]  }
0x243: {  	v28 =	vld [tilespmem:s4+$0xCE50]  }
0x244: {  	v29 =	vld [tilespmem:s1+$0xE0]  }
0x245: {  	v30 =	vld [tilespmem:s4+$0xCE60]  }
0x246: {  	v32 =	vld [tilespmem:s4+$0xCE70];
	_ =	sdelay $0x1  }
0x247: {  	v9 =	vadd.f32 v10, v26;
	v33 =	vadd.f32 v28, v27;
	_ =	sdelay $0x1  }
0x248: {  	v34 =	vadd.f32 v30, v29;
	v35 =	vmul.f32 v9, v9;
	v36 =	vmul.f32 v33, v33  }
0x249: {  	v37 =	vadd.f32 v32, v31  }
0x24a: {  	v38 =	vmul.f32 v34, v34;
	v12 =	vadd.f32 v36, v35  }
0x24b: {  	v39 =	vadd.f32 v33, v9;
	v16 =	vadd.f32 v37, v34  }
0x24c: {  	v40 =	vmul.f32 v37, v37;
	v12 =	vadd.f32 v38, v12  }
0x24d: {  	v15 =	vadd.f32 v16, v39  }
0x24e: {  	v12 =	vadd.f32 v40, v12  }
0x24f: {  	(xrf2) =	vadd.scan.msk.f32 $0xffff, v15  }
0x250: {  	(xrf2) =	vadd.scan.msk.f32 $0xffff, v12;
	_ =	sdelay $0x8  }
0x251: {  	v41, _, _ =	vpop (xrf2)  }
0x252: {  	(v2sf) =	vpush v41, $0xF;
	v42, _, _ =	vpop (xrf2)  }
0x253: {  	(v2sf) =	vpush v42, $0xF;
	_ =	sdelay $0xd  }
0x254: {  	s15 =	spop (v2sf)  }
0x255: {  	s4 =	smul.f32 $1.562500000e-02, s15;
	s17 =	spop (v2sf)  }
0x256: {  	s15 =	smul.f32 $1.562500000e-02, s17  }
0x257: {  	s17 =	smul.f32 s4, s4;
	_ =	sdelay $0x1  }
0x258: {  	s15 =	ssub.f32 s15, s17;
	_ =	sdelay $0x1  }
0x259: {  	s15 =	sadd.f32 $9.999999740e-06, s15;
	_ =	sdelay $0x1  }
0x25a: {  	v43 =	vmov s15  }
0x25b: {  	v44 =	vshra.s32 v43, $0x1;
	v12 =	vmul.f32 $5.000000000e-01, v43  }
0x25c: {  	v13 =	vsub.s32 $0x5F3759DF, v44  }
0x25d: {  	v45 =	vmul.f32 v13, v12;
	_ =	sdelay $0x1  }
0x25e: {  	v15 =	vmul.f32 v13, v45;
	_ =	sdelay $0x1  }
0x25f: {  	v15 =	vsub.f32 $1.500000000e+00, v15;
	_ =	sdelay $0x1  }
0x260: {  	v13 =	vmul.f32 v13, v15  }
0x261: {  	(v2sf) =	vpush v8, $0xC  }
0x262: {  	v12 =	vmul.f32 v13, v12;
	_ =	sdelay $0x1  }
0x263: {  	v12 =	vmul.f32 v12, v13;
	_ =	sdelay $0x1  }
0x264: {  	v12 =	vsub.f32 $1.500000000e+00, v12;
	_ =	sdelay $0x1  }
0x265: {  	v12 =	vmul.f32 v12, v13  }
0x266: {  	v46 =	vmov s4  }
0x267: {  	v9 =	vsub.f32 v9, v46;
	v47 =	vmul.f32 v12, v0  }
0x268: {  	v10 =	vsub.f32 v33, v46;
	v48 =	vmul.f32 v12, v1  }
0x269: {  	v11 =	vsub.f32 v34, v46;
	v49 =	vmul.f32 v12, v2;
	v9 =	vmul.f32 v47, v9  }
0x26a: {  	v13 =	vsub.f32 v37, v46;
	v12 =	vmul.f32 v12, v3;
	v10 =	vmul.f32 v48, v10  }
0x26b: {  	s4 =	sadd.s32 $0xFF0000C5, s31;
	v11 =	vmul.f32 v49, v11;
	v9 =	vadd.f32 v9, v4  }
0x26c: {  	p0 =	slt.u32 s4, $0xC8;
	s15 =	sadd.s32 $0xFFFFFFFD, s31;
	v12 =	vmul.f32 v12, v13;
	v10 =	vadd.f32 v10, v5  }
0x26d: {  	s15 =	smov.u32 @p0 s4;
	s17 =	spop (v2sf);
	v50 =	vadd.f32 v11, v6;
	[tilespmem:s1+$0xC0] =	vst v9  }
0x26e: {  	v52 =	vld [tilespmem:s1+$0x100];
	s4 =	sadd.s32 s15, s17;
	v51 =	vadd.f32 v12, v7;
	[tilespmem:s1+$0xD0] =	vst v10  }
0x26f: {  	v53 =	vld [tilespmem:s1+$0x110];
	s4 =	sshll.u32 s4, $0x8;
	[tilespmem:s1+$0xE0] =	vst v50  }
0x270: {  	v57 =	vld [tilespmem:s1+$0x130];
	s4 =	sshra.s32 s4, $0x2;
	[tilespmem:s1+$0xF0] =	vst v51  }
0x271: {  	v10 =	vld [tilespmem:s4+$0xCE40]  }
0x272: {  	v54 =	vld [tilespmem:s4+$0xCE50]  }
0x273: {  	v55 =	vld [tilespmem:s1+$0x120]  }
0x274: {  	v56 =	vld [tilespmem:s4+$0xCE60]  }
0x275: {  	v58 =	vld [tilespmem:s4+$0xCE70];
	_ =	sdelay $0x1  }
0x276: {  	v9 =	vadd.f32 v10, v52;
	v59 =	vadd.f32 v54, v53;
	_ =	sdelay $0x1  }
0x277: {  	v60 =	vadd.f32 v56, v55;
	v61 =	vmul.f32 v9, v9;
	v62 =	vmul.f32 v59, v59  }
0x278: {  	v63 =	vadd.f32 v58, v57  }
0x279: {  	v20 =	vmul.f32 v60, v60;
	v12 =	vadd.f32 v62, v61  }
0x27a: {  	v21 =	vadd.f32 v59, v9;
	v16 =	vadd.f32 v63, v60  }
0x27b: {  	v22 =	vmul.f32 v63, v63;
	v12 =	vadd.f32 v20, v12  }
0x27c: {  	v15 =	vadd.f32 v16, v21  }
0x27d: {  	v12 =	vadd.f32 v22, v12  }
0x27e: {  	(xrf2) =	vadd.scan.msk.f32 $0xffff, v15  }
0x27f: {  	(xrf2) =	vadd.scan.msk.f32 $0xffff, v12;
	_ =	sdelay $0x8  }
0x280: {  	v23, _, _ =	vpop (xrf2)  }
0x281: {  	(v2sf) =	vpush v23, $0xF;
	v24, _, _ =	vpop (xrf2)  }
0x282: {  	(v2sf) =	vpush v24, $0xF;
	_ =	sdelay $0xd  }
0x283: {  	s15 =	spop (v2sf)  }
0x284: {  	s4 =	smul.f32 $1.562500000e-02, s15;
	s17 =	spop (v2sf)  }
0x285: {  	s15 =	smul.f32 $1.562500000e-02, s17  }
0x286: {  	s17 =	smul.f32 s4, s4;
	_ =	sdelay $0x1  }
0x287: {  	s15 =	ssub.f32 s15, s17;
	_ =	sdelay $0x1  }
0x288: {  	s15 =	sadd.f32 $9.999999740e-06, s15;
	_ =	sdelay $0x1  }
0x289: {  	v25 =	vmov s15  }
0x28a: {  	v26 =	vshra.s32 v25, $0x1;
	v12 =	vmul.f32 $5.000000000e-01, v25  }
0x28b: {  	v13 =	vsub.s32 $0x5F3759DF, v26  }
0x28c: {  	v27 =	vmul.f32 v13, v12;
	_ =	sdelay $0x1  }
0x28d: {  	v15 =	vmul.f32 v13, v27;
	_ =	sdelay $0x1  }
0x28e: {  	v15 =	vsub.f32 $1.500000000e+00, v15;
	_ =	sdelay $0x1  }
0x28f: {  	v13 =	vmul.f32 v13, v15  }
0x290: {  	(v2sf) =	vpush v8, $0xD  }
0x291: {  	v12 =	vmul.f32 v13, v12;
	_ =	sdelay $0x1  }
0x292: {  	v12 =	vmul.f32 v12, v13;
	_ =	sdelay $0x1  }
0x293: {  	v12 =	vsub.f32 $1.500000000e+00, v12;
	_ =	sdelay $0x1  }
0x294: {  	v12 =	vmul.f32 v12, v13  }
0x295: {  	v28 =	vmov s4  }
0x296: {  	v9 =	vsub.f32 v9, v28;
	v29 =	vmul.f32 v12, v0  }
0x297: {  	v10 =	vsub.f32 v59, v28;
	v30 =	vmul.f32 v12, v1  }
0x298: {  	v11 =	vsub.f32 v60, v28;
	v31 =	vmul.f32 v12, v2;
	v9 =	vmul.f32 v29, v9  }
0x299: {  	v13 =	vsub.f32 v63, v28;
	v12 =	vmul.f32 v12, v3;
	v10 =	vmul.f32 v30, v10  }
0x29a: {  	s4 =	sadd.s32 $0xFF0000C6, s31;
	v11 =	vmul.f32 v31, v11;
	v9 =	vadd.f32 v9, v4  }
0x29b: {  	p0 =	slt.u32 s4, $0xC8;
	s15 =	sadd.s32 $0xFFFFFFFE, s31;
	v12 =	vmul.f32 v12, v13;
	v10 =	vadd.f32 v10, v5  }
0x29c: {  	s15 =	smov.u32 @p0 s4;
	s17 =	spop (v2sf);
	v32 =	vadd.f32 v11, v6;
	[tilespmem:s1+$0x100] =	vst v9  }
0x29d: {  	v35 =	vld [tilespmem:s1+$0x150];
	s4 =	sadd.s32 s15, s17;
	v33 =	vadd.f32 v12, v7;
	[tilespmem:s1+$0x110] =	vst v10  }
0x29e: {  	v39 =	vld [tilespmem:s1+$0x170];
	s4 =	sshll.u32 s4, $0x8;
	[tilespmem:s1+$0x120] =	vst v32  }
0x29f: {  	v34 =	vld [tilespmem:s1+$0x140];
	s4 =	sshra.s32 s4, $0x2;
	[tilespmem:s1+$0x130] =	vst v33  }
0x2a0: {  	v10 =	vld [tilespmem:s4+$0xCE40]  }
0x2a1: {  	v36 =	vld [tilespmem:s4+$0xCE50]  }
0x2a2: {  	v37 =	vld [tilespmem:s1+$0x160]  }
0x2a3: {  	v38 =	vld [tilespmem:s4+$0xCE60]  }
0x2a4: {  	v40 =	vld [tilespmem:s4+$0xCE70];
	_ =	sdelay $0x1  }
0x2a5: {  	v9 =	vadd.f32 v10, v34;
	v41 =	vadd.f32 v36, v35;
	_ =	sdelay $0x1  }
0x2a6: {  	v42 =	vadd.f32 v38, v37;
	v43 =	vmul.f32 v9, v9;
	v44 =	vmul.f32 v41, v41  }
0x2a7: {  	v45 =	vadd.f32 v40, v39  }
0x2a8: {  	v46 =	vmul.f32 v42, v42;
	v12 =	vadd.f32 v44, v43  }
0x2a9: {  	v47 =	vadd.f32 v41, v9;
	v16 =	vadd.f32 v45, v42  }
0x2aa: {  	v48 =	vmul.f32 v45, v45;
	v12 =	vadd.f32 v46, v12  }
0x2ab: {  	v15 =	vadd.f32 v16, v47  }
0x2ac: {  	v12 =	vadd.f32 v48, v12  }
0x2ad: {  	(xrf2) =	vadd.scan.msk.f32 $0xffff, v15  }
0x2ae: {  	(xrf2) =	vadd.scan.msk.f32 $0xffff, v12;
	_ =	sdelay $0x8  }
0x2af: {  	v49, _, _ =	vpop (xrf2)  }
0x2b0: {  	(v2sf) =	vpush v49, $0xF;
	v50, _, _ =	vpop (xrf2)  }
0x2b1: {  	(v2sf) =	vpush v50, $0xF;
	_ =	sdelay $0xd  }
0x2b2: {  	s15 =	spop (v2sf)  }
0x2b3: {  	s4 =	smul.f32 $1.562500000e-02, s15;
	s17 =	spop (v2sf)  }
0x2b4: {  	s15 =	smul.f32 $1.562500000e-02, s17  }
0x2b5: {  	s17 =	smul.f32 s4, s4;
	_ =	sdelay $0x1  }
0x2b6: {  	s15 =	ssub.f32 s15, s17;
	_ =	sdelay $0x1  }
0x2b7: {  	s15 =	sadd.f32 $9.999999740e-06, s15;
	_ =	sdelay $0x1  }
0x2b8: {  	v51 =	vmov s15  }
0x2b9: {  	v52 =	vshra.s32 v51, $0x1;
	v12 =	vmul.f32 $5.000000000e-01, v51  }
0x2ba: {  	v13 =	vsub.s32 $0x5F3759DF, v52  }
0x2bb: {  	v53 =	vmul.f32 v13, v12;
	_ =	sdelay $0x1  }
0x2bc: {  	v15 =	vmul.f32 v13, v53;
	_ =	sdelay $0x1  }
0x2bd: {  	v15 =	vsub.f32 $1.500000000e+00, v15;
	_ =	sdelay $0x1  }
0x2be: {  	v13 =	vmul.f32 v13, v15  }
0x2bf: {  	(v2sf) =	vpush v8, $0xE  }
0x2c0: {  	v12 =	vmul.f32 v13, v12;
	_ =	sdelay $0x1  }
0x2c1: {  	v12 =	vmul.f32 v12, v13;
	_ =	sdelay $0x1  }
0x2c2: {  	v12 =	vsub.f32 $1.500000000e+00, v12;
	_ =	sdelay $0x1  }
0x2c3: {  	v12 =	vmul.f32 v12, v13  }
0x2c4: {  	v54 =	vmov s4  }
0x2c5: {  	v9 =	vsub.f32 v9, v54;
	v55 =	vmul.f32 v12, v0  }
0x2c6: {  	v10 =	vsub.f32 v41, v54;
	v56 =	vmul.f32 v12, v1  }
0x2c7: {  	v11 =	vsub.f32 v42, v54;
	v57 =	vmul.f32 v12, v2;
	v9 =	vmul.f32 v55, v9  }
0x2c8: {  	v13 =	vsub.f32 v45, v54;
	v12 =	vmul.f32 v12, v3;
	v10 =	vmul.f32 v56, v10  }
0x2c9: {  	s4 =	sadd.s32 $0xFF0000C7, s31;
	v11 =	vmul.f32 v57, v11;
	v9 =	vadd.f32 v9, v4  }
0x2ca: {  	p0 =	slt.u32 s4, $0xC8;
	s15 =	sadd.s32 $0xFFFFFFFF, s31;
	v12 =	vmul.f32 v12, v13;
	v10 =	vadd.f32 v10, v5  }
0x2cb: {  	s15 =	smov.u32 @p0 s4;
	s17 =	spop (v2sf);
	v58 =	vadd.f32 v11, v6;
	[tilespmem:s1+$0x140] =	vst v9  }
0x2cc: {  	v61 =	vld [tilespmem:s1+$0x190];
	s4 =	sadd.s32 s15, s17;
	v59 =	vadd.f32 v12, v7;
	[tilespmem:s1+$0x150] =	vst v10  }
0x2cd: {  	v21 =	vld [tilespmem:s1+$0x1B0];
	s4 =	sshll.u32 s4, $0x8;
	[tilespmem:s1+$0x160] =	vst v58  }
0x2ce: {  	v60 =	vld [tilespmem:s1+$0x180];
	s4 =	sshra.s32 s4, $0x2;
	[tilespmem:s1+$0x170] =	vst v59  }
0x2cf: {  	v10 =	vld [tilespmem:s4+$0xCE40]  }
0x2d0: {  	v62 =	vld [tilespmem:s4+$0xCE50]  }
0x2d1: {  	v63 =	vld [tilespmem:s1+$0x1A0]  }
0x2d2: {  	v20 =	vld [tilespmem:s4+$0xCE60]  }
0x2d3: {  	v22 =	vld [tilespmem:s4+$0xCE70];
	_ =	sdelay $0x1  }
0x2d4: {  	v9 =	vadd.f32 v10, v60;
	v23 =	vadd.f32 v62, v61;
	_ =	sdelay $0x1  }
0x2d5: {  	v24 =	vadd.f32 v20, v63;
	v25 =	vmul.f32 v9, v9;
	v26 =	vmul.f32 v23, v23  }
0x2d6: {  	v27 =	vadd.f32 v22, v21  }
0x2d7: {  	v28 =	vmul.f32 v24, v24;
	v12 =	vadd.f32 v26, v25  }
0x2d8: {  	v29 =	vadd.f32 v23, v9;
	v16 =	vadd.f32 v27, v24  }
0x2d9: {  	v30 =	vmul.f32 v27, v27;
	v12 =	vadd.f32 v28, v12  }
0x2da: {  	v15 =	vadd.f32 v16, v29  }
0x2db: {  	v12 =	vadd.f32 v30, v12  }
0x2dc: {  	(xrf2) =	vadd.scan.msk.f32 $0xffff, v15  }
0x2dd: {  	(xrf2) =	vadd.scan.msk.f32 $0xffff, v12;
	_ =	sdelay $0x8  }
0x2de: {  	v31, _, _ =	vpop (xrf2)  }
0x2df: {  	(v2sf) =	vpush v31, $0xF;
	v32, _, _ =	vpop (xrf2)  }
0x2e0: {  	(v2sf) =	vpush v32, $0xF;
	_ =	sdelay $0xd  }
0x2e1: {  	s15 =	spop (v2sf)  }
0x2e2: {  	s4 =	smul.f32 $1.562500000e-02, s15;
	s17 =	spop (v2sf)  }
0x2e3: {  	s15 =	smul.f32 $1.562500000e-02, s17  }
0x2e4: {  	s17 =	smul.f32 s4, s4;
	_ =	sdelay $0x1  }
0x2e5: {  	s15 =	ssub.f32 s15, s17;
	_ =	sdelay $0x1  }
0x2e6: {  	s15 =	sadd.f32 $9.999999740e-06, s15;
	_ =	sdelay $0x1  }
0x2e7: {  	v33 =	vmov s15  }
0x2e8: {  	v34 =	vshra.s32 v33, $0x1;
	v12 =	vmul.f32 $5.000000000e-01, v33  }
0x2e9: {  	v13 =	vsub.s32 $0x5F3759DF, v34  }
0x2ea: {  	v35 =	vmul.f32 v13, v12;
	_ =	sdelay $0x1  }
0x2eb: {  	v15 =	vmul.f32 v13, v35;
	_ =	sdelay $0x1  }
0x2ec: {  	v15 =	vsub.f32 $1.500000000e+00, v15;
	_ =	sdelay $0x1  }
0x2ed: {  	v13 =	vmul.f32 v13, v15  }
0x2ee: {  	(v2sf) =	vpush v8, $0xF  }
0x2ef: {  	v12 =	vmul.f32 v13, v12;
	_ =	sdelay $0x1  }
0x2f0: {  	v8 =	vmul.f32 v12, v13;
	_ =	sdelay $0x1  }
0x2f1: {  	v8 =	vsub.f32 $1.500000000e+00, v8;
	_ =	sdelay $0x1  }
0x2f2: {  	v8 =	vmul.f32 v8, v13  }
0x2f3: {  	v36 =	vmov s4  }
0x2f4: {  	v9 =	vsub.f32 v9, v36;
	v13 =	vmul.f32 v8, v0  }
0x2f5: {  	v10 =	vsub.f32 v23, v36;
	v37 =	vmul.f32 v8, v1  }
0x2f6: {  	v11 =	vsub.f32 v24, v36;
	v38 =	vmul.f32 v8, v2;
	v9 =	vmul.f32 v13, v9  }
0x2f7: {  	v12 =	vsub.f32 v27, v36;
	v8 =	vmul.f32 v8, v3;
	v10 =	vmul.f32 v37, v10  }
0x2f8: {  	s4 =	sadd.s32 $0xFF0000C8, s31;
	v11 =	vmul.f32 v38, v11;
	v9 =	vadd.f32 v9, v4  }
0x2f9: {  	p0 =	slt.u32 s4, $0xC8;
	s15 =	smov.u32 s31;
	v8 =	vmul.f32 v8, v12;
	v10 =	vadd.f32 v10, v5  }
0x2fa: {  	s15 =	smov.u32 @p0 s4;
	s17 =	spop (v2sf);
	v39 =	vadd.f32 v11, v6;
	[tilespmem:s1+$0x180] =	vst v9  }
0x2fb: {  	v40 =	vld [tilespmem:s1+$0x1D0];
	s4 =	sadd.s32 s15, s17;
	v8 =	vadd.f32 v8, v7;
	[tilespmem:s1+$0x190] =	vst v10  }
0x2fc: {  	v44 =	vld [tilespmem:s1+$0x1F0];
	s4 =	sshll.u32 s4, $0x8;
	[tilespmem:s1+$0x1A0] =	vst v39  }
0x2fd: {  	s4 =	sshra.s32 s4, $0x2;
	[tilespmem:s1+$0x1B0] =	vst v8;
	v8 =	vld [tilespmem:s1+$0x1C0]  }
0x2fe: {  	v9 =	vld [tilespmem:s4+$0xCE40]  }
0x2ff: {  	v41 =	vld [tilespmem:s4+$0xCE50]  }
0x300: {  	v42 =	vld [tilespmem:s1+$0x1E0]  }
0x301: {  	v43 =	vld [tilespmem:s4+$0xCE60]  }
0x302: {  	v45 =	vld [tilespmem:s4+$0xCE70];
	_ =	sdelay $0x1  }
0x303: {  	v8 =	vadd.f32 v9, v8;
	v46 =	vadd.f32 v41, v40;
	_ =	sdelay $0x1  }
0x304: {  	v47 =	vadd.f32 v43, v42;
	v48 =	vmul.f32 v8, v8;
	v49 =	vmul.f32 v46, v46  }
0x305: {  	v50 =	vadd.f32 v45, v44  }
0x306: {  	v51 =	vmul.f32 v47, v47;
	v11 =	vadd.f32 v49, v48  }
0x307: {  	v52 =	vadd.f32 v46, v8;
	v15 =	vadd.f32 v50, v47  }
0x308: {  	v53 =	vmul.f32 v50, v50;
	v11 =	vadd.f32 v51, v11  }
0x309: {  	v14 =	vadd.f32 v15, v52  }
0x30a: {  	v11 =	vadd.f32 v53, v11  }
0x30b: {  	(xrf2) =	vadd.scan.msk.f32 $0xffff, v14  }
0x30c: {  	(xrf2) =	vadd.scan.msk.f32 $0xffff, v11;
	_ =	sdelay $0x8  }
0x30d: {  	v54, _, _ =	vpop (xrf2)  }
0x30e: {  	(v2sf) =	vpush v54, $0xF;
	v55, _, _ =	vpop (xrf2)  }
0x30f: {  	(v2sf) =	vpush v55, $0xF;
	_ =	sdelay $0xd  }
0x310: {  	s15 =	spop (v2sf)  }
0x311: {  	s4 =	smul.f32 $1.562500000e-02, s15;
	s17 =	spop (v2sf)  }
0x312: {  	s15 =	smul.f32 $1.562500000e-02, s17  }
0x313: {  	s17 =	smul.f32 s4, s4;
	_ =	sdelay $0x1  }
0x314: {  	s15 =	ssub.f32 s15, s17;
	_ =	sdelay $0x1  }
0x315: {  	s15 =	sadd.f32 $9.999999740e-06, s15;
	_ =	sdelay $0x1  }
0x316: {  	v56 =	vmov s15  }
0x317: {  	v57 =	vshra.s32 v56, $0x1;
	v11 =	vmul.f32 $5.000000000e-01, v56  }
0x318: {  	v12 =	vsub.s32 $0x5F3759DF, v57  }
0x319: {  	v58 =	vmul.f32 v12, v11;
	_ =	sdelay $0x1  }
0x31a: {  	v14 =	vmul.f32 v12, v58;
	_ =	sdelay $0x1  }
0x31b: {  	v14 =	vsub.f32 $1.500000000e+00, v14;
	_ =	sdelay $0x1  }
0x31c: {  	v12 =	vmul.f32 v12, v14;
	_ =	sdelay $0x1  }
0x31d: {  	v11 =	vmul.f32 v12, v11;
	_ =	sdelay $0x1  }
0x31e: {  	v11 =	vmul.f32 v11, v12;
	_ =	sdelay $0x1  }
0x31f: {  	v11 =	vsub.f32 $1.500000000e+00, v11;
	_ =	sdelay $0x1  }
0x320: {  	v11 =	vmul.f32 v11, v12  }
0x321: {  	v59 =	vmov s4  }
0x322: {  	v8 =	vsub.f32 v8, v59;
	v60 =	vmul.f32 v11, v0  }
0x323: {  	v9 =	vsub.f32 v46, v59;
	v61 =	vmul.f32 v11, v1;
	v62 =	vmul.f32 v11, v2  }
0x324: {  	v12 =	vsub.f32 v50, v59;
	v11 =	vmul.f32 v11, v3;
	v8 =	vmul.f32 v60, v8  }
0x325: {  	v10 =	vsub.f32 v47, v59;
	v9 =	vmul.f32 v61, v9  }
0x326: {  	p0 =	sne.s32 s31, $0x10000C7;
	v11 =	vmul.f32 v11, v12;
	v8 =	vadd.f32 v8, v4  }
.Ltmp0:
0x327: {  	v10 =	vmul.f32 v62, v10;
	v9 =	vadd.f32 v9, v5;
	(pc) =	sbr.rel @p0 .LBB2_3-.Ltmp0, $4  }
0x328: {  	v63 =	vadd.f32 v11, v7;
	[tilespmem:s1+$0x1C0] =	vst v8  }
0x329: {  	v8 =	vadd.f32 v10, v6;
	[tilespmem:s1+$0x1D0] =	vst v9  }
0x32a: {  	s30 =	sadd.s32 $0x1, s30;
	[tilespmem:s1+$0x1F0] =	vst v63  }
0x32b: {  	s3 =	sadd.s32 $0x10, s3;
	s31 =	sadd.s32 $0x10, s31;
	[tilespmem:s1+$0x1E0] =	vst v8;
	s1 =	sadd.s32 $0x400, s1  }
0x32c: {  	s1 =	sadd.s32 s7, s29  }
0x32d: {  	s1 =	sshll.u32 s1, $0x3  }
0x32e: {  	s1 =	sadd.s32 s5, s1  }
0x32f: {  	[hbm4b:s1+s6] =	stream.linear.scatter [tilespmem:s20], [sflag:$0x3], $0x6400, $0x38;
	[tilespmem:$0x132C0] =	vst v63  }
0x330: {  	_ =	swait.ge [sflag:s16], $0x6400  }
0x331: {  	[sflag:s16] =	ssyncset.done $0x0  }
0x332: {  	p0 =	seq.s32 s26, $0x1F;
	[sflag:s16] =	ssyncadd.s32 $0xFFFF9C00  }
0x333: {  	s1 =	sadd.s32 @!p0 s29, s13;
	_ =	swait.ge [sflag:s24], $0x6400  }
0x334: {  	s1 =	sshrl.u32 @!p0 s1, $0x3;
	[sflag:s24] =	ssyncset.done $0x0  }
0x335: {  	s4 =	simm.s32 @!p0 $0x0;
	s3 =	sadd.s32 @!p0 s0, s1;
	[sflag:s24] =	ssyncadd.s32 $0xFFFF9C00  }
0x336: {  	[tilespmem:s4], [sflag:$0x3] =	stream.linear.gather @!p0 [hbm4b:s3+s4], $0x190, $0x38;
	[tilespmem:$0x132C0] =	vst v63  }
0x337: {  	s3 =	simm.s32 @!p0 $0x3  }
0x338: {  	_ =	swait.ge @!p0 [sflag:s3], $0x190  }
0x339: {  	[sflag:s3] =	ssyncset.done @!p0 $0x0  }
0x33a: {  	s15 =	simm.s32 @!p0 $0x320;
	s1 =	sadd.s32 @!p0 s2, s1;
	[sflag:s3] =	ssyncadd.s32 @!p0 $0xFFFFFE70  }
0x33b: {  	[tilespmem:s15], [sflag:$0x3] =	stream.linear.gather @!p0 [hbm4b:s1+s4], $0x190, $0x38;
	[tilespmem:$0x132C0] =	vst v63  }
0x33c: {  	_ =	swait.ge @!p0 [sflag:s3], $0x190  }
0x33d: {  	s30 =	simm.s32 $0xFFFF47;
	[sflag:s3] =	ssyncset.done @!p0 $0x0  }
0x33e: {  	s1 =	simm.s32 @!p0 $0x190;
	[sflag:s3] =	ssyncadd.s32 @!p0 $0xFFFFFE70;
	s3 =	simm.s32 @!p0 $0x640  }
0x33f: {  	[tilespmem:s3], [sflag:$0x1] =	stream.indirect.gather @!p0 [hbm4b:s9+s1], $0x40, s4, s1, $0xb8;
	[tilespmem:$0x132C0] =	vst v63  }
0x340: {  	s31 =	simm.s32 $0x4B0;
	s29 =	simm.s32 $0x0;
	s3 =	simm.s32 $0x0  }
.LBB2_5:
0x341: {  	v8 =	vld [tilespmem:s31+$0x0];
	_ =	sdelay $0x4  }
0x342: {  	v8 =	vmul.u32 $0xC8, v8;
	_ =	sdelay $0x1  }
0x343: {  	(v2sf) =	vpush v8, $0x0;
	_ =	sdelay $0xc  }
0x344: {  	s1 =	sadd.s32 $0xFF0000B9, s30;
	s4 =	sadd.s32 $0xFFFFFFF1, s30;
	p0 =	slt.u32 s3, $0xD  }
0x345: {  	s4 =	smov.u32 @p0 s1;
	s1 =	sshra.s32 s29, $0x2  }
0x346: {  	v9 =	vld [tilespmem:s1+$0x6A40];
	s15 =	spop (v2sf)  }
0x347: {  	v11 =	vld [tilespmem:s1+$0x6A50];
	s4 =	sadd.s32 s4, s15  }
0x348: {  	v13 =	vld [tilespmem:s1+$0x6A60];
	s4 =	sshll.u32 s4, $0x8  }
0x349: {  	v15 =	vld [tilespmem:s1+$0x6A70];
	s4 =	sshra.s32 s4, $0x2  }
0x34a: {  	v10 =	vld [tilespmem:s4+$0xCE40]  }
0x34b: {  	v12 =	vld [tilespmem:s4+$0xCE50]  }
0x34c: {  	v14 =	vld [tilespmem:s4+$0xCE60]  }
0x34d: {  	v16 =	vld [tilespmem:s4+$0xCE70];
	_ =	sdelay $0x3  }
0x34e: {  	v9 =	vadd.f32 v10, v9;
	v62 =	vadd.f32 v12, v11  }
0x34f: {  	v63 =	vadd.f32 v14, v13;
	v20 =	vadd.f32 v16, v15  }
0x350: {  	v18 =	vmul.f32 v9, v9;
	v19 =	vmul.f32 v62, v62  }
0x351: {  	v22 =	vadd.f32 v62, v9;
	v16 =	vadd.f32 v20, v63  }
0x352: {  	v21 =	vmul.f32 v63, v63;
	v12 =	vadd.f32 v19, v18  }
0x353: {  	v15 =	vadd.f32 v16, v22  }
0x354: {  	v23 =	vmul.f32 v20, v20;
	v12 =	vadd.f32 v21, v12  }
0x355: {  	(xrf2) =	vadd.scan.msk.f32 $0xffff, v15  }
0x356: {  	v12 =	vadd.f32 v23, v12;
	_ =	sdelay $0x1  }
0x357: {  	(xrf2) =	vadd.scan.msk.f32 $0xffff, v12;
	_ =	sdelay $0x6  }
0x358: {  	v24, _, _ =	vpop (xrf2)  }
0x359: {  	(v2sf) =	vpush v24, $0xF;
	_ =	sdelay $0x1  }
0x35a: {  	v25, _, _ =	vpop (xrf2)  }
0x35b: {  	(v2sf) =	vpush v25, $0xF;
	_ =	sdelay $0xb  }
0x35c: {  	s17 =	spop (v2sf)  }
0x35d: {  	s4 =	smul.f32 $1.562500000e-02, s17;
	_ =	sdelay $0x1  }
0x35e: {  	s17 =	smul.f32 s4, s4;
	s15 =	spop (v2sf)  }
0x35f: {  	s15 =	smul.f32 $1.562500000e-02, s15;
	_ =	sdelay $0x1  }
0x360: {  	s15 =	ssub.f32 s15, s17;
	_ =	sdelay $0x1  }
0x361: {  	s15 =	sadd.f32 $9.999999740e-06, s15;
	_ =	sdelay $0x1  }
0x362: {  	v26 =	vmov s15  }
0x363: {  	v27 =	vshra.s32 v26, $0x1;
	v12 =	vmul.f32 $5.000000000e-01, v26  }
0x364: {  	v13 =	vsub.s32 $0x5F3759DF, v27  }
0x365: {  	v28 =	vmul.f32 v13, v12;
	_ =	sdelay $0x1  }
0x366: {  	v15 =	vmul.f32 v13, v28;
	_ =	sdelay $0x1  }
0x367: {  	v15 =	vsub.f32 $1.500000000e+00, v15;
	_ =	sdelay $0x1  }
0x368: {  	v13 =	vmul.f32 v13, v15  }
0x369: {  	(v2sf) =	vpush v8, $0x1  }
0x36a: {  	v12 =	vmul.f32 v13, v12;
	_ =	sdelay $0x1  }
0x36b: {  	v12 =	vmul.f32 v12, v13;
	_ =	sdelay $0x1  }
0x36c: {  	v12 =	vsub.f32 $1.500000000e+00, v12;
	_ =	sdelay $0x1  }
0x36d: {  	v12 =	vmul.f32 v12, v13  }
0x36e: {  	v29 =	vmov s4  }
0x36f: {  	v9 =	vsub.f32 v9, v29;
	v30 =	vmul.f32 v12, v0  }
0x370: {  	v10 =	vsub.f32 v62, v29;
	v31 =	vmul.f32 v12, v1  }
0x371: {  	v11 =	vsub.f32 v63, v29;
	v32 =	vmul.f32 v12, v2;
	v9 =	vmul.f32 v30, v9  }
0x372: {  	v13 =	vsub.f32 v20, v29;
	v12 =	vmul.f32 v12, v3;
	v10 =	vmul.f32 v31, v10  }
0x373: {  	v11 =	vmul.f32 v32, v11;
	v9 =	vadd.f32 v9, v4  }
0x374: {  	s4 =	sadd.s32 $0xFF0000BA, s30;
	s15 =	sadd.s32 $0xFFFFFFF2, s30;
	v12 =	vmul.f32 v12, v13;
	v10 =	vadd.f32 v10, v5  }
0x375: {  	s15 =	smov.u32 @p0 s4;
	s17 =	spop (v2sf);
	v33 =	vadd.f32 v11, v6;
	[tilespmem:s1+$0x6A40] =	vst v9  }
0x376: {  	v35 =	vld [tilespmem:s1+$0x6A80];
	s4 =	sadd.s32 s15, s17;
	v34 =	vadd.f32 v12, v7;
	[tilespmem:s1+$0x6A50] =	vst v10  }
0x377: {  	v36 =	vld [tilespmem:s1+$0x6A90];
	s4 =	sshll.u32 s4, $0x8;
	[tilespmem:s1+$0x6A60] =	vst v33  }
0x378: {  	v38 =	vld [tilespmem:s1+$0x6AA0];
	s4 =	sshra.s32 s4, $0x2;
	[tilespmem:s1+$0x6A70] =	vst v34  }
0x379: {  	v10 =	vld [tilespmem:s4+$0xCE40]  }
0x37a: {  	v37 =	vld [tilespmem:s4+$0xCE50]  }
0x37b: {  	v40 =	vld [tilespmem:s1+$0x6AB0]  }
0x37c: {  	v39 =	vld [tilespmem:s4+$0xCE60]  }
0x37d: {  	v41 =	vld [tilespmem:s4+$0xCE70];
	_ =	sdelay $0x1  }
0x37e: {  	v9 =	vadd.f32 v10, v35;
	v42 =	vadd.f32 v37, v36;
	_ =	sdelay $0x1  }
0x37f: {  	v43 =	vadd.f32 v39, v38;
	v44 =	vmul.f32 v9, v9;
	v45 =	vmul.f32 v42, v42  }
0x380: {  	v46 =	vadd.f32 v41, v40  }
0x381: {  	v47 =	vmul.f32 v43, v43;
	v12 =	vadd.f32 v45, v44  }
0x382: {  	v48 =	vadd.f32 v42, v9;
	v16 =	vadd.f32 v46, v43  }
0x383: {  	v49 =	vmul.f32 v46, v46;
	v12 =	vadd.f32 v47, v12  }
0x384: {  	v15 =	vadd.f32 v16, v48  }
0x385: {  	v12 =	vadd.f32 v49, v12  }
0x386: {  	(xrf2) =	vadd.scan.msk.f32 $0xffff, v15  }
0x387: {  	(xrf2) =	vadd.scan.msk.f32 $0xffff, v12;
	_ =	sdelay $0x8  }
0x388: {  	v50, _, _ =	vpop (xrf2)  }
0x389: {  	(v2sf) =	vpush v50, $0xF;
	v51, _, _ =	vpop (xrf2)  }
0x38a: {  	(v2sf) =	vpush v51, $0xF;
	_ =	sdelay $0xd  }
0x38b: {  	s15 =	spop (v2sf)  }
0x38c: {  	s4 =	smul.f32 $1.562500000e-02, s15;
	s17 =	spop (v2sf)  }
0x38d: {  	s15 =	smul.f32 $1.562500000e-02, s17  }
0x38e: {  	s17 =	smul.f32 s4, s4;
	_ =	sdelay $0x1  }
0x38f: {  	s15 =	ssub.f32 s15, s17;
	_ =	sdelay $0x1  }
0x390: {  	s15 =	sadd.f32 $9.999999740e-06, s15;
	_ =	sdelay $0x1  }
0x391: {  	v52 =	vmov s15  }
0x392: {  	v53 =	vshra.s32 v52, $0x1;
	v12 =	vmul.f32 $5.000000000e-01, v52  }
0x393: {  	v13 =	vsub.s32 $0x5F3759DF, v53  }
0x394: {  	v54 =	vmul.f32 v13, v12;
	_ =	sdelay $0x1  }
0x395: {  	v15 =	vmul.f32 v13, v54;
	_ =	sdelay $0x1  }
0x396: {  	v15 =	vsub.f32 $1.500000000e+00, v15;
	_ =	sdelay $0x1  }
0x397: {  	v13 =	vmul.f32 v13, v15  }
0x398: {  	(v2sf) =	vpush v8, $0x2  }
0x399: {  	v12 =	vmul.f32 v13, v12;
	_ =	sdelay $0x1  }
0x39a: {  	v12 =	vmul.f32 v12, v13;
	_ =	sdelay $0x1  }
0x39b: {  	v12 =	vsub.f32 $1.500000000e+00, v12;
	_ =	sdelay $0x1  }
0x39c: {  	v12 =	vmul.f32 v12, v13  }
0x39d: {  	v55 =	vmov s4  }
0x39e: {  	v9 =	vsub.f32 v9, v55;
	v56 =	vmul.f32 v12, v0  }
0x39f: {  	v10 =	vsub.f32 v42, v55;
	v57 =	vmul.f32 v12, v1  }
0x3a0: {  	v11 =	vsub.f32 v43, v55;
	v58 =	vmul.f32 v12, v2;
	v9 =	vmul.f32 v56, v9  }
0x3a1: {  	v13 =	vsub.f32 v46, v55;
	v12 =	vmul.f32 v12, v3;
	v10 =	vmul.f32 v57, v10  }
0x3a2: {  	v11 =	vmul.f32 v58, v11;
	v9 =	vadd.f32 v9, v4  }
0x3a3: {  	s4 =	sadd.s32 $0xFF0000BB, s30;
	s15 =	sadd.s32 $0xFFFFFFF3, s30;
	v12 =	vmul.f32 v12, v13;
	v10 =	vadd.f32 v10, v5  }
0x3a4: {  	s15 =	smov.u32 @p0 s4;
	s17 =	spop (v2sf);
	v59 =	vadd.f32 v11, v6;
	[tilespmem:s1+$0x6A80] =	vst v9  }
0x3a5: {  	v61 =	vld [tilespmem:s1+$0x6AC0];
	s4 =	sadd.s32 s15, s17;
	v60 =	vadd.f32 v12, v7;
	[tilespmem:s1+$0x6A90] =	vst v10  }
0x3a6: {  	v22 =	vld [tilespmem:s1+$0x6AF0];
	s4 =	sshll.u32 s4, $0x8;
	[tilespmem:s1+$0x6AA0] =	vst v59  }
0x3a7: {  	v62 =	vld [tilespmem:s1+$0x6AD0];
	s4 =	sshra.s32 s4, $0x2;
	[tilespmem:s1+$0x6AB0] =	vst v60  }
0x3a8: {  	v10 =	vld [tilespmem:s4+$0xCE40]  }
0x3a9: {  	v63 =	vld [tilespmem:s4+$0xCE50]  }
0x3aa: {  	v20 =	vld [tilespmem:s1+$0x6AE0]  }
0x3ab: {  	v21 =	vld [tilespmem:s4+$0xCE60]  }
0x3ac: {  	v23 =	vld [tilespmem:s4+$0xCE70];
	_ =	sdelay $0x1  }
0x3ad: {  	v9 =	vadd.f32 v10, v61;
	v24 =	vadd.f32 v63, v62;
	_ =	sdelay $0x1  }
0x3ae: {  	v25 =	vadd.f32 v21, v20;
	v26 =	vmul.f32 v9, v9;
	v27 =	vmul.f32 v24, v24  }
0x3af: {  	v28 =	vadd.f32 v23, v22  }
0x3b0: {  	v29 =	vmul.f32 v25, v25;
	v12 =	vadd.f32 v27, v26  }
0x3b1: {  	v30 =	vadd.f32 v24, v9;
	v16 =	vadd.f32 v28, v25  }
0x3b2: {  	v31 =	vmul.f32 v28, v28;
	v12 =	vadd.f32 v29, v12  }
0x3b3: {  	v15 =	vadd.f32 v16, v30  }
0x3b4: {  	v12 =	vadd.f32 v31, v12  }
0x3b5: {  	(xrf2) =	vadd.scan.msk.f32 $0xffff, v15  }
0x3b6: {  	(xrf2) =	vadd.scan.msk.f32 $0xffff, v12;
	_ =	sdelay $0x8  }
0x3b7: {  	v32, _, _ =	vpop (xrf2)  }
0x3b8: {  	(v2sf) =	vpush v32, $0xF;
	v33, _, _ =	vpop (xrf2)  }
0x3b9: {  	(v2sf) =	vpush v33, $0xF;
	_ =	sdelay $0xd  }
0x3ba: {  	s15 =	spop (v2sf)  }
0x3bb: {  	s4 =	smul.f32 $1.562500000e-02, s15;
	s17 =	spop (v2sf)  }
0x3bc: {  	s15 =	smul.f32 $1.562500000e-02, s17  }
0x3bd: {  	s17 =	smul.f32 s4, s4;
	_ =	sdelay $0x1  }
0x3be: {  	s15 =	ssub.f32 s15, s17;
	_ =	sdelay $0x1  }
0x3bf: {  	s15 =	sadd.f32 $9.999999740e-06, s15;
	_ =	sdelay $0x1  }
0x3c0: {  	v34 =	vmov s15  }
0x3c1: {  	v35 =	vshra.s32 v34, $0x1;
	v12 =	vmul.f32 $5.000000000e-01, v34  }
0x3c2: {  	v13 =	vsub.s32 $0x5F3759DF, v35  }
0x3c3: {  	v36 =	vmul.f32 v13, v12;
	_ =	sdelay $0x1  }
0x3c4: {  	v15 =	vmul.f32 v13, v36;
	_ =	sdelay $0x1  }
0x3c5: {  	v15 =	vsub.f32 $1.500000000e+00, v15;
	_ =	sdelay $0x1  }
0x3c6: {  	v13 =	vmul.f32 v13, v15  }
0x3c7: {  	(v2sf) =	vpush v8, $0x3  }
0x3c8: {  	v12 =	vmul.f32 v13, v12;
	_ =	sdelay $0x1  }
0x3c9: {  	v12 =	vmul.f32 v12, v13;
	_ =	sdelay $0x1  }
0x3ca: {  	v12 =	vsub.f32 $1.500000000e+00, v12;
	_ =	sdelay $0x1  }
0x3cb: {  	v12 =	vmul.f32 v12, v13  }
0x3cc: {  	v37 =	vmov s4  }
0x3cd: {  	v9 =	vsub.f32 v9, v37;
	v38 =	vmul.f32 v12, v0  }
0x3ce: {  	v10 =	vsub.f32 v24, v37;
	v39 =	vmul.f32 v12, v1  }
0x3cf: {  	v11 =	vsub.f32 v25, v37;
	v40 =	vmul.f32 v12, v2;
	v9 =	vmul.f32 v38, v9  }
0x3d0: {  	v13 =	vsub.f32 v28, v37;
	v12 =	vmul.f32 v12, v3;
	v10 =	vmul.f32 v39, v10  }
0x3d1: {  	v11 =	vmul.f32 v40, v11;
	v9 =	vadd.f32 v9, v4  }
0x3d2: {  	s4 =	sadd.s32 $0xFF0000BC, s30;
	s15 =	sadd.s32 $0xFFFFFFF4, s30;
	v12 =	vmul.f32 v12, v13;
	v10 =	vadd.f32 v10, v5  }
0x3d3: {  	s15 =	smov.u32 @p0 s4;
	s17 =	spop (v2sf);
	v41 =	vadd.f32 v11, v6;
	[tilespmem:s1+$0x6AC0] =	vst v9  }
0x3d4: {  	v44 =	vld [tilespmem:s1+$0x6B10];
	s4 =	sadd.s32 s15, s17;
	v42 =	vadd.f32 v12, v7;
	[tilespmem:s1+$0x6AD0] =	vst v10  }
0x3d5: {  	v48 =	vld [tilespmem:s1+$0x6B30];
	s4 =	sshll.u32 s4, $0x8;
	[tilespmem:s1+$0x6AE0] =	vst v41  }
0x3d6: {  	v43 =	vld [tilespmem:s1+$0x6B00];
	s4 =	sshra.s32 s4, $0x2;
	[tilespmem:s1+$0x6AF0] =	vst v42  }
0x3d7: {  	v10 =	vld [tilespmem:s4+$0xCE40]  }
0x3d8: {  	v45 =	vld [tilespmem:s4+$0xCE50]  }
0x3d9: {  	v46 =	vld [tilespmem:s1+$0x6B20]  }
0x3da: {  	v47 =	vld [tilespmem:s4+$0xCE60]  }
0x3db: {  	v49 =	vld [tilespmem:s4+$0xCE70];
	_ =	sdelay $0x1  }
0x3dc: {  	v9 =	vadd.f32 v10, v43;
	v50 =	vadd.f32 v45, v44;
	_ =	sdelay $0x1  }
0x3dd: {  	v51 =	vadd.f32 v47, v46;
	v52 =	vmul.f32 v9, v9;
	v53 =	vmul.f32 v50, v50  }
0x3de: {  	v54 =	vadd.f32 v49, v48  }
0x3df: {  	v55 =	vmul.f32 v51, v51;
	v12 =	vadd.f32 v53, v52  }
0x3e0: {  	v56 =	vadd.f32 v50, v9;
	v16 =	vadd.f32 v54, v51  }
0x3e1: {  	v57 =	vmul.f32 v54, v54;
	v12 =	vadd.f32 v55, v12  }
0x3e2: {  	v15 =	vadd.f32 v16, v56  }
0x3e3: {  	v12 =	vadd.f32 v57, v12  }
0x3e4: {  	(xrf2) =	vadd.scan.msk.f32 $0xffff, v15  }
0x3e5: {  	(xrf2) =	vadd.scan.msk.f32 $0xffff, v12;
	_ =	sdelay $0x8  }
0x3e6: {  	v58, _, _ =	vpop (xrf2)  }
0x3e7: {  	(v2sf) =	vpush v58, $0xF;
	v59, _, _ =	vpop (xrf2)  }
0x3e8: {  	(v2sf) =	vpush v59, $0xF;
	_ =	sdelay $0xd  }
0x3e9: {  	s15 =	spop (v2sf)  }
0x3ea: {  	s4 =	smul.f32 $1.562500000e-02, s15;
	s17 =	spop (v2sf)  }
0x3eb: {  	s15 =	smul.f32 $1.562500000e-02, s17  }
0x3ec: {  	s17 =	smul.f32 s4, s4;
	_ =	sdelay $0x1  }
0x3ed: {  	s15 =	ssub.f32 s15, s17;
	_ =	sdelay $0x1  }
0x3ee: {  	s15 =	sadd.f32 $9.999999740e-06, s15;
	_ =	sdelay $0x1  }
0x3ef: {  	v60 =	vmov s15  }
0x3f0: {  	v61 =	vshra.s32 v60, $0x1;
	v12 =	vmul.f32 $5.000000000e-01, v60  }
0x3f1: {  	v13 =	vsub.s32 $0x5F3759DF, v61  }
0x3f2: {  	v62 =	vmul.f32 v13, v12;
	_ =	sdelay $0x1  }
0x3f3: {  	v15 =	vmul.f32 v13, v62;
	_ =	sdelay $0x1  }
0x3f4: {  	v15 =	vsub.f32 $1.500000000e+00, v15;
	_ =	sdelay $0x1  }
0x3f5: {  	v13 =	vmul.f32 v13, v15  }
0x3f6: {  	(v2sf) =	vpush v8, $0x4  }
0x3f7: {  	v12 =	vmul.f32 v13, v12;
	_ =	sdelay $0x1  }
0x3f8: {  	v12 =	vmul.f32 v12, v13;
	_ =	sdelay $0x1  }
0x3f9: {  	v12 =	vsub.f32 $1.500000000e+00, v12;
	_ =	sdelay $0x1  }
0x3fa: {  	v12 =	vmul.f32 v12, v13  }
0x3fb: {  	v63 =	vmov s4  }
0x3fc: {  	v9 =	vsub.f32 v9, v63;
	v20 =	vmul.f32 v12, v0  }
0x3fd: {  	v10 =	vsub.f32 v50, v63;
	v21 =	vmul.f32 v12, v1  }
0x3fe: {  	v11 =	vsub.f32 v51, v63;
	v22 =	vmul.f32 v12, v2;
	v9 =	vmul.f32 v20, v9  }
0x3ff: {  	v13 =	vsub.f32 v54, v63;
	v12 =	vmul.f32 v12, v3;
	v10 =	vmul.f32 v21, v10  }
0x400: {  	v11 =	vmul.f32 v22, v11;
	v9 =	vadd.f32 v9, v4  }
0x401: {  	s4 =	sadd.s32 $0xFF0000BD, s30;
	s15 =	sadd.s32 $0xFFFFFFF5, s30;
	v12 =	vmul.f32 v12, v13;
	v10 =	vadd.f32 v10, v5  }
0x402: {  	s15 =	smov.u32 @p0 s4;
	s17 =	spop (v2sf);
	v23 =	vadd.f32 v11, v6;
	[tilespmem:s1+$0x6B00] =	vst v9  }
0x403: {  	v26 =	vld [tilespmem:s1+$0x6B50];
	s4 =	sadd.s32 s15, s17;
	v24 =	vadd.f32 v12, v7;
	[tilespmem:s1+$0x6B10] =	vst v10  }
0x404: {  	v30 =	vld [tilespmem:s1+$0x6B70];
	s4 =	sshll.u32 s4, $0x8;
	[tilespmem:s1+$0x6B20] =	vst v23  }
0x405: {  	v25 =	vld [tilespmem:s1+$0x6B40];
	s4 =	sshra.s32 s4, $0x2;
	[tilespmem:s1+$0x6B30] =	vst v24  }
0x406: {  	v10 =	vld [tilespmem:s4+$0xCE40]  }
0x407: {  	v27 =	vld [tilespmem:s4+$0xCE50]  }
0x408: {  	v28 =	vld [tilespmem:s1+$0x6B60]  }
0x409: {  	v29 =	vld [tilespmem:s4+$0xCE60]  }
0x40a: {  	v31 =	vld [tilespmem:s4+$0xCE70];
	_ =	sdelay $0x1  }
0x40b: {  	v9 =	vadd.f32 v10, v25;
	v32 =	vadd.f32 v27, v26;
	_ =	sdelay $0x1  }
0x40c: {  	v33 =	vadd.f32 v29, v28;
	v34 =	vmul.f32 v9, v9;
	v35 =	vmul.f32 v32, v32  }
0x40d: {  	v36 =	vadd.f32 v31, v30  }
0x40e: {  	v37 =	vmul.f32 v33, v33;
	v12 =	vadd.f32 v35, v34  }
0x40f: {  	v38 =	vadd.f32 v32, v9;
	v16 =	vadd.f32 v36, v33  }
0x410: {  	v39 =	vmul.f32 v36, v36;
	v12 =	vadd.f32 v37, v12  }
0x411: {  	v15 =	vadd.f32 v16, v38  }
0x412: {  	v12 =	vadd.f32 v39, v12  }
0x413: {  	(xrf2) =	vadd.scan.msk.f32 $0xffff, v15  }
0x414: {  	(xrf2) =	vadd.scan.msk.f32 $0xffff, v12;
	_ =	sdelay $0x8  }
0x415: {  	v40, _, _ =	vpop (xrf2)  }
0x416: {  	(v2sf) =	vpush v40, $0xF;
	v41, _, _ =	vpop (xrf2)  }
0x417: {  	(v2sf) =	vpush v41, $0xF;
	_ =	sdelay $0xd  }
0x418: {  	s15 =	spop (v2sf)  }
0x419: {  	s4 =	smul.f32 $1.562500000e-02, s15;
	s17 =	spop (v2sf)  }
0x41a: {  	s15 =	smul.f32 $1.562500000e-02, s17  }
0x41b: {  	s17 =	smul.f32 s4, s4;
	_ =	sdelay $0x1  }
0x41c: {  	s15 =	ssub.f32 s15, s17;
	_ =	sdelay $0x1  }
0x41d: {  	s15 =	sadd.f32 $9.999999740e-06, s15;
	_ =	sdelay $0x1  }
0x41e: {  	v42 =	vmov s15  }
0x41f: {  	v43 =	vshra.s32 v42, $0x1;
	v12 =	vmul.f32 $5.000000000e-01, v42  }
0x420: {  	v13 =	vsub.s32 $0x5F3759DF, v43  }
0x421: {  	v44 =	vmul.f32 v13, v12;
	_ =	sdelay $0x1  }
0x422: {  	v15 =	vmul.f32 v13, v44;
	_ =	sdelay $0x1  }
0x423: {  	v15 =	vsub.f32 $1.500000000e+00, v15;
	_ =	sdelay $0x1  }
0x424: {  	v13 =	vmul.f32 v13, v15  }
0x425: {  	(v2sf) =	vpush v8, $0x5  }
0x426: {  	v12 =	vmul.f32 v13, v12;
	_ =	sdelay $0x1  }
0x427: {  	v12 =	vmul.f32 v12, v13;
	_ =	sdelay $0x1  }
0x428: {  	v12 =	vsub.f32 $1.500000000e+00, v12;
	_ =	sdelay $0x1  }
0x429: {  	v12 =	vmul.f32 v12, v13  }
0x42a: {  	v45 =	vmov s4  }
0x42b: {  	v9 =	vsub.f32 v9, v45;
	v46 =	vmul.f32 v12, v0  }
0x42c: {  	v10 =	vsub.f32 v32, v45;
	v47 =	vmul.f32 v12, v1  }
0x42d: {  	v11 =	vsub.f32 v33, v45;
	v48 =	vmul.f32 v12, v2;
	v9 =	vmul.f32 v46, v9  }
0x42e: {  	v13 =	vsub.f32 v36, v45;
	v12 =	vmul.f32 v12, v3;
	v10 =	vmul.f32 v47, v10  }
0x42f: {  	v11 =	vmul.f32 v48, v11;
	v9 =	vadd.f32 v9, v4  }
0x430: {  	s4 =	sadd.s32 $0xFF0000BE, s30;
	s15 =	sadd.s32 $0xFFFFFFF6, s30;
	v12 =	vmul.f32 v12, v13;
	v10 =	vadd.f32 v10, v5  }
0x431: {  	s15 =	smov.u32 @p0 s4;
	s17 =	spop (v2sf);
	v49 =	vadd.f32 v11, v6;
	[tilespmem:s1+$0x6B40] =	vst v9  }
0x432: {  	v52 =	vld [tilespmem:s1+$0x6B90];
	s4 =	sadd.s32 s15, s17;
	v50 =	vadd.f32 v12, v7;
	[tilespmem:s1+$0x6B50] =	vst v10  }
0x433: {  	v56 =	vld [tilespmem:s1+$0x6BB0];
	s4 =	sshll.u32 s4, $0x8;
	[tilespmem:s1+$0x6B60] =	vst v49  }
0x434: {  	v51 =	vld [tilespmem:s1+$0x6B80];
	s4 =	sshra.s32 s4, $0x2;
	[tilespmem:s1+$0x6B70] =	vst v50  }
0x435: {  	v10 =	vld [tilespmem:s4+$0xCE40]  }
0x436: {  	v53 =	vld [tilespmem:s4+$0xCE50]  }
0x437: {  	v54 =	vld [tilespmem:s1+$0x6BA0]  }
0x438: {  	v55 =	vld [tilespmem:s4+$0xCE60]  }
0x439: {  	v57 =	vld [tilespmem:s4+$0xCE70];
	_ =	sdelay $0x1  }
0x43a: {  	v9 =	vadd.f32 v10, v51;
	v58 =	vadd.f32 v53, v52;
	_ =	sdelay $0x1  }
0x43b: {  	v59 =	vadd.f32 v55, v54;
	v60 =	vmul.f32 v9, v9;
	v61 =	vmul.f32 v58, v58  }
0x43c: {  	v62 =	vadd.f32 v57, v56  }
0x43d: {  	v63 =	vmul.f32 v59, v59;
	v12 =	vadd.f32 v61, v60  }
0x43e: {  	v20 =	vadd.f32 v58, v9;
	v16 =	vadd.f32 v62, v59  }
0x43f: {  	v21 =	vmul.f32 v62, v62;
	v12 =	vadd.f32 v63, v12  }
0x440: {  	v15 =	vadd.f32 v16, v20  }
0x441: {  	v12 =	vadd.f32 v21, v12  }
0x442: {  	(xrf2) =	vadd.scan.msk.f32 $0xffff, v15  }
0x443: {  	(xrf2) =	vadd.scan.msk.f32 $0xffff, v12;
	_ =	sdelay $0x8  }
0x444: {  	v22, _, _ =	vpop (xrf2)  }
0x445: {  	(v2sf) =	vpush v22, $0xF;
	v23, _, _ =	vpop (xrf2)  }
0x446: {  	(v2sf) =	vpush v23, $0xF;
	_ =	sdelay $0xd  }
0x447: {  	s15 =	spop (v2sf)  }
0x448: {  	s4 =	smul.f32 $1.562500000e-02, s15;
	s17 =	spop (v2sf)  }
0x449: {  	s15 =	smul.f32 $1.562500000e-02, s17  }
0x44a: {  	s17 =	smul.f32 s4, s4;
	_ =	sdelay $0x1  }
0x44b: {  	s15 =	ssub.f32 s15, s17;
	_ =	sdelay $0x1  }
0x44c: {  	s15 =	sadd.f32 $9.999999740e-06, s15;
	_ =	sdelay $0x1  }
0x44d: {  	v24 =	vmov s15  }
0x44e: {  	v25 =	vshra.s32 v24, $0x1;
	v12 =	vmul.f32 $5.000000000e-01, v24  }
0x44f: {  	v13 =	vsub.s32 $0x5F3759DF, v25  }
0x450: {  	v26 =	vmul.f32 v13, v12;
	_ =	sdelay $0x1  }
0x451: {  	v15 =	vmul.f32 v13, v26;
	_ =	sdelay $0x1  }
0x452: {  	v15 =	vsub.f32 $1.500000000e+00, v15;
	_ =	sdelay $0x1  }
0x453: {  	v13 =	vmul.f32 v13, v15  }
0x454: {  	(v2sf) =	vpush v8, $0x6  }
0x455: {  	v12 =	vmul.f32 v13, v12;
	_ =	sdelay $0x1  }
0x456: {  	v12 =	vmul.f32 v12, v13;
	_ =	sdelay $0x1  }
0x457: {  	v12 =	vsub.f32 $1.500000000e+00, v12;
	_ =	sdelay $0x1  }
0x458: {  	v12 =	vmul.f32 v12, v13  }
0x459: {  	v27 =	vmov s4  }
0x45a: {  	v9 =	vsub.f32 v9, v27;
	v28 =	vmul.f32 v12, v0  }
0x45b: {  	v10 =	vsub.f32 v58, v27;
	v29 =	vmul.f32 v12, v1  }
0x45c: {  	v11 =	vsub.f32 v59, v27;
	v30 =	vmul.f32 v12, v2;
	v9 =	vmul.f32 v28, v9  }
0x45d: {  	v13 =	vsub.f32 v62, v27;
	v12 =	vmul.f32 v12, v3;
	v10 =	vmul.f32 v29, v10  }
0x45e: {  	v11 =	vmul.f32 v30, v11;
	v9 =	vadd.f32 v9, v4  }
0x45f: {  	s4 =	sadd.s32 $0xFF0000BF, s30;
	s15 =	sadd.s32 $0xFFFFFFF7, s30;
	v12 =	vmul.f32 v12, v13;
	v10 =	vadd.f32 v10, v5  }
0x460: {  	s15 =	smov.u32 @p0 s4;
	s17 =	spop (v2sf);
	v31 =	vadd.f32 v11, v6;
	[tilespmem:s1+$0x6B80] =	vst v9  }
0x461: {  	v34 =	vld [tilespmem:s1+$0x6BD0];
	s4 =	sadd.s32 s15, s17;
	v32 =	vadd.f32 v12, v7;
	[tilespmem:s1+$0x6B90] =	vst v10  }
0x462: {  	v38 =	vld [tilespmem:s1+$0x6BF0];
	s4 =	sshll.u32 s4, $0x8;
	[tilespmem:s1+$0x6BA0] =	vst v31  }
0x463: {  	v33 =	vld [tilespmem:s1+$0x6BC0];
	s4 =	sshra.s32 s4, $0x2;
	[tilespmem:s1+$0x6BB0] =	vst v32  }
0x464: {  	v10 =	vld [tilespmem:s4+$0xCE40]  }
0x465: {  	v35 =	vld [tilespmem:s4+$0xCE50]  }
0x466: {  	v36 =	vld [tilespmem:s1+$0x6BE0]  }
0x467: {  	v37 =	vld [tilespmem:s4+$0xCE60]  }
0x468: {  	v39 =	vld [tilespmem:s4+$0xCE70];
	_ =	sdelay $0x1  }
0x469: {  	v9 =	vadd.f32 v10, v33;
	v40 =	vadd.f32 v35, v34;
	_ =	sdelay $0x1  }
0x46a: {  	v41 =	vadd.f32 v37, v36;
	v42 =	vmul.f32 v9, v9;
	v43 =	vmul.f32 v40, v40  }
0x46b: {  	v44 =	vadd.f32 v39, v38  }
0x46c: {  	v45 =	vmul.f32 v41, v41;
	v12 =	vadd.f32 v43, v42  }
0x46d: {  	v46 =	vadd.f32 v40, v9;
	v16 =	vadd.f32 v44, v41  }
0x46e: {  	v47 =	vmul.f32 v44, v44;
	v12 =	vadd.f32 v45, v12  }
0x46f: {  	v15 =	vadd.f32 v16, v46  }
0x470: {  	v12 =	vadd.f32 v47, v12  }
0x471: {  	(xrf2) =	vadd.scan.msk.f32 $0xffff, v15  }
0x472: {  	(xrf2) =	vadd.scan.msk.f32 $0xffff, v12;
	_ =	sdelay $0x8  }
0x473: {  	v48, _, _ =	vpop (xrf2)  }
0x474: {  	(v2sf) =	vpush v48, $0xF;
	v49, _, _ =	vpop (xrf2)  }
0x475: {  	(v2sf) =	vpush v49, $0xF;
	_ =	sdelay $0xd  }
0x476: {  	s15 =	spop (v2sf)  }
0x477: {  	s4 =	smul.f32 $1.562500000e-02, s15;
	s17 =	spop (v2sf)  }
0x478: {  	s15 =	smul.f32 $1.562500000e-02, s17  }
0x479: {  	s17 =	smul.f32 s4, s4;
	_ =	sdelay $0x1  }
0x47a: {  	s15 =	ssub.f32 s15, s17;
	_ =	sdelay $0x1  }
0x47b: {  	s15 =	sadd.f32 $9.999999740e-06, s15;
	_ =	sdelay $0x1  }
0x47c: {  	v50 =	vmov s15  }
0x47d: {  	v51 =	vshra.s32 v50, $0x1;
	v12 =	vmul.f32 $5.000000000e-01, v50  }
0x47e: {  	v13 =	vsub.s32 $0x5F3759DF, v51  }
0x47f: {  	v52 =	vmul.f32 v13, v12;
	_ =	sdelay $0x1  }
0x480: {  	v15 =	vmul.f32 v13, v52;
	_ =	sdelay $0x1  }
0x481: {  	v15 =	vsub.f32 $1.500000000e+00, v15;
	_ =	sdelay $0x1  }
0x482: {  	v13 =	vmul.f32 v13, v15  }
0x483: {  	(v2sf) =	vpush v8, $0x7  }
0x484: {  	v12 =	vmul.f32 v13, v12;
	_ =	sdelay $0x1  }
0x485: {  	v12 =	vmul.f32 v12, v13;
	_ =	sdelay $0x1  }
0x486: {  	v12 =	vsub.f32 $1.500000000e+00, v12;
	_ =	sdelay $0x1  }
0x487: {  	v12 =	vmul.f32 v12, v13  }
0x488: {  	v53 =	vmov s4  }
0x489: {  	v9 =	vsub.f32 v9, v53;
	v54 =	vmul.f32 v12, v0  }
0x48a: {  	v10 =	vsub.f32 v40, v53;
	v55 =	vmul.f32 v12, v1  }
0x48b: {  	v11 =	vsub.f32 v41, v53;
	v56 =	vmul.f32 v12, v2;
	v9 =	vmul.f32 v54, v9  }
0x48c: {  	v13 =	vsub.f32 v44, v53;
	v12 =	vmul.f32 v12, v3;
	v10 =	vmul.f32 v55, v10  }
0x48d: {  	v11 =	vmul.f32 v56, v11;
	v9 =	vadd.f32 v9, v4  }
0x48e: {  	s4 =	sadd.s32 $0xFF0000C0, s30;
	s15 =	sadd.s32 $0xFFFFFFF8, s30;
	v12 =	vmul.f32 v12, v13;
	v10 =	vadd.f32 v10, v5  }
0x48f: {  	s15 =	smov.u32 @p0 s4;
	s17 =	spop (v2sf);
	v57 =	vadd.f32 v11, v6;
	[tilespmem:s1+$0x6BC0] =	vst v9  }
0x490: {  	v60 =	vld [tilespmem:s1+$0x6C10];
	s4 =	sadd.s32 s15, s17;
	v58 =	vadd.f32 v12, v7;
	[tilespmem:s1+$0x6BD0] =	vst v10  }
0x491: {  	v20 =	vld [tilespmem:s1+$0x6C30];
	s4 =	sshll.u32 s4, $0x8;
	[tilespmem:s1+$0x6BE0] =	vst v57  }
0x492: {  	v59 =	vld [tilespmem:s1+$0x6C00];
	s4 =	sshra.s32 s4, $0x2;
	[tilespmem:s1+$0x6BF0] =	vst v58  }
0x493: {  	v10 =	vld [tilespmem:s4+$0xCE40]  }
0x494: {  	v61 =	vld [tilespmem:s4+$0xCE50]  }
0x495: {  	v62 =	vld [tilespmem:s1+$0x6C20]  }
0x496: {  	v63 =	vld [tilespmem:s4+$0xCE60]  }
0x497: {  	v21 =	vld [tilespmem:s4+$0xCE70];
	_ =	sdelay $0x1  }
0x498: {  	v9 =	vadd.f32 v10, v59;
	v22 =	vadd.f32 v61, v60;
	_ =	sdelay $0x1  }
0x499: {  	v23 =	vadd.f32 v63, v62;
	v24 =	vmul.f32 v9, v9;
	v25 =	vmul.f32 v22, v22  }
0x49a: {  	v26 =	vadd.f32 v21, v20  }
0x49b: {  	v27 =	vmul.f32 v23, v23;
	v12 =	vadd.f32 v25, v24  }
0x49c: {  	v28 =	vadd.f32 v22, v9;
	v16 =	vadd.f32 v26, v23  }
0x49d: {  	v29 =	vmul.f32 v26, v26;
	v12 =	vadd.f32 v27, v12  }
0x49e: {  	v15 =	vadd.f32 v16, v28  }
0x49f: {  	v12 =	vadd.f32 v29, v12  }
0x4a0: {  	(xrf2) =	vadd.scan.msk.f32 $0xffff, v15  }
0x4a1: {  	(xrf2) =	vadd.scan.msk.f32 $0xffff, v12;
	_ =	sdelay $0x8  }
0x4a2: {  	v30, _, _ =	vpop (xrf2)  }
0x4a3: {  	(v2sf) =	vpush v30, $0xF;
	v31, _, _ =	vpop (xrf2)  }
0x4a4: {  	(v2sf) =	vpush v31, $0xF;
	_ =	sdelay $0xd  }
0x4a5: {  	s15 =	spop (v2sf)  }
0x4a6: {  	s4 =	smul.f32 $1.562500000e-02, s15;
	s17 =	spop (v2sf)  }
0x4a7: {  	s15 =	smul.f32 $1.562500000e-02, s17  }
0x4a8: {  	s17 =	smul.f32 s4, s4;
	_ =	sdelay $0x1  }
0x4a9: {  	s15 =	ssub.f32 s15, s17;
	_ =	sdelay $0x1  }
0x4aa: {  	s15 =	sadd.f32 $9.999999740e-06, s15;
	_ =	sdelay $0x1  }
0x4ab: {  	v32 =	vmov s15  }
0x4ac: {  	v33 =	vshra.s32 v32, $0x1;
	v12 =	vmul.f32 $5.000000000e-01, v32  }
0x4ad: {  	v13 =	vsub.s32 $0x5F3759DF, v33  }
0x4ae: {  	v34 =	vmul.f32 v13, v12;
	_ =	sdelay $0x1  }
0x4af: {  	v15 =	vmul.f32 v13, v34;
	_ =	sdelay $0x1  }
0x4b0: {  	v15 =	vsub.f32 $1.500000000e+00, v15;
	_ =	sdelay $0x1  }
0x4b1: {  	v13 =	vmul.f32 v13, v15  }
0x4b2: {  	(v2sf) =	vpush v8, $0x8  }
0x4b3: {  	v12 =	vmul.f32 v13, v12;
	_ =	sdelay $0x1  }
0x4b4: {  	v12 =	vmul.f32 v12, v13;
	_ =	sdelay $0x1  }
0x4b5: {  	v12 =	vsub.f32 $1.500000000e+00, v12;
	_ =	sdelay $0x1  }
0x4b6: {  	v12 =	vmul.f32 v12, v13  }
0x4b7: {  	v35 =	vmov s4  }
0x4b8: {  	v9 =	vsub.f32 v9, v35;
	v36 =	vmul.f32 v12, v0  }
0x4b9: {  	v10 =	vsub.f32 v22, v35;
	v37 =	vmul.f32 v12, v1  }
0x4ba: {  	v11 =	vsub.f32 v23, v35;
	v38 =	vmul.f32 v12, v2;
	v9 =	vmul.f32 v36, v9  }
0x4bb: {  	v13 =	vsub.f32 v26, v35;
	v12 =	vmul.f32 v12, v3;
	v10 =	vmul.f32 v37, v10  }
0x4bc: {  	s4 =	sadd.s32 $0xFF0000C1, s30;
	v11 =	vmul.f32 v38, v11;
	v9 =	vadd.f32 v9, v4  }
0x4bd: {  	p0 =	slt.u32 s4, $0xC8;
	s15 =	sadd.s32 $0xFFFFFFF9, s30;
	v12 =	vmul.f32 v12, v13;
	v10 =	vadd.f32 v10, v5  }
0x4be: {  	s15 =	smov.u32 @p0 s4;
	s17 =	spop (v2sf);
	v39 =	vadd.f32 v11, v6;
	[tilespmem:s1+$0x6C00] =	vst v9  }
0x4bf: {  	v42 =	vld [tilespmem:s1+$0x6C50];
	s4 =	sadd.s32 s15, s17;
	v40 =	vadd.f32 v12, v7;
	[tilespmem:s1+$0x6C10] =	vst v10  }
0x4c0: {  	v46 =	vld [tilespmem:s1+$0x6C70];
	s4 =	sshll.u32 s4, $0x8;
	[tilespmem:s1+$0x6C20] =	vst v39  }
0x4c1: {  	v41 =	vld [tilespmem:s1+$0x6C40];
	s4 =	sshra.s32 s4, $0x2;
	[tilespmem:s1+$0x6C30] =	vst v40  }
0x4c2: {  	v10 =	vld [tilespmem:s4+$0xCE40]  }
0x4c3: {  	v43 =	vld [tilespmem:s4+$0xCE50]  }
0x4c4: {  	v44 =	vld [tilespmem:s1+$0x6C60]  }
0x4c5: {  	v45 =	vld [tilespmem:s4+$0xCE60]  }
0x4c6: {  	v47 =	vld [tilespmem:s4+$0xCE70];
	_ =	sdelay $0x1  }
0x4c7: {  	v9 =	vadd.f32 v10, v41;
	v48 =	vadd.f32 v43, v42;
	_ =	sdelay $0x1  }
0x4c8: {  	v49 =	vadd.f32 v45, v44;
	v50 =	vmul.f32 v9, v9;
	v51 =	vmul.f32 v48, v48  }
0x4c9: {  	v52 =	vadd.f32 v47, v46  }
0x4ca: {  	v53 =	vmul.f32 v49, v49;
	v12 =	vadd.f32 v51, v50  }
0x4cb: {  	v54 =	vadd.f32 v48, v9;
	v16 =	vadd.f32 v52, v49  }
0x4cc: {  	v55 =	vmul.f32 v52, v52;
	v12 =	vadd.f32 v53, v12  }
0x4cd: {  	v15 =	vadd.f32 v16, v54  }
0x4ce: {  	v12 =	vadd.f32 v55, v12  }
0x4cf: {  	(xrf2) =	vadd.scan.msk.f32 $0xffff, v15  }
0x4d0: {  	(xrf2) =	vadd.scan.msk.f32 $0xffff, v12;
	_ =	sdelay $0x8  }
0x4d1: {  	v56, _, _ =	vpop (xrf2)  }
0x4d2: {  	(v2sf) =	vpush v56, $0xF;
	v57, _, _ =	vpop (xrf2)  }
0x4d3: {  	(v2sf) =	vpush v57, $0xF;
	_ =	sdelay $0xd  }
0x4d4: {  	s15 =	spop (v2sf)  }
0x4d5: {  	s4 =	smul.f32 $1.562500000e-02, s15;
	s17 =	spop (v2sf)  }
0x4d6: {  	s15 =	smul.f32 $1.562500000e-02, s17  }
0x4d7: {  	s17 =	smul.f32 s4, s4;
	_ =	sdelay $0x1  }
0x4d8: {  	s15 =	ssub.f32 s15, s17;
	_ =	sdelay $0x1  }
0x4d9: {  	s15 =	sadd.f32 $9.999999740e-06, s15;
	_ =	sdelay $0x1  }
0x4da: {  	v58 =	vmov s15  }
0x4db: {  	v59 =	vshra.s32 v58, $0x1;
	v12 =	vmul.f32 $5.000000000e-01, v58  }
0x4dc: {  	v13 =	vsub.s32 $0x5F3759DF, v59  }
0x4dd: {  	v60 =	vmul.f32 v13, v12;
	_ =	sdelay $0x1  }
0x4de: {  	v15 =	vmul.f32 v13, v60;
	_ =	sdelay $0x1  }
0x4df: {  	v15 =	vsub.f32 $1.500000000e+00, v15;
	_ =	sdelay $0x1  }
0x4e0: {  	v13 =	vmul.f32 v13, v15  }
0x4e1: {  	(v2sf) =	vpush v8, $0x9  }
0x4e2: {  	v12 =	vmul.f32 v13, v12;
	_ =	sdelay $0x1  }
0x4e3: {  	v12 =	vmul.f32 v12, v13;
	_ =	sdelay $0x1  }
0x4e4: {  	v12 =	vsub.f32 $1.500000000e+00, v12;
	_ =	sdelay $0x1  }
0x4e5: {  	v12 =	vmul.f32 v12, v13  }
0x4e6: {  	v61 =	vmov s4  }
0x4e7: {  	v9 =	vsub.f32 v9, v61;
	v62 =	vmul.f32 v12, v0  }
0x4e8: {  	v10 =	vsub.f32 v48, v61;
	v63 =	vmul.f32 v12, v1  }
0x4e9: {  	v11 =	vsub.f32 v49, v61;
	v19 =	vmul.f32 v12, v2;
	v9 =	vmul.f32 v62, v9  }
0x4ea: {  	v13 =	vsub.f32 v52, v61;
	v12 =	vmul.f32 v12, v3;
	v10 =	vmul.f32 v63, v10  }
0x4eb: {  	s4 =	sadd.s32 $0xFF0000C2, s30;
	v11 =	vmul.f32 v19, v11;
	v9 =	vadd.f32 v9, v4  }
0x4ec: {  	p0 =	slt.u32 s4, $0xC8;
	s15 =	sadd.s32 $0xFFFFFFFA, s30;
	v12 =	vmul.f32 v12, v13;
	v10 =	vadd.f32 v10, v5  }
0x4ed: {  	s15 =	smov.u32 @p0 s4;
	s17 =	spop (v2sf);
	v20 =	vadd.f32 v11, v6;
	[tilespmem:s1+$0x6C40] =	vst v9  }
0x4ee: {  	v25 =	vld [tilespmem:s1+$0x6CA0];
	s4 =	sadd.s32 s15, s17;
	v21 =	vadd.f32 v12, v7;
	[tilespmem:s1+$0x6C50] =	vst v10  }
0x4ef: {  	v22 =	vld [tilespmem:s1+$0x6C80];
	s4 =	sshll.u32 s4, $0x8;
	[tilespmem:s1+$0x6C60] =	vst v20  }
0x4f0: {  	v23 =	vld [tilespmem:s1+$0x6C90];
	s4 =	sshra.s32 s4, $0x2;
	[tilespmem:s1+$0x6C70] =	vst v21  }
0x4f1: {  	v10 =	vld [tilespmem:s4+$0xCE40]  }
0x4f2: {  	v24 =	vld [tilespmem:s4+$0xCE50]  }
0x4f3: {  	v27 =	vld [tilespmem:s1+$0x6CB0]  }
0x4f4: {  	v26 =	vld [tilespmem:s4+$0xCE60]  }
0x4f5: {  	v28 =	vld [tilespmem:s4+$0xCE70];
	_ =	sdelay $0x1  }
0x4f6: {  	v9 =	vadd.f32 v10, v22;
	v29 =	vadd.f32 v24, v23;
	_ =	sdelay $0x1  }
0x4f7: {  	v30 =	vadd.f32 v26, v25;
	v31 =	vmul.f32 v9, v9;
	v32 =	vmul.f32 v29, v29  }
0x4f8: {  	v33 =	vadd.f32 v28, v27  }
0x4f9: {  	v34 =	vmul.f32 v30, v30;
	v12 =	vadd.f32 v32, v31  }
0x4fa: {  	v35 =	vadd.f32 v29, v9;
	v16 =	vadd.f32 v33, v30  }
0x4fb: {  	v36 =	vmul.f32 v33, v33;
	v12 =	vadd.f32 v34, v12  }
0x4fc: {  	v15 =	vadd.f32 v16, v35  }
0x4fd: {  	v12 =	vadd.f32 v36, v12  }
0x4fe: {  	(xrf2) =	vadd.scan.msk.f32 $0xffff, v15  }
0x4ff: {  	(xrf2) =	vadd.scan.msk.f32 $0xffff, v12;
	_ =	sdelay $0x8  }
0x500: {  	v37, _, _ =	vpop (xrf2)  }
0x501: {  	(v2sf) =	vpush v37, $0xF;
	v38, _, _ =	vpop (xrf2)  }
0x502: {  	(v2sf) =	vpush v38, $0xF;
	_ =	sdelay $0xd  }
0x503: {  	s15 =	spop (v2sf)  }
0x504: {  	s4 =	smul.f32 $1.562500000e-02, s15;
	s17 =	spop (v2sf)  }
0x505: {  	s15 =	smul.f32 $1.562500000e-02, s17  }
0x506: {  	s17 =	smul.f32 s4, s4;
	_ =	sdelay $0x1  }
0x507: {  	s15 =	ssub.f32 s15, s17;
	_ =	sdelay $0x1  }
0x508: {  	s15 =	sadd.f32 $9.999999740e-06, s15;
	_ =	sdelay $0x1  }
0x509: {  	v39 =	vmov s15  }
0x50a: {  	v40 =	vshra.s32 v39, $0x1;
	v12 =	vmul.f32 $5.000000000e-01, v39  }
0x50b: {  	v13 =	vsub.s32 $0x5F3759DF, v40  }
0x50c: {  	v41 =	vmul.f32 v13, v12;
	_ =	sdelay $0x1  }
0x50d: {  	v15 =	vmul.f32 v13, v41;
	_ =	sdelay $0x1  }
0x50e: {  	v15 =	vsub.f32 $1.500000000e+00, v15;
	_ =	sdelay $0x1  }
0x50f: {  	v13 =	vmul.f32 v13, v15  }
0x510: {  	(v2sf) =	vpush v8, $0xA  }
0x511: {  	v12 =	vmul.f32 v13, v12;
	_ =	sdelay $0x1  }
0x512: {  	v12 =	vmul.f32 v12, v13;
	_ =	sdelay $0x1  }
0x513: {  	v12 =	vsub.f32 $1.500000000e+00, v12;
	_ =	sdelay $0x1  }
0x514: {  	v12 =	vmul.f32 v12, v13  }
0x515: {  	v42 =	vmov s4  }
0x516: {  	v9 =	vsub.f32 v9, v42;
	v43 =	vmul.f32 v12, v0  }
0x517: {  	v10 =	vsub.f32 v29, v42;
	v44 =	vmul.f32 v12, v1  }
0x518: {  	v11 =	vsub.f32 v30, v42;
	v45 =	vmul.f32 v12, v2;
	v9 =	vmul.f32 v43, v9  }
0x519: {  	v13 =	vsub.f32 v33, v42;
	v12 =	vmul.f32 v12, v3;
	v10 =	vmul.f32 v44, v10  }
0x51a: {  	s4 =	sadd.s32 $0xFF0000C3, s30;
	v11 =	vmul.f32 v45, v11;
	v9 =	vadd.f32 v9, v4  }
0x51b: {  	p0 =	slt.u32 s4, $0xC8;
	s15 =	sadd.s32 $0xFFFFFFFB, s30;
	v12 =	vmul.f32 v12, v13;
	v10 =	vadd.f32 v10, v5  }
0x51c: {  	s15 =	smov.u32 @p0 s4;
	s17 =	spop (v2sf);
	v46 =	vadd.f32 v11, v6;
	[tilespmem:s1+$0x6C80] =	vst v9  }
0x51d: {  	v51 =	vld [tilespmem:s1+$0x6CE0];
	s4 =	sadd.s32 s15, s17;
	v47 =	vadd.f32 v12, v7;
	[tilespmem:s1+$0x6C90] =	vst v10  }
0x51e: {  	v48 =	vld [tilespmem:s1+$0x6CC0];
	s4 =	sshll.u32 s4, $0x8;
	[tilespmem:s1+$0x6CA0] =	vst v46  }
0x51f: {  	v49 =	vld [tilespmem:s1+$0x6CD0];
	s4 =	sshra.s32 s4, $0x2;
	[tilespmem:s1+$0x6CB0] =	vst v47  }
0x520: {  	v10 =	vld [tilespmem:s4+$0xCE40]  }
0x521: {  	v50 =	vld [tilespmem:s4+$0xCE50]  }
0x522: {  	v53 =	vld [tilespmem:s1+$0x6CF0]  }
0x523: {  	v52 =	vld [tilespmem:s4+$0xCE60]  }
0x524: {  	v54 =	vld [tilespmem:s4+$0xCE70];
	_ =	sdelay $0x1  }
0x525: {  	v9 =	vadd.f32 v10, v48;
	v55 =	vadd.f32 v50, v49;
	_ =	sdelay $0x1  }
0x526: {  	v56 =	vadd.f32 v52, v51;
	v57 =	vmul.f32 v9, v9;
	v58 =	vmul.f32 v55, v55  }
0x527: {  	v59 =	vadd.f32 v54, v53  }
0x528: {  	v60 =	vmul.f32 v56, v56;
	v12 =	vadd.f32 v58, v57  }
0x529: {  	v61 =	vadd.f32 v55, v9;
	v16 =	vadd.f32 v59, v56  }
0x52a: {  	v62 =	vmul.f32 v59, v59;
	v12 =	vadd.f32 v60, v12  }
0x52b: {  	v15 =	vadd.f32 v16, v61  }
0x52c: {  	v12 =	vadd.f32 v62, v12  }
0x52d: {  	(xrf2) =	vadd.scan.msk.f32 $0xffff, v15  }
0x52e: {  	(xrf2) =	vadd.scan.msk.f32 $0xffff, v12;
	_ =	sdelay $0x8  }
0x52f: {  	v63, _, _ =	vpop (xrf2)  }
0x530: {  	(v2sf) =	vpush v63, $0xF;
	v16, _, _ =	vpop (xrf2)  }
0x531: {  	(v2sf) =	vpush v16, $0xF;
	_ =	sdelay $0xd  }
0x532: {  	s15 =	spop (v2sf)  }
0x533: {  	s4 =	smul.f32 $1.562500000e-02, s15;
	s17 =	spop (v2sf)  }
0x534: {  	s15 =	smul.f32 $1.562500000e-02, s17  }
0x535: {  	s17 =	smul.f32 s4, s4;
	_ =	sdelay $0x1  }
0x536: {  	s15 =	ssub.f32 s15, s17;
	_ =	sdelay $0x1  }
0x537: {  	s15 =	sadd.f32 $9.999999740e-06, s15;
	_ =	sdelay $0x1  }
0x538: {  	v17 =	vmov s15  }
0x539: {  	v18 =	vshra.s32 v17, $0x1;
	v12 =	vmul.f32 $5.000000000e-01, v17  }
0x53a: {  	v13 =	vsub.s32 $0x5F3759DF, v18  }
0x53b: {  	v19 =	vmul.f32 v13, v12;
	_ =	sdelay $0x1  }
0x53c: {  	v15 =	vmul.f32 v13, v19;
	_ =	sdelay $0x1  }
0x53d: {  	v15 =	vsub.f32 $1.500000000e+00, v15;
	_ =	sdelay $0x1  }
0x53e: {  	v13 =	vmul.f32 v13, v15  }
0x53f: {  	(v2sf) =	vpush v8, $0xB  }
0x540: {  	v12 =	vmul.f32 v13, v12;
	_ =	sdelay $0x1  }
0x541: {  	v12 =	vmul.f32 v12, v13;
	_ =	sdelay $0x1  }
0x542: {  	v12 =	vsub.f32 $1.500000000e+00, v12;
	_ =	sdelay $0x1  }
0x543: {  	v12 =	vmul.f32 v12, v13  }
0x544: {  	v20 =	vmov s4  }
0x545: {  	v9 =	vsub.f32 v9, v20;
	v21 =	vmul.f32 v12, v0  }
0x546: {  	v10 =	vsub.f32 v55, v20;
	v22 =	vmul.f32 v12, v1  }
0x547: {  	v11 =	vsub.f32 v56, v20;
	v23 =	vmul.f32 v12, v2;
	v9 =	vmul.f32 v21, v9  }
0x548: {  	v13 =	vsub.f32 v59, v20;
	v12 =	vmul.f32 v12, v3;
	v10 =	vmul.f32 v22, v10  }
0x549: {  	s4 =	sadd.s32 $0xFF0000C4, s30;
	v11 =	vmul.f32 v23, v11;
	v9 =	vadd.f32 v9, v4  }
0x54a: {  	p0 =	slt.u32 s4, $0xC8;
	s15 =	sadd.s32 $0xFFFFFFFC, s30;
	v12 =	vmul.f32 v12, v13;
	v10 =	vadd.f32 v10, v5  }
0x54b: {  	s15 =	smov.u32 @p0 s4;
	s17 =	spop (v2sf);
	v24 =	vadd.f32 v11, v6;
	[tilespmem:s1+$0x6CC0] =	vst v9  }
0x54c: {  	v26 =	vld [tilespmem:s1+$0x6D00];
	s4 =	sadd.s32 s15, s17;
	v25 =	vadd.f32 v12, v7;
	[tilespmem:s1+$0x6CD0] =	vst v10  }
0x54d: {  	v27 =	vld [tilespmem:s1+$0x6D10];
	s4 =	sshll.u32 s4, $0x8;
	[tilespmem:s1+$0x6CE0] =	vst v24  }
0x54e: {  	v31 =	vld [tilespmem:s1+$0x6D30];
	s4 =	sshra.s32 s4, $0x2;
	[tilespmem:s1+$0x6CF0] =	vst v25  }
0x54f: {  	v10 =	vld [tilespmem:s4+$0xCE40]  }
0x550: {  	v28 =	vld [tilespmem:s4+$0xCE50]  }
0x551: {  	v29 =	vld [tilespmem:s1+$0x6D20]  }
0x552: {  	v30 =	vld [tilespmem:s4+$0xCE60]  }
0x553: {  	v32 =	vld [tilespmem:s4+$0xCE70];
	_ =	sdelay $0x1  }
0x554: {  	v9 =	vadd.f32 v10, v26;
	v33 =	vadd.f32 v28, v27;
	_ =	sdelay $0x1  }
0x555: {  	v34 =	vadd.f32 v30, v29;
	v35 =	vmul.f32 v9, v9;
	v36 =	vmul.f32 v33, v33  }
0x556: {  	v37 =	vadd.f32 v32, v31  }
0x557: {  	v38 =	vmul.f32 v34, v34;
	v12 =	vadd.f32 v36, v35  }
0x558: {  	v39 =	vadd.f32 v33, v9;
	v16 =	vadd.f32 v37, v34  }
0x559: {  	v40 =	vmul.f32 v37, v37;
	v12 =	vadd.f32 v38, v12  }
0x55a: {  	v15 =	vadd.f32 v16, v39  }
0x55b: {  	v12 =	vadd.f32 v40, v12  }
0x55c: {  	(xrf2) =	vadd.scan.msk.f32 $0xffff, v15  }
0x55d: {  	(xrf2) =	vadd.scan.msk.f32 $0xffff, v12;
	_ =	sdelay $0x8  }
0x55e: {  	v41, _, _ =	vpop (xrf2)  }
0x55f: {  	(v2sf) =	vpush v41, $0xF;
	v42, _, _ =	vpop (xrf2)  }
0x560: {  	(v2sf) =	vpush v42, $0xF;
	_ =	sdelay $0xd  }
0x561: {  	s15 =	spop (v2sf)  }
0x562: {  	s4 =	smul.f32 $1.562500000e-02, s15;
	s17 =	spop (v2sf)  }
0x563: {  	s15 =	smul.f32 $1.562500000e-02, s17  }
0x564: {  	s17 =	smul.f32 s4, s4;
	_ =	sdelay $0x1  }
0x565: {  	s15 =	ssub.f32 s15, s17;
	_ =	sdelay $0x1  }
0x566: {  	s15 =	sadd.f32 $9.999999740e-06, s15;
	_ =	sdelay $0x1  }
0x567: {  	v43 =	vmov s15  }
0x568: {  	v44 =	vshra.s32 v43, $0x1;
	v12 =	vmul.f32 $5.000000000e-01, v43  }
0x569: {  	v13 =	vsub.s32 $0x5F3759DF, v44  }
0x56a: {  	v45 =	vmul.f32 v13, v12;
	_ =	sdelay $0x1  }
0x56b: {  	v15 =	vmul.f32 v13, v45;
	_ =	sdelay $0x1  }
0x56c: {  	v15 =	vsub.f32 $1.500000000e+00, v15;
	_ =	sdelay $0x1  }
0x56d: {  	v13 =	vmul.f32 v13, v15  }
0x56e: {  	(v2sf) =	vpush v8, $0xC  }
0x56f: {  	v12 =	vmul.f32 v13, v12;
	_ =	sdelay $0x1  }
0x570: {  	v12 =	vmul.f32 v12, v13;
	_ =	sdelay $0x1  }
0x571: {  	v12 =	vsub.f32 $1.500000000e+00, v12;
	_ =	sdelay $0x1  }
0x572: {  	v12 =	vmul.f32 v12, v13  }
0x573: {  	v46 =	vmov s4  }
0x574: {  	v9 =	vsub.f32 v9, v46;
	v47 =	vmul.f32 v12, v0  }
0x575: {  	v10 =	vsub.f32 v33, v46;
	v48 =	vmul.f32 v12, v1  }
0x576: {  	v11 =	vsub.f32 v34, v46;
	v49 =	vmul.f32 v12, v2;
	v9 =	vmul.f32 v47, v9  }
0x577: {  	v13 =	vsub.f32 v37, v46;
	v12 =	vmul.f32 v12, v3;
	v10 =	vmul.f32 v48, v10  }
0x578: {  	s4 =	sadd.s32 $0xFF0000C5, s30;
	v11 =	vmul.f32 v49, v11;
	v9 =	vadd.f32 v9, v4  }
0x579: {  	p0 =	slt.u32 s4, $0xC8;
	s15 =	sadd.s32 $0xFFFFFFFD, s30;
	v12 =	vmul.f32 v12, v13;
	v10 =	vadd.f32 v10, v5  }
0x57a: {  	s15 =	smov.u32 @p0 s4;
	s17 =	spop (v2sf);
	v50 =	vadd.f32 v11, v6;
	[tilespmem:s1+$0x6D00] =	vst v9  }
0x57b: {  	v52 =	vld [tilespmem:s1+$0x6D40];
	s4 =	sadd.s32 s15, s17;
	v51 =	vadd.f32 v12, v7;
	[tilespmem:s1+$0x6D10] =	vst v10  }
0x57c: {  	v53 =	vld [tilespmem:s1+$0x6D50];
	s4 =	sshll.u32 s4, $0x8;
	[tilespmem:s1+$0x6D20] =	vst v50  }
0x57d: {  	v57 =	vld [tilespmem:s1+$0x6D70];
	s4 =	sshra.s32 s4, $0x2;
	[tilespmem:s1+$0x6D30] =	vst v51  }
0x57e: {  	v10 =	vld [tilespmem:s4+$0xCE40]  }
0x57f: {  	v54 =	vld [tilespmem:s4+$0xCE50]  }
0x580: {  	v55 =	vld [tilespmem:s1+$0x6D60]  }
0x581: {  	v56 =	vld [tilespmem:s4+$0xCE60]  }
0x582: {  	v58 =	vld [tilespmem:s4+$0xCE70];
	_ =	sdelay $0x1  }
0x583: {  	v9 =	vadd.f32 v10, v52;
	v59 =	vadd.f32 v54, v53;
	_ =	sdelay $0x1  }
0x584: {  	v60 =	vadd.f32 v56, v55;
	v61 =	vmul.f32 v9, v9;
	v62 =	vmul.f32 v59, v59  }
0x585: {  	v63 =	vadd.f32 v58, v57  }
0x586: {  	v20 =	vmul.f32 v60, v60;
	v12 =	vadd.f32 v62, v61  }
0x587: {  	v21 =	vadd.f32 v59, v9;
	v16 =	vadd.f32 v63, v60  }
0x588: {  	v22 =	vmul.f32 v63, v63;
	v12 =	vadd.f32 v20, v12  }
0x589: {  	v15 =	vadd.f32 v16, v21  }
0x58a: {  	v12 =	vadd.f32 v22, v12  }
0x58b: {  	(xrf2) =	vadd.scan.msk.f32 $0xffff, v15  }
0x58c: {  	(xrf2) =	vadd.scan.msk.f32 $0xffff, v12;
	_ =	sdelay $0x8  }
0x58d: {  	v23, _, _ =	vpop (xrf2)  }
0x58e: {  	(v2sf) =	vpush v23, $0xF;
	v24, _, _ =	vpop (xrf2)  }
0x58f: {  	(v2sf) =	vpush v24, $0xF;
	_ =	sdelay $0xd  }
0x590: {  	s15 =	spop (v2sf)  }
0x591: {  	s4 =	smul.f32 $1.562500000e-02, s15;
	s17 =	spop (v2sf)  }
0x592: {  	s15 =	smul.f32 $1.562500000e-02, s17  }
0x593: {  	s17 =	smul.f32 s4, s4;
	_ =	sdelay $0x1  }
0x594: {  	s15 =	ssub.f32 s15, s17;
	_ =	sdelay $0x1  }
0x595: {  	s15 =	sadd.f32 $9.999999740e-06, s15;
	_ =	sdelay $0x1  }
0x596: {  	v25 =	vmov s15  }
0x597: {  	v26 =	vshra.s32 v25, $0x1;
	v12 =	vmul.f32 $5.000000000e-01, v25  }
0x598: {  	v13 =	vsub.s32 $0x5F3759DF, v26  }
0x599: {  	v27 =	vmul.f32 v13, v12;
	_ =	sdelay $0x1  }
0x59a: {  	v15 =	vmul.f32 v13, v27;
	_ =	sdelay $0x1  }
0x59b: {  	v15 =	vsub.f32 $1.500000000e+00, v15;
	_ =	sdelay $0x1  }
0x59c: {  	v13 =	vmul.f32 v13, v15  }
0x59d: {  	(v2sf) =	vpush v8, $0xD  }
0x59e: {  	v12 =	vmul.f32 v13, v12;
	_ =	sdelay $0x1  }
0x59f: {  	v12 =	vmul.f32 v12, v13;
	_ =	sdelay $0x1  }
0x5a0: {  	v12 =	vsub.f32 $1.500000000e+00, v12;
	_ =	sdelay $0x1  }
0x5a1: {  	v12 =	vmul.f32 v12, v13  }
0x5a2: {  	v28 =	vmov s4  }
0x5a3: {  	v9 =	vsub.f32 v9, v28;
	v29 =	vmul.f32 v12, v0  }
0x5a4: {  	v10 =	vsub.f32 v59, v28;
	v30 =	vmul.f32 v12, v1  }
0x5a5: {  	v11 =	vsub.f32 v60, v28;
	v31 =	vmul.f32 v12, v2;
	v9 =	vmul.f32 v29, v9  }
0x5a6: {  	v13 =	vsub.f32 v63, v28;
	v12 =	vmul.f32 v12, v3;
	v10 =	vmul.f32 v30, v10  }
0x5a7: {  	s4 =	sadd.s32 $0xFF0000C6, s30;
	v11 =	vmul.f32 v31, v11;
	v9 =	vadd.f32 v9, v4  }
0x5a8: {  	p0 =	slt.u32 s4, $0xC8;
	s15 =	sadd.s32 $0xFFFFFFFE, s30;
	v12 =	vmul.f32 v12, v13;
	v10 =	vadd.f32 v10, v5  }
0x5a9: {  	s15 =	smov.u32 @p0 s4;
	s17 =	spop (v2sf);
	v32 =	vadd.f32 v11, v6;
	[tilespmem:s1+$0x6D40] =	vst v9  }
0x5aa: {  	v35 =	vld [tilespmem:s1+$0x6D90];
	s4 =	sadd.s32 s15, s17;
	v33 =	vadd.f32 v12, v7;
	[tilespmem:s1+$0x6D50] =	vst v10  }
0x5ab: {  	v39 =	vld [tilespmem:s1+$0x6DB0];
	s4 =	sshll.u32 s4, $0x8;
	[tilespmem:s1+$0x6D60] =	vst v32  }
0x5ac: {  	v34 =	vld [tilespmem:s1+$0x6D80];
	s4 =	sshra.s32 s4, $0x2;
	[tilespmem:s1+$0x6D70] =	vst v33  }
0x5ad: {  	v10 =	vld [tilespmem:s4+$0xCE40]  }
0x5ae: {  	v36 =	vld [tilespmem:s4+$0xCE50]  }
0x5af: {  	v37 =	vld [tilespmem:s1+$0x6DA0]  }
0x5b0: {  	v38 =	vld [tilespmem:s4+$0xCE60]  }
0x5b1: {  	v40 =	vld [tilespmem:s4+$0xCE70];
	_ =	sdelay $0x1  }
0x5b2: {  	v9 =	vadd.f32 v10, v34;
	v41 =	vadd.f32 v36, v35;
	_ =	sdelay $0x1  }
0x5b3: {  	v42 =	vadd.f32 v38, v37;
	v43 =	vmul.f32 v9, v9;
	v44 =	vmul.f32 v41, v41  }
0x5b4: {  	v45 =	vadd.f32 v40, v39  }
0x5b5: {  	v46 =	vmul.f32 v42, v42;
	v12 =	vadd.f32 v44, v43  }
0x5b6: {  	v47 =	vadd.f32 v41, v9;
	v16 =	vadd.f32 v45, v42  }
0x5b7: {  	v48 =	vmul.f32 v45, v45;
	v12 =	vadd.f32 v46, v12  }
0x5b8: {  	v15 =	vadd.f32 v16, v47  }
0x5b9: {  	v12 =	vadd.f32 v48, v12  }
0x5ba: {  	(xrf2) =	vadd.scan.msk.f32 $0xffff, v15  }
0x5bb: {  	(xrf2) =	vadd.scan.msk.f32 $0xffff, v12;
	_ =	sdelay $0x8  }
0x5bc: {  	v49, _, _ =	vpop (xrf2)  }
0x5bd: {  	(v2sf) =	vpush v49, $0xF;
	v50, _, _ =	vpop (xrf2)  }
0x5be: {  	(v2sf) =	vpush v50, $0xF;
	_ =	sdelay $0xd  }
0x5bf: {  	s15 =	spop (v2sf)  }
0x5c0: {  	s4 =	smul.f32 $1.562500000e-02, s15;
	s17 =	spop (v2sf)  }
0x5c1: {  	s15 =	smul.f32 $1.562500000e-02, s17  }
0x5c2: {  	s17 =	smul.f32 s4, s4;
	_ =	sdelay $0x1  }
0x5c3: {  	s15 =	ssub.f32 s15, s17;
	_ =	sdelay $0x1  }
0x5c4: {  	s15 =	sadd.f32 $9.999999740e-06, s15;
	_ =	sdelay $0x1  }
0x5c5: {  	v51 =	vmov s15  }
0x5c6: {  	v52 =	vshra.s32 v51, $0x1;
	v12 =	vmul.f32 $5.000000000e-01, v51  }
0x5c7: {  	v13 =	vsub.s32 $0x5F3759DF, v52  }
0x5c8: {  	v53 =	vmul.f32 v13, v12;
	_ =	sdelay $0x1  }
0x5c9: {  	v15 =	vmul.f32 v13, v53;
	_ =	sdelay $0x1  }
0x5ca: {  	v15 =	vsub.f32 $1.500000000e+00, v15;
	_ =	sdelay $0x1  }
0x5cb: {  	v13 =	vmul.f32 v13, v15  }
0x5cc: {  	(v2sf) =	vpush v8, $0xE  }
0x5cd: {  	v12 =	vmul.f32 v13, v12;
	_ =	sdelay $0x1  }
0x5ce: {  	v12 =	vmul.f32 v12, v13;
	_ =	sdelay $0x1  }
0x5cf: {  	v12 =	vsub.f32 $1.500000000e+00, v12;
	_ =	sdelay $0x1  }
0x5d0: {  	v12 =	vmul.f32 v12, v13  }
0x5d1: {  	v54 =	vmov s4  }
0x5d2: {  	v9 =	vsub.f32 v9, v54;
	v55 =	vmul.f32 v12, v0  }
0x5d3: {  	v10 =	vsub.f32 v41, v54;
	v56 =	vmul.f32 v12, v1  }
0x5d4: {  	v11 =	vsub.f32 v42, v54;
	v57 =	vmul.f32 v12, v2;
	v9 =	vmul.f32 v55, v9  }
0x5d5: {  	v13 =	vsub.f32 v45, v54;
	v12 =	vmul.f32 v12, v3;
	v10 =	vmul.f32 v56, v10  }
0x5d6: {  	s4 =	sadd.s32 $0xFF0000C7, s30;
	v11 =	vmul.f32 v57, v11;
	v9 =	vadd.f32 v9, v4  }
0x5d7: {  	p0 =	slt.u32 s4, $0xC8;
	s15 =	sadd.s32 $0xFFFFFFFF, s30;
	v12 =	vmul.f32 v12, v13;
	v10 =	vadd.f32 v10, v5  }
0x5d8: {  	s15 =	smov.u32 @p0 s4;
	s17 =	spop (v2sf);
	v58 =	vadd.f32 v11, v6;
	[tilespmem:s1+$0x6D80] =	vst v9  }
0x5d9: {  	v61 =	vld [tilespmem:s1+$0x6DD0];
	s4 =	sadd.s32 s15, s17;
	v59 =	vadd.f32 v12, v7;
	[tilespmem:s1+$0x6D90] =	vst v10  }
0x5da: {  	v21 =	vld [tilespmem:s1+$0x6DF0];
	s4 =	sshll.u32 s4, $0x8;
	[tilespmem:s1+$0x6DA0] =	vst v58  }
0x5db: {  	v60 =	vld [tilespmem:s1+$0x6DC0];
	s4 =	sshra.s32 s4, $0x2;
	[tilespmem:s1+$0x6DB0] =	vst v59  }
0x5dc: {  	v10 =	vld [tilespmem:s4+$0xCE40]  }
0x5dd: {  	v62 =	vld [tilespmem:s4+$0xCE50]  }
0x5de: {  	v63 =	vld [tilespmem:s1+$0x6DE0]  }
0x5df: {  	v20 =	vld [tilespmem:s4+$0xCE60]  }
0x5e0: {  	v22 =	vld [tilespmem:s4+$0xCE70];
	_ =	sdelay $0x1  }
0x5e1: {  	v9 =	vadd.f32 v10, v60;
	v23 =	vadd.f32 v62, v61;
	_ =	sdelay $0x1  }
0x5e2: {  	v24 =	vadd.f32 v20, v63;
	v25 =	vmul.f32 v9, v9;
	v26 =	vmul.f32 v23, v23  }
0x5e3: {  	v27 =	vadd.f32 v22, v21  }
0x5e4: {  	v28 =	vmul.f32 v24, v24;
	v12 =	vadd.f32 v26, v25  }
0x5e5: {  	v29 =	vadd.f32 v23, v9;
	v16 =	vadd.f32 v27, v24  }
0x5e6: {  	v30 =	vmul.f32 v27, v27;
	v12 =	vadd.f32 v28, v12  }
0x5e7: {  	v15 =	vadd.f32 v16, v29  }
0x5e8: {  	v12 =	vadd.f32 v30, v12  }
0x5e9: {  	(xrf2) =	vadd.scan.msk.f32 $0xffff, v15  }
0x5ea: {  	(xrf2) =	vadd.scan.msk.f32 $0xffff, v12;
	_ =	sdelay $0x8  }
0x5eb: {  	v31, _, _ =	vpop (xrf2)  }
0x5ec: {  	(v2sf) =	vpush v31, $0xF;
	v32, _, _ =	vpop (xrf2)  }
0x5ed: {  	(v2sf) =	vpush v32, $0xF;
	_ =	sdelay $0xd  }
0x5ee: {  	s15 =	spop (v2sf)  }
0x5ef: {  	s4 =	smul.f32 $1.562500000e-02, s15;
	s17 =	spop (v2sf)  }
0x5f0: {  	s15 =	smul.f32 $1.562500000e-02, s17  }
0x5f1: {  	s17 =	smul.f32 s4, s4;
	_ =	sdelay $0x1  }
0x5f2: {  	s15 =	ssub.f32 s15, s17;
	_ =	sdelay $0x1  }
0x5f3: {  	s15 =	sadd.f32 $9.999999740e-06, s15;
	_ =	sdelay $0x1  }
0x5f4: {  	v33 =	vmov s15  }
0x5f5: {  	v34 =	vshra.s32 v33, $0x1;
	v12 =	vmul.f32 $5.000000000e-01, v33  }
0x5f6: {  	v13 =	vsub.s32 $0x5F3759DF, v34  }
0x5f7: {  	v35 =	vmul.f32 v13, v12;
	_ =	sdelay $0x1  }
0x5f8: {  	v15 =	vmul.f32 v13, v35;
	_ =	sdelay $0x1  }
0x5f9: {  	v15 =	vsub.f32 $1.500000000e+00, v15;
	_ =	sdelay $0x1  }
0x5fa: {  	v13 =	vmul.f32 v13, v15  }
0x5fb: {  	(v2sf) =	vpush v8, $0xF  }
0x5fc: {  	v8 =	vmul.f32 v13, v12;
	_ =	sdelay $0x1  }
0x5fd: {  	v8 =	vmul.f32 v8, v13;
	_ =	sdelay $0x1  }
0x5fe: {  	v8 =	vsub.f32 $1.500000000e+00, v8;
	_ =	sdelay $0x1  }
0x5ff: {  	v8 =	vmul.f32 v8, v13  }
0x600: {  	v36 =	vmov s4  }
0x601: {  	v9 =	vsub.f32 v9, v36;
	v13 =	vmul.f32 v8, v0  }
0x602: {  	v10 =	vsub.f32 v23, v36;
	v37 =	vmul.f32 v8, v1  }
0x603: {  	v11 =	vsub.f32 v24, v36;
	v38 =	vmul.f32 v8, v2;
	v9 =	vmul.f32 v13, v9  }
0x604: {  	v12 =	vsub.f32 v27, v36;
	v8 =	vmul.f32 v8, v3;
	v10 =	vmul.f32 v37, v10  }
0x605: {  	s4 =	sadd.s32 $0xFF0000C8, s30;
	v11 =	vmul.f32 v38, v11;
	v9 =	vadd.f32 v9, v4  }
0x606: {  	p0 =	slt.u32 s4, $0xC8;
	s15 =	smov.u32 s30;
	v8 =	vmul.f32 v8, v12;
	v10 =	vadd.f32 v10, v5  }
0x607: {  	s15 =	smov.u32 @p0 s4;
	s17 =	spop (v2sf);
	v39 =	vadd.f32 v11, v6;
	[tilespmem:s1+$0x6DC0] =	vst v9  }
0x608: {  	v40 =	vld [tilespmem:s1+$0x6E10];
	s4 =	sadd.s32 s15, s17;
	v8 =	vadd.f32 v8, v7;
	[tilespmem:s1+$0x6DD0] =	vst v10  }
0x609: {  	v44 =	vld [tilespmem:s1+$0x6E30];
	s4 =	sshll.u32 s4, $0x8;
	[tilespmem:s1+$0x6DE0] =	vst v39  }
0x60a: {  	s4 =	sshra.s32 s4, $0x2;
	[tilespmem:s1+$0x6DF0] =	vst v8;
	v8 =	vld [tilespmem:s1+$0x6E00]  }
0x60b: {  	v9 =	vld [tilespmem:s4+$0xCE40]  }
0x60c: {  	v41 =	vld [tilespmem:s4+$0xCE50]  }
0x60d: {  	v42 =	vld [tilespmem:s1+$0x6E20]  }
0x60e: {  	v43 =	vld [tilespmem:s4+$0xCE60]  }
0x60f: {  	v45 =	vld [tilespmem:s4+$0xCE70];
	_ =	sdelay $0x1  }
0x610: {  	v8 =	vadd.f32 v9, v8;
	v46 =	vadd.f32 v41, v40;
	_ =	sdelay $0x1  }
0x611: {  	v47 =	vadd.f32 v43, v42;
	v48 =	vmul.f32 v8, v8;
	v49 =	vmul.f32 v46, v46  }
0x612: {  	v50 =	vadd.f32 v45, v44  }
0x613: {  	v51 =	vmul.f32 v47, v47;
	v11 =	vadd.f32 v49, v48  }
0x614: {  	v52 =	vadd.f32 v46, v8;
	v15 =	vadd.f32 v50, v47  }
0x615: {  	v53 =	vmul.f32 v50, v50;
	v11 =	vadd.f32 v51, v11  }
0x616: {  	v14 =	vadd.f32 v15, v52  }
0x617: {  	v11 =	vadd.f32 v53, v11  }
0x618: {  	(xrf2) =	vadd.scan.msk.f32 $0xffff, v14  }
0x619: {  	(xrf2) =	vadd.scan.msk.f32 $0xffff, v11;
	_ =	sdelay $0x8  }
0x61a: {  	v54, _, _ =	vpop (xrf2)  }
0x61b: {  	(v2sf) =	vpush v54, $0xF;
	v55, _, _ =	vpop (xrf2)  }
0x61c: {  	(v2sf) =	vpush v55, $0xF;
	_ =	sdelay $0xd  }
0x61d: {  	s15 =	spop (v2sf)  }
0x61e: {  	s4 =	smul.f32 $1.562500000e-02, s15;
	s17 =	spop (v2sf)  }
0x61f: {  	s15 =	smul.f32 $1.562500000e-02, s17  }
0x620: {  	s17 =	smul.f32 s4, s4;
	_ =	sdelay $0x1  }
0x621: {  	s15 =	ssub.f32 s15, s17;
	_ =	sdelay $0x1  }
0x622: {  	s15 =	sadd.f32 $9.999999740e-06, s15;
	_ =	sdelay $0x1  }
0x623: {  	v56 =	vmov s15  }
0x624: {  	v57 =	vshra.s32 v56, $0x1;
	v11 =	vmul.f32 $5.000000000e-01, v56  }
0x625: {  	v12 =	vsub.s32 $0x5F3759DF, v57  }
0x626: {  	v58 =	vmul.f32 v12, v11;
	_ =	sdelay $0x1  }
0x627: {  	v14 =	vmul.f32 v12, v58;
	_ =	sdelay $0x1  }
0x628: {  	v14 =	vsub.f32 $1.500000000e+00, v14;
	_ =	sdelay $0x1  }
0x629: {  	v12 =	vmul.f32 v12, v14;
	_ =	sdelay $0x1  }
0x62a: {  	v11 =	vmul.f32 v12, v11;
	_ =	sdelay $0x1  }
0x62b: {  	v11 =	vmul.f32 v11, v12;
	_ =	sdelay $0x1  }
0x62c: {  	v11 =	vsub.f32 $1.500000000e+00, v11;
	_ =	sdelay $0x1  }
0x62d: {  	v11 =	vmul.f32 v11, v12  }
0x62e: {  	v59 =	vmov s4  }
0x62f: {  	v8 =	vsub.f32 v8, v59;
	v60 =	vmul.f32 v11, v0  }
0x630: {  	v9 =	vsub.f32 v46, v59;
	v61 =	vmul.f32 v11, v1;
	v62 =	vmul.f32 v11, v2  }
0x631: {  	v12 =	vsub.f32 v50, v59;
	v11 =	vmul.f32 v11, v3;
	v8 =	vmul.f32 v60, v8  }
0x632: {  	v10 =	vsub.f32 v47, v59;
	v9 =	vmul.f32 v61, v9  }
0x633: {  	p0 =	sne.s32 s29, $0x18000;
	v11 =	vmul.f32 v11, v12;
	v8 =	vadd.f32 v8, v4  }
.Ltmp1:
0x634: {  	v10 =	vmul.f32 v62, v10;
	v9 =	vadd.f32 v9, v5;
	(pc) =	sbr.rel @p0 .LBB2_5-.Ltmp1, $4  }
0x635: {  	v63 =	vadd.f32 v11, v7;
	[tilespmem:s1+$0x6E00] =	vst v8  }
0x636: {  	v8 =	vadd.f32 v10, v6;
	[tilespmem:s1+$0x6E10] =	vst v9  }
0x637: {  	s3 =	sadd.s32 $0x1, s3;
	[tilespmem:s1+$0x6E30] =	vst v63  }
0x638: {  	s31 =	sadd.s32 $0x10, s31;
	s30 =	sadd.s32 $0x10, s30;
	s29 =	sadd.s32 $0x1000, s29;
	[tilespmem:s1+$0x6E20] =	vst v8  }
0x639: {  	s1 =	sshll.u32 s28, $0x3;
	s26 =	sadd.s32 $0x1, s26  }
0x63a: {  	s1 =	sand.u32 $0x1FFFFF80, s1;
	p0 =	sne.s32 s26, $0x20  }
.Ltmp2:
0x63b: {  	s1 =	sadd.s32 s5, s1;
	(pc) =	sbr.rel @p0 .LBB2_2-.Ltmp2, $4  }
0x63c: {  	[hbm4b:s1+s6] =	stream.linear.scatter [tilespmem:s23], [sflag:$0x3], $0x6400, $0x38;
	[tilespmem:$0x132C0] =	vst v63  }
0x63d: {  	_ =	swait.ge [sflag:s16], $0x6400  }
0x63e: {  	[sflag:s16] =	ssyncset.done $0x0  }
0x63f: {  	[sflag:s16] =	ssyncadd.s32 $0xFFFF9C00  }
0x640: {  	s25 =	sadd.s32 $0x1, s25  }
0x641: {  	p0 =	sne.s32 s25, s14  }
.Ltmp3:
0x642: {  	_ = 	snop;
	(pc) =	sbr.rel @p0 .LBB2_1-.Ltmp3, $1  }
0x643: {  	_ =	sdelay $0x3  }
0x644: {  	_ =	sfence.sel $0x180000  }
0x645: {  	[bflag:$0x0] =	sbarrier.arrive $0xFFFF  }
0x646: {  	_ =	strace $0x90000047  }
0x647: {  	s0 =	stileid.u32;
	[bflag:$0x2] =	sbarrier.arrive $0xFFFF  }
0x648: {  	p0 =	sne.s32 s0, $0x0;
	s0 =	rddreg [dreg:$0x5]  }
0x649: {  	s0 =	sadd.s32 @!p0 $0x100000, s0  }
0x64a: {  	[sflag:s0] =	ssyncadd.tile.s32 @!p0 $0x1;
	_ =	shalt  }
.Lfunc_end2:
_tile_overlayer_lowered:
.L_overlay_start_2:
0x64b: {  	(tag) =	ssettag $0x2  }
0x64c: {  	s0 =	rddreg [dreg:$0x0];
	s2 =	stileid.u32  }
0x64d: {  	s1 =	rddreg [dreg:$0x1];
	p0 =	sne.s32 s2, $0x0  }
0x64e: {  	s3 =	rddreg [dreg:$0x2];
	[bflag:$0x3] =	sbarrier.arrive $0xFFFF;
	s2 =	simm.s32 @!p0 $0x1C03  }
0x64f: {  	[timem:s3], [sflag:s2] =	dma.local @!p0 [hbm:s0], s1  }
0x650: {  	s0 =	simm.s32 @!p0 $0x3  }
0x651: {  	_ =	swait.ge @!p0 [sflag:s0], s1  }
0x652: {  	s1 =	ssub.s32 @!p0 $0x0, s1;
	[sflag:s0] =	ssyncset.done @!p0 $0x0  }
0x653: {  	[sflag:s0] =	ssyncadd.s32 @!p0 s1  }
0x654: {  	[bflag:$0x3] =	sbarrier.arrive $0xFFFF  }
0x655: {  	_ =	shalt  }

// kernel: sparse-core-data-format-call.cloned.1.call-start
scs
called_computation_lowered:
.L_overlay_start_0:
0x0: {  	s2 =	sld [smem:$0x3FD9]  }
0x1: {  	s3 =	sld [smem:$0x3FFE];
	_ =	sdelay $0x1  }
0x2: {  	s1 =	srdreg.scid  }
0x3: {  	s0 =	sand.u32 $0x1, s1  }
0x4: {  	s18 =	sshll.u32 s0, $0xA;
	s2 =	sadd.s32 s3, s2  }
0x5: {  	s2 =	sadd.s32 s2, s18  }
0x6: {  	[smem:$0x3FC3] =	sst s2  }
0x7: {  	_ = 	snop  }
0x8: {  	s2 =	sld [smem:$0x3FD0];
	(tm) =	ssettm $0x1  }
0x9: {  	s19 =	sld [smem:$0x3FFB];
	_ =	sdelay $0x3  }
0xa: {  	_ =	strace s19  }
0xb: {  	s3 =	sld [smem:$0x3FFC];
	_ =	sdelay $0x3  }
0xc: {  	_ =	strace s3  }
0xd: {  	s3 =	sld [smem:$0x3FFD];
	_ =	sdelay $0x3  }
0xe: {  	_ =	strace s3  }
0xf: {  	_ =	strace $0x8FFFFFFF  }
0x10: {  	s20 =	sld [smem:$0x3FDB];
	_ =	sdelay $0x1  }
0x11: {  	s4 =	simm.s32 $_scs_section_size  }
0x12: {  	s5 =	simm.s32 $_size__tile_overlayer_lowered;
	s6 =	simm.s32 $_tile_overlayer_lowered  }
0x13: {  	s23 =	simm.s32 $0x1BFF;
	s22 =	sshll.u32 s6, $0x1;
	s3 =	sadd.s32 s4, s20  }
0x14: {  	s7 =	simm.s32 $0x0;
	s21 =	sshll.u32 s5, $0x1;
	s5 =	sadd.s32 s22, s3  }
0x15: {  	[timem:s7], [sflag:s23] =	dma.local [hbm:s5], s21  }
0x16: {  	_ =	swait.ge [sflag:s23], s21  }
0x17: {  	s4 =	ssub.s32 $0x0, s21;
	[sflag:s23] =	ssyncset.done $0x0  }
0x18: {  	[sflag:s23] =	ssyncadd.s32 s4;
	_ =	sdelay $0x1  }
0x19: {  	s24 =	simm.s32 $0x1B8B  }
0x1a: {  	_ =	swait.ge [sflag:s24], $0x1  }
0x1b: {  	[sflag:s24] =	ssyncset.done $0x0  }
0x1c: {  	s26 =	simm.s32 $0x1B8E;
	s25 =	sld [smem:$0x3FFE];
	[sflag:s24] =	ssyncadd.s32 $0xFFFFFFFF  }
0x1d: {  	s27 =	simm.s32 $execute0_lowered;
	[smem:$0x3FD2] =	sst s26  }
0x1e: {  	s5 =	sshll.u32 s27, $0x1;
	_ =	strace $0x80000049;
	[dreg:$0x1] =	wrdreg $0xFFFFFFFF  }
0x1f: {  	s28 =	simm.s32 $_size_execute0_lowered;
	s3 =	sadd.s32 s3, s5;
	[dreg:$0x0] =	wrdreg $0x0  }
0x20: {  	s5 =	sshll.u32 s28, $0x1;
	[dreg:$0x2] =	wrdreg s3  }
0x21: {  	[dreg:$0x3] =	wrdreg s5  }
0x22: {  	[dreg:$0x4] =	wrdreg $0xC0  }
0x23: {  	_ =	task [dreg:s7], $0x5FFFF  }
0x24: {  	[dreg:$0x1] =	wrdreg $0xFFFFFFFF  }
0x25: {  	[dreg:$0x0] =	wrdreg $0x60  }
0x26: {  	[dreg:$0x2] =	wrdreg s25  }
0x27: {  	[dreg:$0x3] =	wrdreg s2  }
0x28: {  	[dreg:$0x4] =	wrdreg $0x9  }
0x29: {  	_ =	task.clear_ibuf [dreg:s7], $0x5FFFF;
	_ =	strace $0x90000049  }
0x2a: {  	s29 =	simm.s32 $0x9;
	_ =	strace $0x8000004B  }
0x2b: {  	_ =	swait.ge [sflag:s29], $0x1  }
0x2c: {  	[sflag:s29] =	ssyncadd.s32 $0xFFFFFFFF  }
0x2d: {  	_ =	strace $0x9000004B  }
0x2e: {  	_ =	sfence  }
0x2f: {  	s30 =	sld [smem:$0x0];
	_ =	sdelay $0x2  }
0x30: {  	s31 =	sshll.u32 s1, $0xD;
	s1 =	sshrl.u32 s1, $0x2  }
0x31: {  	s3 =	sand.u32 $0x4000, s31;
	s1 =	sadd.s32 s1, s30  }
0x32: {  	s0 =	sor.u32 s3, s0;
	s1 =	sshll.u32 s1, $0x11  }
0x33: {  	s0 =	sor.u32 s1, s0  }
0x34: {  	s0 =	sadd.s32 $0x8F2B, s0  }
0x35: {  	[sflag:s0] =	ssyncadd.remote.s32 $0x1  }
0x36: {  	_ =	sfence.sel $0xFFFF  }
0x37: {  	[dreg:$0x0] =	wrdreg $0xFFFFFFFF;
	(pc) =	sbr.abs _section_cstart, $3  }
0x38: {  	[dreg:$0x1] =	wrdreg $0xFFFFFFFF  }
0x39: {  	_ =	task.clear_ibuf [dreg:s7], $0x2FFFF;
	_ =	strace $0x9FFFFFFF  }
0x3a: {  	(tm) =	ssettm $0x7FFFFFFF  }
0x3b: {  	_ =	shalt  }
tec
execute0_lowered:
.L_overlay_start_1:
0x0: {  	(tag) =	ssettag $0x1  }
0x1: {  	s0 =	srdreg.scid  }
0x2: {  	s1 =	sshll.u32 s0, $0x4  }
0x3: {  	s4 =	rddreg [dreg:$0x0];
	s0 =	stileid.u32;
	s1 =	sand.u32 $0x10, s1  }
0x4: {  	s2 =	rddreg [dreg:$0x1];
	s7 =	simm.s32 $0x1;
	s1 =	sor.u32 s0, s1  }
0x5: {  	s8 =	simm.s32 $0x2;
	s11 =	simm.s32 $0x0;
	s3 =	sshll.u32 s1, $0x7  }
0x6: {  	s10 =	simm.s32 $0x0;
	s4 =	sadd.s32 $0x800, s4;
	s6 =	ssub.s32 $0xC8000, s3  }
.Ltmp0:
0x7: {  	s1 =	rddreg [dreg:$0x2];
	s5 =	sand.u32 $0xF80, s6;
	(pc) =	sbr.rel .LBB1_1-.Ltmp0, $4  }
0x8: {  	_ =	strace $0x8000004A;
	s9 =	smov.u32 s3;
	p0 =	sne.s32 s5, $0x0  }
0x9: {  	s6 =	sshrl.u32 s6, $0xC;
	s5 =	simm.s32 $0x1;
	s7 =	simm.s32 @!p0 $0x0  }
0xa: {  	[sflag:s5] =	ssyncpa.u1 $0x0;
	p0 =	por $0x0, $0x0;
	s6 =	sadd.s32 s7, s6  }
0xb: {  	[sflag:s8] =	ssyncpa.u1 $0x0;
	s8 =	simm.s32 $0x640000;
	s7 =	sadd.s32 $0x1, s6  }
.LBB1_4:
0xc: {  	s14 =	sshll.u32 s11, $0x3  }
0xd: {  	s30 =	sand.u32 $0x7F, s11;
	s15 =	sand.u32 $0xFFFFFC00, s14  }
0xe: {  	s11 =	sor.u32 s30, s15  }
0xf: {  	s15 =	smulhi.u32 $0x51EB851F, s11  }
0x10: {  	s14 =	smulhi.u32 $0x51EB851F, s14  }
0x11: {  	s15 =	sshrl.u32 s15, $0x12  }
0x12: {  	s14 =	sshrl.u32 s14, $0x12;
	s15 =	smul.u32 $0xC8000, s15  }
0x13: {  	s14 =	sand.u32 $0x3F, s14  }
0x14: {  	s14 =	smul.u32 $0x19000, s14;
	s11 =	ssub.s32 s11, s15  }
0x15: {  	[tilespmem:s13+$0x810 ss:$0x81] =	vst.msk $0xffff, v2;
	s15 =	sand.u32 $0x7, s11  }
0x16: {  	[tilespmem:s13+$0x1020 ss:$0x81] =	vst.msk $0xffff, v0;
	s14 =	sadd.s32 s2, s14;
	s11 =	sshrl.u32 s11, $0x3;
	s15 =	sshll.u32 s15, $0x12  }
0x17: {  	[tilespmem:s13+$0x0 ss:$0x81] =	vst.msk $0xffff, v1;
	s11 =	sadd.s32 s11, s14;
	s31 =	sor.u32 $0x400, s15  }
0x18: {  	[hbm4b:s11+s31] =	stream.strided.scatter [tilespmem:s12], [sflag:$0x2], $0x2000, s8, s31, $0x20;
	[tilespmem:$0x8080] =	vst v63  }
.LBB1_5:
0x19: {  	s13 =	sadd.s32 $0x1000, s9  }
0x1a: {  	p2 =	sgt.s32 s13, $0xC7FFF  }
0x1b: {  	s13 =	smov.u32 @p2 s3;
	p2 =	sne.s32 s10, s7  }
.Ltmp1:
0x1c: {  	p1 =	slt.u32 s10, $0x2;
	(pc) =	sbr.rel @!p2 .LBB1_6-.Ltmp1, $4  }
0x1d: {  	s12 =	simm.s32 @!p1 $0x2  }
0x1e: {  	s14 =	sadd.s32 $0x1, s10;
	_ =	swait.ge @!p1 [sflag:s12], $0x2000  }
0x1f: {  	s11 =	smov.u32 s9;
	p0 =	por !p0, !p0;
	[sflag:s12] =	ssyncset.done @!p1 $0x0  }
0x20: {  	s10 =	smov.u32 s14;
	s9 =	smov.u32 s13;
	[sflag:s12] =	ssyncadd.s32 @!p1 $0xFFFFE000  }
.LBB1_1:
0x21: {  	p1 =	sge.u32 s10, s6  }
0x22: {  	s12 =	sand.u32 @!p1 $0x1FFFFFF, s9  }
0x23: {  	s13 =	smulhi.u32 @!p1 $0x147AE15, s12;
	_ =	sdelay $0x1  }
0x24: {  	s13 =	sshrl.u32 @!p1 s13, $0xC  }
0x25: {  	s13 =	smul.u32 @!p1 $0xC8000, s13;
	_ =	sdelay $0x1  }
0x26: {  	s31 =	sadd.s32 $0xFFFFFFFF, s10;
	s14 =	sxor.u32 @!p1 $0xFFFFFFFF, s10;
	s12 =	ssub.s32 @!p1 s12, s13  }
0x27: {  	s15 =	simm.s32 @!p1 $0x80;
	s14 =	sshll.u32 @!p1 s14, $0xD;
	s12 =	sshll.u32 @!p1 s12, $0x4  }
0x28: {  	s13 =	sand.u32 @!p1 $0x2000, s14;
	s14 =	simm.s32 @!p1 $0x40;
	s12 =	sadd.s32 @!p1 s4, s12  }
0x29: {  	[tilespmem:s13], [sflag:$0x1] =	stream.strided.gather @!p1 [hbm4b:s12+s14], $0x2000, s15, s14, $0x38;
	[tilespmem:$0x8080] =	vst v63  }
0x2a: {  	p1 =	sge.u32 s31, s6  }
.Ltmp2:
0x2b: {  	_ = 	snop;
	(pc) =	sbr.rel @p1 .LBB1_5-.Ltmp2, $1  }
0x2c: {  	_ =	sdelay $0x3  }
0x2d: {  	s12 =	simm.s32 $0x1  }
0x2e: {  	_ =	swait.ge [sflag:s5], $0x2000;
	s12 =	simm.s32 @!p0 $0x0  }
0x2f: {  	[sflag:s5] =	ssyncset.done $0x0;
	s13 =	sshll.u32 s12, $0xD  }
0x30: {  	[sflag:s5] =	ssyncadd.s32 $0xFFFFE000;
	s16 =	sor.u32 $0x20, s13  }
0x31: {  	s12 =	smul.u32 $0x8100, s12;
	v3 =	vld [tilespmem:s16+$0x10]  }
0x32: {  	s30 =	sand.u32 $0x1, s10;
	v2 =	vld [tilespmem:s16+$0xFFFFFFF0]  }
0x33: {  	s13 =	smul.u32 $0x8100, s30;
	s12 =	sshrl.u32 s12, $0x2;
	v0 =	vld [tilespmem:s16+$0x0]  }
0x34: {  	v1 =	vld [tilespmem:s16+$0xFFFFFFE0];
	s14 =	sor.u32 $0x4000, s12  }
0x35: {  	s31 =	sshrl.u32 s13, $0x2;
	s13 =	sadd.s32 $0x0, s14  }
0x36: {  	s15 =	simm.s32 $0x4;
	s16 =	sadd.s32 $0x40, s16;
	s12 =	sor.u32 $0x4000, s31;
	[tilespmem:s13+$0x1830 ss:$0x81] =	vst.msk $0xffff, v3  }
.LBB1_3:
0x37: {  	v3 =	vld [tilespmem:s16+$0x10];
	p1 =	sne.s32 s15, $0x1FC;
	[tilespmem:s13+$0x810 ss:$0x81] =	vst.msk $0xffff, v2;
	s17 =	smov.u32 s15;
	s15 =	sadd.s32 $0x4, s15  }
.Ltmp3:
0x38: {  	v2 =	vld [tilespmem:s16+$0xFFFFFFF0];
	[tilespmem:s13+$0x1020 ss:$0x81] =	vst.msk $0xffff, v0;
	(pc) =	sbr.rel @p1 .LBB1_3-.Ltmp3, $4  }
0x39: {  	v0 =	vld [tilespmem:s16+$0x0];
	[tilespmem:s13+$0x0 ss:$0x81] =	vst.msk $0xffff, v1  }
0x3a: {  	s13 =	sshra.s32 s17, $0x2;
	v1 =	vld [tilespmem:s16+$0xFFFFFFE0]  }
0x3b: {  	s13 =	sadd.s32 s13, s14  }
0x3c: {  	s16 =	sadd.s32 $0x40, s16;
	[tilespmem:s13+$0x1830 ss:$0x81] =	vst.msk $0xffff, v3  }
.Ltmp4:
0x3d: {  	_ = 	snop;
	(pc) =	sbr.rel .LBB1_4-.Ltmp4, $1  }
0x3e: {  	_ =	sdelay $0x3  }
.LBB1_6:
0x3f: {  	_ =	sfence.sel $0x180000  }
0x40: {  	s2 =	simm.s32 $0x1;
	[bflag:$0x0] =	sbarrier.arrive $0xFFFF  }
0x41: {  	s31 =	simm.s32 $0x2;
	[sflag:s2] =	ssyncpa.u1 $0x1  }
0x42: {  	[sflag:s31] =	ssyncpa.u1 $0x1  }
0x43: {  	p0 =	sne.s32 s0, $0x0;
	_ =	strace $0x9000004A  }
0x44: {  	s0 =	sadd.s32 @!p0 $0x100000, s1;
	[bflag:$0x2] =	sbarrier.arrive $0xFFFF  }
0x45: {  	[sflag:s0] =	ssyncadd.tile.s32 @!p0 $0x1;
	_ =	shalt  }
.Lfunc_end1:
_tile_overlayer_lowered:
.L_overlay_start_2:
0x46: {  	(tag) =	ssettag $0x2  }
0x47: {  	s0 =	rddreg [dreg:$0x0];
	s2 =	stileid.u32  }
0x48: {  	s1 =	rddreg [dreg:$0x1];
	p0 =	sne.s32 s2, $0x0  }
0x49: {  	s3 =	rddreg [dreg:$0x2];
	[bflag:$0x3] =	sbarrier.arrive $0xFFFF;
	s2 =	simm.s32 @!p0 $0x1C01  }
0x4a: {  	[timem:s3], [sflag:s2] =	dma.local @!p0 [hbm:s0], s1  }
0x4b: {  	s0 =	simm.s32 @!p0 $0x1  }
0x4c: {  	_ =	swait.ge @!p0 [sflag:s0], s1  }
0x4d: {  	s1 =	ssub.s32 @!p0 $0x0, s1;
	[sflag:s0] =	ssyncset.done @!p0 $0x0  }
0x4e: {  	[sflag:s0] =	ssyncadd.s32 @!p0 s1  }
0x4f: {  	[bflag:$0x3] =	sbarrier.arrive $0xFFFF  }
0x50: {  	_ =	shalt  }

</sc_bundles>
